<compile_context>
chip_gen: v7x
topology: tpu7x:2x2x1
jax: 0.10.2.dev20260603
libtpu: 0.0.44.dev20260713+nightly
codegen_flags: <defaults>
</compile_context>

<pallas_src>
import functools

import jax
import jax.numpy as jnp
from jax import lax
from jax.experimental import pallas as pl
from jax.experimental.pallas import tpu as pltpu
from jax.experimental.pallas import tpu_sc as plsc

B = 16384
H = 128
EPS = 1e-12

NC = 2
NS = 16
NW = NC * NS
ROWS_PER_W = B // NW
CHUNK = 128
NCHUNK = ROWS_PER_W // CHUNK
L = 16
VPR = H // L


def _rsqrt_vec(v):
    i = lax.bitcast_convert_type(v, jnp.int32)
    i = jnp.int32(0x5F3759DF) - lax.shift_right_logical(i, 1)
    y = lax.bitcast_convert_type(i, jnp.float32)
    half = v * 0.5
    for _ in range(3):
        y = y * (1.5 - half * y * y)
    return y


_mesh = plsc.VectorSubcoreMesh(core_axis_name="c", subcore_axis_name="s")


@functools.partial(
    pl.kernel,
    mesh=_mesh,
    out_type=jax.ShapeDtypeStruct((B, H), jnp.float32),
    scratch_types=[
        pltpu.VMEM((4, ROWS_PER_W), jnp.int32),
        pltpu.VMEM((CHUNK, H), jnp.float32),
        pltpu.VMEM((CHUNK, H), jnp.float32),
        pltpu.VMEM((CHUNK, H), jnp.float32),
        pltpu.VMEM((CHUNK, H), jnp.float32),
        pltpu.VMEM((H,), jnp.float32),
        pltpu.VMEM((H,), jnp.float32),
        pltpu.SemaphoreType.DMA,
        pltpu.SemaphoreType.DMA,
        pltpu.SemaphoreType.DMA,
        pltpu.SemaphoreType.DMA,
    ],
)
def _embed_ln(xT, syn, pos, sen, lem, gamma, beta, out,
              idx_v, ga, gb, oa, ob, g_v, be_v,
              sem_ga, sem_gb, sem_oa, sem_ob):
    wid = lax.axis_index("s") * NC + lax.axis_index("c")
    base = wid * ROWS_PER_W
    lanes = lax.iota(jnp.int32, L)
    cp_gamma = pltpu.async_copy(gamma, g_v, sem_oa)
    cp_beta = pltpu.async_copy(beta, be_v, sem_ob)
    cp_idx = pltpu.async_copy(
        xT.at[:, pl.ds(base, ROWS_PER_W)], idx_v, sem_ga)

    tables = (syn, pos, sen, lem)
    gbufs = (ga, gb)
    obufs = (oa, ob)
    gsems = (sem_ga, sem_gb)
    osems = (sem_oa, sem_ob)

    zero = jnp.zeros((L,), jnp.float32)

    def zero_buf(buf):
        def zbody(r, carry):
            for j in range(2 * VPR):
                buf[2 * r + j // VPR, pl.ds((j % VPR) * L, L)] = zero
            return carry
        lax.fori_loop(0, CHUNK // 2, zbody, 0)

    def fire_gathers(c):
        p = c % 2
        return [
            pltpu.async_copy(
                tables[t].at[idx_v.at[t, pl.ds(c * CHUNK, CHUNK)]],
                gbufs[p], gsems[p], add=True)
            for t in range(4)
        ]

    lo8 = lanes < 8
    swap8 = lanes ^ 8
    pick_a = lanes & 7
    pick_b = (lanes & 7) | 8

    def _perm(v, idx):
        return v.at[idx].get(mode="promise_in_bounds")

    def compute_chunk(gbuf, obuf, rezero):
        def row_body(r2, carry):
            ra = 2 * r2
            rb = ra + 1
            aa = [gbuf[ra, pl.ds(j * L, L)] for j in range(VPR)]
            ab = [gbuf[rb, pl.ds(j * L, L)] for j in range(VPR)]
            if rezero:
                for j in range(VPR):
                    gbuf[ra, pl.ds(j * L, L)] = zero
                    gbuf[rb, pl.ds(j * L, L)] = zero
            sa, sb = aa[0], ab[0]
            qa, qb = aa[0] * aa[0], ab[0] * ab[0]
            for j in range(1, VPR):
                sa = sa + aa[j]
                sb = sb + ab[j]
                qa = qa + aa[j] * aa[j]
                qb = qb + ab[j] * ab[j]
            sa = sa + _perm(sa, swap8)
            sb = sb + _perm(sb, swap8)
            qa = qa + _perm(qa, swap8)
            qb = qb + _perm(qb, swap8)
            sw = jnp.where(lo8, sa, _perm(sb, swap8))
            qw = jnp.where(lo8, qa, _perm(qb, swap8))
            for k in (4, 2, 1):
                sw = sw + _perm(sw, lanes ^ k)
                qw = qw + _perm(qw, lanes ^ k)
            mw = sw * (1.0 / H)
            varw = qw * (1.0 / H) - mw * mw
            rw = _rsqrt_vec(varw + EPS)
            tw = mw * rw
            rinv_a, rinv_b = _perm(rw, pick_a), _perm(rw, pick_b)
            t_a, t_b = _perm(tw, pick_a), _perm(tw, pick_b)
            for j in range(VPR):
                obuf[ra, pl.ds(j * L, L)] = (
                    (aa[j] * rinv_a - t_a) * gvs[j] + bevs[j])
                obuf[rb, pl.ds(j * L, L)] = (
                    (ab[j] * rinv_b - t_b) * gvs[j] + bevs[j])
            return carry
        lax.fori_loop(0, CHUNK // 2, row_body, 0)

    zero_buf(ga)
    zero_buf(gb)
    cp_idx.wait()
    g_copies = {0: fire_gathers(0), 1: fire_gathers(1)}
    cp_gamma.wait()
    cp_beta.wait()
    gvs = [g_v[pl.ds(j * L, L)] for j in range(VPR)]
    bevs = [be_v[pl.ds(j * L, L)] for j in range(VPR)]
    o_copies = {}

    for c in range(NCHUNK):
        p = c % 2
        for cp in g_copies.pop(c):
            cp.wait()
        if c >= 2:
            o_copies.pop(c - 2).wait()
        compute_chunk(gbufs[p], obufs[p], rezero=(c + 2 < NCHUNK))
        if c + 2 < NCHUNK:
            g_copies[c + 2] = fire_gathers(c + 2)
        o_copies[c] = pltpu.async_copy(
            obufs[p], out.at[pl.ds(base + c * CHUNK, CHUNK)], osems[p])

    for c in (NCHUNK - 2, NCHUNK - 1):
        o_copies.pop(c).wait()


def kernel(x, syn_table, lemma_table, pos_table, sense_table, gamma, beta):
    xT = x.T
    return _embed_ln(xT, syn_table, pos_table, sense_table, lemma_table,
                     gamma, beta)

# --- scband reference (transcript-rebuilt; emitter-appended) ---
"""Pipeline reference for scband-wordnet-embeddings-9612136808451 (READ-ONLY COPY).

The authoritative reference and input builder live on the scoring server;
editing this copy changes nothing except your own understanding.
"""

import jax, jax.numpy as jnp
import numpy as np

B = 16384
H = 128
SYN_V = 100000
LEM_V = 100000
POS_V = 100000
SEN_V = 100000
EPS = 1e-12


def setup_inputs(seed: int = 0) -> dict:
    key = jax.random.key(seed)
    ks = jax.random.split(key, 7)
    x = jax.random.randint(ks[0], (B, 4), 0, 100000, dtype=jnp.int32)
    syn_table = jax.random.normal(ks[1], (SYN_V, H), dtype=jnp.float32) * 0.02
    lemma_table = jax.random.normal(ks[2], (LEM_V, H), dtype=jnp.float32) * 0.02
    pos_table = jax.random.normal(ks[3], (POS_V, H), dtype=jnp.float32) * 0.02
    sense_table = jax.random.normal(ks[4], (SEN_V, H), dtype=jnp.float32) * 0.02
    gamma = jnp.ones((H,), dtype=jnp.float32)
    beta = jnp.zeros((H,), dtype=jnp.float32)
    return {
        "x": x,
        "syn_table": syn_table,
        "lemma_table": lemma_table,
        "pos_table": pos_table,
        "sense_table": sense_table,
        "gamma": gamma,
        "beta": beta,
    }


def reference(x, syn_table, lemma_table, pos_table, sense_table, gamma, beta):
    synset_embeds = jnp.take(syn_table, x[:, 0], axis=0)
    pos_embeds = jnp.take(pos_table, x[:, 1], axis=0)
    sense_embeds = jnp.take(sense_table, x[:, 2], axis=0)
    lemma_embeds = jnp.take(lemma_table, x[:, 3], axis=0)
    embeddings = synset_embeds + lemma_embeds
    embeddings = embeddings + pos_embeds + sense_embeds
    mu = jnp.mean(embeddings, axis=-1, keepdims=True)
    var = jnp.var(embeddings, axis=-1, keepdims=True)
    normed = (embeddings - mu) / jnp.sqrt(var + EPS)
    out = normed * gamma + beta
    # dropout with p=0.0 (eval mode) is identity
    return out

if __name__ == "__main__":
    import jax
    _d = setup_inputs()
    print(jax.jit(kernel)(*tuple(_d.values())))

</pallas_src>

<mosaic_0001>
#map = affine_map<(d0, d1) -> (0, 0)>
#map1 = affine_map<(d0, d1) -> (0)>
module attributes {stable_mosaic.version = 14 : i64} {
  func.func @_embed_ln(%arg0: i32, %arg1: i32, %arg2: memref<4x16384xi32, #tpu.memory_space<hbm>>, %arg3: memref<100000x128xf32, #tpu.memory_space<hbm>>, %arg4: memref<100000x128xf32, #tpu.memory_space<hbm>>, %arg5: memref<100000x128xf32, #tpu.memory_space<hbm>>, %arg6: memref<100000x128xf32, #tpu.memory_space<hbm>>, %arg7: memref<128xf32, #tpu.memory_space<hbm>>, %arg8: memref<128xf32, #tpu.memory_space<hbm>>, %arg9: memref<16384x128xf32, #tpu.memory_space<hbm>>, %arg10: memref<4x512xi32, #tpu.memory_space<vmem>>, %arg11: memref<128x128xf32, #tpu.memory_space<vmem>>, %arg12: memref<128x128xf32, #tpu.memory_space<vmem>>, %arg13: memref<128x128xf32, #tpu.memory_space<vmem>>, %arg14: memref<128x128xf32, #tpu.memory_space<vmem>>, %arg15: memref<128xf32, #tpu.memory_space<vmem>>, %arg16: memref<128xf32, #tpu.memory_space<vmem>>, %arg17: memref<!tpu.dma_semaphore, #tpu.memory_space<semaphore_mem>>, %arg18: memref<!tpu.dma_semaphore, #tpu.memory_space<semaphore_mem>>, %arg19: memref<!tpu.dma_semaphore, #tpu.memory_space<semaphore_mem>>, %arg20: memref<!tpu.dma_semaphore, #tpu.memory_space<semaphore_mem>>) attributes {dimension_semantics = [#tpu.dimension_semantics<core_parallel>, #tpu.dimension_semantics<subcore_parallel>], iteration_bounds = array<i64: 2, 16>, scalar_prefetch = 0 : i64, scratch_operands = 11 : i64, tpu.core_type = #tpu.core_type<sc_vector_subcore>, window_params = [{transform_indices = #map}, {transform_indices = #map}, {transform_indices = #map}, {transform_indices = #map}, {transform_indices = #map}, {transform_indices = #map1}, {transform_indices = #map1}, {transform_indices = #map}]} {
    %mul3A = arith.constant 2 : i32
    %mul3A_0 = arith.muli %arg1, %mul3A : i32
    %add3A = arith.addi %mul3A_0, %arg0 : i32
    %mul3A_1 = arith.constant 512 : i32
    %mul3A_2 = arith.muli %add3A, %mul3A_1 : i32
    %iota3A = tpu.iota {dimensions = array<i32: 0>} : vector<16xi32>
    tpu.enqueue_dma source(%arg7 : memref<128xf32, #tpu.memory_space<hbm>>) target(%arg15 : memref<128xf32, #tpu.memory_space<vmem>>) target_semaphore(%arg19 : memref<!tpu.dma_semaphore, #tpu.memory_space<semaphore_mem>>)
    tpu.enqueue_dma source(%arg8 : memref<128xf32, #tpu.memory_space<hbm>>) target(%arg16 : memref<128xf32, #tpu.memory_space<vmem>>) target_semaphore(%arg20 : memref<!tpu.dma_semaphore, #tpu.memory_space<semaphore_mem>>)
    %dma_start3A = arith.constant 0 : i32
    %dma_start3A_3 = tpu.memref_slice %arg2[%dma_start3A, %mul3A_2] : memref<4x16384xi32, #tpu.memory_space<hbm>> -> memref<4x512xi32, #tpu.memory_space<hbm>>
    %dma_start3A_4 = arith.constant 0 : i32
    %dma_start3A_5 = tpu.memref_slice %arg2[%dma_start3A_4, %mul3A_2] : memref<4x16384xi32, #tpu.memory_space<hbm>> -> memref<4x512xi32, #tpu.memory_space<hbm>>
    tpu.enqueue_dma source(%dma_start3A_5 : memref<4x512xi32, #tpu.memory_space<hbm>>) target(%arg10 : memref<4x512xi32, #tpu.memory_space<vmem>>) target_semaphore(%arg17 : memref<!tpu.dma_semaphore, #tpu.memory_space<semaphore_mem>>)
    %broadcast_in_dim3A = arith.constant 0.000000e+00 : f32
    %broadcast_in_dim3A_6 = vector.broadcast %broadcast_in_dim3A : f32 to vector<16xf32>
    %lt3A = arith.constant 8 : i32
    %lt3A_7 = vector.broadcast %lt3A : i32 to vector<16xi32>
    %lt3A_8 = arith.cmpi slt, %iota3A, %lt3A_7 : vector<16xi32>
    %xor3A = arith.constant 8 : i32
    %xor3A_9 = vector.broadcast %xor3A : i32 to vector<16xi32>
    %xor3A_10 = arith.xori %iota3A, %xor3A_9 : vector<16xi32>
    %and3A = arith.constant 7 : i32
    %and3A_11 = vector.broadcast %and3A : i32 to vector<16xi32>
    %and3A_12 = arith.andi %iota3A, %and3A_11 : vector<16xi32>
    %and3A_13 = arith.constant 7 : i32
    %and3A_14 = vector.broadcast %and3A_13 : i32 to vector<16xi32>
    %and3A_15 = arith.andi %iota3A, %and3A_14 : vector<16xi32>
    %or3A = arith.constant 8 : i32
    %or3A_16 = vector.broadcast %or3A : i32 to vector<16xi32>
    %or3A_17 = arith.ori %and3A_15, %or3A_16 : vector<16xi32>
    %scan3A = arith.constant 0 : i32
    %scan3A_18 = arith.constant 0 : i32
    %scan3A_19 = arith.constant 64 : i32
    %scan3A_20 = arith.addi %scan3A_18, %scan3A_19 : i32
    %scan3A_21 = arith.constant 1 : i32
    scf.for %scan3A_367 = %scan3A_18 to %scan3A_20 step %scan3A_21  : i32 {
      %mul3A_368 = arith.constant 2 : i32
      %mul3A_369 = arith.muli %mul3A_368, %scan3A_367 : i32
      %add3A_370 = arith.constant 0 : i32
      %add3A_371 = arith.addi %mul3A_369, %add3A_370 : i32
      %swap3A = arith.index_cast %add3A_371 : i32 to index
      %swap3A_372 = arith.constant 0 : index
      %swap3A_373 = tpu.vector_load %arg11[%swap3A, %swap3A_372] {strides = array<i32>} : memref<128x128xf32, #tpu.memory_space<vmem>>, vector<1x16xf32>,
      %swap3A_374 = vector.shape_cast %swap3A_373 : vector<1x16xf32> to vector<16xf32>
      %swap3A_375 = vector.shape_cast %broadcast_in_dim3A_6 : vector<16xf32> to vector<1x16xf32>
      tpu.vector_store %arg11[%swap3A, %swap3A_372], %swap3A_375 {strides = array<i32>} : memref<128x128xf32, #tpu.memory_space<vmem>>, vector<1x16xf32>,
      %mul3A_376 = arith.constant 2 : i32
      %mul3A_377 = arith.muli %mul3A_376, %scan3A_367 : i32
      %add3A_378 = arith.constant 0 : i32
      %add3A_379 = arith.addi %mul3A_377, %add3A_378 : i32
      %swap3A_380 = arith.index_cast %add3A_379 : i32 to index
      %swap3A_381 = arith.constant 16 : index
      %swap3A_382 = tpu.vector_load %arg11[%swap3A_380, %swap3A_381] {strides = array<i32>} : memref<128x128xf32, #tpu.memory_space<vmem>>, vector<1x16xf32>,
      %swap3A_383 = vector.shape_cast %swap3A_382 : vector<1x16xf32> to vector<16xf32>
      %swap3A_384 = vector.shape_cast %broadcast_in_dim3A_6 : vector<16xf32> to vector<1x16xf32>
      tpu.vector_store %arg11[%swap3A_380, %swap3A_381], %swap3A_384 {strides = array<i32>} : memref<128x128xf32, #tpu.memory_space<vmem>>, vector<1x16xf32>,
      %mul3A_385 = arith.constant 2 : i32
      %mul3A_386 = arith.muli %mul3A_385, %scan3A_367 : i32
      %add3A_387 = arith.constant 0 : i32
      %add3A_388 = arith.addi %mul3A_386, %add3A_387 : i32
      %swap3A_389 = arith.index_cast %add3A_388 : i32 to index
      %swap3A_390 = arith.constant 32 : index
      %swap3A_391 = tpu.vector_load %arg11[%swap3A_389, %swap3A_390] {strides = array<i32>} : memref<128x128xf32, #tpu.memory_space<vmem>>, vector<1x16xf32>,
      %swap3A_392 = vector.shape_cast %swap3A_391 : vector<1x16xf32> to vector<16xf32>
      %swap3A_393 = vector.shape_cast %broadcast_in_dim3A_6 : vector<16xf32> to vector<1x16xf32>
      tpu.vector_store %arg11[%swap3A_389, %swap3A_390], %swap3A_393 {strides = array<i32>} : memref<128x128xf32, #tpu.memory_space<vmem>>, vector<1x16xf32>,
      %mul3A_394 = arith.constant 2 : i32
      %mul3A_395 = arith.muli %mul3A_394, %scan3A_367 : i32
      %add3A_396 = arith.constant 0 : i32
      %add3A_397 = arith.addi %mul3A_395, %add3A_396 : i32
      %swap3A_398 = arith.index_cast %add3A_397 : i32 to index
      %swap3A_399 = arith.constant 48 : index
      %swap3A_400 = tpu.vector_load %arg11[%swap3A_398, %swap3A_399] {strides = array<i32>} : memref<128x128xf32, #tpu.memory_space<vmem>>, vector<1x16xf32>,
      %swap3A_401 = vector.shape_cast %swap3A_400 : vector<1x16xf32> to vector<16xf32>
      %swap3A_402 = vector.shape_cast %broadcast_in_dim3A_6 : vector<16xf32> to vector<1x16xf32>
      tpu.vector_store %arg11[%swap3A_398, %swap3A_399], %swap3A_402 {strides = array<i32>} : memref<128x128xf32, #tpu.memory_space<vmem>>, vector<1x16xf32>,
      %mul3A_403 = arith.constant 2 : i32
      %mul3A_404 = arith.muli %mul3A_403, %scan3A_367 : i32
      %add3A_405 = arith.constant 0 : i32
      %add3A_406 = arith.addi %mul3A_404, %add3A_405 : i32
      %swap3A_407 = arith.index_cast %add3A_406 : i32 to index
      %swap3A_408 = arith.constant 64 : index
      %swap3A_409 = tpu.vector_load %arg11[%swap3A_407, %swap3A_408] {strides = array<i32>} : memref<128x128xf32, #tpu.memory_space<vmem>>, vector<1x16xf32>,
      %swap3A_410 = vector.shape_cast %swap3A_409 : vector<1x16xf32> to vector<16xf32>
      %swap3A_411 = vector.shape_cast %broadcast_in_dim3A_6 : vector<16xf32> to vector<1x16xf32>
      tpu.vector_store %arg11[%swap3A_407, %swap3A_408], %swap3A_411 {strides = array<i32>} : memref<128x128xf32, #tpu.memory_space<vmem>>, vector<1x16xf32>,
      %mul3A_412 = arith.constant 2 : i32
      %mul3A_413 = arith.muli %mul3A_412, %scan3A_367 : i32
      %add3A_414 = arith.constant 0 : i32
      %add3A_415 = arith.addi %mul3A_413, %add3A_414 : i32
      %swap3A_416 = arith.index_cast %add3A_415 : i32 to index
      %swap3A_417 = arith.constant 80 : index
      %swap3A_418 = tpu.vector_load %arg11[%swap3A_416, %swap3A_417] {strides = array<i32>} : memref<128x128xf32, #tpu.memory_space<vmem>>, vector<1x16xf32>,
      %swap3A_419 = vector.shape_cast %swap3A_418 : vector<1x16xf32> to vector<16xf32>
      %swap3A_420 = vector.shape_cast %broadcast_in_dim3A_6 : vector<16xf32> to vector<1x16xf32>
      tpu.vector_store %arg11[%swap3A_416, %swap3A_417], %swap3A_420 {strides = array<i32>} : memref<128x128xf32, #tpu.memory_space<vmem>>, vector<1x16xf32>,
      %mul3A_421 = arith.constant 2 : i32
      %mul3A_422 = arith.muli %mul3A_421, %scan3A_367 : i32
      %add3A_423 = arith.constant 0 : i32
      %add3A_424 = arith.addi %mul3A_422, %add3A_423 : i32
      %swap3A_425 = arith.index_cast %add3A_424 : i32 to index
      %swap3A_426 = arith.constant 96 : index
      %swap3A_427 = tpu.vector_load %arg11[%swap3A_425, %swap3A_426] {strides = array<i32>} : memref<128x128xf32, #tpu.memory_space<vmem>>, vector<1x16xf32>,
      %swap3A_428 = vector.shape_cast %swap3A_427 : vector<1x16xf32> to vector<16xf32>
      %swap3A_429 = vector.shape_cast %broadcast_in_dim3A_6 : vector<16xf32> to vector<1x16xf32>
      tpu.vector_store %arg11[%swap3A_425, %swap3A_426], %swap3A_429 {strides = array<i32>} : memref<128x128xf32, #tpu.memory_space<vmem>>, vector<1x16xf32>,
      %mul3A_430 = arith.constant 2 : i32
      %mul3A_431 = arith.muli %mul3A_430, %scan3A_367 : i32
      %add3A_432 = arith.constant 0 : i32
      %add3A_433 = arith.addi %mul3A_431, %add3A_432 : i32
      %swap3A_434 = arith.index_cast %add3A_433 : i32 to index
      %swap3A_435 = arith.constant 112 : index
      %swap3A_436 = tpu.vector_load %arg11[%swap3A_434, %swap3A_435] {strides = array<i32>} : memref<128x128xf32, #tpu.memory_space<vmem>>, vector<1x16xf32>,
      %swap3A_437 = vector.shape_cast %swap3A_436 : vector<1x16xf32> to vector<16xf32>
      %swap3A_438 = vector.shape_cast %broadcast_in_dim3A_6 : vector<16xf32> to vector<1x16xf32>
      tpu.vector_store %arg11[%swap3A_434, %swap3A_435], %swap3A_438 {strides = array<i32>} : memref<128x128xf32, #tpu.memory_space<vmem>>, vector<1x16xf32>,
      %mul3A_439 = arith.constant 2 : i32
      %mul3A_440 = arith.muli %mul3A_439, %scan3A_367 : i32
      %add3A_441 = arith.constant 1 : i32
      %add3A_442 = arith.addi %mul3A_440, %add3A_441 : i32
      %swap3A_443 = arith.index_cast %add3A_442 : i32 to index
      %swap3A_444 = arith.constant 0 : index
      %swap3A_445 = tpu.vector_load %arg11[%swap3A_443, %swap3A_444] {strides = array<i32>} : memref<128x128xf32, #tpu.memory_space<vmem>>, vector<1x16xf32>,
      %swap3A_446 = vector.shape_cast %swap3A_445 : vector<1x16xf32> to vector<16xf32>
      %swap3A_447 = vector.shape_cast %broadcast_in_dim3A_6 : vector<16xf32> to vector<1x16xf32>
      tpu.vector_store %arg11[%swap3A_443, %swap3A_444], %swap3A_447 {strides = array<i32>} : memref<128x128xf32, #tpu.memory_space<vmem>>, vector<1x16xf32>,
      %mul3A_448 = arith.constant 2 : i32
      %mul3A_449 = arith.muli %mul3A_448, %scan3A_367 : i32
      %add3A_450 = arith.constant 1 : i32
      %add3A_451 = arith.addi %mul3A_449, %add3A_450 : i32
      %swap3A_452 = arith.index_cast %add3A_451 : i32 to index
      %swap3A_453 = arith.constant 16 : index
      %swap3A_454 = tpu.vector_load %arg11[%swap3A_452, %swap3A_453] {strides = array<i32>} : memref<128x128xf32, #tpu.memory_space<vmem>>, vector<1x16xf32>,
      %swap3A_455 = vector.shape_cast %swap3A_454 : vector<1x16xf32> to vector<16xf32>
      %swap3A_456 = vector.shape_cast %broadcast_in_dim3A_6 : vector<16xf32> to vector<1x16xf32>
      tpu.vector_store %arg11[%swap3A_452, %swap3A_453], %swap3A_456 {strides = array<i32>} : memref<128x128xf32, #tpu.memory_space<vmem>>, vector<1x16xf32>,
      %mul3A_457 = arith.constant 2 : i32
      %mul3A_458 = arith.muli %mul3A_457, %scan3A_367 : i32
      %add3A_459 = arith.constant 1 : i32
      %add3A_460 = arith.addi %mul3A_458, %add3A_459 : i32
      %swap3A_461 = arith.index_cast %add3A_460 : i32 to index
      %swap3A_462 = arith.constant 32 : index
      %swap3A_463 = tpu.vector_load %arg11[%swap3A_461, %swap3A_462] {strides = array<i32>} : memref<128x128xf32, #tpu.memory_space<vmem>>, vector<1x16xf32>,
      %swap3A_464 = vector.shape_cast %swap3A_463 : vector<1x16xf32> to vector<16xf32>
      %swap3A_465 = vector.shape_cast %broadcast_in_dim3A_6 : vector<16xf32> to vector<1x16xf32>
      tpu.vector_store %arg11[%swap3A_461, %swap3A_462], %swap3A_465 {strides = array<i32>} : memref<128x128xf32, #tpu.memory_space<vmem>>, vector<1x16xf32>,
      %mul3A_466 = arith.constant 2 : i32
      %mul3A_467 = arith.muli %mul3A_466, %scan3A_367 : i32
      %add3A_468 = arith.constant 1 : i32
      %add3A_469 = arith.addi %mul3A_467, %add3A_468 : i32
      %swap3A_470 = arith.index_cast %add3A_469 : i32 to index
      %swap3A_471 = arith.constant 48 : index
      %swap3A_472 = tpu.vector_load %arg11[%swap3A_470, %swap3A_471] {strides = array<i32>} : memref<128x128xf32, #tpu.memory_space<vmem>>, vector<1x16xf32>,
      %swap3A_473 = vector.shape_cast %swap3A_472 : vector<1x16xf32> to vector<16xf32>
      %swap3A_474 = vector.shape_cast %broadcast_in_dim3A_6 : vector<16xf32> to vector<1x16xf32>
      tpu.vector_store %arg11[%swap3A_470, %swap3A_471], %swap3A_474 {strides = array<i32>} : memref<128x128xf32, #tpu.memory_space<vmem>>, vector<1x16xf32>,
      %mul3A_475 = arith.constant 2 : i32
      %mul3A_476 = arith.muli %mul3A_475, %scan3A_367 : i32
      %add3A_477 = arith.constant 1 : i32
      %add3A_478 = arith.addi %mul3A_476, %add3A_477 : i32
      %swap3A_479 = arith.index_cast %add3A_478 : i32 to index
      %swap3A_480 = arith.constant 64 : index
      %swap3A_481 = tpu.vector_load %arg11[%swap3A_479, %swap3A_480] {strides = array<i32>} : memref<128x128xf32, #tpu.memory_space<vmem>>, vector<1x16xf32>,
      %swap3A_482 = vector.shape_cast %swap3A_481 : vector<1x16xf32> to vector<16xf32>
      %swap3A_483 = vector.shape_cast %broadcast_in_dim3A_6 : vector<16xf32> to vector<1x16xf32>
      tpu.vector_store %arg11[%swap3A_479, %swap3A_480], %swap3A_483 {strides = array<i32>} : memref<128x128xf32, #tpu.memory_space<vmem>>, vector<1x16xf32>,
      %mul3A_484 = arith.constant 2 : i32
      %mul3A_485 = arith.muli %mul3A_484, %scan3A_367 : i32
      %add3A_486 = arith.constant 1 : i32
      %add3A_487 = arith.addi %mul3A_485, %add3A_486 : i32
      %swap3A_488 = arith.index_cast %add3A_487 : i32 to index
      %swap3A_489 = arith.constant 80 : index
      %swap3A_490 = tpu.vector_load %arg11[%swap3A_488, %swap3A_489] {strides = array<i32>} : memref<128x128xf32, #tpu.memory_space<vmem>>, vector<1x16xf32>,
      %swap3A_491 = vector.shape_cast %swap3A_490 : vector<1x16xf32> to vector<16xf32>
      %swap3A_492 = vector.shape_cast %broadcast_in_dim3A_6 : vector<16xf32> to vector<1x16xf32>
      tpu.vector_store %arg11[%swap3A_488, %swap3A_489], %swap3A_492 {strides = array<i32>} : memref<128x128xf32, #tpu.memory_space<vmem>>, vector<1x16xf32>,
      %mul3A_493 = arith.constant 2 : i32
      %mul3A_494 = arith.muli %mul3A_493, %scan3A_367 : i32
      %add3A_495 = arith.constant 1 : i32
      %add3A_496 = arith.addi %mul3A_494, %add3A_495 : i32
      %swap3A_497 = arith.index_cast %add3A_496 : i32 to index
      %swap3A_498 = arith.constant 96 : index
      %swap3A_499 = tpu.vector_load %arg11[%swap3A_497, %swap3A_498] {strides = array<i32>} : memref<128x128xf32, #tpu.memory_space<vmem>>, vector<1x16xf32>,
      %swap3A_500 = vector.shape_cast %swap3A_499 : vector<1x16xf32> to vector<16xf32>
      %swap3A_501 = vector.shape_cast %broadcast_in_dim3A_6 : vector<16xf32> to vector<1x16xf32>
      tpu.vector_store %arg11[%swap3A_497, %swap3A_498], %swap3A_501 {strides = array<i32>} : memref<128x128xf32, #tpu.memory_space<vmem>>, vector<1x16xf32>,
      %mul3A_502 = arith.constant 2 : i32
      %mul3A_503 = arith.muli %mul3A_502, %scan3A_367 : i32
      %add3A_504 = arith.constant 1 : i32
      %add3A_505 = arith.addi %mul3A_503, %add3A_504 : i32
      %swap3A_506 = arith.index_cast %add3A_505 : i32 to index
      %swap3A_507 = arith.constant 112 : index
      %swap3A_508 = tpu.vector_load %arg11[%swap3A_506, %swap3A_507] {strides = array<i32>} : memref<128x128xf32, #tpu.memory_space<vmem>>, vector<1x16xf32>,
      %swap3A_509 = vector.shape_cast %swap3A_508 : vector<1x16xf32> to vector<16xf32>
      %swap3A_510 = vector.shape_cast %broadcast_in_dim3A_6 : vector<16xf32> to vector<1x16xf32>
      tpu.vector_store %arg11[%swap3A_506, %swap3A_507], %swap3A_510 {strides = array<i32>} : memref<128x128xf32, #tpu.memory_space<vmem>>, vector<1x16xf32>,
    }
    %scan3A_22 = arith.constant 64 : i32
    %scan3A_23 = arith.constant 0 : i32
    %scan3A_24 = arith.constant 0 : i32
    %scan3A_25 = arith.constant 64 : i32
    %scan3A_26 = arith.addi %scan3A_24, %scan3A_25 : i32
    %scan3A_27 = arith.constant 1 : i32
    scf.for %scan3A_367 = %scan3A_24 to %scan3A_26 step %scan3A_27  : i32 {
      %mul3A_368 = arith.constant 2 : i32
      %mul3A_369 = arith.muli %mul3A_368, %scan3A_367 : i32
      %add3A_370 = arith.constant 0 : i32
      %add3A_371 = arith.addi %mul3A_369, %add3A_370 : i32
      %swap3A = arith.index_cast %add3A_371 : i32 to index
      %swap3A_372 = arith.constant 0 : index
      %swap3A_373 = tpu.vector_load %arg12[%swap3A, %swap3A_372] {strides = array<i32>} : memref<128x128xf32, #tpu.memory_space<vmem>>, vector<1x16xf32>,
      %swap3A_374 = vector.shape_cast %swap3A_373 : vector<1x16xf32> to vector<16xf32>
      %swap3A_375 = vector.shape_cast %broadcast_in_dim3A_6 : vector<16xf32> to vector<1x16xf32>
      tpu.vector_store %arg12[%swap3A, %swap3A_372], %swap3A_375 {strides = array<i32>} : memref<128x128xf32, #tpu.memory_space<vmem>>, vector<1x16xf32>,
      %mul3A_376 = arith.constant 2 : i32
      %mul3A_377 = arith.muli %mul3A_376, %scan3A_367 : i32
      %add3A_378 = arith.constant 0 : i32
      %add3A_379 = arith.addi %mul3A_377, %add3A_378 : i32
      %swap3A_380 = arith.index_cast %add3A_379 : i32 to index
      %swap3A_381 = arith.constant 16 : index
      %swap3A_382 = tpu.vector_load %arg12[%swap3A_380, %swap3A_381] {strides = array<i32>} : memref<128x128xf32, #tpu.memory_space<vmem>>, vector<1x16xf32>,
      %swap3A_383 = vector.shape_cast %swap3A_382 : vector<1x16xf32> to vector<16xf32>
      %swap3A_384 = vector.shape_cast %broadcast_in_dim3A_6 : vector<16xf32> to vector<1x16xf32>
      tpu.vector_store %arg12[%swap3A_380, %swap3A_381], %swap3A_384 {strides = array<i32>} : memref<128x128xf32, #tpu.memory_space<vmem>>, vector<1x16xf32>,
      %mul3A_385 = arith.constant 2 : i32
      %mul3A_386 = arith.muli %mul3A_385, %scan3A_367 : i32
      %add3A_387 = arith.constant 0 : i32
      %add3A_388 = arith.addi %mul3A_386, %add3A_387 : i32
      %swap3A_389 = arith.index_cast %add3A_388 : i32 to index
      %swap3A_390 = arith.constant 32 : index
      %swap3A_391 = tpu.vector_load %arg12[%swap3A_389, %swap3A_390] {strides = array<i32>} : memref<128x128xf32, #tpu.memory_space<vmem>>, vector<1x16xf32>,
      %swap3A_392 = vector.shape_cast %swap3A_391 : vector<1x16xf32> to vector<16xf32>
      %swap3A_393 = vector.shape_cast %broadcast_in_dim3A_6 : vector<16xf32> to vector<1x16xf32>
      tpu.vector_store %arg12[%swap3A_389, %swap3A_390], %swap3A_393 {strides = array<i32>} : memref<128x128xf32, #tpu.memory_space<vmem>>, vector<1x16xf32>,
      %mul3A_394 = arith.constant 2 : i32
      %mul3A_395 = arith.muli %mul3A_394, %scan3A_367 : i32
      %add3A_396 = arith.constant 0 : i32
      %add3A_397 = arith.addi %mul3A_395, %add3A_396 : i32
      %swap3A_398 = arith.index_cast %add3A_397 : i32 to index
      %swap3A_399 = arith.constant 48 : index
      %swap3A_400 = tpu.vector_load %arg12[%swap3A_398, %swap3A_399] {strides = array<i32>} : memref<128x128xf32, #tpu.memory_space<vmem>>, vector<1x16xf32>,
      %swap3A_401 = vector.shape_cast %swap3A_400 : vector<1x16xf32> to vector<16xf32>
      %swap3A_402 = vector.shape_cast %broadcast_in_dim3A_6 : vector<16xf32> to vector<1x16xf32>
      tpu.vector_store %arg12[%swap3A_398, %swap3A_399], %swap3A_402 {strides = array<i32>} : memref<128x128xf32, #tpu.memory_space<vmem>>, vector<1x16xf32>,
      %mul3A_403 = arith.constant 2 : i32
      %mul3A_404 = arith.muli %mul3A_403, %scan3A_367 : i32
      %add3A_405 = arith.constant 0 : i32
      %add3A_406 = arith.addi %mul3A_404, %add3A_405 : i32
      %swap3A_407 = arith.index_cast %add3A_406 : i32 to index
      %swap3A_408 = arith.constant 64 : index
      %swap3A_409 = tpu.vector_load %arg12[%swap3A_407, %swap3A_408] {strides = array<i32>} : memref<128x128xf32, #tpu.memory_space<vmem>>, vector<1x16xf32>,
      %swap3A_410 = vector.shape_cast %swap3A_409 : vector<1x16xf32> to vector<16xf32>
      %swap3A_411 = vector.shape_cast %broadcast_in_dim3A_6 : vector<16xf32> to vector<1x16xf32>
      tpu.vector_store %arg12[%swap3A_407, %swap3A_408], %swap3A_411 {strides = array<i32>} : memref<128x128xf32, #tpu.memory_space<vmem>>, vector<1x16xf32>,
      %mul3A_412 = arith.constant 2 : i32
      %mul3A_413 = arith.muli %mul3A_412, %scan3A_367 : i32
      %add3A_414 = arith.constant 0 : i32
      %add3A_415 = arith.addi %mul3A_413, %add3A_414 : i32
      %swap3A_416 = arith.index_cast %add3A_415 : i32 to index
      %swap3A_417 = arith.constant 80 : index
      %swap3A_418 = tpu.vector_load %arg12[%swap3A_416, %swap3A_417] {strides = array<i32>} : memref<128x128xf32, #tpu.memory_space<vmem>>, vector<1x16xf32>,
      %swap3A_419 = vector.shape_cast %swap3A_418 : vector<1x16xf32> to vector<16xf32>
      %swap3A_420 = vector.shape_cast %broadcast_in_dim3A_6 : vector<16xf32> to vector<1x16xf32>
      tpu.vector_store %arg12[%swap3A_416, %swap3A_417], %swap3A_420 {strides = array<i32>} : memref<128x128xf32, #tpu.memory_space<vmem>>, vector<1x16xf32>,
      %mul3A_421 = arith.constant 2 : i32
      %mul3A_422 = arith.muli %mul3A_421, %scan3A_367 : i32
      %add3A_423 = arith.constant 0 : i32
      %add3A_424 = arith.addi %mul3A_422, %add3A_423 : i32
      %swap3A_425 = arith.index_cast %add3A_424 : i32 to index
      %swap3A_426 = arith.constant 96 : index
      %swap3A_427 = tpu.vector_load %arg12[%swap3A_425, %swap3A_426] {strides = array<i32>} : memref<128x128xf32, #tpu.memory_space<vmem>>, vector<1x16xf32>,
      %swap3A_428 = vector.shape_cast %swap3A_427 : vector<1x16xf32> to vector<16xf32>
      %swap3A_429 = vector.shape_cast %broadcast_in_dim3A_6 : vector<16xf32> to vector<1x16xf32>
      tpu.vector_store %arg12[%swap3A_425, %swap3A_426], %swap3A_429 {strides = array<i32>} : memref<128x128xf32, #tpu.memory_space<vmem>>, vector<1x16xf32>,
      %mul3A_430 = arith.constant 2 : i32
      %mul3A_431 = arith.muli %mul3A_430, %scan3A_367 : i32
      %add3A_432 = arith.constant 0 : i32
      %add3A_433 = arith.addi %mul3A_431, %add3A_432 : i32
      %swap3A_434 = arith.index_cast %add3A_433 : i32 to index
      %swap3A_435 = arith.constant 112 : index
      %swap3A_436 = tpu.vector_load %arg12[%swap3A_434, %swap3A_435] {strides = array<i32>} : memref<128x128xf32, #tpu.memory_space<vmem>>, vector<1x16xf32>,
      %swap3A_437 = vector.shape_cast %swap3A_436 : vector<1x16xf32> to vector<16xf32>
      %swap3A_438 = vector.shape_cast %broadcast_in_dim3A_6 : vector<16xf32> to vector<1x16xf32>
      tpu.vector_store %arg12[%swap3A_434, %swap3A_435], %swap3A_438 {strides = array<i32>} : memref<128x128xf32, #tpu.memory_space<vmem>>, vector<1x16xf32>,
      %mul3A_439 = arith.constant 2 : i32
      %mul3A_440 = arith.muli %mul3A_439, %scan3A_367 : i32
      %add3A_441 = arith.constant 1 : i32
      %add3A_442 = arith.addi %mul3A_440, %add3A_441 : i32
      %swap3A_443 = arith.index_cast %add3A_442 : i32 to index
      %swap3A_444 = arith.constant 0 : index
      %swap3A_445 = tpu.vector_load %arg12[%swap3A_443, %swap3A_444] {strides = array<i32>} : memref<128x128xf32, #tpu.memory_space<vmem>>, vector<1x16xf32>,
      %swap3A_446 = vector.shape_cast %swap3A_445 : vector<1x16xf32> to vector<16xf32>
      %swap3A_447 = vector.shape_cast %broadcast_in_dim3A_6 : vector<16xf32> to vector<1x16xf32>
      tpu.vector_store %arg12[%swap3A_443, %swap3A_444], %swap3A_447 {strides = array<i32>} : memref<128x128xf32, #tpu.memory_space<vmem>>, vector<1x16xf32>,
      %mul3A_448 = arith.constant 2 : i32
      %mul3A_449 = arith.muli %mul3A_448, %scan3A_367 : i32
      %add3A_450 = arith.constant 1 : i32
      %add3A_451 = arith.addi %mul3A_449, %add3A_450 : i32
      %swap3A_452 = arith.index_cast %add3A_451 : i32 to index
      %swap3A_453 = arith.constant 16 : index
      %swap3A_454 = tpu.vector_load %arg12[%swap3A_452, %swap3A_453] {strides = array<i32>} : memref<128x128xf32, #tpu.memory_space<vmem>>, vector<1x16xf32>,
      %swap3A_455 = vector.shape_cast %swap3A_454 : vector<1x16xf32> to vector<16xf32>
      %swap3A_456 = vector.shape_cast %broadcast_in_dim3A_6 : vector<16xf32> to vector<1x16xf32>
      tpu.vector_store %arg12[%swap3A_452, %swap3A_453], %swap3A_456 {strides = array<i32>} : memref<128x128xf32, #tpu.memory_space<vmem>>, vector<1x16xf32>,
      %mul3A_457 = arith.constant 2 : i32
      %mul3A_458 = arith.muli %mul3A_457, %scan3A_367 : i32
      %add3A_459 = arith.constant 1 : i32
      %add3A_460 = arith.addi %mul3A_458, %add3A_459 : i32
      %swap3A_461 = arith.index_cast %add3A_460 : i32 to index
      %swap3A_462 = arith.constant 32 : index
      %swap3A_463 = tpu.vector_load %arg12[%swap3A_461, %swap3A_462] {strides = array<i32>} : memref<128x128xf32, #tpu.memory_space<vmem>>, vector<1x16xf32>,
      %swap3A_464 = vector.shape_cast %swap3A_463 : vector<1x16xf32> to vector<16xf32>
      %swap3A_465 = vector.shape_cast %broadcast_in_dim3A_6 : vector<16xf32> to vector<1x16xf32>
      tpu.vector_store %arg12[%swap3A_461, %swap3A_462], %swap3A_465 {strides = array<i32>} : memref<128x128xf32, #tpu.memory_space<vmem>>, vector<1x16xf32>,
      %mul3A_466 = arith.constant 2 : i32
      %mul3A_467 = arith.muli %mul3A_466, %scan3A_367 : i32
      %add3A_468 = arith.constant 1 : i32
      %add3A_469 = arith.addi %mul3A_467, %add3A_468 : i32
      %swap3A_470 = arith.index_cast %add3A_469 : i32 to index
      %swap3A_471 = arith.constant 48 : index
      %swap3A_472 = tpu.vector_load %arg12[%swap3A_470, %swap3A_471] {strides = array<i32>} : memref<128x128xf32, #tpu.memory_space<vmem>>, vector<1x16xf32>,
      %swap3A_473 = vector.shape_cast %swap3A_472 : vector<1x16xf32> to vector<16xf32>
      %swap3A_474 = vector.shape_cast %broadcast_in_dim3A_6 : vector<16xf32> to vector<1x16xf32>
      tpu.vector_store %arg12[%swap3A_470, %swap3A_471], %swap3A_474 {strides = array<i32>} : memref<128x128xf32, #tpu.memory_space<vmem>>, vector<1x16xf32>,
      %mul3A_475 = arith.constant 2 : i32
      %mul3A_476 = arith.muli %mul3A_475, %scan3A_367 : i32
      %add3A_477 = arith.constant 1 : i32
      %add3A_478 = arith.addi %mul3A_476, %add3A_477 : i32
      %swap3A_479 = arith.index_cast %add3A_478 : i32 to index
      %swap3A_480 = arith.constant 64 : index
      %swap3A_481 = tpu.vector_load %arg12[%swap3A_479, %swap3A_480] {strides = array<i32>} : memref<128x128xf32, #tpu.memory_space<vmem>>, vector<1x16xf32>,
      %swap3A_482 = vector.shape_cast %swap3A_481 : vector<1x16xf32> to vector<16xf32>
      %swap3A_483 = vector.shape_cast %broadcast_in_dim3A_6 : vector<16xf32> to vector<1x16xf32>
      tpu.vector_store %arg12[%swap3A_479, %swap3A_480], %swap3A_483 {strides = array<i32>} : memref<128x128xf32, #tpu.memory_space<vmem>>, vector<1x16xf32>,
      %mul3A_484 = arith.constant 2 : i32
      %mul3A_485 = arith.muli %mul3A_484, %scan3A_367 : i32
      %add3A_486 = arith.constant 1 : i32
      %add3A_487 = arith.addi %mul3A_485, %add3A_486 : i32
      %swap3A_488 = arith.index_cast %add3A_487 : i32 to index
      %swap3A_489 = arith.constant 80 : index
      %swap3A_490 = tpu.vector_load %arg12[%swap3A_488, %swap3A_489] {strides = array<i32>} : memref<128x128xf32, #tpu.memory_space<vmem>>, vector<1x16xf32>,
      %swap3A_491 = vector.shape_cast %swap3A_490 : vector<1x16xf32> to vector<16xf32>
      %swap3A_492 = vector.shape_cast %broadcast_in_dim3A_6 : vector<16xf32> to vector<1x16xf32>
      tpu.vector_store %arg12[%swap3A_488, %swap3A_489], %swap3A_492 {strides = array<i32>} : memref<128x128xf32, #tpu.memory_space<vmem>>, vector<1x16xf32>,
      %mul3A_493 = arith.constant 2 : i32
      %mul3A_494 = arith.muli %mul3A_493, %scan3A_367 : i32
      %add3A_495 = arith.constant 1 : i32
      %add3A_496 = arith.addi %mul3A_494, %add3A_495 : i32
      %swap3A_497 = arith.index_cast %add3A_496 : i32 to index
      %swap3A_498 = arith.constant 96 : index
      %swap3A_499 = tpu.vector_load %arg12[%swap3A_497, %swap3A_498] {strides = array<i32>} : memref<128x128xf32, #tpu.memory_space<vmem>>, vector<1x16xf32>,
      %swap3A_500 = vector.shape_cast %swap3A_499 : vector<1x16xf32> to vector<16xf32>
      %swap3A_501 = vector.shape_cast %broadcast_in_dim3A_6 : vector<16xf32> to vector<1x16xf32>
      tpu.vector_store %arg12[%swap3A_497, %swap3A_498], %swap3A_501 {strides = array<i32>} : memref<128x128xf32, #tpu.memory_space<vmem>>, vector<1x16xf32>,
      %mul3A_502 = arith.constant 2 : i32
      %mul3A_503 = arith.muli %mul3A_502, %scan3A_367 : i32
      %add3A_504 = arith.constant 1 : i32
      %add3A_505 = arith.addi %mul3A_503, %add3A_504 : i32
      %swap3A_506 = arith.index_cast %add3A_505 : i32 to index
      %swap3A_507 = arith.constant 112 : index
      %swap3A_508 = tpu.vector_load %arg12[%swap3A_506, %swap3A_507] {strides = array<i32>} : memref<128x128xf32, #tpu.memory_space<vmem>>, vector<1x16xf32>,
      %swap3A_509 = vector.shape_cast %swap3A_508 : vector<1x16xf32> to vector<16xf32>
      %swap3A_510 = vector.shape_cast %broadcast_in_dim3A_6 : vector<16xf32> to vector<1x16xf32>
      tpu.vector_store %arg12[%swap3A_506, %swap3A_507], %swap3A_510 {strides = array<i32>} : memref<128x128xf32, #tpu.memory_space<vmem>>, vector<1x16xf32>,
    }
    %scan3A_28 = arith.constant 64 : i32
    %dma_wait3A = arith.constant 0 : i32
    %dma_wait3A_29 = tpu.memref_slice %arg2[%dma_wait3A, %mul3A_2] : memref<4x16384xi32, #tpu.memory_space<hbm>> -> memref<4x512xi32, #tpu.memory_space<hbm>>
    %dma_wait3A_30 = arith.constant 0 : i32
    %dma_wait3A_31 = tpu.memref_slice %arg2[%dma_wait3A_30, %mul3A_2] : memref<4x16384xi32, #tpu.memory_space<hbm>> -> memref<4x512xi32, #tpu.memory_space<hbm>>
    tpu.wait_dma2 semaphore(%arg17 : memref<!tpu.dma_semaphore, #tpu.memory_space<semaphore_mem>>) src(%dma_wait3A_31 : memref<4x512xi32, #tpu.memory_space<hbm>>) dst(%arg10 : memref<4x512xi32, #tpu.memory_space<vmem>>)
    %dma_start3A_32 = arith.constant 0 : i32
    %dma_start3A_33 = arith.constant 0 : i32
    %dma_start3A_34 = tpu.memref_slice %arg10[%dma_start3A_32, %dma_start3A_33] : memref<4x512xi32, #tpu.memory_space<vmem>> -> memref<1x128xi32, #tpu.memory_space<vmem>>
    %dma_start3A_35 = tpu.memref_squeeze %dma_start3A_34 : memref<1x128xi32, #tpu.memory_space<vmem>> -> memref<128xi32, #tpu.memory_space<vmem>>
    %dma_start3A_36 = arith.constant 0 : i32
    %dma_start3A_37 = arith.constant 0 : i32
    %dma_start3A_38 = tpu.memref_slice %arg3[%dma_start3A_36, %dma_start3A_37] : memref<100000x128xf32, #tpu.memory_space<hbm>> -> memref<100000x128xf32, #tpu.memory_space<hbm>>
    tpu.enqueue_indirect_dma source(%dma_start3A_38 : memref<100000x128xf32, #tpu.memory_space<hbm>>) target(%arg11 : memref<128x128xf32, #tpu.memory_space<vmem>>) offsets(%dma_start3A_35 : memref<128xi32, #tpu.memory_space<vmem>>) semaphore(%arg17 : memref<!tpu.dma_semaphore, #tpu.memory_space<semaphore_mem>>) {add = true}
    %dma_start3A_39 = arith.constant 1 : i32
    %dma_start3A_40 = arith.constant 0 : i32
    %dma_start3A_41 = tpu.memref_slice %arg10[%dma_start3A_39, %dma_start3A_40] : memref<4x512xi32, #tpu.memory_space<vmem>> -> memref<1x128xi32, #tpu.memory_space<vmem>>
    %dma_start3A_42 = tpu.memref_squeeze %dma_start3A_41 : memref<1x128xi32, #tpu.memory_space<vmem>> -> memref<128xi32, #tpu.memory_space<vmem>>
    %dma_start3A_43 = arith.constant 0 : i32
    %dma_start3A_44 = arith.constant 0 : i32
    %dma_start3A_45 = tpu.memref_slice %arg4[%dma_start3A_43, %dma_start3A_44] : memref<100000x128xf32, #tpu.memory_space<hbm>> -> memref<100000x128xf32, #tpu.memory_space<hbm>>
    tpu.enqueue_indirect_dma source(%dma_start3A_45 : memref<100000x128xf32, #tpu.memory_space<hbm>>) target(%arg11 : memref<128x128xf32, #tpu.memory_space<vmem>>) offsets(%dma_start3A_42 : memref<128xi32, #tpu.memory_space<vmem>>) semaphore(%arg17 : memref<!tpu.dma_semaphore, #tpu.memory_space<semaphore_mem>>) {add = true}
    %dma_start3A_46 = arith.constant 2 : i32
    %dma_start3A_47 = arith.constant 0 : i32
    %dma_start3A_48 = tpu.memref_slice %arg10[%dma_start3A_46, %dma_start3A_47] : memref<4x512xi32, #tpu.memory_space<vmem>> -> memref<1x128xi32, #tpu.memory_space<vmem>>
    %dma_start3A_49 = tpu.memref_squeeze %dma_start3A_48 : memref<1x128xi32, #tpu.memory_space<vmem>> -> memref<128xi32, #tpu.memory_space<vmem>>
    %dma_start3A_50 = arith.constant 0 : i32
    %dma_start3A_51 = arith.constant 0 : i32
    %dma_start3A_52 = tpu.memref_slice %arg5[%dma_start3A_50, %dma_start3A_51] : memref<100000x128xf32, #tpu.memory_space<hbm>> -> memref<100000x128xf32, #tpu.memory_space<hbm>>
    tpu.enqueue_indirect_dma source(%dma_start3A_52 : memref<100000x128xf32, #tpu.memory_space<hbm>>) target(%arg11 : memref<128x128xf32, #tpu.memory_space<vmem>>) offsets(%dma_start3A_49 : memref<128xi32, #tpu.memory_space<vmem>>) semaphore(%arg17 : memref<!tpu.dma_semaphore, #tpu.memory_space<semaphore_mem>>) {add = true}
    %dma_start3A_53 = arith.constant 3 : i32
    %dma_start3A_54 = arith.constant 0 : i32
    %dma_start3A_55 = tpu.memref_slice %arg10[%dma_start3A_53, %dma_start3A_54] : memref<4x512xi32, #tpu.memory_space<vmem>> -> memref<1x128xi32, #tpu.memory_space<vmem>>
    %dma_start3A_56 = tpu.memref_squeeze %dma_start3A_55 : memref<1x128xi32, #tpu.memory_space<vmem>> -> memref<128xi32, #tpu.memory_space<vmem>>
    %dma_start3A_57 = arith.constant 0 : i32
    %dma_start3A_58 = arith.constant 0 : i32
    %dma_start3A_59 = tpu.memref_slice %arg6[%dma_start3A_57, %dma_start3A_58] : memref<100000x128xf32, #tpu.memory_space<hbm>> -> memref<100000x128xf32, #tpu.memory_space<hbm>>
    tpu.enqueue_indirect_dma source(%dma_start3A_59 : memref<100000x128xf32, #tpu.memory_space<hbm>>) target(%arg11 : memref<128x128xf32, #tpu.memory_space<vmem>>) offsets(%dma_start3A_56 : memref<128xi32, #tpu.memory_space<vmem>>) semaphore(%arg17 : memref<!tpu.dma_semaphore, #tpu.memory_space<semaphore_mem>>) {add = true}
    %dma_start3A_60 = arith.constant 0 : i32
    %dma_start3A_61 = arith.constant 128 : i32
    %dma_start3A_62 = tpu.memref_slice %arg10[%dma_start3A_60, %dma_start3A_61] : memref<4x512xi32, #tpu.memory_space<vmem>> -> memref<1x128xi32, #tpu.memory_space<vmem>>
    %dma_start3A_63 = tpu.memref_squeeze %dma_start3A_62 : memref<1x128xi32, #tpu.memory_space<vmem>> -> memref<128xi32, #tpu.memory_space<vmem>>
    %dma_start3A_64 = arith.constant 0 : i32
    %dma_start3A_65 = arith.constant 0 : i32
    %dma_start3A_66 = tpu.memref_slice %arg3[%dma_start3A_64, %dma_start3A_65] : memref<100000x128xf32, #tpu.memory_space<hbm>> -> memref<100000x128xf32, #tpu.memory_space<hbm>>
    tpu.enqueue_indirect_dma source(%dma_start3A_66 : memref<100000x128xf32, #tpu.memory_space<hbm>>) target(%arg12 : memref<128x128xf32, #tpu.memory_space<vmem>>) offsets(%dma_start3A_63 : memref<128xi32, #tpu.memory_space<vmem>>) semaphore(%arg18 : memref<!tpu.dma_semaphore, #tpu.memory_space<semaphore_mem>>) {add = true}
    %dma_start3A_67 = arith.constant 1 : i32
    %dma_start3A_68 = arith.constant 128 : i32
    %dma_start3A_69 = tpu.memref_slice %arg10[%dma_start3A_67, %dma_start3A_68] : memref<4x512xi32, #tpu.memory_space<vmem>> -> memref<1x128xi32, #tpu.memory_space<vmem>>
    %dma_start3A_70 = tpu.memref_squeeze %dma_start3A_69 : memref<1x128xi32, #tpu.memory_space<vmem>> -> memref<128xi32, #tpu.memory_space<vmem>>
    %dma_start3A_71 = arith.constant 0 : i32
    %dma_start3A_72 = arith.constant 0 : i32
    %dma_start3A_73 = tpu.memref_slice %arg4[%dma_start3A_71, %dma_start3A_72] : memref<100000x128xf32, #tpu.memory_space<hbm>> -> memref<100000x128xf32, #tpu.memory_space<hbm>>
    tpu.enqueue_indirect_dma source(%dma_start3A_73 : memref<100000x128xf32, #tpu.memory_space<hbm>>) target(%arg12 : memref<128x128xf32, #tpu.memory_space<vmem>>) offsets(%dma_start3A_70 : memref<128xi32, #tpu.memory_space<vmem>>) semaphore(%arg18 : memref<!tpu.dma_semaphore, #tpu.memory_space<semaphore_mem>>) {add = true}
    %dma_start3A_74 = arith.constant 2 : i32
    %dma_start3A_75 = arith.constant 128 : i32
    %dma_start3A_76 = tpu.memref_slice %arg10[%dma_start3A_74, %dma_start3A_75] : memref<4x512xi32, #tpu.memory_space<vmem>> -> memref<1x128xi32, #tpu.memory_space<vmem>>
    %dma_start3A_77 = tpu.memref_squeeze %dma_start3A_76 : memref<1x128xi32, #tpu.memory_space<vmem>> -> memref<128xi32, #tpu.memory_space<vmem>>
    %dma_start3A_78 = arith.constant 0 : i32
    %dma_start3A_79 = arith.constant 0 : i32
    %dma_start3A_80 = tpu.memref_slice %arg5[%dma_start3A_78, %dma_start3A_79] : memref<100000x128xf32, #tpu.memory_space<hbm>> -> memref<100000x128xf32, #tpu.memory_space<hbm>>
    tpu.enqueue_indirect_dma source(%dma_start3A_80 : memref<100000x128xf32, #tpu.memory_space<hbm>>) target(%arg12 : memref<128x128xf32, #tpu.memory_space<vmem>>) offsets(%dma_start3A_77 : memref<128xi32, #tpu.memory_space<vmem>>) semaphore(%arg18 : memref<!tpu.dma_semaphore, #tpu.memory_space<semaphore_mem>>) {add = true}
    %dma_start3A_81 = arith.constant 3 : i32
    %dma_start3A_82 = arith.constant 128 : i32
    %dma_start3A_83 = tpu.memref_slice %arg10[%dma_start3A_81, %dma_start3A_82] : memref<4x512xi32, #tpu.memory_space<vmem>> -> memref<1x128xi32, #tpu.memory_space<vmem>>
    %dma_start3A_84 = tpu.memref_squeeze %dma_start3A_83 : memref<1x128xi32, #tpu.memory_space<vmem>> -> memref<128xi32, #tpu.memory_space<vmem>>
    %dma_start3A_85 = arith.constant 0 : i32
    %dma_start3A_86 = arith.constant 0 : i32
    %dma_start3A_87 = tpu.memref_slice %arg6[%dma_start3A_85, %dma_start3A_86] : memref<100000x128xf32, #tpu.memory_space<hbm>> -> memref<100000x128xf32, #tpu.memory_space<hbm>>
    tpu.enqueue_indirect_dma source(%dma_start3A_87 : memref<100000x128xf32, #tpu.memory_space<hbm>>) target(%arg12 : memref<128x128xf32, #tpu.memory_space<vmem>>) offsets(%dma_start3A_84 : memref<128xi32, #tpu.memory_space<vmem>>) semaphore(%arg18 : memref<!tpu.dma_semaphore, #tpu.memory_space<semaphore_mem>>) {add = true}
    tpu.wait_dma2 semaphore(%arg19 : memref<!tpu.dma_semaphore, #tpu.memory_space<semaphore_mem>>) src(%arg7 : memref<128xf32, #tpu.memory_space<hbm>>) dst(%arg15 : memref<128xf32, #tpu.memory_space<vmem>>)
    tpu.wait_dma2 semaphore(%arg20 : memref<!tpu.dma_semaphore, #tpu.memory_space<semaphore_mem>>) src(%arg8 : memref<128xf32, #tpu.memory_space<hbm>>) dst(%arg16 : memref<128xf32, #tpu.memory_space<vmem>>)
    %get3A = arith.constant 0 : index
    %get3A_88 = tpu.vector_load %arg15[%get3A] {strides = array<i32>} : memref<128xf32, #tpu.memory_space<vmem>>, vector<16xf32>,
    %get3A_89 = vector.shape_cast %get3A_88 : vector<16xf32> to vector<16xf32>
    %get3A_90 = arith.constant 16 : index
    %get3A_91 = tpu.vector_load %arg15[%get3A_90] {strides = array<i32>} : memref<128xf32, #tpu.memory_space<vmem>>, vector<16xf32>,
    %get3A_92 = vector.shape_cast %get3A_91 : vector<16xf32> to vector<16xf32>
    %get3A_93 = arith.constant 32 : index
    %get3A_94 = tpu.vector_load %arg15[%get3A_93] {strides = array<i32>} : memref<128xf32, #tpu.memory_space<vmem>>, vector<16xf32>,
    %get3A_95 = vector.shape_cast %get3A_94 : vector<16xf32> to vector<16xf32>
    %get3A_96 = arith.constant 48 : index
    %get3A_97 = tpu.vector_load %arg15[%get3A_96] {strides = array<i32>} : memref<128xf32, #tpu.memory_space<vmem>>, vector<16xf32>,
    %get3A_98 = vector.shape_cast %get3A_97 : vector<16xf32> to vector<16xf32>
    %get3A_99 = arith.constant 64 : index
    %get3A_100 = tpu.vector_load %arg15[%get3A_99] {strides = array<i32>} : memref<128xf32, #tpu.memory_space<vmem>>, vector<16xf32>,
    %get3A_101 = vector.shape_cast %get3A_100 : vector<16xf32> to vector<16xf32>
    %get3A_102 = arith.constant 80 : index
    %get3A_103 = tpu.vector_load %arg15[%get3A_102] {strides = array<i32>} : memref<128xf32, #tpu.memory_space<vmem>>, vector<16xf32>,
    %get3A_104 = vector.shape_cast %get3A_103 : vector<16xf32> to vector<16xf32>
    %get3A_105 = arith.constant 96 : index
    %get3A_106 = tpu.vector_load %arg15[%get3A_105] {strides = array<i32>} : memref<128xf32, #tpu.memory_space<vmem>>, vector<16xf32>,
    %get3A_107 = vector.shape_cast %get3A_106 : vector<16xf32> to vector<16xf32>
    %get3A_108 = arith.constant 112 : index
    %get3A_109 = tpu.vector_load %arg15[%get3A_108] {strides = array<i32>} : memref<128xf32, #tpu.memory_space<vmem>>, vector<16xf32>,
    %get3A_110 = vector.shape_cast %get3A_109 : vector<16xf32> to vector<16xf32>
    %get3A_111 = arith.constant 0 : index
    %get3A_112 = tpu.vector_load %arg16[%get3A_111] {strides = array<i32>} : memref<128xf32, #tpu.memory_space<vmem>>, vector<16xf32>,
    %get3A_113 = vector.shape_cast %get3A_112 : vector<16xf32> to vector<16xf32>
    %get3A_114 = arith.constant 16 : index
    %get3A_115 = tpu.vector_load %arg16[%get3A_114] {strides = array<i32>} : memref<128xf32, #tpu.memory_space<vmem>>, vector<16xf32>,
    %get3A_116 = vector.shape_cast %get3A_115 : vector<16xf32> to vector<16xf32>
    %get3A_117 = arith.constant 32 : index
    %get3A_118 = tpu.vector_load %arg16[%get3A_117] {strides = array<i32>} : memref<128xf32, #tpu.memory_space<vmem>>, vector<16xf32>,
    %get3A_119 = vector.shape_cast %get3A_118 : vector<16xf32> to vector<16xf32>
    %get3A_120 = arith.constant 48 : index
    %get3A_121 = tpu.vector_load %arg16[%get3A_120] {strides = array<i32>} : memref<128xf32, #tpu.memory_space<vmem>>, vector<16xf32>,
    %get3A_122 = vector.shape_cast %get3A_121 : vector<16xf32> to vector<16xf32>
    %get3A_123 = arith.constant 64 : index
    %get3A_124 = tpu.vector_load %arg16[%get3A_123] {strides = array<i32>} : memref<128xf32, #tpu.memory_space<vmem>>, vector<16xf32>,
    %get3A_125 = vector.shape_cast %get3A_124 : vector<16xf32> to vector<16xf32>
    %get3A_126 = arith.constant 80 : index
    %get3A_127 = tpu.vector_load %arg16[%get3A_126] {strides = array<i32>} : memref<128xf32, #tpu.memory_space<vmem>>, vector<16xf32>,
    %get3A_128 = vector.shape_cast %get3A_127 : vector<16xf32> to vector<16xf32>
    %get3A_129 = arith.constant 96 : index
    %get3A_130 = tpu.vector_load %arg16[%get3A_129] {strides = array<i32>} : memref<128xf32, #tpu.memory_space<vmem>>, vector<16xf32>,
    %get3A_131 = vector.shape_cast %get3A_130 : vector<16xf32> to vector<16xf32>
    %get3A_132 = arith.constant 112 : index
    %get3A_133 = tpu.vector_load %arg16[%get3A_132] {strides = array<i32>} : memref<128xf32, #tpu.memory_space<vmem>>, vector<16xf32>,
    %get3A_134 = vector.shape_cast %get3A_133 : vector<16xf32> to vector<16xf32>
    %dma_wait3A_135 = arith.constant 0 : i32
    %dma_wait3A_136 = arith.constant 0 : i32
    %dma_wait3A_137 = tpu.memref_slice %arg10[%dma_wait3A_135, %dma_wait3A_136] : memref<4x512xi32, #tpu.memory_space<vmem>> -> memref<1x128xi32, #tpu.memory_space<vmem>>
    %dma_wait3A_138 = tpu.memref_squeeze %dma_wait3A_137 : memref<1x128xi32, #tpu.memory_space<vmem>> -> memref<128xi32, #tpu.memory_space<vmem>>
    %dma_wait3A_139 = arith.constant 0 : i32
    %dma_wait3A_140 = arith.constant 0 : i32
    %dma_wait3A_141 = tpu.memref_slice %arg3[%dma_wait3A_139, %dma_wait3A_140] : memref<100000x128xf32, #tpu.memory_space<hbm>> -> memref<100000x128xf32, #tpu.memory_space<hbm>>
    tpu.wait_indirect_dma semaphore(%arg17 : memref<!tpu.dma_semaphore, #tpu.memory_space<semaphore_mem>>) src(%dma_wait3A_141 : memref<100000x128xf32, #tpu.memory_space<hbm>>) dst(%arg11 : memref<128x128xf32, #tpu.memory_space<vmem>>)
    %dma_wait3A_142 = arith.constant 1 : i32
    %dma_wait3A_143 = arith.constant 0 : i32
    %dma_wait3A_144 = tpu.memref_slice %arg10[%dma_wait3A_142, %dma_wait3A_143] : memref<4x512xi32, #tpu.memory_space<vmem>> -> memref<1x128xi32, #tpu.memory_space<vmem>>
    %dma_wait3A_145 = tpu.memref_squeeze %dma_wait3A_144 : memref<1x128xi32, #tpu.memory_space<vmem>> -> memref<128xi32, #tpu.memory_space<vmem>>
    %dma_wait3A_146 = arith.constant 0 : i32
    %dma_wait3A_147 = arith.constant 0 : i32
    %dma_wait3A_148 = tpu.memref_slice %arg4[%dma_wait3A_146, %dma_wait3A_147] : memref<100000x128xf32, #tpu.memory_space<hbm>> -> memref<100000x128xf32, #tpu.memory_space<hbm>>
    tpu.wait_indirect_dma semaphore(%arg17 : memref<!tpu.dma_semaphore, #tpu.memory_space<semaphore_mem>>) src(%dma_wait3A_148 : memref<100000x128xf32, #tpu.memory_space<hbm>>) dst(%arg11 : memref<128x128xf32, #tpu.memory_space<vmem>>)
    %dma_wait3A_149 = arith.constant 2 : i32
    %dma_wait3A_150 = arith.constant 0 : i32
    %dma_wait3A_151 = tpu.memref_slice %arg10[%dma_wait3A_149, %dma_wait3A_150] : memref<4x512xi32, #tpu.memory_space<vmem>> -> memref<1x128xi32, #tpu.memory_space<vmem>>
    %dma_wait3A_152 = tpu.memref_squeeze %dma_wait3A_151 : memref<1x128xi32, #tpu.memory_space<vmem>> -> memref<128xi32, #tpu.memory_space<vmem>>
    %dma_wait3A_153 = arith.constant 0 : i32
    %dma_wait3A_154 = arith.constant 0 : i32
    %dma_wait3A_155 = tpu.memref_slice %arg5[%dma_wait3A_153, %dma_wait3A_154] : memref<100000x128xf32, #tpu.memory_space<hbm>> -> memref<100000x128xf32, #tpu.memory_space<hbm>>
    tpu.wait_indirect_dma semaphore(%arg17 : memref<!tpu.dma_semaphore, #tpu.memory_space<semaphore_mem>>) src(%dma_wait3A_155 : memref<100000x128xf32, #tpu.memory_space<hbm>>) dst(%arg11 : memref<128x128xf32, #tpu.memory_space<vmem>>)
    %dma_wait3A_156 = arith.constant 3 : i32
    %dma_wait3A_157 = arith.constant 0 : i32
    %dma_wait3A_158 = tpu.memref_slice %arg10[%dma_wait3A_156, %dma_wait3A_157] : memref<4x512xi32, #tpu.memory_space<vmem>> -> memref<1x128xi32, #tpu.memory_space<vmem>>
    %dma_wait3A_159 = tpu.memref_squeeze %dma_wait3A_158 : memref<1x128xi32, #tpu.memory_space<vmem>> -> memref<128xi32, #tpu.memory_space<vmem>>
    %dma_wait3A_160 = arith.constant 0 : i32
    %dma_wait3A_161 = arith.constant 0 : i32
    %dma_wait3A_162 = tpu.memref_slice %arg6[%dma_wait3A_160, %dma_wait3A_161] : memref<100000x128xf32, #tpu.memory_space<hbm>> -> memref<100000x128xf32, #tpu.memory_space<hbm>>
    tpu.wait_indirect_dma semaphore(%arg17 : memref<!tpu.dma_semaphore, #tpu.memory_space<semaphore_mem>>) src(%dma_wait3A_162 : memref<100000x128xf32, #tpu.memory_space<hbm>>) dst(%arg11 : memref<128x128xf32, #tpu.memory_space<vmem>>)
    %scan3A_163 = arith.constant 0 : i32
    %scan3A_164 = arith.constant 0 : i32
    %scan3A_165 = arith.constant 64 : i32
    %scan3A_166 = arith.addi %scan3A_164, %scan3A_165 : i32
    %scan3A_167 = arith.constant 1 : i32
    scf.for %scan3A_367 = %scan3A_164 to %scan3A_166 step %scan3A_167  : i32 {
      %mul3A_368 = arith.constant 2 : i32
      %mul3A_369 = arith.muli %mul3A_368, %scan3A_367 : i32
      %add3A_370 = arith.constant 1 : i32
      %add3A_371 = arith.addi %mul3A_369, %add3A_370 : i32
      %get3A_372 = arith.index_cast %mul3A_369 : i32 to index
      %get3A_373 = arith.constant 0 : index
      %get3A_374 = tpu.vector_load %arg11[%get3A_372, %get3A_373] {strides = array<i32>} : memref<128x128xf32, #tpu.memory_space<vmem>>, vector<1x16xf32>,
      %get3A_375 = vector.shape_cast %get3A_374 : vector<1x16xf32> to vector<16xf32>
      %get3A_376 = arith.index_cast %mul3A_369 : i32 to index
      %get3A_377 = arith.constant 16 : index
      %get3A_378 = tpu.vector_load %arg11[%get3A_376, %get3A_377] {strides = array<i32>} : memref<128x128xf32, #tpu.memory_space<vmem>>, vector<1x16xf32>,
      %get3A_379 = vector.shape_cast %get3A_378 : vector<1x16xf32> to vector<16xf32>
      %get3A_380 = arith.index_cast %mul3A_369 : i32 to index
      %get3A_381 = arith.constant 32 : index
      %get3A_382 = tpu.vector_load %arg11[%get3A_380, %get3A_381] {strides = array<i32>} : memref<128x128xf32, #tpu.memory_space<vmem>>, vector<1x16xf32>,
      %get3A_383 = vector.shape_cast %get3A_382 : vector<1x16xf32> to vector<16xf32>
      %get3A_384 = arith.index_cast %mul3A_369 : i32 to index
      %get3A_385 = arith.constant 48 : index
      %get3A_386 = tpu.vector_load %arg11[%get3A_384, %get3A_385] {strides = array<i32>} : memref<128x128xf32, #tpu.memory_space<vmem>>, vector<1x16xf32>,
      %get3A_387 = vector.shape_cast %get3A_386 : vector<1x16xf32> to vector<16xf32>
      %get3A_388 = arith.index_cast %mul3A_369 : i32 to index
      %get3A_389 = arith.constant 64 : index
      %get3A_390 = tpu.vector_load %arg11[%get3A_388, %get3A_389] {strides = array<i32>} : memref<128x128xf32, #tpu.memory_space<vmem>>, vector<1x16xf32>,
      %get3A_391 = vector.shape_cast %get3A_390 : vector<1x16xf32> to vector<16xf32>
      %get3A_392 = arith.index_cast %mul3A_369 : i32 to index
      %get3A_393 = arith.constant 80 : index
      %get3A_394 = tpu.vector_load %arg11[%get3A_392, %get3A_393] {strides = array<i32>} : memref<128x128xf32, #tpu.memory_space<vmem>>, vector<1x16xf32>,
      %get3A_395 = vector.shape_cast %get3A_394 : vector<1x16xf32> to vector<16xf32>
      %get3A_396 = arith.index_cast %mul3A_369 : i32 to index
      %get3A_397 = arith.constant 96 : index
      %get3A_398 = tpu.vector_load %arg11[%get3A_396, %get3A_397] {strides = array<i32>} : memref<128x128xf32, #tpu.memory_space<vmem>>, vector<1x16xf32>,
      %get3A_399 = vector.shape_cast %get3A_398 : vector<1x16xf32> to vector<16xf32>
      %get3A_400 = arith.index_cast %mul3A_369 : i32 to index
      %get3A_401 = arith.constant 112 : index
      %get3A_402 = tpu.vector_load %arg11[%get3A_400, %get3A_401] {strides = array<i32>} : memref<128x128xf32, #tpu.memory_space<vmem>>, vector<1x16xf32>,
      %get3A_403 = vector.shape_cast %get3A_402 : vector<1x16xf32> to vector<16xf32>
      %get3A_404 = arith.index_cast %add3A_371 : i32 to index
      %get3A_405 = arith.constant 0 : index
      %get3A_406 = tpu.vector_load %arg11[%get3A_404, %get3A_405] {strides = array<i32>} : memref<128x128xf32, #tpu.memory_space<vmem>>, vector<1x16xf32>,
      %get3A_407 = vector.shape_cast %get3A_406 : vector<1x16xf32> to vector<16xf32>
      %get3A_408 = arith.index_cast %add3A_371 : i32 to index
      %get3A_409 = arith.constant 16 : index
      %get3A_410 = tpu.vector_load %arg11[%get3A_408, %get3A_409] {strides = array<i32>} : memref<128x128xf32, #tpu.memory_space<vmem>>, vector<1x16xf32>,
      %get3A_411 = vector.shape_cast %get3A_410 : vector<1x16xf32> to vector<16xf32>
      %get3A_412 = arith.index_cast %add3A_371 : i32 to index
      %get3A_413 = arith.constant 32 : index
      %get3A_414 = tpu.vector_load %arg11[%get3A_412, %get3A_413] {strides = array<i32>} : memref<128x128xf32, #tpu.memory_space<vmem>>, vector<1x16xf32>,
      %get3A_415 = vector.shape_cast %get3A_414 : vector<1x16xf32> to vector<16xf32>
      %get3A_416 = arith.index_cast %add3A_371 : i32 to index
      %get3A_417 = arith.constant 48 : index
      %get3A_418 = tpu.vector_load %arg11[%get3A_416, %get3A_417] {strides = array<i32>} : memref<128x128xf32, #tpu.memory_space<vmem>>, vector<1x16xf32>,
      %get3A_419 = vector.shape_cast %get3A_418 : vector<1x16xf32> to vector<16xf32>
      %get3A_420 = arith.index_cast %add3A_371 : i32 to index
      %get3A_421 = arith.constant 64 : index
      %get3A_422 = tpu.vector_load %arg11[%get3A_420, %get3A_421] {strides = array<i32>} : memref<128x128xf32, #tpu.memory_space<vmem>>, vector<1x16xf32>,
      %get3A_423 = vector.shape_cast %get3A_422 : vector<1x16xf32> to vector<16xf32>
      %get3A_424 = arith.index_cast %add3A_371 : i32 to index
      %get3A_425 = arith.constant 80 : index
      %get3A_426 = tpu.vector_load %arg11[%get3A_424, %get3A_425] {strides = array<i32>} : memref<128x128xf32, #tpu.memory_space<vmem>>, vector<1x16xf32>,
      %get3A_427 = vector.shape_cast %get3A_426 : vector<1x16xf32> to vector<16xf32>
      %get3A_428 = arith.index_cast %add3A_371 : i32 to index
      %get3A_429 = arith.constant 96 : index
      %get3A_430 = tpu.vector_load %arg11[%get3A_428, %get3A_429] {strides = array<i32>} : memref<128x128xf32, #tpu.memory_space<vmem>>, vector<1x16xf32>,
      %get3A_431 = vector.shape_cast %get3A_430 : vector<1x16xf32> to vector<16xf32>
      %get3A_432 = arith.index_cast %add3A_371 : i32 to index
      %get3A_433 = arith.constant 112 : index
      %get3A_434 = tpu.vector_load %arg11[%get3A_432, %get3A_433] {strides = array<i32>} : memref<128x128xf32, #tpu.memory_space<vmem>>, vector<1x16xf32>,
      %get3A_435 = vector.shape_cast %get3A_434 : vector<1x16xf32> to vector<16xf32>
      %swap3A = arith.index_cast %mul3A_369 : i32 to index
      %swap3A_436 = arith.constant 0 : index
      %swap3A_437 = tpu.vector_load %arg11[%swap3A, %swap3A_436] {strides = array<i32>} : memref<128x128xf32, #tpu.memory_space<vmem>>, vector<1x16xf32>,
      %swap3A_438 = vector.shape_cast %swap3A_437 : vector<1x16xf32> to vector<16xf32>
      %swap3A_439 = vector.shape_cast %broadcast_in_dim3A_6 : vector<16xf32> to vector<1x16xf32>
      tpu.vector_store %arg11[%swap3A, %swap3A_436], %swap3A_439 {strides = array<i32>} : memref<128x128xf32, #tpu.memory_space<vmem>>, vector<1x16xf32>,
      %swap3A_440 = arith.index_cast %add3A_371 : i32 to index
      %swap3A_441 = arith.constant 0 : index
      %swap3A_442 = tpu.vector_load %arg11[%swap3A_440, %swap3A_441] {strides = array<i32>} : memref<128x128xf32, #tpu.memory_space<vmem>>, vector<1x16xf32>,
      %swap3A_443 = vector.shape_cast %swap3A_442 : vector<1x16xf32> to vector<16xf32>
      %swap3A_444 = vector.shape_cast %broadcast_in_dim3A_6 : vector<16xf32> to vector<1x16xf32>
      tpu.vector_store %arg11[%swap3A_440, %swap3A_441], %swap3A_444 {strides = array<i32>} : memref<128x128xf32, #tpu.memory_space<vmem>>, vector<1x16xf32>,
      %swap3A_445 = arith.index_cast %mul3A_369 : i32 to index
      %swap3A_446 = arith.constant 16 : index
      %swap3A_447 = tpu.vector_load %arg11[%swap3A_445, %swap3A_446] {strides = array<i32>} : memref<128x128xf32, #tpu.memory_space<vmem>>, vector<1x16xf32>,
      %swap3A_448 = vector.shape_cast %swap3A_447 : vector<1x16xf32> to vector<16xf32>
      %swap3A_449 = vector.shape_cast %broadcast_in_dim3A_6 : vector<16xf32> to vector<1x16xf32>
      tpu.vector_store %arg11[%swap3A_445, %swap3A_446], %swap3A_449 {strides = array<i32>} : memref<128x128xf32, #tpu.memory_space<vmem>>, vector<1x16xf32>,
      %swap3A_450 = arith.index_cast %add3A_371 : i32 to index
      %swap3A_451 = arith.constant 16 : index
      %swap3A_452 = tpu.vector_load %arg11[%swap3A_450, %swap3A_451] {strides = array<i32>} : memref<128x128xf32, #tpu.memory_space<vmem>>, vector<1x16xf32>,
      %swap3A_453 = vector.shape_cast %swap3A_452 : vector<1x16xf32> to vector<16xf32>
      %swap3A_454 = vector.shape_cast %broadcast_in_dim3A_6 : vector<16xf32> to vector<1x16xf32>
      tpu.vector_store %arg11[%swap3A_450, %swap3A_451], %swap3A_454 {strides = array<i32>} : memref<128x128xf32, #tpu.memory_space<vmem>>, vector<1x16xf32>,
      %swap3A_455 = arith.index_cast %mul3A_369 : i32 to index
      %swap3A_456 = arith.constant 32 : index
      %swap3A_457 = tpu.vector_load %arg11[%swap3A_455, %swap3A_456] {strides = array<i32>} : memref<128x128xf32, #tpu.memory_space<vmem>>, vector<1x16xf32>,
      %swap3A_458 = vector.shape_cast %swap3A_457 : vector<1x16xf32> to vector<16xf32>
      %swap3A_459 = vector.shape_cast %broadcast_in_dim3A_6 : vector<16xf32> to vector<1x16xf32>
      tpu.vector_store %arg11[%swap3A_455, %swap3A_456], %swap3A_459 {strides = array<i32>} : memref<128x128xf32, #tpu.memory_space<vmem>>, vector<1x16xf32>,
      %swap3A_460 = arith.index_cast %add3A_371 : i32 to index
      %swap3A_461 = arith.constant 32 : index
      %swap3A_462 = tpu.vector_load %arg11[%swap3A_460, %swap3A_461] {strides = array<i32>} : memref<128x128xf32, #tpu.memory_space<vmem>>, vector<1x16xf32>,
      %swap3A_463 = vector.shape_cast %swap3A_462 : vector<1x16xf32> to vector<16xf32>
      %swap3A_464 = vector.shape_cast %broadcast_in_dim3A_6 : vector<16xf32> to vector<1x16xf32>
      tpu.vector_store %arg11[%swap3A_460, %swap3A_461], %swap3A_464 {strides = array<i32>} : memref<128x128xf32, #tpu.memory_space<vmem>>, vector<1x16xf32>,
      %swap3A_465 = arith.index_cast %mul3A_369 : i32 to index
      %swap3A_466 = arith.constant 48 : index
      %swap3A_467 = tpu.vector_load %arg11[%swap3A_465, %swap3A_466] {strides = array<i32>} : memref<128x128xf32, #tpu.memory_space<vmem>>, vector<1x16xf32>,
      %swap3A_468 = vector.shape_cast %swap3A_467 : vector<1x16xf32> to vector<16xf32>
      %swap3A_469 = vector.shape_cast %broadcast_in_dim3A_6 : vector<16xf32> to vector<1x16xf32>
      tpu.vector_store %arg11[%swap3A_465, %swap3A_466], %swap3A_469 {strides = array<i32>} : memref<128x128xf32, #tpu.memory_space<vmem>>, vector<1x16xf32>,
      %swap3A_470 = arith.index_cast %add3A_371 : i32 to index
      %swap3A_471 = arith.constant 48 : index
      %swap3A_472 = tpu.vector_load %arg11[%swap3A_470, %swap3A_471] {strides = array<i32>} : memref<128x128xf32, #tpu.memory_space<vmem>>, vector<1x16xf32>,
      %swap3A_473 = vector.shape_cast %swap3A_472 : vector<1x16xf32> to vector<16xf32>
      %swap3A_474 = vector.shape_cast %broadcast_in_dim3A_6 : vector<16xf32> to vector<1x16xf32>
      tpu.vector_store %arg11[%swap3A_470, %swap3A_471], %swap3A_474 {strides = array<i32>} : memref<128x128xf32, #tpu.memory_space<vmem>>, vector<1x16xf32>,
      %swap3A_475 = arith.index_cast %mul3A_369 : i32 to index
      %swap3A_476 = arith.constant 64 : index
      %swap3A_477 = tpu.vector_load %arg11[%swap3A_475, %swap3A_476] {strides = array<i32>} : memref<128x128xf32, #tpu.memory_space<vmem>>, vector<1x16xf32>,
      %swap3A_478 = vector.shape_cast %swap3A_477 : vector<1x16xf32> to vector<16xf32>
      %swap3A_479 = vector.shape_cast %broadcast_in_dim3A_6 : vector<16xf32> to vector<1x16xf32>
      tpu.vector_store %arg11[%swap3A_475, %swap3A_476], %swap3A_479 {strides = array<i32>} : memref<128x128xf32, #tpu.memory_space<vmem>>, vector<1x16xf32>,
      %swap3A_480 = arith.index_cast %add3A_371 : i32 to index
      %swap3A_481 = arith.constant 64 : index
      %swap3A_482 = tpu.vector_load %arg11[%swap3A_480, %swap3A_481] {strides = array<i32>} : memref<128x128xf32, #tpu.memory_space<vmem>>, vector<1x16xf32>,
      %swap3A_483 = vector.shape_cast %swap3A_482 : vector<1x16xf32> to vector<16xf32>
      %swap3A_484 = vector.shape_cast %broadcast_in_dim3A_6 : vector<16xf32> to vector<1x16xf32>
      tpu.vector_store %arg11[%swap3A_480, %swap3A_481], %swap3A_484 {strides = array<i32>} : memref<128x128xf32, #tpu.memory_space<vmem>>, vector<1x16xf32>,
      %swap3A_485 = arith.index_cast %mul3A_369 : i32 to index
      %swap3A_486 = arith.constant 80 : index
      %swap3A_487 = tpu.vector_load %arg11[%swap3A_485, %swap3A_486] {strides = array<i32>} : memref<128x128xf32, #tpu.memory_space<vmem>>, vector<1x16xf32>,
      %swap3A_488 = vector.shape_cast %swap3A_487 : vector<1x16xf32> to vector<16xf32>
      %swap3A_489 = vector.shape_cast %broadcast_in_dim3A_6 : vector<16xf32> to vector<1x16xf32>
      tpu.vector_store %arg11[%swap3A_485, %swap3A_486], %swap3A_489 {strides = array<i32>} : memref<128x128xf32, #tpu.memory_space<vmem>>, vector<1x16xf32>,
      %swap3A_490 = arith.index_cast %add3A_371 : i32 to index
      %swap3A_491 = arith.constant 80 : index
      %swap3A_492 = tpu.vector_load %arg11[%swap3A_490, %swap3A_491] {strides = array<i32>} : memref<128x128xf32, #tpu.memory_space<vmem>>, vector<1x16xf32>,
      %swap3A_493 = vector.shape_cast %swap3A_492 : vector<1x16xf32> to vector<16xf32>
      %swap3A_494 = vector.shape_cast %broadcast_in_dim3A_6 : vector<16xf32> to vector<1x16xf32>
      tpu.vector_store %arg11[%swap3A_490, %swap3A_491], %swap3A_494 {strides = array<i32>} : memref<128x128xf32, #tpu.memory_space<vmem>>, vector<1x16xf32>,
      %swap3A_495 = arith.index_cast %mul3A_369 : i32 to index
      %swap3A_496 = arith.constant 96 : index
      %swap3A_497 = tpu.vector_load %arg11[%swap3A_495, %swap3A_496] {strides = array<i32>} : memref<128x128xf32, #tpu.memory_space<vmem>>, vector<1x16xf32>,
      %swap3A_498 = vector.shape_cast %swap3A_497 : vector<1x16xf32> to vector<16xf32>
      %swap3A_499 = vector.shape_cast %broadcast_in_dim3A_6 : vector<16xf32> to vector<1x16xf32>
      tpu.vector_store %arg11[%swap3A_495, %swap3A_496], %swap3A_499 {strides = array<i32>} : memref<128x128xf32, #tpu.memory_space<vmem>>, vector<1x16xf32>,
      %swap3A_500 = arith.index_cast %add3A_371 : i32 to index
      %swap3A_501 = arith.constant 96 : index
      %swap3A_502 = tpu.vector_load %arg11[%swap3A_500, %swap3A_501] {strides = array<i32>} : memref<128x128xf32, #tpu.memory_space<vmem>>, vector<1x16xf32>,
      %swap3A_503 = vector.shape_cast %swap3A_502 : vector<1x16xf32> to vector<16xf32>
      %swap3A_504 = vector.shape_cast %broadcast_in_dim3A_6 : vector<16xf32> to vector<1x16xf32>
      tpu.vector_store %arg11[%swap3A_500, %swap3A_501], %swap3A_504 {strides = array<i32>} : memref<128x128xf32, #tpu.memory_space<vmem>>, vector<1x16xf32>,
      %swap3A_505 = arith.index_cast %mul3A_369 : i32 to index
      %swap3A_506 = arith.constant 112 : index
      %swap3A_507 = tpu.vector_load %arg11[%swap3A_505, %swap3A_506] {strides = array<i32>} : memref<128x128xf32, #tpu.memory_space<vmem>>, vector<1x16xf32>,
      %swap3A_508 = vector.shape_cast %swap3A_507 : vector<1x16xf32> to vector<16xf32>
      %swap3A_509 = vector.shape_cast %broadcast_in_dim3A_6 : vector<16xf32> to vector<1x16xf32>
      tpu.vector_store %arg11[%swap3A_505, %swap3A_506], %swap3A_509 {strides = array<i32>} : memref<128x128xf32, #tpu.memory_space<vmem>>, vector<1x16xf32>,
      %swap3A_510 = arith.index_cast %add3A_371 : i32 to index
      %swap3A_511 = arith.constant 112 : index
      %swap3A_512 = tpu.vector_load %arg11[%swap3A_510, %swap3A_511] {strides = array<i32>} : memref<128x128xf32, #tpu.memory_space<vmem>>, vector<1x16xf32>,
      %swap3A_513 = vector.shape_cast %swap3A_512 : vector<1x16xf32> to vector<16xf32>
      %swap3A_514 = vector.shape_cast %broadcast_in_dim3A_6 : vector<16xf32> to vector<1x16xf32>
      tpu.vector_store %arg11[%swap3A_510, %swap3A_511], %swap3A_514 {strides = array<i32>} : memref<128x128xf32, #tpu.memory_space<vmem>>, vector<1x16xf32>,
      %mul3A_515 = arith.mulf %get3A_375, %get3A_375 : vector<16xf32>
      %mul3A_516 = arith.mulf %get3A_407, %get3A_407 : vector<16xf32>
      %add3A_517 = arith.addf %get3A_375, %get3A_379 : vector<16xf32>
      %add3A_518 = arith.addf %get3A_407, %get3A_411 : vector<16xf32>
      %mul3A_519 = arith.mulf %get3A_379, %get3A_379 : vector<16xf32>
      %add3A_520 = arith.addf %mul3A_515, %mul3A_519 : vector<16xf32>
      %mul3A_521 = arith.mulf %get3A_411, %get3A_411 : vector<16xf32>
      %add3A_522 = arith.addf %mul3A_516, %mul3A_521 : vector<16xf32>
      %add3A_523 = arith.addf %add3A_517, %get3A_383 : vector<16xf32>
      %add3A_524 = arith.addf %add3A_518, %get3A_415 : vector<16xf32>
      %mul3A_525 = arith.mulf %get3A_383, %get3A_383 : vector<16xf32>
      %add3A_526 = arith.addf %add3A_520, %mul3A_525 : vector<16xf32>
      %mul3A_527 = arith.mulf %get3A_415, %get3A_415 : vector<16xf32>
      %add3A_528 = arith.addf %add3A_522, %mul3A_527 : vector<16xf32>
      %add3A_529 = arith.addf %add3A_523, %get3A_387 : vector<16xf32>
      %add3A_530 = arith.addf %add3A_524, %get3A_419 : vector<16xf32>
      %mul3A_531 = arith.mulf %get3A_387, %get3A_387 : vector<16xf32>
      %add3A_532 = arith.addf %add3A_526, %mul3A_531 : vector<16xf32>
      %mul3A_533 = arith.mulf %get3A_419, %get3A_419 : vector<16xf32>
      %add3A_534 = arith.addf %add3A_528, %mul3A_533 : vector<16xf32>
      %add3A_535 = arith.addf %add3A_529, %get3A_391 : vector<16xf32>
      %add3A_536 = arith.addf %add3A_530, %get3A_423 : vector<16xf32>
      %mul3A_537 = arith.mulf %get3A_391, %get3A_391 : vector<16xf32>
      %add3A_538 = arith.addf %add3A_532, %mul3A_537 : vector<16xf32>
      %mul3A_539 = arith.mulf %get3A_423, %get3A_423 : vector<16xf32>
      %add3A_540 = arith.addf %add3A_534, %mul3A_539 : vector<16xf32>
      %add3A_541 = arith.addf %add3A_535, %get3A_395 : vector<16xf32>
      %add3A_542 = arith.addf %add3A_536, %get3A_427 : vector<16xf32>
      %mul3A_543 = arith.mulf %get3A_395, %get3A_395 : vector<16xf32>
      %add3A_544 = arith.addf %add3A_538, %mul3A_543 : vector<16xf32>
      %mul3A_545 = arith.mulf %get3A_427, %get3A_427 : vector<16xf32>
      %add3A_546 = arith.addf %add3A_540, %mul3A_545 : vector<16xf32>
      %add3A_547 = arith.addf %add3A_541, %get3A_399 : vector<16xf32>
      %add3A_548 = arith.addf %add3A_542, %get3A_431 : vector<16xf32>
      %mul3A_549 = arith.mulf %get3A_399, %get3A_399 : vector<16xf32>
      %add3A_550 = arith.addf %add3A_544, %mul3A_549 : vector<16xf32>
      %mul3A_551 = arith.mulf %get3A_431, %get3A_431 : vector<16xf32>
      %add3A_552 = arith.addf %add3A_546, %mul3A_551 : vector<16xf32>
      %add3A_553 = arith.addf %add3A_547, %get3A_403 : vector<16xf32>
      %add3A_554 = arith.addf %add3A_548, %get3A_435 : vector<16xf32>
      %mul3A_555 = arith.mulf %get3A_403, %get3A_403 : vector<16xf32>
      %add3A_556 = arith.addf %add3A_550, %mul3A_555 : vector<16xf32>
      %mul3A_557 = arith.mulf %get3A_435, %get3A_435 : vector<16xf32>
      %add3A_558 = arith.addf %add3A_552, %mul3A_557 : vector<16xf32>
      %lt3A_559 = arith.constant 0 : i32
      %lt3A_560 = vector.broadcast %lt3A_559 : i32 to vector<16xi32>
      %lt3A_561 = arith.cmpi slt, %xor3A_10, %lt3A_560 : vector<16xi32>
      %add3A_562 = arith.constant 16 : i32
      %add3A_563 = vector.broadcast %add3A_562 : i32 to vector<16xi32>
      %add3A_564 = arith.addi %xor3A_10, %add3A_563 : vector<16xi32>
      %select_n3A = arith.select %lt3A_561, %add3A_564, %xor3A_10 : vector<16xi1>, vector<16xi32>
      %broadcast_in_dim3A_565 = vector.shape_cast %select_n3A : vector<16xi32> to vector<16x1xi32>
      %gather3A = vector.shape_cast %broadcast_in_dim3A_565 : vector<16x1xi32> to vector<16xi32>
      %gather3A_566 = tpu.dynamic_gather %add3A_553[%gather3A] in [0] : vector<16xf32>, vector<16xi32> -> vector<16xf32>
      %add3A_567 = arith.addf %add3A_553, %gather3A_566 : vector<16xf32>
      %lt3A_568 = arith.constant 0 : i32
      %lt3A_569 = vector.broadcast %lt3A_568 : i32 to vector<16xi32>
      %lt3A_570 = arith.cmpi slt, %xor3A_10, %lt3A_569 : vector<16xi32>
      %add3A_571 = arith.constant 16 : i32
      %add3A_572 = vector.broadcast %add3A_571 : i32 to vector<16xi32>
      %add3A_573 = arith.addi %xor3A_10, %add3A_572 : vector<16xi32>
      %select_n3A_574 = arith.select %lt3A_570, %add3A_573, %xor3A_10 : vector<16xi1>, vector<16xi32>
      %broadcast_in_dim3A_575 = vector.shape_cast %select_n3A_574 : vector<16xi32> to vector<16x1xi32>
      %gather3A_576 = vector.shape_cast %broadcast_in_dim3A_575 : vector<16x1xi32> to vector<16xi32>
      %gather3A_577 = tpu.dynamic_gather %add3A_554[%gather3A_576] in [0] : vector<16xf32>, vector<16xi32> -> vector<16xf32>
      %add3A_578 = arith.addf %add3A_554, %gather3A_577 : vector<16xf32>
      %lt3A_579 = arith.constant 0 : i32
      %lt3A_580 = vector.broadcast %lt3A_579 : i32 to vector<16xi32>
      %lt3A_581 = arith.cmpi slt, %xor3A_10, %lt3A_580 : vector<16xi32>
      %add3A_582 = arith.constant 16 : i32
      %add3A_583 = vector.broadcast %add3A_582 : i32 to vector<16xi32>
      %add3A_584 = arith.addi %xor3A_10, %add3A_583 : vector<16xi32>
      %select_n3A_585 = arith.select %lt3A_581, %add3A_584, %xor3A_10 : vector<16xi1>, vector<16xi32>
      %broadcast_in_dim3A_586 = vector.shape_cast %select_n3A_585 : vector<16xi32> to vector<16x1xi32>
      %gather3A_587 = vector.shape_cast %broadcast_in_dim3A_586 : vector<16x1xi32> to vector<16xi32>
      %gather3A_588 = tpu.dynamic_gather %add3A_556[%gather3A_587] in [0] : vector<16xf32>, vector<16xi32> -> vector<16xf32>
      %add3A_589 = arith.addf %add3A_556, %gather3A_588 : vector<16xf32>
      %lt3A_590 = arith.constant 0 : i32
      %lt3A_591 = vector.broadcast %lt3A_590 : i32 to vector<16xi32>
      %lt3A_592 = arith.cmpi slt, %xor3A_10, %lt3A_591 : vector<16xi32>
      %add3A_593 = arith.constant 16 : i32
      %add3A_594 = vector.broadcast %add3A_593 : i32 to vector<16xi32>
      %add3A_595 = arith.addi %xor3A_10, %add3A_594 : vector<16xi32>
      %select_n3A_596 = arith.select %lt3A_592, %add3A_595, %xor3A_10 : vector<16xi1>, vector<16xi32>
      %broadcast_in_dim3A_597 = vector.shape_cast %select_n3A_596 : vector<16xi32> to vector<16x1xi32>
      %gather3A_598 = vector.shape_cast %broadcast_in_dim3A_597 : vector<16x1xi32> to vector<16xi32>
      %gather3A_599 = tpu.dynamic_gather %add3A_558[%gather3A_598] in [0] : vector<16xf32>, vector<16xi32> -> vector<16xf32>
      %add3A_600 = arith.addf %add3A_558, %gather3A_599 : vector<16xf32>
      %lt3A_601 = arith.constant 0 : i32
      %lt3A_602 = vector.broadcast %lt3A_601 : i32 to vector<16xi32>
      %lt3A_603 = arith.cmpi slt, %xor3A_10, %lt3A_602 : vector<16xi32>
      %add3A_604 = arith.constant 16 : i32
      %add3A_605 = vector.broadcast %add3A_604 : i32 to vector<16xi32>
      %add3A_606 = arith.addi %xor3A_10, %add3A_605 : vector<16xi32>
      %select_n3A_607 = arith.select %lt3A_603, %add3A_606, %xor3A_10 : vector<16xi1>, vector<16xi32>
      %broadcast_in_dim3A_608 = vector.shape_cast %select_n3A_607 : vector<16xi32> to vector<16x1xi32>
      %gather3A_609 = vector.shape_cast %broadcast_in_dim3A_608 : vector<16x1xi32> to vector<16xi32>
      %gather3A_610 = tpu.dynamic_gather %add3A_578[%gather3A_609] in [0] : vector<16xf32>, vector<16xi32> -> vector<16xf32>
      %select_n3A_611 = arith.select %lt3A_8, %add3A_567, %gather3A_610 : vector<16xi1>, vector<16xf32>
      %lt3A_612 = arith.constant 0 : i32
      %lt3A_613 = vector.broadcast %lt3A_612 : i32 to vector<16xi32>
      %lt3A_614 = arith.cmpi slt, %xor3A_10, %lt3A_613 : vector<16xi32>
      %add3A_615 = arith.constant 16 : i32
      %add3A_616 = vector.broadcast %add3A_615 : i32 to vector<16xi32>
      %add3A_617 = arith.addi %xor3A_10, %add3A_616 : vector<16xi32>
      %select_n3A_618 = arith.select %lt3A_614, %add3A_617, %xor3A_10 : vector<16xi1>, vector<16xi32>
      %broadcast_in_dim3A_619 = vector.shape_cast %select_n3A_618 : vector<16xi32> to vector<16x1xi32>
      %gather3A_620 = vector.shape_cast %broadcast_in_dim3A_619 : vector<16x1xi32> to vector<16xi32>
      %gather3A_621 = tpu.dynamic_gather %add3A_600[%gather3A_620] in [0] : vector<16xf32>, vector<16xi32> -> vector<16xf32>
      %select_n3A_622 = arith.select %lt3A_8, %add3A_589, %gather3A_621 : vector<16xi1>, vector<16xf32>
      %xor3A_623 = arith.constant 4 : i32
      %xor3A_624 = vector.broadcast %xor3A_623 : i32 to vector<16xi32>
      %xor3A_625 = arith.xori %iota3A, %xor3A_624 : vector<16xi32>
      %lt3A_626 = arith.constant 0 : i32
      %lt3A_627 = vector.broadcast %lt3A_626 : i32 to vector<16xi32>
      %lt3A_628 = arith.cmpi slt, %xor3A_625, %lt3A_627 : vector<16xi32>
      %add3A_629 = arith.constant 16 : i32
      %add3A_630 = vector.broadcast %add3A_629 : i32 to vector<16xi32>
      %add3A_631 = arith.addi %xor3A_625, %add3A_630 : vector<16xi32>
      %select_n3A_632 = arith.select %lt3A_628, %add3A_631, %xor3A_625 : vector<16xi1>, vector<16xi32>
      %broadcast_in_dim3A_633 = vector.shape_cast %select_n3A_632 : vector<16xi32> to vector<16x1xi32>
      %gather3A_634 = vector.shape_cast %broadcast_in_dim3A_633 : vector<16x1xi32> to vector<16xi32>
      %gather3A_635 = tpu.dynamic_gather %select_n3A_611[%gather3A_634] in [0] : vector<16xf32>, vector<16xi32> -> vector<16xf32>
      %add3A_636 = arith.addf %select_n3A_611, %gather3A_635 : vector<16xf32>
      %xor3A_637 = arith.constant 4 : i32
      %xor3A_638 = vector.broadcast %xor3A_637 : i32 to vector<16xi32>
      %xor3A_639 = arith.xori %iota3A, %xor3A_638 : vector<16xi32>
      %lt3A_640 = arith.constant 0 : i32
      %lt3A_641 = vector.broadcast %lt3A_640 : i32 to vector<16xi32>
      %lt3A_642 = arith.cmpi slt, %xor3A_639, %lt3A_641 : vector<16xi32>
      %add3A_643 = arith.constant 16 : i32
      %add3A_644 = vector.broadcast %add3A_643 : i32 to vector<16xi32>
      %add3A_645 = arith.addi %xor3A_639, %add3A_644 : vector<16xi32>
      %select_n3A_646 = arith.select %lt3A_642, %add3A_645, %xor3A_639 : vector<16xi1>, vector<16xi32>
      %broadcast_in_dim3A_647 = vector.shape_cast %select_n3A_646 : vector<16xi32> to vector<16x1xi32>
      %gather3A_648 = vector.shape_cast %broadcast_in_dim3A_647 : vector<16x1xi32> to vector<16xi32>
      %gather3A_649 = tpu.dynamic_gather %select_n3A_622[%gather3A_648] in [0] : vector<16xf32>, vector<16xi32> -> vector<16xf32>
      %add3A_650 = arith.addf %select_n3A_622, %gather3A_649 : vector<16xf32>
      %xor3A_651 = arith.constant 2 : i32
      %xor3A_652 = vector.broadcast %xor3A_651 : i32 to vector<16xi32>
      %xor3A_653 = arith.xori %iota3A, %xor3A_652 : vector<16xi32>
      %lt3A_654 = arith.constant 0 : i32
      %lt3A_655 = vector.broadcast %lt3A_654 : i32 to vector<16xi32>
      %lt3A_656 = arith.cmpi slt, %xor3A_653, %lt3A_655 : vector<16xi32>
      %add3A_657 = arith.constant 16 : i32
      %add3A_658 = vector.broadcast %add3A_657 : i32 to vector<16xi32>
      %add3A_659 = arith.addi %xor3A_653, %add3A_658 : vector<16xi32>
      %select_n3A_660 = arith.select %lt3A_656, %add3A_659, %xor3A_653 : vector<16xi1>, vector<16xi32>
      %broadcast_in_dim3A_661 = vector.shape_cast %select_n3A_660 : vector<16xi32> to vector<16x1xi32>
      %gather3A_662 = vector.shape_cast %broadcast_in_dim3A_661 : vector<16x1xi32> to vector<16xi32>
      %gather3A_663 = tpu.dynamic_gather %add3A_636[%gather3A_662] in [0] : vector<16xf32>, vector<16xi32> -> vector<16xf32>
      %add3A_664 = arith.addf %add3A_636, %gather3A_663 : vector<16xf32>
      %xor3A_665 = arith.constant 2 : i32
      %xor3A_666 = vector.broadcast %xor3A_665 : i32 to vector<16xi32>
      %xor3A_667 = arith.xori %iota3A, %xor3A_666 : vector<16xi32>
      %lt3A_668 = arith.constant 0 : i32
      %lt3A_669 = vector.broadcast %lt3A_668 : i32 to vector<16xi32>
      %lt3A_670 = arith.cmpi slt, %xor3A_667, %lt3A_669 : vector<16xi32>
      %add3A_671 = arith.constant 16 : i32
      %add3A_672 = vector.broadcast %add3A_671 : i32 to vector<16xi32>
      %add3A_673 = arith.addi %xor3A_667, %add3A_672 : vector<16xi32>
      %select_n3A_674 = arith.select %lt3A_670, %add3A_673, %xor3A_667 : vector<16xi1>, vector<16xi32>
      %broadcast_in_dim3A_675 = vector.shape_cast %select_n3A_674 : vector<16xi32> to vector<16x1xi32>
      %gather3A_676 = vector.shape_cast %broadcast_in_dim3A_675 : vector<16x1xi32> to vector<16xi32>
      %gather3A_677 = tpu.dynamic_gather %add3A_650[%gather3A_676] in [0] : vector<16xf32>, vector<16xi32> -> vector<16xf32>
      %add3A_678 = arith.addf %add3A_650, %gather3A_677 : vector<16xf32>
      %xor3A_679 = arith.constant 1 : i32
      %xor3A_680 = vector.broadcast %xor3A_679 : i32 to vector<16xi32>
      %xor3A_681 = arith.xori %iota3A, %xor3A_680 : vector<16xi32>
      %lt3A_682 = arith.constant 0 : i32
      %lt3A_683 = vector.broadcast %lt3A_682 : i32 to vector<16xi32>
      %lt3A_684 = arith.cmpi slt, %xor3A_681, %lt3A_683 : vector<16xi32>
      %add3A_685 = arith.constant 16 : i32
      %add3A_686 = vector.broadcast %add3A_685 : i32 to vector<16xi32>
      %add3A_687 = arith.addi %xor3A_681, %add3A_686 : vector<16xi32>
      %select_n3A_688 = arith.select %lt3A_684, %add3A_687, %xor3A_681 : vector<16xi1>, vector<16xi32>
      %broadcast_in_dim3A_689 = vector.shape_cast %select_n3A_688 : vector<16xi32> to vector<16x1xi32>
      %gather3A_690 = vector.shape_cast %broadcast_in_dim3A_689 : vector<16x1xi32> to vector<16xi32>
      %gather3A_691 = tpu.dynamic_gather %add3A_664[%gather3A_690] in [0] : vector<16xf32>, vector<16xi32> -> vector<16xf32>
      %add3A_692 = arith.addf %add3A_664, %gather3A_691 : vector<16xf32>
      %xor3A_693 = arith.constant 1 : i32
      %xor3A_694 = vector.broadcast %xor3A_693 : i32 to vector<16xi32>
      %xor3A_695 = arith.xori %iota3A, %xor3A_694 : vector<16xi32>
      %lt3A_696 = arith.constant 0 : i32
      %lt3A_697 = vector.broadcast %lt3A_696 : i32 to vector<16xi32>
      %lt3A_698 = arith.cmpi slt, %xor3A_695, %lt3A_697 : vector<16xi32>
      %add3A_699 = arith.constant 16 : i32
      %add3A_700 = vector.broadcast %add3A_699 : i32 to vector<16xi32>
      %add3A_701 = arith.addi %xor3A_695, %add3A_700 : vector<16xi32>
      %select_n3A_702 = arith.select %lt3A_698, %add3A_701, %xor3A_695 : vector<16xi1>, vector<16xi32>
      %broadcast_in_dim3A_703 = vector.shape_cast %select_n3A_702 : vector<16xi32> to vector<16x1xi32>
      %gather3A_704 = vector.shape_cast %broadcast_in_dim3A_703 : vector<16x1xi32> to vector<16xi32>
      %gather3A_705 = tpu.dynamic_gather %add3A_678[%gather3A_704] in [0] : vector<16xf32>, vector<16xi32> -> vector<16xf32>
      %add3A_706 = arith.addf %add3A_678, %gather3A_705 : vector<16xf32>
      %mul3A_707 = arith.constant 7.812500e-03 : f32
      %mul3A_708 = vector.broadcast %mul3A_707 : f32 to vector<16xf32>
      %mul3A_709 = arith.mulf %add3A_692, %mul3A_708 : vector<16xf32>
      %mul3A_710 = arith.constant 7.812500e-03 : f32
      %mul3A_711 = vector.broadcast %mul3A_710 : f32 to vector<16xf32>
      %mul3A_712 = arith.mulf %add3A_706, %mul3A_711 : vector<16xf32>
      %mul3A_713 = arith.mulf %mul3A_709, %mul3A_709 : vector<16xf32>
      %sub3A = arith.subf %mul3A_712, %mul3A_713 : vector<16xf32>
      %add3A_714 = arith.constant 9.99999996E-13 : f32
      %add3A_715 = vector.broadcast %add3A_714 : f32 to vector<16xf32>
      %add3A_716 = arith.addf %sub3A, %add3A_715 : vector<16xf32>
      %bitcast_convert_type3A = tpu.bitcast %add3A_716 : vector<16xf32> -> vector<16xi32>
      %shift_right_logical3A = arith.constant 1 : i32
      %shift_right_logical3A_717 = vector.broadcast %shift_right_logical3A : i32 to vector<16xi32>
      %shift_right_logical3A_718 = arith.shrui %bitcast_convert_type3A, %shift_right_logical3A_717 : vector<16xi32>
      %sub3A_719 = arith.constant 1597463007 : i32
      %sub3A_720 = vector.broadcast %sub3A_719 : i32 to vector<16xi32>
      %sub3A_721 = arith.subi %sub3A_720, %shift_right_logical3A_718 : vector<16xi32>
      %bitcast_convert_type3A_722 = tpu.bitcast %sub3A_721 : vector<16xi32> -> vector<16xf32>
      %mul3A_723 = arith.constant 5.000000e-01 : f32
      %mul3A_724 = vector.broadcast %mul3A_723 : f32 to vector<16xf32>
      %mul3A_725 = arith.mulf %add3A_716, %mul3A_724 : vector<16xf32>
      %mul3A_726 = arith.mulf %mul3A_725, %bitcast_convert_type3A_722 : vector<16xf32>
      %mul3A_727 = arith.mulf %mul3A_726, %bitcast_convert_type3A_722 : vector<16xf32>
      %sub3A_728 = arith.constant 1.500000e+00 : f32
      %sub3A_729 = vector.broadcast %sub3A_728 : f32 to vector<16xf32>
      %sub3A_730 = arith.subf %sub3A_729, %mul3A_727 : vector<16xf32>
      %mul3A_731 = arith.mulf %bitcast_convert_type3A_722, %sub3A_730 : vector<16xf32>
      %mul3A_732 = arith.mulf %mul3A_725, %mul3A_731 : vector<16xf32>
      %mul3A_733 = arith.mulf %mul3A_732, %mul3A_731 : vector<16xf32>
      %sub3A_734 = arith.constant 1.500000e+00 : f32
      %sub3A_735 = vector.broadcast %sub3A_734 : f32 to vector<16xf32>
      %sub3A_736 = arith.subf %sub3A_735, %mul3A_733 : vector<16xf32>
      %mul3A_737 = arith.mulf %mul3A_731, %sub3A_736 : vector<16xf32>
      %mul3A_738 = arith.mulf %mul3A_725, %mul3A_737 : vector<16xf32>
      %mul3A_739 = arith.mulf %mul3A_738, %mul3A_737 : vector<16xf32>
      %sub3A_740 = arith.constant 1.500000e+00 : f32
      %sub3A_741 = vector.broadcast %sub3A_740 : f32 to vector<16xf32>
      %sub3A_742 = arith.subf %sub3A_741, %mul3A_739 : vector<16xf32>
      %mul3A_743 = arith.mulf %mul3A_737, %sub3A_742 : vector<16xf32>
      %mul3A_744 = arith.mulf %mul3A_709, %mul3A_743 : vector<16xf32>
      %lt3A_745 = arith.constant 0 : i32
      %lt3A_746 = vector.broadcast %lt3A_745 : i32 to vector<16xi32>
      %lt3A_747 = arith.cmpi slt, %and3A_12, %lt3A_746 : vector<16xi32>
      %add3A_748 = arith.constant 16 : i32
      %add3A_749 = vector.broadcast %add3A_748 : i32 to vector<16xi32>
      %add3A_750 = arith.addi %and3A_12, %add3A_749 : vector<16xi32>
      %select_n3A_751 = arith.select %lt3A_747, %add3A_750, %and3A_12 : vector<16xi1>, vector<16xi32>
      %broadcast_in_dim3A_752 = vector.shape_cast %select_n3A_751 : vector<16xi32> to vector<16x1xi32>
      %gather3A_753 = vector.shape_cast %broadcast_in_dim3A_752 : vector<16x1xi32> to vector<16xi32>
      %gather3A_754 = tpu.dynamic_gather %mul3A_743[%gather3A_753] in [0] : vector<16xf32>, vector<16xi32> -> vector<16xf32>
      %lt3A_755 = arith.constant 0 : i32
      %lt3A_756 = vector.broadcast %lt3A_755 : i32 to vector<16xi32>
      %lt3A_757 = arith.cmpi slt, %or3A_17, %lt3A_756 : vector<16xi32>
      %add3A_758 = arith.constant 16 : i32
      %add3A_759 = vector.broadcast %add3A_758 : i32 to vector<16xi32>
      %add3A_760 = arith.addi %or3A_17, %add3A_759 : vector<16xi32>
      %select_n3A_761 = arith.select %lt3A_757, %add3A_760, %or3A_17 : vector<16xi1>, vector<16xi32>
      %broadcast_in_dim3A_762 = vector.shape_cast %select_n3A_761 : vector<16xi32> to vector<16x1xi32>
      %gather3A_763 = vector.shape_cast %broadcast_in_dim3A_762 : vector<16x1xi32> to vector<16xi32>
      %gather3A_764 = tpu.dynamic_gather %mul3A_743[%gather3A_763] in [0] : vector<16xf32>, vector<16xi32> -> vector<16xf32>
      %lt3A_765 = arith.constant 0 : i32
      %lt3A_766 = vector.broadcast %lt3A_765 : i32 to vector<16xi32>
      %lt3A_767 = arith.cmpi slt, %and3A_12, %lt3A_766 : vector<16xi32>
      %add3A_768 = arith.constant 16 : i32
      %add3A_769 = vector.broadcast %add3A_768 : i32 to vector<16xi32>
      %add3A_770 = arith.addi %and3A_12, %add3A_769 : vector<16xi32>
      %select_n3A_771 = arith.select %lt3A_767, %add3A_770, %and3A_12 : vector<16xi1>, vector<16xi32>
      %broadcast_in_dim3A_772 = vector.shape_cast %select_n3A_771 : vector<16xi32> to vector<16x1xi32>
      %gather3A_773 = vector.shape_cast %broadcast_in_dim3A_772 : vector<16x1xi32> to vector<16xi32>
      %gather3A_774 = tpu.dynamic_gather %mul3A_744[%gather3A_773] in [0] : vector<16xf32>, vector<16xi32> -> vector<16xf32>
      %lt3A_775 = arith.constant 0 : i32
      %lt3A_776 = vector.broadcast %lt3A_775 : i32 to vector<16xi32>
      %lt3A_777 = arith.cmpi slt, %or3A_17, %lt3A_776 : vector<16xi32>
      %add3A_778 = arith.constant 16 : i32
      %add3A_779 = vector.broadcast %add3A_778 : i32 to vector<16xi32>
      %add3A_780 = arith.addi %or3A_17, %add3A_779 : vector<16xi32>
      %select_n3A_781 = arith.select %lt3A_777, %add3A_780, %or3A_17 : vector<16xi1>, vector<16xi32>
      %broadcast_in_dim3A_782 = vector.shape_cast %select_n3A_781 : vector<16xi32> to vector<16x1xi32>
      %gather3A_783 = vector.shape_cast %broadcast_in_dim3A_782 : vector<16x1xi32> to vector<16xi32>
      %gather3A_784 = tpu.dynamic_gather %mul3A_744[%gather3A_783] in [0] : vector<16xf32>, vector<16xi32> -> vector<16xf32>
      %mul3A_785 = arith.mulf %get3A_375, %gather3A_754 : vector<16xf32>
      %sub3A_786 = arith.subf %mul3A_785, %gather3A_774 : vector<16xf32>
      %mul3A_787 = arith.mulf %sub3A_786, %get3A_89 : vector<16xf32>
      %add3A_788 = arith.addf %mul3A_787, %get3A_113 : vector<16xf32>
      %swap3A_789 = arith.index_cast %mul3A_369 : i32 to index
      %swap3A_790 = arith.constant 0 : index
      %swap3A_791 = tpu.vector_load %arg13[%swap3A_789, %swap3A_790] {strides = array<i32>} : memref<128x128xf32, #tpu.memory_space<vmem>>, vector<1x16xf32>,
      %swap3A_792 = vector.shape_cast %swap3A_791 : vector<1x16xf32> to vector<16xf32>
      %swap3A_793 = vector.shape_cast %add3A_788 : vector<16xf32> to vector<1x16xf32>
      tpu.vector_store %arg13[%swap3A_789, %swap3A_790], %swap3A_793 {strides = array<i32>} : memref<128x128xf32, #tpu.memory_space<vmem>>, vector<1x16xf32>,
      %mul3A_794 = arith.mulf %get3A_407, %gather3A_764 : vector<16xf32>
      %sub3A_795 = arith.subf %mul3A_794, %gather3A_784 : vector<16xf32>
      %mul3A_796 = arith.mulf %sub3A_795, %get3A_89 : vector<16xf32>
      %add3A_797 = arith.addf %mul3A_796, %get3A_113 : vector<16xf32>
      %swap3A_798 = arith.index_cast %add3A_371 : i32 to index
      %swap3A_799 = arith.constant 0 : index
      %swap3A_800 = tpu.vector_load %arg13[%swap3A_798, %swap3A_799] {strides = array<i32>} : memref<128x128xf32, #tpu.memory_space<vmem>>, vector<1x16xf32>,
      %swap3A_801 = vector.shape_cast %swap3A_800 : vector<1x16xf32> to vector<16xf32>
      %swap3A_802 = vector.shape_cast %add3A_797 : vector<16xf32> to vector<1x16xf32>
      tpu.vector_store %arg13[%swap3A_798, %swap3A_799], %swap3A_802 {strides = array<i32>} : memref<128x128xf32, #tpu.memory_space<vmem>>, vector<1x16xf32>,
      %mul3A_803 = arith.mulf %get3A_379, %gather3A_754 : vector<16xf32>
      %sub3A_804 = arith.subf %mul3A_803, %gather3A_774 : vector<16xf32>
      %mul3A_805 = arith.mulf %sub3A_804, %get3A_92 : vector<16xf32>
      %add3A_806 = arith.addf %mul3A_805, %get3A_116 : vector<16xf32>
      %swap3A_807 = arith.index_cast %mul3A_369 : i32 to index
      %swap3A_808 = arith.constant 16 : index
      %swap3A_809 = tpu.vector_load %arg13[%swap3A_807, %swap3A_808] {strides = array<i32>} : memref<128x128xf32, #tpu.memory_space<vmem>>, vector<1x16xf32>,
      %swap3A_810 = vector.shape_cast %swap3A_809 : vector<1x16xf32> to vector<16xf32>
      %swap3A_811 = vector.shape_cast %add3A_806 : vector<16xf32> to vector<1x16xf32>
      tpu.vector_store %arg13[%swap3A_807, %swap3A_808], %swap3A_811 {strides = array<i32>} : memref<128x128xf32, #tpu.memory_space<vmem>>, vector<1x16xf32>,
      %mul3A_812 = arith.mulf %get3A_411, %gather3A_764 : vector<16xf32>
      %sub3A_813 = arith.subf %mul3A_812, %gather3A_784 : vector<16xf32>
      %mul3A_814 = arith.mulf %sub3A_813, %get3A_92 : vector<16xf32>
      %add3A_815 = arith.addf %mul3A_814, %get3A_116 : vector<16xf32>
      %swap3A_816 = arith.index_cast %add3A_371 : i32 to index
      %swap3A_817 = arith.constant 16 : index
      %swap3A_818 = tpu.vector_load %arg13[%swap3A_816, %swap3A_817] {strides = array<i32>} : memref<128x128xf32, #tpu.memory_space<vmem>>, vector<1x16xf32>,
      %swap3A_819 = vector.shape_cast %swap3A_818 : vector<1x16xf32> to vector<16xf32>
      %swap3A_820 = vector.shape_cast %add3A_815 : vector<16xf32> to vector<1x16xf32>
      tpu.vector_store %arg13[%swap3A_816, %swap3A_817], %swap3A_820 {strides = array<i32>} : memref<128x128xf32, #tpu.memory_space<vmem>>, vector<1x16xf32>,
      %mul3A_821 = arith.mulf %get3A_383, %gather3A_754 : vector<16xf32>
      %sub3A_822 = arith.subf %mul3A_821, %gather3A_774 : vector<16xf32>
      %mul3A_823 = arith.mulf %sub3A_822, %get3A_95 : vector<16xf32>
      %add3A_824 = arith.addf %mul3A_823, %get3A_119 : vector<16xf32>
      %swap3A_825 = arith.index_cast %mul3A_369 : i32 to index
      %swap3A_826 = arith.constant 32 : index
      %swap3A_827 = tpu.vector_load %arg13[%swap3A_825, %swap3A_826] {strides = array<i32>} : memref<128x128xf32, #tpu.memory_space<vmem>>, vector<1x16xf32>,
      %swap3A_828 = vector.shape_cast %swap3A_827 : vector<1x16xf32> to vector<16xf32>
      %swap3A_829 = vector.shape_cast %add3A_824 : vector<16xf32> to vector<1x16xf32>
      tpu.vector_store %arg13[%swap3A_825, %swap3A_826], %swap3A_829 {strides = array<i32>} : memref<128x128xf32, #tpu.memory_space<vmem>>, vector<1x16xf32>,
      %mul3A_830 = arith.mulf %get3A_415, %gather3A_764 : vector<16xf32>
      %sub3A_831 = arith.subf %mul3A_830, %gather3A_784 : vector<16xf32>
      %mul3A_832 = arith.mulf %sub3A_831, %get3A_95 : vector<16xf32>
      %add3A_833 = arith.addf %mul3A_832, %get3A_119 : vector<16xf32>
      %swap3A_834 = arith.index_cast %add3A_371 : i32 to index
      %swap3A_835 = arith.constant 32 : index
      %swap3A_836 = tpu.vector_load %arg13[%swap3A_834, %swap3A_835] {strides = array<i32>} : memref<128x128xf32, #tpu.memory_space<vmem>>, vector<1x16xf32>,
      %swap3A_837 = vector.shape_cast %swap3A_836 : vector<1x16xf32> to vector<16xf32>
      %swap3A_838 = vector.shape_cast %add3A_833 : vector<16xf32> to vector<1x16xf32>
      tpu.vector_store %arg13[%swap3A_834, %swap3A_835], %swap3A_838 {strides = array<i32>} : memref<128x128xf32, #tpu.memory_space<vmem>>, vector<1x16xf32>,
      %mul3A_839 = arith.mulf %get3A_387, %gather3A_754 : vector<16xf32>
      %sub3A_840 = arith.subf %mul3A_839, %gather3A_774 : vector<16xf32>
      %mul3A_841 = arith.mulf %sub3A_840, %get3A_98 : vector<16xf32>
      %add3A_842 = arith.addf %mul3A_841, %get3A_122 : vector<16xf32>
      %swap3A_843 = arith.index_cast %mul3A_369 : i32 to index
      %swap3A_844 = arith.constant 48 : index
      %swap3A_845 = tpu.vector_load %arg13[%swap3A_843, %swap3A_844] {strides = array<i32>} : memref<128x128xf32, #tpu.memory_space<vmem>>, vector<1x16xf32>,
      %swap3A_846 = vector.shape_cast %swap3A_845 : vector<1x16xf32> to vector<16xf32>
      %swap3A_847 = vector.shape_cast %add3A_842 : vector<16xf32> to vector<1x16xf32>
      tpu.vector_store %arg13[%swap3A_843, %swap3A_844], %swap3A_847 {strides = array<i32>} : memref<128x128xf32, #tpu.memory_space<vmem>>, vector<1x16xf32>,
      %mul3A_848 = arith.mulf %get3A_419, %gather3A_764 : vector<16xf32>
      %sub3A_849 = arith.subf %mul3A_848, %gather3A_784 : vector<16xf32>
      %mul3A_850 = arith.mulf %sub3A_849, %get3A_98 : vector<16xf32>
      %add3A_851 = arith.addf %mul3A_850, %get3A_122 : vector<16xf32>
      %swap3A_852 = arith.index_cast %add3A_371 : i32 to index
      %swap3A_853 = arith.constant 48 : index
      %swap3A_854 = tpu.vector_load %arg13[%swap3A_852, %swap3A_853] {strides = array<i32>} : memref<128x128xf32, #tpu.memory_space<vmem>>, vector<1x16xf32>,
      %swap3A_855 = vector.shape_cast %swap3A_854 : vector<1x16xf32> to vector<16xf32>
      %swap3A_856 = vector.shape_cast %add3A_851 : vector<16xf32> to vector<1x16xf32>
      tpu.vector_store %arg13[%swap3A_852, %swap3A_853], %swap3A_856 {strides = array<i32>} : memref<128x128xf32, #tpu.memory_space<vmem>>, vector<1x16xf32>,
      %mul3A_857 = arith.mulf %get3A_391, %gather3A_754 : vector<16xf32>
      %sub3A_858 = arith.subf %mul3A_857, %gather3A_774 : vector<16xf32>
      %mul3A_859 = arith.mulf %sub3A_858, %get3A_101 : vector<16xf32>
      %add3A_860 = arith.addf %mul3A_859, %get3A_125 : vector<16xf32>
      %swap3A_861 = arith.index_cast %mul3A_369 : i32 to index
      %swap3A_862 = arith.constant 64 : index
      %swap3A_863 = tpu.vector_load %arg13[%swap3A_861, %swap3A_862] {strides = array<i32>} : memref<128x128xf32, #tpu.memory_space<vmem>>, vector<1x16xf32>,
      %swap3A_864 = vector.shape_cast %swap3A_863 : vector<1x16xf32> to vector<16xf32>
      %swap3A_865 = vector.shape_cast %add3A_860 : vector<16xf32> to vector<1x16xf32>
      tpu.vector_store %arg13[%swap3A_861, %swap3A_862], %swap3A_865 {strides = array<i32>} : memref<128x128xf32, #tpu.memory_space<vmem>>, vector<1x16xf32>,
      %mul3A_866 = arith.mulf %get3A_423, %gather3A_764 : vector<16xf32>
      %sub3A_867 = arith.subf %mul3A_866, %gather3A_784 : vector<16xf32>
      %mul3A_868 = arith.mulf %sub3A_867, %get3A_101 : vector<16xf32>
      %add3A_869 = arith.addf %mul3A_868, %get3A_125 : vector<16xf32>
      %swap3A_870 = arith.index_cast %add3A_371 : i32 to index
      %swap3A_871 = arith.constant 64 : index
      %swap3A_872 = tpu.vector_load %arg13[%swap3A_870, %swap3A_871] {strides = array<i32>} : memref<128x128xf32, #tpu.memory_space<vmem>>, vector<1x16xf32>,
      %swap3A_873 = vector.shape_cast %swap3A_872 : vector<1x16xf32> to vector<16xf32>
      %swap3A_874 = vector.shape_cast %add3A_869 : vector<16xf32> to vector<1x16xf32>
      tpu.vector_store %arg13[%swap3A_870, %swap3A_871], %swap3A_874 {strides = array<i32>} : memref<128x128xf32, #tpu.memory_space<vmem>>, vector<1x16xf32>,
      %mul3A_875 = arith.mulf %get3A_395, %gather3A_754 : vector<16xf32>
      %sub3A_876 = arith.subf %mul3A_875, %gather3A_774 : vector<16xf32>
      %mul3A_877 = arith.mulf %sub3A_876, %get3A_104 : vector<16xf32>
      %add3A_878 = arith.addf %mul3A_877, %get3A_128 : vector<16xf32>
      %swap3A_879 = arith.index_cast %mul3A_369 : i32 to index
      %swap3A_880 = arith.constant 80 : index
      %swap3A_881 = tpu.vector_load %arg13[%swap3A_879, %swap3A_880] {strides = array<i32>} : memref<128x128xf32, #tpu.memory_space<vmem>>, vector<1x16xf32>,
      %swap3A_882 = vector.shape_cast %swap3A_881 : vector<1x16xf32> to vector<16xf32>
      %swap3A_883 = vector.shape_cast %add3A_878 : vector<16xf32> to vector<1x16xf32>
      tpu.vector_store %arg13[%swap3A_879, %swap3A_880], %swap3A_883 {strides = array<i32>} : memref<128x128xf32, #tpu.memory_space<vmem>>, vector<1x16xf32>,
      %mul3A_884 = arith.mulf %get3A_427, %gather3A_764 : vector<16xf32>
      %sub3A_885 = arith.subf %mul3A_884, %gather3A_784 : vector<16xf32>
      %mul3A_886 = arith.mulf %sub3A_885, %get3A_104 : vector<16xf32>
      %add3A_887 = arith.addf %mul3A_886, %get3A_128 : vector<16xf32>
      %swap3A_888 = arith.index_cast %add3A_371 : i32 to index
      %swap3A_889 = arith.constant 80 : index
      %swap3A_890 = tpu.vector_load %arg13[%swap3A_888, %swap3A_889] {strides = array<i32>} : memref<128x128xf32, #tpu.memory_space<vmem>>, vector<1x16xf32>,
      %swap3A_891 = vector.shape_cast %swap3A_890 : vector<1x16xf32> to vector<16xf32>
      %swap3A_892 = vector.shape_cast %add3A_887 : vector<16xf32> to vector<1x16xf32>
      tpu.vector_store %arg13[%swap3A_888, %swap3A_889], %swap3A_892 {strides = array<i32>} : memref<128x128xf32, #tpu.memory_space<vmem>>, vector<1x16xf32>,
      %mul3A_893 = arith.mulf %get3A_399, %gather3A_754 : vector<16xf32>
      %sub3A_894 = arith.subf %mul3A_893, %gather3A_774 : vector<16xf32>
      %mul3A_895 = arith.mulf %sub3A_894, %get3A_107 : vector<16xf32>
      %add3A_896 = arith.addf %mul3A_895, %get3A_131 : vector<16xf32>
      %swap3A_897 = arith.index_cast %mul3A_369 : i32 to index
      %swap3A_898 = arith.constant 96 : index
      %swap3A_899 = tpu.vector_load %arg13[%swap3A_897, %swap3A_898] {strides = array<i32>} : memref<128x128xf32, #tpu.memory_space<vmem>>, vector<1x16xf32>,
      %swap3A_900 = vector.shape_cast %swap3A_899 : vector<1x16xf32> to vector<16xf32>
      %swap3A_901 = vector.shape_cast %add3A_896 : vector<16xf32> to vector<1x16xf32>
      tpu.vector_store %arg13[%swap3A_897, %swap3A_898], %swap3A_901 {strides = array<i32>} : memref<128x128xf32, #tpu.memory_space<vmem>>, vector<1x16xf32>,
      %mul3A_902 = arith.mulf %get3A_431, %gather3A_764 : vector<16xf32>
      %sub3A_903 = arith.subf %mul3A_902, %gather3A_784 : vector<16xf32>
      %mul3A_904 = arith.mulf %sub3A_903, %get3A_107 : vector<16xf32>
      %add3A_905 = arith.addf %mul3A_904, %get3A_131 : vector<16xf32>
      %swap3A_906 = arith.index_cast %add3A_371 : i32 to index
      %swap3A_907 = arith.constant 96 : index
      %swap3A_908 = tpu.vector_load %arg13[%swap3A_906, %swap3A_907] {strides = array<i32>} : memref<128x128xf32, #tpu.memory_space<vmem>>, vector<1x16xf32>,
      %swap3A_909 = vector.shape_cast %swap3A_908 : vector<1x16xf32> to vector<16xf32>
      %swap3A_910 = vector.shape_cast %add3A_905 : vector<16xf32> to vector<1x16xf32>
      tpu.vector_store %arg13[%swap3A_906, %swap3A_907], %swap3A_910 {strides = array<i32>} : memref<128x128xf32, #tpu.memory_space<vmem>>, vector<1x16xf32>,
      %mul3A_911 = arith.mulf %get3A_403, %gather3A_754 : vector<16xf32>
      %sub3A_912 = arith.subf %mul3A_911, %gather3A_774 : vector<16xf32>
      %mul3A_913 = arith.mulf %sub3A_912, %get3A_110 : vector<16xf32>
      %add3A_914 = arith.addf %mul3A_913, %get3A_134 : vector<16xf32>
      %swap3A_915 = arith.index_cast %mul3A_369 : i32 to index
      %swap3A_916 = arith.constant 112 : index
      %swap3A_917 = tpu.vector_load %arg13[%swap3A_915, %swap3A_916] {strides = array<i32>} : memref<128x128xf32, #tpu.memory_space<vmem>>, vector<1x16xf32>,
      %swap3A_918 = vector.shape_cast %swap3A_917 : vector<1x16xf32> to vector<16xf32>
      %swap3A_919 = vector.shape_cast %add3A_914 : vector<16xf32> to vector<1x16xf32>
      tpu.vector_store %arg13[%swap3A_915, %swap3A_916], %swap3A_919 {strides = array<i32>} : memref<128x128xf32, #tpu.memory_space<vmem>>, vector<1x16xf32>,
      %mul3A_920 = arith.mulf %get3A_435, %gather3A_764 : vector<16xf32>
      %sub3A_921 = arith.subf %mul3A_920, %gather3A_784 : vector<16xf32>
      %mul3A_922 = arith.mulf %sub3A_921, %get3A_110 : vector<16xf32>
      %add3A_923 = arith.addf %mul3A_922, %get3A_134 : vector<16xf32>
      %swap3A_924 = arith.index_cast %add3A_371 : i32 to index
      %swap3A_925 = arith.constant 112 : index
      %swap3A_926 = tpu.vector_load %arg13[%swap3A_924, %swap3A_925] {strides = array<i32>} : memref<128x128xf32, #tpu.memory_space<vmem>>, vector<1x16xf32>,
      %swap3A_927 = vector.shape_cast %swap3A_926 : vector<1x16xf32> to vector<16xf32>
      %swap3A_928 = vector.shape_cast %add3A_923 : vector<16xf32> to vector<1x16xf32>
      tpu.vector_store %arg13[%swap3A_924, %swap3A_925], %swap3A_928 {strides = array<i32>} : memref<128x128xf32, #tpu.memory_space<vmem>>, vector<1x16xf32>,
    }
    %scan3A_168 = arith.constant 64 : i32
    %dma_start3A_169 = arith.constant 0 : i32
    %dma_start3A_170 = arith.constant 256 : i32
    %dma_start3A_171 = tpu.memref_slice %arg10[%dma_start3A_169, %dma_start3A_170] : memref<4x512xi32, #tpu.memory_space<vmem>> -> memref<1x128xi32, #tpu.memory_space<vmem>>
    %dma_start3A_172 = tpu.memref_squeeze %dma_start3A_171 : memref<1x128xi32, #tpu.memory_space<vmem>> -> memref<128xi32, #tpu.memory_space<vmem>>
    %dma_start3A_173 = arith.constant 0 : i32
    %dma_start3A_174 = arith.constant 0 : i32
    %dma_start3A_175 = tpu.memref_slice %arg3[%dma_start3A_173, %dma_start3A_174] : memref<100000x128xf32, #tpu.memory_space<hbm>> -> memref<100000x128xf32, #tpu.memory_space<hbm>>
    tpu.enqueue_indirect_dma source(%dma_start3A_175 : memref<100000x128xf32, #tpu.memory_space<hbm>>) target(%arg11 : memref<128x128xf32, #tpu.memory_space<vmem>>) offsets(%dma_start3A_172 : memref<128xi32, #tpu.memory_space<vmem>>) semaphore(%arg17 : memref<!tpu.dma_semaphore, #tpu.memory_space<semaphore_mem>>) {add = true}
    %dma_start3A_176 = arith.constant 1 : i32
    %dma_start3A_177 = arith.constant 256 : i32
    %dma_start3A_178 = tpu.memref_slice %arg10[%dma_start3A_176, %dma_start3A_177] : memref<4x512xi32, #tpu.memory_space<vmem>> -> memref<1x128xi32, #tpu.memory_space<vmem>>
    %dma_start3A_179 = tpu.memref_squeeze %dma_start3A_178 : memref<1x128xi32, #tpu.memory_space<vmem>> -> memref<128xi32, #tpu.memory_space<vmem>>
    %dma_start3A_180 = arith.constant 0 : i32
    %dma_start3A_181 = arith.constant 0 : i32
    %dma_start3A_182 = tpu.memref_slice %arg4[%dma_start3A_180, %dma_start3A_181] : memref<100000x128xf32, #tpu.memory_space<hbm>> -> memref<100000x128xf32, #tpu.memory_space<hbm>>
    tpu.enqueue_indirect_dma source(%dma_start3A_182 : memref<100000x128xf32, #tpu.memory_space<hbm>>) target(%arg11 : memref<128x128xf32, #tpu.memory_space<vmem>>) offsets(%dma_start3A_179 : memref<128xi32, #tpu.memory_space<vmem>>) semaphore(%arg17 : memref<!tpu.dma_semaphore, #tpu.memory_space<semaphore_mem>>) {add = true}
    %dma_start3A_183 = arith.constant 2 : i32
    %dma_start3A_184 = arith.constant 256 : i32
    %dma_start3A_185 = tpu.memref_slice %arg10[%dma_start3A_183, %dma_start3A_184] : memref<4x512xi32, #tpu.memory_space<vmem>> -> memref<1x128xi32, #tpu.memory_space<vmem>>
    %dma_start3A_186 = tpu.memref_squeeze %dma_start3A_185 : memref<1x128xi32, #tpu.memory_space<vmem>> -> memref<128xi32, #tpu.memory_space<vmem>>
    %dma_start3A_187 = arith.constant 0 : i32
    %dma_start3A_188 = arith.constant 0 : i32
    %dma_start3A_189 = tpu.memref_slice %arg5[%dma_start3A_187, %dma_start3A_188] : memref<100000x128xf32, #tpu.memory_space<hbm>> -> memref<100000x128xf32, #tpu.memory_space<hbm>>
    tpu.enqueue_indirect_dma source(%dma_start3A_189 : memref<100000x128xf32, #tpu.memory_space<hbm>>) target(%arg11 : memref<128x128xf32, #tpu.memory_space<vmem>>) offsets(%dma_start3A_186 : memref<128xi32, #tpu.memory_space<vmem>>) semaphore(%arg17 : memref<!tpu.dma_semaphore, #tpu.memory_space<semaphore_mem>>) {add = true}
    %dma_start3A_190 = arith.constant 3 : i32
    %dma_start3A_191 = arith.constant 256 : i32
    %dma_start3A_192 = tpu.memref_slice %arg10[%dma_start3A_190, %dma_start3A_191] : memref<4x512xi32, #tpu.memory_space<vmem>> -> memref<1x128xi32, #tpu.memory_space<vmem>>
    %dma_start3A_193 = tpu.memref_squeeze %dma_start3A_192 : memref<1x128xi32, #tpu.memory_space<vmem>> -> memref<128xi32, #tpu.memory_space<vmem>>
    %dma_start3A_194 = arith.constant 0 : i32
    %dma_start3A_195 = arith.constant 0 : i32
    %dma_start3A_196 = tpu.memref_slice %arg6[%dma_start3A_194, %dma_start3A_195] : memref<100000x128xf32, #tpu.memory_space<hbm>> -> memref<100000x128xf32, #tpu.memory_space<hbm>>
    tpu.enqueue_indirect_dma source(%dma_start3A_196 : memref<100000x128xf32, #tpu.memory_space<hbm>>) target(%arg11 : memref<128x128xf32, #tpu.memory_space<vmem>>) offsets(%dma_start3A_193 : memref<128xi32, #tpu.memory_space<vmem>>) semaphore(%arg17 : memref<!tpu.dma_semaphore, #tpu.memory_space<semaphore_mem>>) {add = true}
    %add3A_197 = arith.constant 0 : i32
    %add3A_198 = arith.addi %mul3A_2, %add3A_197 : i32
    %dma_start3A_199 = arith.constant 0 : i32
    %dma_start3A_200 = tpu.memref_slice %arg9[%add3A_198, %dma_start3A_199] : memref<16384x128xf32, #tpu.memory_space<hbm>> -> memref<128x128xf32, #tpu.memory_space<hbm>>
    %dma_start3A_201 = arith.constant 0 : i32
    %dma_start3A_202 = tpu.memref_slice %arg9[%add3A_198, %dma_start3A_201] : memref<16384x128xf32, #tpu.memory_space<hbm>> -> memref<128x128xf32, #tpu.memory_space<hbm>>
    tpu.enqueue_dma source(%arg13 : memref<128x128xf32, #tpu.memory_space<vmem>>) target(%dma_start3A_202 : memref<128x128xf32, #tpu.memory_space<hbm>>) target_semaphore(%arg19 : memref<!tpu.dma_semaphore, #tpu.memory_space<semaphore_mem>>)
    %dma_wait3A_203 = arith.constant 0 : i32
    %dma_wait3A_204 = arith.constant 128 : i32
    %dma_wait3A_205 = tpu.memref_slice %arg10[%dma_wait3A_203, %dma_wait3A_204] : memref<4x512xi32, #tpu.memory_space<vmem>> -> memref<1x128xi32, #tpu.memory_space<vmem>>
    %dma_wait3A_206 = tpu.memref_squeeze %dma_wait3A_205 : memref<1x128xi32, #tpu.memory_space<vmem>> -> memref<128xi32, #tpu.memory_space<vmem>>
    %dma_wait3A_207 = arith.constant 0 : i32
    %dma_wait3A_208 = arith.constant 0 : i32
    %dma_wait3A_209 = tpu.memref_slice %arg3[%dma_wait3A_207, %dma_wait3A_208] : memref<100000x128xf32, #tpu.memory_space<hbm>> -> memref<100000x128xf32, #tpu.memory_space<hbm>>
    tpu.wait_indirect_dma semaphore(%arg18 : memref<!tpu.dma_semaphore, #tpu.memory_space<semaphore_mem>>) src(%dma_wait3A_209 : memref<100000x128xf32, #tpu.memory_space<hbm>>) dst(%arg12 : memref<128x128xf32, #tpu.memory_space<vmem>>)
    %dma_wait3A_210 = arith.constant 1 : i32
    %dma_wait3A_211 = arith.constant 128 : i32
    %dma_wait3A_212 = tpu.memref_slice %arg10[%dma_wait3A_210, %dma_wait3A_211] : memref<4x512xi32, #tpu.memory_space<vmem>> -> memref<1x128xi32, #tpu.memory_space<vmem>>
    %dma_wait3A_213 = tpu.memref_squeeze %dma_wait3A_212 : memref<1x128xi32, #tpu.memory_space<vmem>> -> memref<128xi32, #tpu.memory_space<vmem>>
    %dma_wait3A_214 = arith.constant 0 : i32
    %dma_wait3A_215 = arith.constant 0 : i32
    %dma_wait3A_216 = tpu.memref_slice %arg4[%dma_wait3A_214, %dma_wait3A_215] : memref<100000x128xf32, #tpu.memory_space<hbm>> -> memref<100000x128xf32, #tpu.memory_space<hbm>>
    tpu.wait_indirect_dma semaphore(%arg18 : memref<!tpu.dma_semaphore, #tpu.memory_space<semaphore_mem>>) src(%dma_wait3A_216 : memref<100000x128xf32, #tpu.memory_space<hbm>>) dst(%arg12 : memref<128x128xf32, #tpu.memory_space<vmem>>)
    %dma_wait3A_217 = arith.constant 2 : i32
    %dma_wait3A_218 = arith.constant 128 : i32
    %dma_wait3A_219 = tpu.memref_slice %arg10[%dma_wait3A_217, %dma_wait3A_218] : memref<4x512xi32, #tpu.memory_space<vmem>> -> memref<1x128xi32, #tpu.memory_space<vmem>>
    %dma_wait3A_220 = tpu.memref_squeeze %dma_wait3A_219 : memref<1x128xi32, #tpu.memory_space<vmem>> -> memref<128xi32, #tpu.memory_space<vmem>>
    %dma_wait3A_221 = arith.constant 0 : i32
    %dma_wait3A_222 = arith.constant 0 : i32
    %dma_wait3A_223 = tpu.memref_slice %arg5[%dma_wait3A_221, %dma_wait3A_222] : memref<100000x128xf32, #tpu.memory_space<hbm>> -> memref<100000x128xf32, #tpu.memory_space<hbm>>
    tpu.wait_indirect_dma semaphore(%arg18 : memref<!tpu.dma_semaphore, #tpu.memory_space<semaphore_mem>>) src(%dma_wait3A_223 : memref<100000x128xf32, #tpu.memory_space<hbm>>) dst(%arg12 : memref<128x128xf32, #tpu.memory_space<vmem>>)
    %dma_wait3A_224 = arith.constant 3 : i32
    %dma_wait3A_225 = arith.constant 128 : i32
    %dma_wait3A_226 = tpu.memref_slice %arg10[%dma_wait3A_224, %dma_wait3A_225] : memref<4x512xi32, #tpu.memory_space<vmem>> -> memref<1x128xi32, #tpu.memory_space<vmem>>
    %dma_wait3A_227 = tpu.memref_squeeze %dma_wait3A_226 : memref<1x128xi32, #tpu.memory_space<vmem>> -> memref<128xi32, #tpu.memory_space<vmem>>
    %dma_wait3A_228 = arith.constant 0 : i32
    %dma_wait3A_229 = arith.constant 0 : i32
    %dma_wait3A_230 = tpu.memref_slice %arg6[%dma_wait3A_228, %dma_wait3A_229] : memref<100000x128xf32, #tpu.memory_space<hbm>> -> memref<100000x128xf32, #tpu.memory_space<hbm>>
    tpu.wait_indirect_dma semaphore(%arg18 : memref<!tpu.dma_semaphore, #tpu.memory_space<semaphore_mem>>) src(%dma_wait3A_230 : memref<100000x128xf32, #tpu.memory_space<hbm>>) dst(%arg12 : memref<128x128xf32, #tpu.memory_space<vmem>>)
    %scan3A_231 = arith.constant 0 : i32
    %scan3A_232 = arith.constant 0 : i32
    %scan3A_233 = arith.constant 64 : i32
    %scan3A_234 = arith.addi %scan3A_232, %scan3A_233 : i32
    %scan3A_235 = arith.constant 1 : i32
    scf.for %scan3A_367 = %scan3A_232 to %scan3A_234 step %scan3A_235  : i32 {
      %mul3A_368 = arith.constant 2 : i32
      %mul3A_369 = arith.muli %mul3A_368, %scan3A_367 : i32
      %add3A_370 = arith.constant 1 : i32
      %add3A_371 = arith.addi %mul3A_369, %add3A_370 : i32
      %get3A_372 = arith.index_cast %mul3A_369 : i32 to index
      %get3A_373 = arith.constant 0 : index
      %get3A_374 = tpu.vector_load %arg12[%get3A_372, %get3A_373] {strides = array<i32>} : memref<128x128xf32, #tpu.memory_space<vmem>>, vector<1x16xf32>,
      %get3A_375 = vector.shape_cast %get3A_374 : vector<1x16xf32> to vector<16xf32>
      %get3A_376 = arith.index_cast %mul3A_369 : i32 to index
      %get3A_377 = arith.constant 16 : index
      %get3A_378 = tpu.vector_load %arg12[%get3A_376, %get3A_377] {strides = array<i32>} : memref<128x128xf32, #tpu.memory_space<vmem>>, vector<1x16xf32>,
      %get3A_379 = vector.shape_cast %get3A_378 : vector<1x16xf32> to vector<16xf32>
      %get3A_380 = arith.index_cast %mul3A_369 : i32 to index
      %get3A_381 = arith.constant 32 : index
      %get3A_382 = tpu.vector_load %arg12[%get3A_380, %get3A_381] {strides = array<i32>} : memref<128x128xf32, #tpu.memory_space<vmem>>, vector<1x16xf32>,
      %get3A_383 = vector.shape_cast %get3A_382 : vector<1x16xf32> to vector<16xf32>
      %get3A_384 = arith.index_cast %mul3A_369 : i32 to index
      %get3A_385 = arith.constant 48 : index
      %get3A_386 = tpu.vector_load %arg12[%get3A_384, %get3A_385] {strides = array<i32>} : memref<128x128xf32, #tpu.memory_space<vmem>>, vector<1x16xf32>,
      %get3A_387 = vector.shape_cast %get3A_386 : vector<1x16xf32> to vector<16xf32>
      %get3A_388 = arith.index_cast %mul3A_369 : i32 to index
      %get3A_389 = arith.constant 64 : index
      %get3A_390 = tpu.vector_load %arg12[%get3A_388, %get3A_389] {strides = array<i32>} : memref<128x128xf32, #tpu.memory_space<vmem>>, vector<1x16xf32>,
      %get3A_391 = vector.shape_cast %get3A_390 : vector<1x16xf32> to vector<16xf32>
      %get3A_392 = arith.index_cast %mul3A_369 : i32 to index
      %get3A_393 = arith.constant 80 : index
      %get3A_394 = tpu.vector_load %arg12[%get3A_392, %get3A_393] {strides = array<i32>} : memref<128x128xf32, #tpu.memory_space<vmem>>, vector<1x16xf32>,
      %get3A_395 = vector.shape_cast %get3A_394 : vector<1x16xf32> to vector<16xf32>
      %get3A_396 = arith.index_cast %mul3A_369 : i32 to index
      %get3A_397 = arith.constant 96 : index
      %get3A_398 = tpu.vector_load %arg12[%get3A_396, %get3A_397] {strides = array<i32>} : memref<128x128xf32, #tpu.memory_space<vmem>>, vector<1x16xf32>,
      %get3A_399 = vector.shape_cast %get3A_398 : vector<1x16xf32> to vector<16xf32>
      %get3A_400 = arith.index_cast %mul3A_369 : i32 to index
      %get3A_401 = arith.constant 112 : index
      %get3A_402 = tpu.vector_load %arg12[%get3A_400, %get3A_401] {strides = array<i32>} : memref<128x128xf32, #tpu.memory_space<vmem>>, vector<1x16xf32>,
      %get3A_403 = vector.shape_cast %get3A_402 : vector<1x16xf32> to vector<16xf32>
      %get3A_404 = arith.index_cast %add3A_371 : i32 to index
      %get3A_405 = arith.constant 0 : index
      %get3A_406 = tpu.vector_load %arg12[%get3A_404, %get3A_405] {strides = array<i32>} : memref<128x128xf32, #tpu.memory_space<vmem>>, vector<1x16xf32>,
      %get3A_407 = vector.shape_cast %get3A_406 : vector<1x16xf32> to vector<16xf32>
      %get3A_408 = arith.index_cast %add3A_371 : i32 to index
      %get3A_409 = arith.constant 16 : index
      %get3A_410 = tpu.vector_load %arg12[%get3A_408, %get3A_409] {strides = array<i32>} : memref<128x128xf32, #tpu.memory_space<vmem>>, vector<1x16xf32>,
      %get3A_411 = vector.shape_cast %get3A_410 : vector<1x16xf32> to vector<16xf32>
      %get3A_412 = arith.index_cast %add3A_371 : i32 to index
      %get3A_413 = arith.constant 32 : index
      %get3A_414 = tpu.vector_load %arg12[%get3A_412, %get3A_413] {strides = array<i32>} : memref<128x128xf32, #tpu.memory_space<vmem>>, vector<1x16xf32>,
      %get3A_415 = vector.shape_cast %get3A_414 : vector<1x16xf32> to vector<16xf32>
      %get3A_416 = arith.index_cast %add3A_371 : i32 to index
      %get3A_417 = arith.constant 48 : index
      %get3A_418 = tpu.vector_load %arg12[%get3A_416, %get3A_417] {strides = array<i32>} : memref<128x128xf32, #tpu.memory_space<vmem>>, vector<1x16xf32>,
      %get3A_419 = vector.shape_cast %get3A_418 : vector<1x16xf32> to vector<16xf32>
      %get3A_420 = arith.index_cast %add3A_371 : i32 to index
      %get3A_421 = arith.constant 64 : index
      %get3A_422 = tpu.vector_load %arg12[%get3A_420, %get3A_421] {strides = array<i32>} : memref<128x128xf32, #tpu.memory_space<vmem>>, vector<1x16xf32>,
      %get3A_423 = vector.shape_cast %get3A_422 : vector<1x16xf32> to vector<16xf32>
      %get3A_424 = arith.index_cast %add3A_371 : i32 to index
      %get3A_425 = arith.constant 80 : index
      %get3A_426 = tpu.vector_load %arg12[%get3A_424, %get3A_425] {strides = array<i32>} : memref<128x128xf32, #tpu.memory_space<vmem>>, vector<1x16xf32>,
      %get3A_427 = vector.shape_cast %get3A_426 : vector<1x16xf32> to vector<16xf32>
      %get3A_428 = arith.index_cast %add3A_371 : i32 to index
      %get3A_429 = arith.constant 96 : index
      %get3A_430 = tpu.vector_load %arg12[%get3A_428, %get3A_429] {strides = array<i32>} : memref<128x128xf32, #tpu.memory_space<vmem>>, vector<1x16xf32>,
      %get3A_431 = vector.shape_cast %get3A_430 : vector<1x16xf32> to vector<16xf32>
      %get3A_432 = arith.index_cast %add3A_371 : i32 to index
      %get3A_433 = arith.constant 112 : index
      %get3A_434 = tpu.vector_load %arg12[%get3A_432, %get3A_433] {strides = array<i32>} : memref<128x128xf32, #tpu.memory_space<vmem>>, vector<1x16xf32>,
      %get3A_435 = vector.shape_cast %get3A_434 : vector<1x16xf32> to vector<16xf32>
      %swap3A = arith.index_cast %mul3A_369 : i32 to index
      %swap3A_436 = arith.constant 0 : index
      %swap3A_437 = tpu.vector_load %arg12[%swap3A, %swap3A_436] {strides = array<i32>} : memref<128x128xf32, #tpu.memory_space<vmem>>, vector<1x16xf32>,
      %swap3A_438 = vector.shape_cast %swap3A_437 : vector<1x16xf32> to vector<16xf32>
      %swap3A_439 = vector.shape_cast %broadcast_in_dim3A_6 : vector<16xf32> to vector<1x16xf32>
      tpu.vector_store %arg12[%swap3A, %swap3A_436], %swap3A_439 {strides = array<i32>} : memref<128x128xf32, #tpu.memory_space<vmem>>, vector<1x16xf32>,
      %swap3A_440 = arith.index_cast %add3A_371 : i32 to index
      %swap3A_441 = arith.constant 0 : index
      %swap3A_442 = tpu.vector_load %arg12[%swap3A_440, %swap3A_441] {strides = array<i32>} : memref<128x128xf32, #tpu.memory_space<vmem>>, vector<1x16xf32>,
      %swap3A_443 = vector.shape_cast %swap3A_442 : vector<1x16xf32> to vector<16xf32>
      %swap3A_444 = vector.shape_cast %broadcast_in_dim3A_6 : vector<16xf32> to vector<1x16xf32>
      tpu.vector_store %arg12[%swap3A_440, %swap3A_441], %swap3A_444 {strides = array<i32>} : memref<128x128xf32, #tpu.memory_space<vmem>>, vector<1x16xf32>,
      %swap3A_445 = arith.index_cast %mul3A_369 : i32 to index
      %swap3A_446 = arith.constant 16 : index
      %swap3A_447 = tpu.vector_load %arg12[%swap3A_445, %swap3A_446] {strides = array<i32>} : memref<128x128xf32, #tpu.memory_space<vmem>>, vector<1x16xf32>,
      %swap3A_448 = vector.shape_cast %swap3A_447 : vector<1x16xf32> to vector<16xf32>
      %swap3A_449 = vector.shape_cast %broadcast_in_dim3A_6 : vector<16xf32> to vector<1x16xf32>
      tpu.vector_store %arg12[%swap3A_445, %swap3A_446], %swap3A_449 {strides = array<i32>} : memref<128x128xf32, #tpu.memory_space<vmem>>, vector<1x16xf32>,
      %swap3A_450 = arith.index_cast %add3A_371 : i32 to index
      %swap3A_451 = arith.constant 16 : index
      %swap3A_452 = tpu.vector_load %arg12[%swap3A_450, %swap3A_451] {strides = array<i32>} : memref<128x128xf32, #tpu.memory_space<vmem>>, vector<1x16xf32>,
      %swap3A_453 = vector.shape_cast %swap3A_452 : vector<1x16xf32> to vector<16xf32>
      %swap3A_454 = vector.shape_cast %broadcast_in_dim3A_6 : vector<16xf32> to vector<1x16xf32>
      tpu.vector_store %arg12[%swap3A_450, %swap3A_451], %swap3A_454 {strides = array<i32>} : memref<128x128xf32, #tpu.memory_space<vmem>>, vector<1x16xf32>,
      %swap3A_455 = arith.index_cast %mul3A_369 : i32 to index
      %swap3A_456 = arith.constant 32 : index
      %swap3A_457 = tpu.vector_load %arg12[%swap3A_455, %swap3A_456] {strides = array<i32>} : memref<128x128xf32, #tpu.memory_space<vmem>>, vector<1x16xf32>,
      %swap3A_458 = vector.shape_cast %swap3A_457 : vector<1x16xf32> to vector<16xf32>
      %swap3A_459 = vector.shape_cast %broadcast_in_dim3A_6 : vector<16xf32> to vector<1x16xf32>
      tpu.vector_store %arg12[%swap3A_455, %swap3A_456], %swap3A_459 {strides = array<i32>} : memref<128x128xf32, #tpu.memory_space<vmem>>, vector<1x16xf32>,
      %swap3A_460 = arith.index_cast %add3A_371 : i32 to index
      %swap3A_461 = arith.constant 32 : index
      %swap3A_462 = tpu.vector_load %arg12[%swap3A_460, %swap3A_461] {strides = array<i32>} : memref<128x128xf32, #tpu.memory_space<vmem>>, vector<1x16xf32>,
      %swap3A_463 = vector.shape_cast %swap3A_462 : vector<1x16xf32> to vector<16xf32>
      %swap3A_464 = vector.shape_cast %broadcast_in_dim3A_6 : vector<16xf32> to vector<1x16xf32>
      tpu.vector_store %arg12[%swap3A_460, %swap3A_461], %swap3A_464 {strides = array<i32>} : memref<128x128xf32, #tpu.memory_space<vmem>>, vector<1x16xf32>,
      %swap3A_465 = arith.index_cast %mul3A_369 : i32 to index
      %swap3A_466 = arith.constant 48 : index
      %swap3A_467 = tpu.vector_load %arg12[%swap3A_465, %swap3A_466] {strides = array<i32>} : memref<128x128xf32, #tpu.memory_space<vmem>>, vector<1x16xf32>,
      %swap3A_468 = vector.shape_cast %swap3A_467 : vector<1x16xf32> to vector<16xf32>
      %swap3A_469 = vector.shape_cast %broadcast_in_dim3A_6 : vector<16xf32> to vector<1x16xf32>
      tpu.vector_store %arg12[%swap3A_465, %swap3A_466], %swap3A_469 {strides = array<i32>} : memref<128x128xf32, #tpu.memory_space<vmem>>, vector<1x16xf32>,
      %swap3A_470 = arith.index_cast %add3A_371 : i32 to index
      %swap3A_471 = arith.constant 48 : index
      %swap3A_472 = tpu.vector_load %arg12[%swap3A_470, %swap3A_471] {strides = array<i32>} : memref<128x128xf32, #tpu.memory_space<vmem>>, vector<1x16xf32>,
      %swap3A_473 = vector.shape_cast %swap3A_472 : vector<1x16xf32> to vector<16xf32>
      %swap3A_474 = vector.shape_cast %broadcast_in_dim3A_6 : vector<16xf32> to vector<1x16xf32>
      tpu.vector_store %arg12[%swap3A_470, %swap3A_471], %swap3A_474 {strides = array<i32>} : memref<128x128xf32, #tpu.memory_space<vmem>>, vector<1x16xf32>,
      %swap3A_475 = arith.index_cast %mul3A_369 : i32 to index
      %swap3A_476 = arith.constant 64 : index
      %swap3A_477 = tpu.vector_load %arg12[%swap3A_475, %swap3A_476] {strides = array<i32>} : memref<128x128xf32, #tpu.memory_space<vmem>>, vector<1x16xf32>,
      %swap3A_478 = vector.shape_cast %swap3A_477 : vector<1x16xf32> to vector<16xf32>
      %swap3A_479 = vector.shape_cast %broadcast_in_dim3A_6 : vector<16xf32> to vector<1x16xf32>
      tpu.vector_store %arg12[%swap3A_475, %swap3A_476], %swap3A_479 {strides = array<i32>} : memref<128x128xf32, #tpu.memory_space<vmem>>, vector<1x16xf32>,
      %swap3A_480 = arith.index_cast %add3A_371 : i32 to index
      %swap3A_481 = arith.constant 64 : index
      %swap3A_482 = tpu.vector_load %arg12[%swap3A_480, %swap3A_481] {strides = array<i32>} : memref<128x128xf32, #tpu.memory_space<vmem>>, vector<1x16xf32>,
      %swap3A_483 = vector.shape_cast %swap3A_482 : vector<1x16xf32> to vector<16xf32>
      %swap3A_484 = vector.shape_cast %broadcast_in_dim3A_6 : vector<16xf32> to vector<1x16xf32>
      tpu.vector_store %arg12[%swap3A_480, %swap3A_481], %swap3A_484 {strides = array<i32>} : memref<128x128xf32, #tpu.memory_space<vmem>>, vector<1x16xf32>,
      %swap3A_485 = arith.index_cast %mul3A_369 : i32 to index
      %swap3A_486 = arith.constant 80 : index
      %swap3A_487 = tpu.vector_load %arg12[%swap3A_485, %swap3A_486] {strides = array<i32>} : memref<128x128xf32, #tpu.memory_space<vmem>>, vector<1x16xf32>,
      %swap3A_488 = vector.shape_cast %swap3A_487 : vector<1x16xf32> to vector<16xf32>
      %swap3A_489 = vector.shape_cast %broadcast_in_dim3A_6 : vector<16xf32> to vector<1x16xf32>
      tpu.vector_store %arg12[%swap3A_485, %swap3A_486], %swap3A_489 {strides = array<i32>} : memref<128x128xf32, #tpu.memory_space<vmem>>, vector<1x16xf32>,
      %swap3A_490 = arith.index_cast %add3A_371 : i32 to index
      %swap3A_491 = arith.constant 80 : index
      %swap3A_492 = tpu.vector_load %arg12[%swap3A_490, %swap3A_491] {strides = array<i32>} : memref<128x128xf32, #tpu.memory_space<vmem>>, vector<1x16xf32>,
      %swap3A_493 = vector.shape_cast %swap3A_492 : vector<1x16xf32> to vector<16xf32>
      %swap3A_494 = vector.shape_cast %broadcast_in_dim3A_6 : vector<16xf32> to vector<1x16xf32>
      tpu.vector_store %arg12[%swap3A_490, %swap3A_491], %swap3A_494 {strides = array<i32>} : memref<128x128xf32, #tpu.memory_space<vmem>>, vector<1x16xf32>,
      %swap3A_495 = arith.index_cast %mul3A_369 : i32 to index
      %swap3A_496 = arith.constant 96 : index
      %swap3A_497 = tpu.vector_load %arg12[%swap3A_495, %swap3A_496] {strides = array<i32>} : memref<128x128xf32, #tpu.memory_space<vmem>>, vector<1x16xf32>,
      %swap3A_498 = vector.shape_cast %swap3A_497 : vector<1x16xf32> to vector<16xf32>
      %swap3A_499 = vector.shape_cast %broadcast_in_dim3A_6 : vector<16xf32> to vector<1x16xf32>
      tpu.vector_store %arg12[%swap3A_495, %swap3A_496], %swap3A_499 {strides = array<i32>} : memref<128x128xf32, #tpu.memory_space<vmem>>, vector<1x16xf32>,
      %swap3A_500 = arith.index_cast %add3A_371 : i32 to index
      %swap3A_501 = arith.constant 96 : index
      %swap3A_502 = tpu.vector_load %arg12[%swap3A_500, %swap3A_501] {strides = array<i32>} : memref<128x128xf32, #tpu.memory_space<vmem>>, vector<1x16xf32>,
      %swap3A_503 = vector.shape_cast %swap3A_502 : vector<1x16xf32> to vector<16xf32>
      %swap3A_504 = vector.shape_cast %broadcast_in_dim3A_6 : vector<16xf32> to vector<1x16xf32>
      tpu.vector_store %arg12[%swap3A_500, %swap3A_501], %swap3A_504 {strides = array<i32>} : memref<128x128xf32, #tpu.memory_space<vmem>>, vector<1x16xf32>,
      %swap3A_505 = arith.index_cast %mul3A_369 : i32 to index
      %swap3A_506 = arith.constant 112 : index
      %swap3A_507 = tpu.vector_load %arg12[%swap3A_505, %swap3A_506] {strides = array<i32>} : memref<128x128xf32, #tpu.memory_space<vmem>>, vector<1x16xf32>,
      %swap3A_508 = vector.shape_cast %swap3A_507 : vector<1x16xf32> to vector<16xf32>
      %swap3A_509 = vector.shape_cast %broadcast_in_dim3A_6 : vector<16xf32> to vector<1x16xf32>
      tpu.vector_store %arg12[%swap3A_505, %swap3A_506], %swap3A_509 {strides = array<i32>} : memref<128x128xf32, #tpu.memory_space<vmem>>, vector<1x16xf32>,
      %swap3A_510 = arith.index_cast %add3A_371 : i32 to index
      %swap3A_511 = arith.constant 112 : index
      %swap3A_512 = tpu.vector_load %arg12[%swap3A_510, %swap3A_511] {strides = array<i32>} : memref<128x128xf32, #tpu.memory_space<vmem>>, vector<1x16xf32>,
      %swap3A_513 = vector.shape_cast %swap3A_512 : vector<1x16xf32> to vector<16xf32>
      %swap3A_514 = vector.shape_cast %broadcast_in_dim3A_6 : vector<16xf32> to vector<1x16xf32>
      tpu.vector_store %arg12[%swap3A_510, %swap3A_511], %swap3A_514 {strides = array<i32>} : memref<128x128xf32, #tpu.memory_space<vmem>>, vector<1x16xf32>,
      %mul3A_515 = arith.mulf %get3A_375, %get3A_375 : vector<16xf32>
      %mul3A_516 = arith.mulf %get3A_407, %get3A_407 : vector<16xf32>
      %add3A_517 = arith.addf %get3A_375, %get3A_379 : vector<16xf32>
      %add3A_518 = arith.addf %get3A_407, %get3A_411 : vector<16xf32>
      %mul3A_519 = arith.mulf %get3A_379, %get3A_379 : vector<16xf32>
      %add3A_520 = arith.addf %mul3A_515, %mul3A_519 : vector<16xf32>
      %mul3A_521 = arith.mulf %get3A_411, %get3A_411 : vector<16xf32>
      %add3A_522 = arith.addf %mul3A_516, %mul3A_521 : vector<16xf32>
      %add3A_523 = arith.addf %add3A_517, %get3A_383 : vector<16xf32>
      %add3A_524 = arith.addf %add3A_518, %get3A_415 : vector<16xf32>
      %mul3A_525 = arith.mulf %get3A_383, %get3A_383 : vector<16xf32>
      %add3A_526 = arith.addf %add3A_520, %mul3A_525 : vector<16xf32>
      %mul3A_527 = arith.mulf %get3A_415, %get3A_415 : vector<16xf32>
      %add3A_528 = arith.addf %add3A_522, %mul3A_527 : vector<16xf32>
      %add3A_529 = arith.addf %add3A_523, %get3A_387 : vector<16xf32>
      %add3A_530 = arith.addf %add3A_524, %get3A_419 : vector<16xf32>
      %mul3A_531 = arith.mulf %get3A_387, %get3A_387 : vector<16xf32>
      %add3A_532 = arith.addf %add3A_526, %mul3A_531 : vector<16xf32>
      %mul3A_533 = arith.mulf %get3A_419, %get3A_419 : vector<16xf32>
      %add3A_534 = arith.addf %add3A_528, %mul3A_533 : vector<16xf32>
      %add3A_535 = arith.addf %add3A_529, %get3A_391 : vector<16xf32>
      %add3A_536 = arith.addf %add3A_530, %get3A_423 : vector<16xf32>
      %mul3A_537 = arith.mulf %get3A_391, %get3A_391 : vector<16xf32>
      %add3A_538 = arith.addf %add3A_532, %mul3A_537 : vector<16xf32>
      %mul3A_539 = arith.mulf %get3A_423, %get3A_423 : vector<16xf32>
      %add3A_540 = arith.addf %add3A_534, %mul3A_539 : vector<16xf32>
      %add3A_541 = arith.addf %add3A_535, %get3A_395 : vector<16xf32>
      %add3A_542 = arith.addf %add3A_536, %get3A_427 : vector<16xf32>
      %mul3A_543 = arith.mulf %get3A_395, %get3A_395 : vector<16xf32>
      %add3A_544 = arith.addf %add3A_538, %mul3A_543 : vector<16xf32>
      %mul3A_545 = arith.mulf %get3A_427, %get3A_427 : vector<16xf32>
      %add3A_546 = arith.addf %add3A_540, %mul3A_545 : vector<16xf32>
      %add3A_547 = arith.addf %add3A_541, %get3A_399 : vector<16xf32>
      %add3A_548 = arith.addf %add3A_542, %get3A_431 : vector<16xf32>
      %mul3A_549 = arith.mulf %get3A_399, %get3A_399 : vector<16xf32>
      %add3A_550 = arith.addf %add3A_544, %mul3A_549 : vector<16xf32>
      %mul3A_551 = arith.mulf %get3A_431, %get3A_431 : vector<16xf32>
      %add3A_552 = arith.addf %add3A_546, %mul3A_551 : vector<16xf32>
      %add3A_553 = arith.addf %add3A_547, %get3A_403 : vector<16xf32>
      %add3A_554 = arith.addf %add3A_548, %get3A_435 : vector<16xf32>
      %mul3A_555 = arith.mulf %get3A_403, %get3A_403 : vector<16xf32>
      %add3A_556 = arith.addf %add3A_550, %mul3A_555 : vector<16xf32>
      %mul3A_557 = arith.mulf %get3A_435, %get3A_435 : vector<16xf32>
      %add3A_558 = arith.addf %add3A_552, %mul3A_557 : vector<16xf32>
      %lt3A_559 = arith.constant 0 : i32
      %lt3A_560 = vector.broadcast %lt3A_559 : i32 to vector<16xi32>
      %lt3A_561 = arith.cmpi slt, %xor3A_10, %lt3A_560 : vector<16xi32>
      %add3A_562 = arith.constant 16 : i32
      %add3A_563 = vector.broadcast %add3A_562 : i32 to vector<16xi32>
      %add3A_564 = arith.addi %xor3A_10, %add3A_563 : vector<16xi32>
      %select_n3A = arith.select %lt3A_561, %add3A_564, %xor3A_10 : vector<16xi1>, vector<16xi32>
      %broadcast_in_dim3A_565 = vector.shape_cast %select_n3A : vector<16xi32> to vector<16x1xi32>
      %gather3A = vector.shape_cast %broadcast_in_dim3A_565 : vector<16x1xi32> to vector<16xi32>
      %gather3A_566 = tpu.dynamic_gather %add3A_553[%gather3A] in [0] : vector<16xf32>, vector<16xi32> -> vector<16xf32>
      %add3A_567 = arith.addf %add3A_553, %gather3A_566 : vector<16xf32>
      %lt3A_568 = arith.constant 0 : i32
      %lt3A_569 = vector.broadcast %lt3A_568 : i32 to vector<16xi32>
      %lt3A_570 = arith.cmpi slt, %xor3A_10, %lt3A_569 : vector<16xi32>
      %add3A_571 = arith.constant 16 : i32
      %add3A_572 = vector.broadcast %add3A_571 : i32 to vector<16xi32>
      %add3A_573 = arith.addi %xor3A_10, %add3A_572 : vector<16xi32>
      %select_n3A_574 = arith.select %lt3A_570, %add3A_573, %xor3A_10 : vector<16xi1>, vector<16xi32>
      %broadcast_in_dim3A_575 = vector.shape_cast %select_n3A_574 : vector<16xi32> to vector<16x1xi32>
      %gather3A_576 = vector.shape_cast %broadcast_in_dim3A_575 : vector<16x1xi32> to vector<16xi32>
      %gather3A_577 = tpu.dynamic_gather %add3A_554[%gather3A_576] in [0] : vector<16xf32>, vector<16xi32> -> vector<16xf32>
      %add3A_578 = arith.addf %add3A_554, %gather3A_577 : vector<16xf32>
      %lt3A_579 = arith.constant 0 : i32
      %lt3A_580 = vector.broadcast %lt3A_579 : i32 to vector<16xi32>
      %lt3A_581 = arith.cmpi slt, %xor3A_10, %lt3A_580 : vector<16xi32>
      %add3A_582 = arith.constant 16 : i32
      %add3A_583 = vector.broadcast %add3A_582 : i32 to vector<16xi32>
      %add3A_584 = arith.addi %xor3A_10, %add3A_583 : vector<16xi32>
      %select_n3A_585 = arith.select %lt3A_581, %add3A_584, %xor3A_10 : vector<16xi1>, vector<16xi32>
      %broadcast_in_dim3A_586 = vector.shape_cast %select_n3A_585 : vector<16xi32> to vector<16x1xi32>
      %gather3A_587 = vector.shape_cast %broadcast_in_dim3A_586 : vector<16x1xi32> to vector<16xi32>
      %gather3A_588 = tpu.dynamic_gather %add3A_556[%gather3A_587] in [0] : vector<16xf32>, vector<16xi32> -> vector<16xf32>
      %add3A_589 = arith.addf %add3A_556, %gather3A_588 : vector<16xf32>
      %lt3A_590 = arith.constant 0 : i32
      %lt3A_591 = vector.broadcast %lt3A_590 : i32 to vector<16xi32>
      %lt3A_592 = arith.cmpi slt, %xor3A_10, %lt3A_591 : vector<16xi32>
      %add3A_593 = arith.constant 16 : i32
      %add3A_594 = vector.broadcast %add3A_593 : i32 to vector<16xi32>
      %add3A_595 = arith.addi %xor3A_10, %add3A_594 : vector<16xi32>
      %select_n3A_596 = arith.select %lt3A_592, %add3A_595, %xor3A_10 : vector<16xi1>, vector<16xi32>
      %broadcast_in_dim3A_597 = vector.shape_cast %select_n3A_596 : vector<16xi32> to vector<16x1xi32>
      %gather3A_598 = vector.shape_cast %broadcast_in_dim3A_597 : vector<16x1xi32> to vector<16xi32>
      %gather3A_599 = tpu.dynamic_gather %add3A_558[%gather3A_598] in [0] : vector<16xf32>, vector<16xi32> -> vector<16xf32>
      %add3A_600 = arith.addf %add3A_558, %gather3A_599 : vector<16xf32>
      %lt3A_601 = arith.constant 0 : i32
      %lt3A_602 = vector.broadcast %lt3A_601 : i32 to vector<16xi32>
      %lt3A_603 = arith.cmpi slt, %xor3A_10, %lt3A_602 : vector<16xi32>
      %add3A_604 = arith.constant 16 : i32
      %add3A_605 = vector.broadcast %add3A_604 : i32 to vector<16xi32>
      %add3A_606 = arith.addi %xor3A_10, %add3A_605 : vector<16xi32>
      %select_n3A_607 = arith.select %lt3A_603, %add3A_606, %xor3A_10 : vector<16xi1>, vector<16xi32>
      %broadcast_in_dim3A_608 = vector.shape_cast %select_n3A_607 : vector<16xi32> to vector<16x1xi32>
      %gather3A_609 = vector.shape_cast %broadcast_in_dim3A_608 : vector<16x1xi32> to vector<16xi32>
      %gather3A_610 = tpu.dynamic_gather %add3A_578[%gather3A_609] in [0] : vector<16xf32>, vector<16xi32> -> vector<16xf32>
      %select_n3A_611 = arith.select %lt3A_8, %add3A_567, %gather3A_610 : vector<16xi1>, vector<16xf32>
      %lt3A_612 = arith.constant 0 : i32
      %lt3A_613 = vector.broadcast %lt3A_612 : i32 to vector<16xi32>
      %lt3A_614 = arith.cmpi slt, %xor3A_10, %lt3A_613 : vector<16xi32>
      %add3A_615 = arith.constant 16 : i32
      %add3A_616 = vector.broadcast %add3A_615 : i32 to vector<16xi32>
      %add3A_617 = arith.addi %xor3A_10, %add3A_616 : vector<16xi32>
      %select_n3A_618 = arith.select %lt3A_614, %add3A_617, %xor3A_10 : vector<16xi1>, vector<16xi32>
      %broadcast_in_dim3A_619 = vector.shape_cast %select_n3A_618 : vector<16xi32> to vector<16x1xi32>
      %gather3A_620 = vector.shape_cast %broadcast_in_dim3A_619 : vector<16x1xi32> to vector<16xi32>
      %gather3A_621 = tpu.dynamic_gather %add3A_600[%gather3A_620] in [0] : vector<16xf32>, vector<16xi32> -> vector<16xf32>
      %select_n3A_622 = arith.select %lt3A_8, %add3A_589, %gather3A_621 : vector<16xi1>, vector<16xf32>
      %xor3A_623 = arith.constant 4 : i32
      %xor3A_624 = vector.broadcast %xor3A_623 : i32 to vector<16xi32>
      %xor3A_625 = arith.xori %iota3A, %xor3A_624 : vector<16xi32>
      %lt3A_626 = arith.constant 0 : i32
      %lt3A_627 = vector.broadcast %lt3A_626 : i32 to vector<16xi32>
      %lt3A_628 = arith.cmpi slt, %xor3A_625, %lt3A_627 : vector<16xi32>
      %add3A_629 = arith.constant 16 : i32
      %add3A_630 = vector.broadcast %add3A_629 : i32 to vector<16xi32>
      %add3A_631 = arith.addi %xor3A_625, %add3A_630 : vector<16xi32>
      %select_n3A_632 = arith.select %lt3A_628, %add3A_631, %xor3A_625 : vector<16xi1>, vector<16xi32>
      %broadcast_in_dim3A_633 = vector.shape_cast %select_n3A_632 : vector<16xi32> to vector<16x1xi32>
      %gather3A_634 = vector.shape_cast %broadcast_in_dim3A_633 : vector<16x1xi32> to vector<16xi32>
      %gather3A_635 = tpu.dynamic_gather %select_n3A_611[%gather3A_634] in [0] : vector<16xf32>, vector<16xi32> -> vector<16xf32>
      %add3A_636 = arith.addf %select_n3A_611, %gather3A_635 : vector<16xf32>
      %xor3A_637 = arith.constant 4 : i32
      %xor3A_638 = vector.broadcast %xor3A_637 : i32 to vector<16xi32>
      %xor3A_639 = arith.xori %iota3A, %xor3A_638 : vector<16xi32>
      %lt3A_640 = arith.constant 0 : i32
      %lt3A_641 = vector.broadcast %lt3A_640 : i32 to vector<16xi32>
      %lt3A_642 = arith.cmpi slt, %xor3A_639, %lt3A_641 : vector<16xi32>
      %add3A_643 = arith.constant 16 : i32
      %add3A_644 = vector.broadcast %add3A_643 : i32 to vector<16xi32>
      %add3A_645 = arith.addi %xor3A_639, %add3A_644 : vector<16xi32>
      %select_n3A_646 = arith.select %lt3A_642, %add3A_645, %xor3A_639 : vector<16xi1>, vector<16xi32>
      %broadcast_in_dim3A_647 = vector.shape_cast %select_n3A_646 : vector<16xi32> to vector<16x1xi32>
      %gather3A_648 = vector.shape_cast %broadcast_in_dim3A_647 : vector<16x1xi32> to vector<16xi32>
      %gather3A_649 = tpu.dynamic_gather %select_n3A_622[%gather3A_648] in [0] : vector<16xf32>, vector<16xi32> -> vector<16xf32>
      %add3A_650 = arith.addf %select_n3A_622, %gather3A_649 : vector<16xf32>
      %xor3A_651 = arith.constant 2 : i32
      %xor3A_652 = vector.broadcast %xor3A_651 : i32 to vector<16xi32>
      %xor3A_653 = arith.xori %iota3A, %xor3A_652 : vector<16xi32>
      %lt3A_654 = arith.constant 0 : i32
      %lt3A_655 = vector.broadcast %lt3A_654 : i32 to vector<16xi32>
      %lt3A_656 = arith.cmpi slt, %xor3A_653, %lt3A_655 : vector<16xi32>
      %add3A_657 = arith.constant 16 : i32
      %add3A_658 = vector.broadcast %add3A_657 : i32 to vector<16xi32>
      %add3A_659 = arith.addi %xor3A_653, %add3A_658 : vector<16xi32>
      %select_n3A_660 = arith.select %lt3A_656, %add3A_659, %xor3A_653 : vector<16xi1>, vector<16xi32>
      %broadcast_in_dim3A_661 = vector.shape_cast %select_n3A_660 : vector<16xi32> to vector<16x1xi32>
      %gather3A_662 = vector.shape_cast %broadcast_in_dim3A_661 : vector<16x1xi32> to vector<16xi32>
      %gather3A_663 = tpu.dynamic_gather %add3A_636[%gather3A_662] in [0] : vector<16xf32>, vector<16xi32> -> vector<16xf32>
      %add3A_664 = arith.addf %add3A_636, %gather3A_663 : vector<16xf32>
      %xor3A_665 = arith.constant 2 : i32
      %xor3A_666 = vector.broadcast %xor3A_665 : i32 to vector<16xi32>
      %xor3A_667 = arith.xori %iota3A, %xor3A_666 : vector<16xi32>
      %lt3A_668 = arith.constant 0 : i32
      %lt3A_669 = vector.broadcast %lt3A_668 : i32 to vector<16xi32>
      %lt3A_670 = arith.cmpi slt, %xor3A_667, %lt3A_669 : vector<16xi32>
      %add3A_671 = arith.constant 16 : i32
      %add3A_672 = vector.broadcast %add3A_671 : i32 to vector<16xi32>
      %add3A_673 = arith.addi %xor3A_667, %add3A_672 : vector<16xi32>
      %select_n3A_674 = arith.select %lt3A_670, %add3A_673, %xor3A_667 : vector<16xi1>, vector<16xi32>
      %broadcast_in_dim3A_675 = vector.shape_cast %select_n3A_674 : vector<16xi32> to vector<16x1xi32>
      %gather3A_676 = vector.shape_cast %broadcast_in_dim3A_675 : vector<16x1xi32> to vector<16xi32>
      %gather3A_677 = tpu.dynamic_gather %add3A_650[%gather3A_676] in [0] : vector<16xf32>, vector<16xi32> -> vector<16xf32>
      %add3A_678 = arith.addf %add3A_650, %gather3A_677 : vector<16xf32>
      %xor3A_679 = arith.constant 1 : i32
      %xor3A_680 = vector.broadcast %xor3A_679 : i32 to vector<16xi32>
      %xor3A_681 = arith.xori %iota3A, %xor3A_680 : vector<16xi32>
      %lt3A_682 = arith.constant 0 : i32
      %lt3A_683 = vector.broadcast %lt3A_682 : i32 to vector<16xi32>
      %lt3A_684 = arith.cmpi slt, %xor3A_681, %lt3A_683 : vector<16xi32>
      %add3A_685 = arith.constant 16 : i32
      %add3A_686 = vector.broadcast %add3A_685 : i32 to vector<16xi32>
      %add3A_687 = arith.addi %xor3A_681, %add3A_686 : vector<16xi32>
      %select_n3A_688 = arith.select %lt3A_684, %add3A_687, %xor3A_681 : vector<16xi1>, vector<16xi32>
      %broadcast_in_dim3A_689 = vector.shape_cast %select_n3A_688 : vector<16xi32> to vector<16x1xi32>
      %gather3A_690 = vector.shape_cast %broadcast_in_dim3A_689 : vector<16x1xi32> to vector<16xi32>
      %gather3A_691 = tpu.dynamic_gather %add3A_664[%gather3A_690] in [0] : vector<16xf32>, vector<16xi32> -> vector<16xf32>
      %add3A_692 = arith.addf %add3A_664, %gather3A_691 : vector<16xf32>
      %xor3A_693 = arith.constant 1 : i32
      %xor3A_694 = vector.broadcast %xor3A_693 : i32 to vector<16xi32>
      %xor3A_695 = arith.xori %iota3A, %xor3A_694 : vector<16xi32>
      %lt3A_696 = arith.constant 0 : i32
      %lt3A_697 = vector.broadcast %lt3A_696 : i32 to vector<16xi32>
      %lt3A_698 = arith.cmpi slt, %xor3A_695, %lt3A_697 : vector<16xi32>
      %add3A_699 = arith.constant 16 : i32
      %add3A_700 = vector.broadcast %add3A_699 : i32 to vector<16xi32>
      %add3A_701 = arith.addi %xor3A_695, %add3A_700 : vector<16xi32>
      %select_n3A_702 = arith.select %lt3A_698, %add3A_701, %xor3A_695 : vector<16xi1>, vector<16xi32>
      %broadcast_in_dim3A_703 = vector.shape_cast %select_n3A_702 : vector<16xi32> to vector<16x1xi32>
      %gather3A_704 = vector.shape_cast %broadcast_in_dim3A_703 : vector<16x1xi32> to vector<16xi32>
      %gather3A_705 = tpu.dynamic_gather %add3A_678[%gather3A_704] in [0] : vector<16xf32>, vector<16xi32> -> vector<16xf32>
      %add3A_706 = arith.addf %add3A_678, %gather3A_705 : vector<16xf32>
      %mul3A_707 = arith.constant 7.812500e-03 : f32
      %mul3A_708 = vector.broadcast %mul3A_707 : f32 to vector<16xf32>
      %mul3A_709 = arith.mulf %add3A_692, %mul3A_708 : vector<16xf32>
      %mul3A_710 = arith.constant 7.812500e-03 : f32
      %mul3A_711 = vector.broadcast %mul3A_710 : f32 to vector<16xf32>
      %mul3A_712 = arith.mulf %add3A_706, %mul3A_711 : vector<16xf32>
      %mul3A_713 = arith.mulf %mul3A_709, %mul3A_709 : vector<16xf32>
      %sub3A = arith.subf %mul3A_712, %mul3A_713 : vector<16xf32>
      %add3A_714 = arith.constant 9.99999996E-13 : f32
      %add3A_715 = vector.broadcast %add3A_714 : f32 to vector<16xf32>
      %add3A_716 = arith.addf %sub3A, %add3A_715 : vector<16xf32>
      %bitcast_convert_type3A = tpu.bitcast %add3A_716 : vector<16xf32> -> vector<16xi32>
      %shift_right_logical3A = arith.constant 1 : i32
      %shift_right_logical3A_717 = vector.broadcast %shift_right_logical3A : i32 to vector<16xi32>
      %shift_right_logical3A_718 = arith.shrui %bitcast_convert_type3A, %shift_right_logical3A_717 : vector<16xi32>
      %sub3A_719 = arith.constant 1597463007 : i32
      %sub3A_720 = vector.broadcast %sub3A_719 : i32 to vector<16xi32>
      %sub3A_721 = arith.subi %sub3A_720, %shift_right_logical3A_718 : vector<16xi32>
      %bitcast_convert_type3A_722 = tpu.bitcast %sub3A_721 : vector<16xi32> -> vector<16xf32>
      %mul3A_723 = arith.constant 5.000000e-01 : f32
      %mul3A_724 = vector.broadcast %mul3A_723 : f32 to vector<16xf32>
      %mul3A_725 = arith.mulf %add3A_716, %mul3A_724 : vector<16xf32>
      %mul3A_726 = arith.mulf %mul3A_725, %bitcast_convert_type3A_722 : vector<16xf32>
      %mul3A_727 = arith.mulf %mul3A_726, %bitcast_convert_type3A_722 : vector<16xf32>
      %sub3A_728 = arith.constant 1.500000e+00 : f32
      %sub3A_729 = vector.broadcast %sub3A_728 : f32 to vector<16xf32>
      %sub3A_730 = arith.subf %sub3A_729, %mul3A_727 : vector<16xf32>
      %mul3A_731 = arith.mulf %bitcast_convert_type3A_722, %sub3A_730 : vector<16xf32>
      %mul3A_732 = arith.mulf %mul3A_725, %mul3A_731 : vector<16xf32>
      %mul3A_733 = arith.mulf %mul3A_732, %mul3A_731 : vector<16xf32>
      %sub3A_734 = arith.constant 1.500000e+00 : f32
      %sub3A_735 = vector.broadcast %sub3A_734 : f32 to vector<16xf32>
      %sub3A_736 = arith.subf %sub3A_735, %mul3A_733 : vector<16xf32>
      %mul3A_737 = arith.mulf %mul3A_731, %sub3A_736 : vector<16xf32>
      %mul3A_738 = arith.mulf %mul3A_725, %mul3A_737 : vector<16xf32>
      %mul3A_739 = arith.mulf %mul3A_738, %mul3A_737 : vector<16xf32>
      %sub3A_740 = arith.constant 1.500000e+00 : f32
      %sub3A_741 = vector.broadcast %sub3A_740 : f32 to vector<16xf32>
      %sub3A_742 = arith.subf %sub3A_741, %mul3A_739 : vector<16xf32>
      %mul3A_743 = arith.mulf %mul3A_737, %sub3A_742 : vector<16xf32>
      %mul3A_744 = arith.mulf %mul3A_709, %mul3A_743 : vector<16xf32>
      %lt3A_745 = arith.constant 0 : i32
      %lt3A_746 = vector.broadcast %lt3A_745 : i32 to vector<16xi32>
      %lt3A_747 = arith.cmpi slt, %and3A_12, %lt3A_746 : vector<16xi32>
      %add3A_748 = arith.constant 16 : i32
      %add3A_749 = vector.broadcast %add3A_748 : i32 to vector<16xi32>
      %add3A_750 = arith.addi %and3A_12, %add3A_749 : vector<16xi32>
      %select_n3A_751 = arith.select %lt3A_747, %add3A_750, %and3A_12 : vector<16xi1>, vector<16xi32>
      %broadcast_in_dim3A_752 = vector.shape_cast %select_n3A_751 : vector<16xi32> to vector<16x1xi32>
      %gather3A_753 = vector.shape_cast %broadcast_in_dim3A_752 : vector<16x1xi32> to vector<16xi32>
      %gather3A_754 = tpu.dynamic_gather %mul3A_743[%gather3A_753] in [0] : vector<16xf32>, vector<16xi32> -> vector<16xf32>
      %lt3A_755 = arith.constant 0 : i32
      %lt3A_756 = vector.broadcast %lt3A_755 : i32 to vector<16xi32>
      %lt3A_757 = arith.cmpi slt, %or3A_17, %lt3A_756 : vector<16xi32>
      %add3A_758 = arith.constant 16 : i32
      %add3A_759 = vector.broadcast %add3A_758 : i32 to vector<16xi32>
      %add3A_760 = arith.addi %or3A_17, %add3A_759 : vector<16xi32>
      %select_n3A_761 = arith.select %lt3A_757, %add3A_760, %or3A_17 : vector<16xi1>, vector<16xi32>
      %broadcast_in_dim3A_762 = vector.shape_cast %select_n3A_761 : vector<16xi32> to vector<16x1xi32>
      %gather3A_763 = vector.shape_cast %broadcast_in_dim3A_762 : vector<16x1xi32> to vector<16xi32>
      %gather3A_764 = tpu.dynamic_gather %mul3A_743[%gather3A_763] in [0] : vector<16xf32>, vector<16xi32> -> vector<16xf32>
      %lt3A_765 = arith.constant 0 : i32
      %lt3A_766 = vector.broadcast %lt3A_765 : i32 to vector<16xi32>
      %lt3A_767 = arith.cmpi slt, %and3A_12, %lt3A_766 : vector<16xi32>
      %add3A_768 = arith.constant 16 : i32
      %add3A_769 = vector.broadcast %add3A_768 : i32 to vector<16xi32>
      %add3A_770 = arith.addi %and3A_12, %add3A_769 : vector<16xi32>
      %select_n3A_771 = arith.select %lt3A_767, %add3A_770, %and3A_12 : vector<16xi1>, vector<16xi32>
      %broadcast_in_dim3A_772 = vector.shape_cast %select_n3A_771 : vector<16xi32> to vector<16x1xi32>
      %gather3A_773 = vector.shape_cast %broadcast_in_dim3A_772 : vector<16x1xi32> to vector<16xi32>
      %gather3A_774 = tpu.dynamic_gather %mul3A_744[%gather3A_773] in [0] : vector<16xf32>, vector<16xi32> -> vector<16xf32>
      %lt3A_775 = arith.constant 0 : i32
      %lt3A_776 = vector.broadcast %lt3A_775 : i32 to vector<16xi32>
      %lt3A_777 = arith.cmpi slt, %or3A_17, %lt3A_776 : vector<16xi32>
      %add3A_778 = arith.constant 16 : i32
      %add3A_779 = vector.broadcast %add3A_778 : i32 to vector<16xi32>
      %add3A_780 = arith.addi %or3A_17, %add3A_779 : vector<16xi32>
      %select_n3A_781 = arith.select %lt3A_777, %add3A_780, %or3A_17 : vector<16xi1>, vector<16xi32>
      %broadcast_in_dim3A_782 = vector.shape_cast %select_n3A_781 : vector<16xi32> to vector<16x1xi32>
      %gather3A_783 = vector.shape_cast %broadcast_in_dim3A_782 : vector<16x1xi32> to vector<16xi32>
      %gather3A_784 = tpu.dynamic_gather %mul3A_744[%gather3A_783] in [0] : vector<16xf32>, vector<16xi32> -> vector<16xf32>
      %mul3A_785 = arith.mulf %get3A_375, %gather3A_754 : vector<16xf32>
      %sub3A_786 = arith.subf %mul3A_785, %gather3A_774 : vector<16xf32>
      %mul3A_787 = arith.mulf %sub3A_786, %get3A_89 : vector<16xf32>
      %add3A_788 = arith.addf %mul3A_787, %get3A_113 : vector<16xf32>
      %swap3A_789 = arith.index_cast %mul3A_369 : i32 to index
      %swap3A_790 = arith.constant 0 : index
      %swap3A_791 = tpu.vector_load %arg14[%swap3A_789, %swap3A_790] {strides = array<i32>} : memref<128x128xf32, #tpu.memory_space<vmem>>, vector<1x16xf32>,
      %swap3A_792 = vector.shape_cast %swap3A_791 : vector<1x16xf32> to vector<16xf32>
      %swap3A_793 = vector.shape_cast %add3A_788 : vector<16xf32> to vector<1x16xf32>
      tpu.vector_store %arg14[%swap3A_789, %swap3A_790], %swap3A_793 {strides = array<i32>} : memref<128x128xf32, #tpu.memory_space<vmem>>, vector<1x16xf32>,
      %mul3A_794 = arith.mulf %get3A_407, %gather3A_764 : vector<16xf32>
      %sub3A_795 = arith.subf %mul3A_794, %gather3A_784 : vector<16xf32>
      %mul3A_796 = arith.mulf %sub3A_795, %get3A_89 : vector<16xf32>
      %add3A_797 = arith.addf %mul3A_796, %get3A_113 : vector<16xf32>
      %swap3A_798 = arith.index_cast %add3A_371 : i32 to index
      %swap3A_799 = arith.constant 0 : index
      %swap3A_800 = tpu.vector_load %arg14[%swap3A_798, %swap3A_799] {strides = array<i32>} : memref<128x128xf32, #tpu.memory_space<vmem>>, vector<1x16xf32>,
      %swap3A_801 = vector.shape_cast %swap3A_800 : vector<1x16xf32> to vector<16xf32>
      %swap3A_802 = vector.shape_cast %add3A_797 : vector<16xf32> to vector<1x16xf32>
      tpu.vector_store %arg14[%swap3A_798, %swap3A_799], %swap3A_802 {strides = array<i32>} : memref<128x128xf32, #tpu.memory_space<vmem>>, vector<1x16xf32>,
      %mul3A_803 = arith.mulf %get3A_379, %gather3A_754 : vector<16xf32>
      %sub3A_804 = arith.subf %mul3A_803, %gather3A_774 : vector<16xf32>
      %mul3A_805 = arith.mulf %sub3A_804, %get3A_92 : vector<16xf32>
      %add3A_806 = arith.addf %mul3A_805, %get3A_116 : vector<16xf32>
      %swap3A_807 = arith.index_cast %mul3A_369 : i32 to index
      %swap3A_808 = arith.constant 16 : index
      %swap3A_809 = tpu.vector_load %arg14[%swap3A_807, %swap3A_808] {strides = array<i32>} : memref<128x128xf32, #tpu.memory_space<vmem>>, vector<1x16xf32>,
      %swap3A_810 = vector.shape_cast %swap3A_809 : vector<1x16xf32> to vector<16xf32>
      %swap3A_811 = vector.shape_cast %add3A_806 : vector<16xf32> to vector<1x16xf32>
      tpu.vector_store %arg14[%swap3A_807, %swap3A_808], %swap3A_811 {strides = array<i32>} : memref<128x128xf32, #tpu.memory_space<vmem>>, vector<1x16xf32>,
      %mul3A_812 = arith.mulf %get3A_411, %gather3A_764 : vector<16xf32>
      %sub3A_813 = arith.subf %mul3A_812, %gather3A_784 : vector<16xf32>
      %mul3A_814 = arith.mulf %sub3A_813, %get3A_92 : vector<16xf32>
      %add3A_815 = arith.addf %mul3A_814, %get3A_116 : vector<16xf32>
      %swap3A_816 = arith.index_cast %add3A_371 : i32 to index
      %swap3A_817 = arith.constant 16 : index
      %swap3A_818 = tpu.vector_load %arg14[%swap3A_816, %swap3A_817] {strides = array<i32>} : memref<128x128xf32, #tpu.memory_space<vmem>>, vector<1x16xf32>,
      %swap3A_819 = vector.shape_cast %swap3A_818 : vector<1x16xf32> to vector<16xf32>
      %swap3A_820 = vector.shape_cast %add3A_815 : vector<16xf32> to vector<1x16xf32>
      tpu.vector_store %arg14[%swap3A_816, %swap3A_817], %swap3A_820 {strides = array<i32>} : memref<128x128xf32, #tpu.memory_space<vmem>>, vector<1x16xf32>,
      %mul3A_821 = arith.mulf %get3A_383, %gather3A_754 : vector<16xf32>
      %sub3A_822 = arith.subf %mul3A_821, %gather3A_774 : vector<16xf32>
      %mul3A_823 = arith.mulf %sub3A_822, %get3A_95 : vector<16xf32>
      %add3A_824 = arith.addf %mul3A_823, %get3A_119 : vector<16xf32>
      %swap3A_825 = arith.index_cast %mul3A_369 : i32 to index
      %swap3A_826 = arith.constant 32 : index
      %swap3A_827 = tpu.vector_load %arg14[%swap3A_825, %swap3A_826] {strides = array<i32>} : memref<128x128xf32, #tpu.memory_space<vmem>>, vector<1x16xf32>,
      %swap3A_828 = vector.shape_cast %swap3A_827 : vector<1x16xf32> to vector<16xf32>
      %swap3A_829 = vector.shape_cast %add3A_824 : vector<16xf32> to vector<1x16xf32>
      tpu.vector_store %arg14[%swap3A_825, %swap3A_826], %swap3A_829 {strides = array<i32>} : memref<128x128xf32, #tpu.memory_space<vmem>>, vector<1x16xf32>,
      %mul3A_830 = arith.mulf %get3A_415, %gather3A_764 : vector<16xf32>
      %sub3A_831 = arith.subf %mul3A_830, %gather3A_784 : vector<16xf32>
      %mul3A_832 = arith.mulf %sub3A_831, %get3A_95 : vector<16xf32>
      %add3A_833 = arith.addf %mul3A_832, %get3A_119 : vector<16xf32>
      %swap3A_834 = arith.index_cast %add3A_371 : i32 to index
      %swap3A_835 = arith.constant 32 : index
      %swap3A_836 = tpu.vector_load %arg14[%swap3A_834, %swap3A_835] {strides = array<i32>} : memref<128x128xf32, #tpu.memory_space<vmem>>, vector<1x16xf32>,
      %swap3A_837 = vector.shape_cast %swap3A_836 : vector<1x16xf32> to vector<16xf32>
      %swap3A_838 = vector.shape_cast %add3A_833 : vector<16xf32> to vector<1x16xf32>
      tpu.vector_store %arg14[%swap3A_834, %swap3A_835], %swap3A_838 {strides = array<i32>} : memref<128x128xf32, #tpu.memory_space<vmem>>, vector<1x16xf32>,
      %mul3A_839 = arith.mulf %get3A_387, %gather3A_754 : vector<16xf32>
      %sub3A_840 = arith.subf %mul3A_839, %gather3A_774 : vector<16xf32>
      %mul3A_841 = arith.mulf %sub3A_840, %get3A_98 : vector<16xf32>
      %add3A_842 = arith.addf %mul3A_841, %get3A_122 : vector<16xf32>
      %swap3A_843 = arith.index_cast %mul3A_369 : i32 to index
      %swap3A_844 = arith.constant 48 : index
      %swap3A_845 = tpu.vector_load %arg14[%swap3A_843, %swap3A_844] {strides = array<i32>} : memref<128x128xf32, #tpu.memory_space<vmem>>, vector<1x16xf32>,
      %swap3A_846 = vector.shape_cast %swap3A_845 : vector<1x16xf32> to vector<16xf32>
      %swap3A_847 = vector.shape_cast %add3A_842 : vector<16xf32> to vector<1x16xf32>
      tpu.vector_store %arg14[%swap3A_843, %swap3A_844], %swap3A_847 {strides = array<i32>} : memref<128x128xf32, #tpu.memory_space<vmem>>, vector<1x16xf32>,
      %mul3A_848 = arith.mulf %get3A_419, %gather3A_764 : vector<16xf32>
      %sub3A_849 = arith.subf %mul3A_848, %gather3A_784 : vector<16xf32>
      %mul3A_850 = arith.mulf %sub3A_849, %get3A_98 : vector<16xf32>
      %add3A_851 = arith.addf %mul3A_850, %get3A_122 : vector<16xf32>
      %swap3A_852 = arith.index_cast %add3A_371 : i32 to index
      %swap3A_853 = arith.constant 48 : index
      %swap3A_854 = tpu.vector_load %arg14[%swap3A_852, %swap3A_853] {strides = array<i32>} : memref<128x128xf32, #tpu.memory_space<vmem>>, vector<1x16xf32>,
      %swap3A_855 = vector.shape_cast %swap3A_854 : vector<1x16xf32> to vector<16xf32>
      %swap3A_856 = vector.shape_cast %add3A_851 : vector<16xf32> to vector<1x16xf32>
      tpu.vector_store %arg14[%swap3A_852, %swap3A_853], %swap3A_856 {strides = array<i32>} : memref<128x128xf32, #tpu.memory_space<vmem>>, vector<1x16xf32>,
      %mul3A_857 = arith.mulf %get3A_391, %gather3A_754 : vector<16xf32>
      %sub3A_858 = arith.subf %mul3A_857, %gather3A_774 : vector<16xf32>
      %mul3A_859 = arith.mulf %sub3A_858, %get3A_101 : vector<16xf32>
      %add3A_860 = arith.addf %mul3A_859, %get3A_125 : vector<16xf32>
      %swap3A_861 = arith.index_cast %mul3A_369 : i32 to index
      %swap3A_862 = arith.constant 64 : index
      %swap3A_863 = tpu.vector_load %arg14[%swap3A_861, %swap3A_862] {strides = array<i32>} : memref<128x128xf32, #tpu.memory_space<vmem>>, vector<1x16xf32>,
      %swap3A_864 = vector.shape_cast %swap3A_863 : vector<1x16xf32> to vector<16xf32>
      %swap3A_865 = vector.shape_cast %add3A_860 : vector<16xf32> to vector<1x16xf32>
      tpu.vector_store %arg14[%swap3A_861, %swap3A_862], %swap3A_865 {strides = array<i32>} : memref<128x128xf32, #tpu.memory_space<vmem>>, vector<1x16xf32>,
      %mul3A_866 = arith.mulf %get3A_423, %gather3A_764 : vector<16xf32>
      %sub3A_867 = arith.subf %mul3A_866, %gather3A_784 : vector<16xf32>
      %mul3A_868 = arith.mulf %sub3A_867, %get3A_101 : vector<16xf32>
      %add3A_869 = arith.addf %mul3A_868, %get3A_125 : vector<16xf32>
      %swap3A_870 = arith.index_cast %add3A_371 : i32 to index
      %swap3A_871 = arith.constant 64 : index
      %swap3A_872 = tpu.vector_load %arg14[%swap3A_870, %swap3A_871] {strides = array<i32>} : memref<128x128xf32, #tpu.memory_space<vmem>>, vector<1x16xf32>,
      %swap3A_873 = vector.shape_cast %swap3A_872 : vector<1x16xf32> to vector<16xf32>
      %swap3A_874 = vector.shape_cast %add3A_869 : vector<16xf32> to vector<1x16xf32>
      tpu.vector_store %arg14[%swap3A_870, %swap3A_871], %swap3A_874 {strides = array<i32>} : memref<128x128xf32, #tpu.memory_space<vmem>>, vector<1x16xf32>,
      %mul3A_875 = arith.mulf %get3A_395, %gather3A_754 : vector<16xf32>
      %sub3A_876 = arith.subf %mul3A_875, %gather3A_774 : vector<16xf32>
      %mul3A_877 = arith.mulf %sub3A_876, %get3A_104 : vector<16xf32>
      %add3A_878 = arith.addf %mul3A_877, %get3A_128 : vector<16xf32>
      %swap3A_879 = arith.index_cast %mul3A_369 : i32 to index
      %swap3A_880 = arith.constant 80 : index
      %swap3A_881 = tpu.vector_load %arg14[%swap3A_879, %swap3A_880] {strides = array<i32>} : memref<128x128xf32, #tpu.memory_space<vmem>>, vector<1x16xf32>,
      %swap3A_882 = vector.shape_cast %swap3A_881 : vector<1x16xf32> to vector<16xf32>
      %swap3A_883 = vector.shape_cast %add3A_878 : vector<16xf32> to vector<1x16xf32>
      tpu.vector_store %arg14[%swap3A_879, %swap3A_880], %swap3A_883 {strides = array<i32>} : memref<128x128xf32, #tpu.memory_space<vmem>>, vector<1x16xf32>,
      %mul3A_884 = arith.mulf %get3A_427, %gather3A_764 : vector<16xf32>
      %sub3A_885 = arith.subf %mul3A_884, %gather3A_784 : vector<16xf32>
      %mul3A_886 = arith.mulf %sub3A_885, %get3A_104 : vector<16xf32>
      %add3A_887 = arith.addf %mul3A_886, %get3A_128 : vector<16xf32>
      %swap3A_888 = arith.index_cast %add3A_371 : i32 to index
      %swap3A_889 = arith.constant 80 : index
      %swap3A_890 = tpu.vector_load %arg14[%swap3A_888, %swap3A_889] {strides = array<i32>} : memref<128x128xf32, #tpu.memory_space<vmem>>, vector<1x16xf32>,
      %swap3A_891 = vector.shape_cast %swap3A_890 : vector<1x16xf32> to vector<16xf32>
      %swap3A_892 = vector.shape_cast %add3A_887 : vector<16xf32> to vector<1x16xf32>
      tpu.vector_store %arg14[%swap3A_888, %swap3A_889], %swap3A_892 {strides = array<i32>} : memref<128x128xf32, #tpu.memory_space<vmem>>, vector<1x16xf32>,
      %mul3A_893 = arith.mulf %get3A_399, %gather3A_754 : vector<16xf32>
      %sub3A_894 = arith.subf %mul3A_893, %gather3A_774 : vector<16xf32>
      %mul3A_895 = arith.mulf %sub3A_894, %get3A_107 : vector<16xf32>
      %add3A_896 = arith.addf %mul3A_895, %get3A_131 : vector<16xf32>
      %swap3A_897 = arith.index_cast %mul3A_369 : i32 to index
      %swap3A_898 = arith.constant 96 : index
      %swap3A_899 = tpu.vector_load %arg14[%swap3A_897, %swap3A_898] {strides = array<i32>} : memref<128x128xf32, #tpu.memory_space<vmem>>, vector<1x16xf32>,
      %swap3A_900 = vector.shape_cast %swap3A_899 : vector<1x16xf32> to vector<16xf32>
      %swap3A_901 = vector.shape_cast %add3A_896 : vector<16xf32> to vector<1x16xf32>
      tpu.vector_store %arg14[%swap3A_897, %swap3A_898], %swap3A_901 {strides = array<i32>} : memref<128x128xf32, #tpu.memory_space<vmem>>, vector<1x16xf32>,
      %mul3A_902 = arith.mulf %get3A_431, %gather3A_764 : vector<16xf32>
      %sub3A_903 = arith.subf %mul3A_902, %gather3A_784 : vector<16xf32>
      %mul3A_904 = arith.mulf %sub3A_903, %get3A_107 : vector<16xf32>
      %add3A_905 = arith.addf %mul3A_904, %get3A_131 : vector<16xf32>
      %swap3A_906 = arith.index_cast %add3A_371 : i32 to index
      %swap3A_907 = arith.constant 96 : index
      %swap3A_908 = tpu.vector_load %arg14[%swap3A_906, %swap3A_907] {strides = array<i32>} : memref<128x128xf32, #tpu.memory_space<vmem>>, vector<1x16xf32>,
      %swap3A_909 = vector.shape_cast %swap3A_908 : vector<1x16xf32> to vector<16xf32>
      %swap3A_910 = vector.shape_cast %add3A_905 : vector<16xf32> to vector<1x16xf32>
      tpu.vector_store %arg14[%swap3A_906, %swap3A_907], %swap3A_910 {strides = array<i32>} : memref<128x128xf32, #tpu.memory_space<vmem>>, vector<1x16xf32>,
      %mul3A_911 = arith.mulf %get3A_403, %gather3A_754 : vector<16xf32>
      %sub3A_912 = arith.subf %mul3A_911, %gather3A_774 : vector<16xf32>
      %mul3A_913 = arith.mulf %sub3A_912, %get3A_110 : vector<16xf32>
      %add3A_914 = arith.addf %mul3A_913, %get3A_134 : vector<16xf32>
      %swap3A_915 = arith.index_cast %mul3A_369 : i32 to index
      %swap3A_916 = arith.constant 112 : index
      %swap3A_917 = tpu.vector_load %arg14[%swap3A_915, %swap3A_916] {strides = array<i32>} : memref<128x128xf32, #tpu.memory_space<vmem>>, vector<1x16xf32>,
      %swap3A_918 = vector.shape_cast %swap3A_917 : vector<1x16xf32> to vector<16xf32>
      %swap3A_919 = vector.shape_cast %add3A_914 : vector<16xf32> to vector<1x16xf32>
      tpu.vector_store %arg14[%swap3A_915, %swap3A_916], %swap3A_919 {strides = array<i32>} : memref<128x128xf32, #tpu.memory_space<vmem>>, vector<1x16xf32>,
      %mul3A_920 = arith.mulf %get3A_435, %gather3A_764 : vector<16xf32>
      %sub3A_921 = arith.subf %mul3A_920, %gather3A_784 : vector<16xf32>
      %mul3A_922 = arith.mulf %sub3A_921, %get3A_110 : vector<16xf32>
      %add3A_923 = arith.addf %mul3A_922, %get3A_134 : vector<16xf32>
      %swap3A_924 = arith.index_cast %add3A_371 : i32 to index
      %swap3A_925 = arith.constant 112 : index
      %swap3A_926 = tpu.vector_load %arg14[%swap3A_924, %swap3A_925] {strides = array<i32>} : memref<128x128xf32, #tpu.memory_space<vmem>>, vector<1x16xf32>,
      %swap3A_927 = vector.shape_cast %swap3A_926 : vector<1x16xf32> to vector<16xf32>
      %swap3A_928 = vector.shape_cast %add3A_923 : vector<16xf32> to vector<1x16xf32>
      tpu.vector_store %arg14[%swap3A_924, %swap3A_925], %swap3A_928 {strides = array<i32>} : memref<128x128xf32, #tpu.memory_space<vmem>>, vector<1x16xf32>,
    }
    %scan3A_236 = arith.constant 64 : i32
    %dma_start3A_237 = arith.constant 0 : i32
    %dma_start3A_238 = arith.constant 384 : i32
    %dma_start3A_239 = tpu.memref_slice %arg10[%dma_start3A_237, %dma_start3A_238] : memref<4x512xi32, #tpu.memory_space<vmem>> -> memref<1x128xi32, #tpu.memory_space<vmem>>
    %dma_start3A_240 = tpu.memref_squeeze %dma_start3A_239 : memref<1x128xi32, #tpu.memory_space<vmem>> -> memref<128xi32, #tpu.memory_space<vmem>>
    %dma_start3A_241 = arith.constant 0 : i32
    %dma_start3A_242 = arith.constant 0 : i32
    %dma_start3A_243 = tpu.memref_slice %arg3[%dma_start3A_241, %dma_start3A_242] : memref<100000x128xf32, #tpu.memory_space<hbm>> -> memref<100000x128xf32, #tpu.memory_space<hbm>>
    tpu.enqueue_indirect_dma source(%dma_start3A_243 : memref<100000x128xf32, #tpu.memory_space<hbm>>) target(%arg12 : memref<128x128xf32, #tpu.memory_space<vmem>>) offsets(%dma_start3A_240 : memref<128xi32, #tpu.memory_space<vmem>>) semaphore(%arg18 : memref<!tpu.dma_semaphore, #tpu.memory_space<semaphore_mem>>) {add = true}
    %dma_start3A_244 = arith.constant 1 : i32
    %dma_start3A_245 = arith.constant 384 : i32
    %dma_start3A_246 = tpu.memref_slice %arg10[%dma_start3A_244, %dma_start3A_245] : memref<4x512xi32, #tpu.memory_space<vmem>> -> memref<1x128xi32, #tpu.memory_space<vmem>>
    %dma_start3A_247 = tpu.memref_squeeze %dma_start3A_246 : memref<1x128xi32, #tpu.memory_space<vmem>> -> memref<128xi32, #tpu.memory_space<vmem>>
    %dma_start3A_248 = arith.constant 0 : i32
    %dma_start3A_249 = arith.constant 0 : i32
    %dma_start3A_250 = tpu.memref_slice %arg4[%dma_start3A_248, %dma_start3A_249] : memref<100000x128xf32, #tpu.memory_space<hbm>> -> memref<100000x128xf32, #tpu.memory_space<hbm>>
    tpu.enqueue_indirect_dma source(%dma_start3A_250 : memref<100000x128xf32, #tpu.memory_space<hbm>>) target(%arg12 : memref<128x128xf32, #tpu.memory_space<vmem>>) offsets(%dma_start3A_247 : memref<128xi32, #tpu.memory_space<vmem>>) semaphore(%arg18 : memref<!tpu.dma_semaphore, #tpu.memory_space<semaphore_mem>>) {add = true}
    %dma_start3A_251 = arith.constant 2 : i32
    %dma_start3A_252 = arith.constant 384 : i32
    %dma_start3A_253 = tpu.memref_slice %arg10[%dma_start3A_251, %dma_start3A_252] : memref<4x512xi32, #tpu.memory_space<vmem>> -> memref<1x128xi32, #tpu.memory_space<vmem>>
    %dma_start3A_254 = tpu.memref_squeeze %dma_start3A_253 : memref<1x128xi32, #tpu.memory_space<vmem>> -> memref<128xi32, #tpu.memory_space<vmem>>
    %dma_start3A_255 = arith.constant 0 : i32
    %dma_start3A_256 = arith.constant 0 : i32
    %dma_start3A_257 = tpu.memref_slice %arg5[%dma_start3A_255, %dma_start3A_256] : memref<100000x128xf32, #tpu.memory_space<hbm>> -> memref<100000x128xf32, #tpu.memory_space<hbm>>
    tpu.enqueue_indirect_dma source(%dma_start3A_257 : memref<100000x128xf32, #tpu.memory_space<hbm>>) target(%arg12 : memref<128x128xf32, #tpu.memory_space<vmem>>) offsets(%dma_start3A_254 : memref<128xi32, #tpu.memory_space<vmem>>) semaphore(%arg18 : memref<!tpu.dma_semaphore, #tpu.memory_space<semaphore_mem>>) {add = true}
    %dma_start3A_258 = arith.constant 3 : i32
    %dma_start3A_259 = arith.constant 384 : i32
    %dma_start3A_260 = tpu.memref_slice %arg10[%dma_start3A_258, %dma_start3A_259] : memref<4x512xi32, #tpu.memory_space<vmem>> -> memref<1x128xi32, #tpu.memory_space<vmem>>
    %dma_start3A_261 = tpu.memref_squeeze %dma_start3A_260 : memref<1x128xi32, #tpu.memory_space<vmem>> -> memref<128xi32, #tpu.memory_space<vmem>>
    %dma_start3A_262 = arith.constant 0 : i32
    %dma_start3A_263 = arith.constant 0 : i32
    %dma_start3A_264 = tpu.memref_slice %arg6[%dma_start3A_262, %dma_start3A_263] : memref<100000x128xf32, #tpu.memory_space<hbm>> -> memref<100000x128xf32, #tpu.memory_space<hbm>>
    tpu.enqueue_indirect_dma source(%dma_start3A_264 : memref<100000x128xf32, #tpu.memory_space<hbm>>) target(%arg12 : memref<128x128xf32, #tpu.memory_space<vmem>>) offsets(%dma_start3A_261 : memref<128xi32, #tpu.memory_space<vmem>>) semaphore(%arg18 : memref<!tpu.dma_semaphore, #tpu.memory_space<semaphore_mem>>) {add = true}
    %add3A_265 = arith.constant 128 : i32
    %add3A_266 = arith.addi %mul3A_2, %add3A_265 : i32
    %dma_start3A_267 = arith.constant 0 : i32
    %dma_start3A_268 = tpu.memref_slice %arg9[%add3A_266, %dma_start3A_267] : memref<16384x128xf32, #tpu.memory_space<hbm>> -> memref<128x128xf32, #tpu.memory_space<hbm>>
    %dma_start3A_269 = arith.constant 0 : i32
    %dma_start3A_270 = tpu.memref_slice %arg9[%add3A_266, %dma_start3A_269] : memref<16384x128xf32, #tpu.memory_space<hbm>> -> memref<128x128xf32, #tpu.memory_space<hbm>>
    tpu.enqueue_dma source(%arg14 : memref<128x128xf32, #tpu.memory_space<vmem>>) target(%dma_start3A_270 : memref<128x128xf32, #tpu.memory_space<hbm>>) target_semaphore(%arg20 : memref<!tpu.dma_semaphore, #tpu.memory_space<semaphore_mem>>)
    %dma_wait3A_271 = arith.constant 0 : i32
    %dma_wait3A_272 = arith.constant 256 : i32
    %dma_wait3A_273 = tpu.memref_slice %arg10[%dma_wait3A_271, %dma_wait3A_272] : memref<4x512xi32, #tpu.memory_space<vmem>> -> memref<1x128xi32, #tpu.memory_space<vmem>>
    %dma_wait3A_274 = tpu.memref_squeeze %dma_wait3A_273 : memref<1x128xi32, #tpu.memory_space<vmem>> -> memref<128xi32, #tpu.memory_space<vmem>>
    %dma_wait3A_275 = arith.constant 0 : i32
    %dma_wait3A_276 = arith.constant 0 : i32
    %dma_wait3A_277 = tpu.memref_slice %arg3[%dma_wait3A_275, %dma_wait3A_276] : memref<100000x128xf32, #tpu.memory_space<hbm>> -> memref<100000x128xf32, #tpu.memory_space<hbm>>
    tpu.wait_indirect_dma semaphore(%arg17 : memref<!tpu.dma_semaphore, #tpu.memory_space<semaphore_mem>>) src(%dma_wait3A_277 : memref<100000x128xf32, #tpu.memory_space<hbm>>) dst(%arg11 : memref<128x128xf32, #tpu.memory_space<vmem>>)
    %dma_wait3A_278 = arith.constant 1 : i32
    %dma_wait3A_279 = arith.constant 256 : i32
    %dma_wait3A_280 = tpu.memref_slice %arg10[%dma_wait3A_278, %dma_wait3A_279] : memref<4x512xi32, #tpu.memory_space<vmem>> -> memref<1x128xi32, #tpu.memory_space<vmem>>
    %dma_wait3A_281 = tpu.memref_squeeze %dma_wait3A_280 : memref<1x128xi32, #tpu.memory_space<vmem>> -> memref<128xi32, #tpu.memory_space<vmem>>
    %dma_wait3A_282 = arith.constant 0 : i32
    %dma_wait3A_283 = arith.constant 0 : i32
    %dma_wait3A_284 = tpu.memref_slice %arg4[%dma_wait3A_282, %dma_wait3A_283] : memref<100000x128xf32, #tpu.memory_space<hbm>> -> memref<100000x128xf32, #tpu.memory_space<hbm>>
    tpu.wait_indirect_dma semaphore(%arg17 : memref<!tpu.dma_semaphore, #tpu.memory_space<semaphore_mem>>) src(%dma_wait3A_284 : memref<100000x128xf32, #tpu.memory_space<hbm>>) dst(%arg11 : memref<128x128xf32, #tpu.memory_space<vmem>>)
    %dma_wait3A_285 = arith.constant 2 : i32
    %dma_wait3A_286 = arith.constant 256 : i32
    %dma_wait3A_287 = tpu.memref_slice %arg10[%dma_wait3A_285, %dma_wait3A_286] : memref<4x512xi32, #tpu.memory_space<vmem>> -> memref<1x128xi32, #tpu.memory_space<vmem>>
    %dma_wait3A_288 = tpu.memref_squeeze %dma_wait3A_287 : memref<1x128xi32, #tpu.memory_space<vmem>> -> memref<128xi32, #tpu.memory_space<vmem>>
    %dma_wait3A_289 = arith.constant 0 : i32
    %dma_wait3A_290 = arith.constant 0 : i32
    %dma_wait3A_291 = tpu.memref_slice %arg5[%dma_wait3A_289, %dma_wait3A_290] : memref<100000x128xf32, #tpu.memory_space<hbm>> -> memref<100000x128xf32, #tpu.memory_space<hbm>>
    tpu.wait_indirect_dma semaphore(%arg17 : memref<!tpu.dma_semaphore, #tpu.memory_space<semaphore_mem>>) src(%dma_wait3A_291 : memref<100000x128xf32, #tpu.memory_space<hbm>>) dst(%arg11 : memref<128x128xf32, #tpu.memory_space<vmem>>)
    %dma_wait3A_292 = arith.constant 3 : i32
    %dma_wait3A_293 = arith.constant 256 : i32
    %dma_wait3A_294 = tpu.memref_slice %arg10[%dma_wait3A_292, %dma_wait3A_293] : memref<4x512xi32, #tpu.memory_space<vmem>> -> memref<1x128xi32, #tpu.memory_space<vmem>>
    %dma_wait3A_295 = tpu.memref_squeeze %dma_wait3A_294 : memref<1x128xi32, #tpu.memory_space<vmem>> -> memref<128xi32, #tpu.memory_space<vmem>>
    %dma_wait3A_296 = arith.constant 0 : i32
    %dma_wait3A_297 = arith.constant 0 : i32
    %dma_wait3A_298 = tpu.memref_slice %arg6[%dma_wait3A_296, %dma_wait3A_297] : memref<100000x128xf32, #tpu.memory_space<hbm>> -> memref<100000x128xf32, #tpu.memory_space<hbm>>
    tpu.wait_indirect_dma semaphore(%arg17 : memref<!tpu.dma_semaphore, #tpu.memory_space<semaphore_mem>>) src(%dma_wait3A_298 : memref<100000x128xf32, #tpu.memory_space<hbm>>) dst(%arg11 : memref<128x128xf32, #tpu.memory_space<vmem>>)
    %dma_wait3A_299 = arith.constant 0 : i32
    %dma_wait3A_300 = tpu.memref_slice %arg9[%add3A_198, %dma_wait3A_299] : memref<16384x128xf32, #tpu.memory_space<hbm>> -> memref<128x128xf32, #tpu.memory_space<hbm>>
    %dma_wait3A_301 = arith.constant 0 : i32
    %dma_wait3A_302 = tpu.memref_slice %arg9[%add3A_198, %dma_wait3A_301] : memref<16384x128xf32, #tpu.memory_space<hbm>> -> memref<128x128xf32, #tpu.memory_space<hbm>>
    tpu.wait_dma2 semaphore(%arg19 : memref<!tpu.dma_semaphore, #tpu.memory_space<semaphore_mem>>) src(%arg13 : memref<128x128xf32, #tpu.memory_space<vmem>>) dst(%dma_wait3A_302 : memref<128x128xf32, #tpu.memory_space<hbm>>)
    %scan3A_303 = arith.constant 0 : i32
    %scan3A_304 = arith.constant 0 : i32
    %scan3A_305 = arith.constant 64 : i32
    %scan3A_306 = arith.addi %scan3A_304, %scan3A_305 : i32
    %scan3A_307 = arith.constant 1 : i32
    scf.for %scan3A_367 = %scan3A_304 to %scan3A_306 step %scan3A_307  : i32 {
      %mul3A_368 = arith.constant 2 : i32
      %mul3A_369 = arith.muli %mul3A_368, %scan3A_367 : i32
      %add3A_370 = arith.constant 1 : i32
      %add3A_371 = arith.addi %mul3A_369, %add3A_370 : i32
      %get3A_372 = arith.index_cast %mul3A_369 : i32 to index
      %get3A_373 = arith.constant 0 : index
      %get3A_374 = tpu.vector_load %arg11[%get3A_372, %get3A_373] {strides = array<i32>} : memref<128x128xf32, #tpu.memory_space<vmem>>, vector<1x16xf32>,
      %get3A_375 = vector.shape_cast %get3A_374 : vector<1x16xf32> to vector<16xf32>
      %get3A_376 = arith.index_cast %mul3A_369 : i32 to index
      %get3A_377 = arith.constant 16 : index
      %get3A_378 = tpu.vector_load %arg11[%get3A_376, %get3A_377] {strides = array<i32>} : memref<128x128xf32, #tpu.memory_space<vmem>>, vector<1x16xf32>,
      %get3A_379 = vector.shape_cast %get3A_378 : vector<1x16xf32> to vector<16xf32>
      %get3A_380 = arith.index_cast %mul3A_369 : i32 to index
      %get3A_381 = arith.constant 32 : index
      %get3A_382 = tpu.vector_load %arg11[%get3A_380, %get3A_381] {strides = array<i32>} : memref<128x128xf32, #tpu.memory_space<vmem>>, vector<1x16xf32>,
      %get3A_383 = vector.shape_cast %get3A_382 : vector<1x16xf32> to vector<16xf32>
      %get3A_384 = arith.index_cast %mul3A_369 : i32 to index
      %get3A_385 = arith.constant 48 : index
      %get3A_386 = tpu.vector_load %arg11[%get3A_384, %get3A_385] {strides = array<i32>} : memref<128x128xf32, #tpu.memory_space<vmem>>, vector<1x16xf32>,
      %get3A_387 = vector.shape_cast %get3A_386 : vector<1x16xf32> to vector<16xf32>
      %get3A_388 = arith.index_cast %mul3A_369 : i32 to index
      %get3A_389 = arith.constant 64 : index
      %get3A_390 = tpu.vector_load %arg11[%get3A_388, %get3A_389] {strides = array<i32>} : memref<128x128xf32, #tpu.memory_space<vmem>>, vector<1x16xf32>,
      %get3A_391 = vector.shape_cast %get3A_390 : vector<1x16xf32> to vector<16xf32>
      %get3A_392 = arith.index_cast %mul3A_369 : i32 to index
      %get3A_393 = arith.constant 80 : index
      %get3A_394 = tpu.vector_load %arg11[%get3A_392, %get3A_393] {strides = array<i32>} : memref<128x128xf32, #tpu.memory_space<vmem>>, vector<1x16xf32>,
      %get3A_395 = vector.shape_cast %get3A_394 : vector<1x16xf32> to vector<16xf32>
      %get3A_396 = arith.index_cast %mul3A_369 : i32 to index
      %get3A_397 = arith.constant 96 : index
      %get3A_398 = tpu.vector_load %arg11[%get3A_396, %get3A_397] {strides = array<i32>} : memref<128x128xf32, #tpu.memory_space<vmem>>, vector<1x16xf32>,
      %get3A_399 = vector.shape_cast %get3A_398 : vector<1x16xf32> to vector<16xf32>
      %get3A_400 = arith.index_cast %mul3A_369 : i32 to index
      %get3A_401 = arith.constant 112 : index
      %get3A_402 = tpu.vector_load %arg11[%get3A_400, %get3A_401] {strides = array<i32>} : memref<128x128xf32, #tpu.memory_space<vmem>>, vector<1x16xf32>,
      %get3A_403 = vector.shape_cast %get3A_402 : vector<1x16xf32> to vector<16xf32>
      %get3A_404 = arith.index_cast %add3A_371 : i32 to index
      %get3A_405 = arith.constant 0 : index
      %get3A_406 = tpu.vector_load %arg11[%get3A_404, %get3A_405] {strides = array<i32>} : memref<128x128xf32, #tpu.memory_space<vmem>>, vector<1x16xf32>,
      %get3A_407 = vector.shape_cast %get3A_406 : vector<1x16xf32> to vector<16xf32>
      %get3A_408 = arith.index_cast %add3A_371 : i32 to index
      %get3A_409 = arith.constant 16 : index
      %get3A_410 = tpu.vector_load %arg11[%get3A_408, %get3A_409] {strides = array<i32>} : memref<128x128xf32, #tpu.memory_space<vmem>>, vector<1x16xf32>,
      %get3A_411 = vector.shape_cast %get3A_410 : vector<1x16xf32> to vector<16xf32>
      %get3A_412 = arith.index_cast %add3A_371 : i32 to index
      %get3A_413 = arith.constant 32 : index
      %get3A_414 = tpu.vector_load %arg11[%get3A_412, %get3A_413] {strides = array<i32>} : memref<128x128xf32, #tpu.memory_space<vmem>>, vector<1x16xf32>,
      %get3A_415 = vector.shape_cast %get3A_414 : vector<1x16xf32> to vector<16xf32>
      %get3A_416 = arith.index_cast %add3A_371 : i32 to index
      %get3A_417 = arith.constant 48 : index
      %get3A_418 = tpu.vector_load %arg11[%get3A_416, %get3A_417] {strides = array<i32>} : memref<128x128xf32, #tpu.memory_space<vmem>>, vector<1x16xf32>,
      %get3A_419 = vector.shape_cast %get3A_418 : vector<1x16xf32> to vector<16xf32>
      %get3A_420 = arith.index_cast %add3A_371 : i32 to index
      %get3A_421 = arith.constant 64 : index
      %get3A_422 = tpu.vector_load %arg11[%get3A_420, %get3A_421] {strides = array<i32>} : memref<128x128xf32, #tpu.memory_space<vmem>>, vector<1x16xf32>,
      %get3A_423 = vector.shape_cast %get3A_422 : vector<1x16xf32> to vector<16xf32>
      %get3A_424 = arith.index_cast %add3A_371 : i32 to index
      %get3A_425 = arith.constant 80 : index
      %get3A_426 = tpu.vector_load %arg11[%get3A_424, %get3A_425] {strides = array<i32>} : memref<128x128xf32, #tpu.memory_space<vmem>>, vector<1x16xf32>,
      %get3A_427 = vector.shape_cast %get3A_426 : vector<1x16xf32> to vector<16xf32>
      %get3A_428 = arith.index_cast %add3A_371 : i32 to index
      %get3A_429 = arith.constant 96 : index
      %get3A_430 = tpu.vector_load %arg11[%get3A_428, %get3A_429] {strides = array<i32>} : memref<128x128xf32, #tpu.memory_space<vmem>>, vector<1x16xf32>,
      %get3A_431 = vector.shape_cast %get3A_430 : vector<1x16xf32> to vector<16xf32>
      %get3A_432 = arith.index_cast %add3A_371 : i32 to index
      %get3A_433 = arith.constant 112 : index
      %get3A_434 = tpu.vector_load %arg11[%get3A_432, %get3A_433] {strides = array<i32>} : memref<128x128xf32, #tpu.memory_space<vmem>>, vector<1x16xf32>,
      %get3A_435 = vector.shape_cast %get3A_434 : vector<1x16xf32> to vector<16xf32>
      %mul3A_436 = arith.mulf %get3A_375, %get3A_375 : vector<16xf32>
      %mul3A_437 = arith.mulf %get3A_407, %get3A_407 : vector<16xf32>
      %add3A_438 = arith.addf %get3A_375, %get3A_379 : vector<16xf32>
      %add3A_439 = arith.addf %get3A_407, %get3A_411 : vector<16xf32>
      %mul3A_440 = arith.mulf %get3A_379, %get3A_379 : vector<16xf32>
      %add3A_441 = arith.addf %mul3A_436, %mul3A_440 : vector<16xf32>
      %mul3A_442 = arith.mulf %get3A_411, %get3A_411 : vector<16xf32>
      %add3A_443 = arith.addf %mul3A_437, %mul3A_442 : vector<16xf32>
      %add3A_444 = arith.addf %add3A_438, %get3A_383 : vector<16xf32>
      %add3A_445 = arith.addf %add3A_439, %get3A_415 : vector<16xf32>
      %mul3A_446 = arith.mulf %get3A_383, %get3A_383 : vector<16xf32>
      %add3A_447 = arith.addf %add3A_441, %mul3A_446 : vector<16xf32>
      %mul3A_448 = arith.mulf %get3A_415, %get3A_415 : vector<16xf32>
      %add3A_449 = arith.addf %add3A_443, %mul3A_448 : vector<16xf32>
      %add3A_450 = arith.addf %add3A_444, %get3A_387 : vector<16xf32>
      %add3A_451 = arith.addf %add3A_445, %get3A_419 : vector<16xf32>
      %mul3A_452 = arith.mulf %get3A_387, %get3A_387 : vector<16xf32>
      %add3A_453 = arith.addf %add3A_447, %mul3A_452 : vector<16xf32>
      %mul3A_454 = arith.mulf %get3A_419, %get3A_419 : vector<16xf32>
      %add3A_455 = arith.addf %add3A_449, %mul3A_454 : vector<16xf32>
      %add3A_456 = arith.addf %add3A_450, %get3A_391 : vector<16xf32>
      %add3A_457 = arith.addf %add3A_451, %get3A_423 : vector<16xf32>
      %mul3A_458 = arith.mulf %get3A_391, %get3A_391 : vector<16xf32>
      %add3A_459 = arith.addf %add3A_453, %mul3A_458 : vector<16xf32>
      %mul3A_460 = arith.mulf %get3A_423, %get3A_423 : vector<16xf32>
      %add3A_461 = arith.addf %add3A_455, %mul3A_460 : vector<16xf32>
      %add3A_462 = arith.addf %add3A_456, %get3A_395 : vector<16xf32>
      %add3A_463 = arith.addf %add3A_457, %get3A_427 : vector<16xf32>
      %mul3A_464 = arith.mulf %get3A_395, %get3A_395 : vector<16xf32>
      %add3A_465 = arith.addf %add3A_459, %mul3A_464 : vector<16xf32>
      %mul3A_466 = arith.mulf %get3A_427, %get3A_427 : vector<16xf32>
      %add3A_467 = arith.addf %add3A_461, %mul3A_466 : vector<16xf32>
      %add3A_468 = arith.addf %add3A_462, %get3A_399 : vector<16xf32>
      %add3A_469 = arith.addf %add3A_463, %get3A_431 : vector<16xf32>
      %mul3A_470 = arith.mulf %get3A_399, %get3A_399 : vector<16xf32>
      %add3A_471 = arith.addf %add3A_465, %mul3A_470 : vector<16xf32>
      %mul3A_472 = arith.mulf %get3A_431, %get3A_431 : vector<16xf32>
      %add3A_473 = arith.addf %add3A_467, %mul3A_472 : vector<16xf32>
      %add3A_474 = arith.addf %add3A_468, %get3A_403 : vector<16xf32>
      %add3A_475 = arith.addf %add3A_469, %get3A_435 : vector<16xf32>
      %mul3A_476 = arith.mulf %get3A_403, %get3A_403 : vector<16xf32>
      %add3A_477 = arith.addf %add3A_471, %mul3A_476 : vector<16xf32>
      %mul3A_478 = arith.mulf %get3A_435, %get3A_435 : vector<16xf32>
      %add3A_479 = arith.addf %add3A_473, %mul3A_478 : vector<16xf32>
      %lt3A_480 = arith.constant 0 : i32
      %lt3A_481 = vector.broadcast %lt3A_480 : i32 to vector<16xi32>
      %lt3A_482 = arith.cmpi slt, %xor3A_10, %lt3A_481 : vector<16xi32>
      %add3A_483 = arith.constant 16 : i32
      %add3A_484 = vector.broadcast %add3A_483 : i32 to vector<16xi32>
      %add3A_485 = arith.addi %xor3A_10, %add3A_484 : vector<16xi32>
      %select_n3A = arith.select %lt3A_482, %add3A_485, %xor3A_10 : vector<16xi1>, vector<16xi32>
      %broadcast_in_dim3A_486 = vector.shape_cast %select_n3A : vector<16xi32> to vector<16x1xi32>
      %gather3A = vector.shape_cast %broadcast_in_dim3A_486 : vector<16x1xi32> to vector<16xi32>
      %gather3A_487 = tpu.dynamic_gather %add3A_474[%gather3A] in [0] : vector<16xf32>, vector<16xi32> -> vector<16xf32>
      %add3A_488 = arith.addf %add3A_474, %gather3A_487 : vector<16xf32>
      %lt3A_489 = arith.constant 0 : i32
      %lt3A_490 = vector.broadcast %lt3A_489 : i32 to vector<16xi32>
      %lt3A_491 = arith.cmpi slt, %xor3A_10, %lt3A_490 : vector<16xi32>
      %add3A_492 = arith.constant 16 : i32
      %add3A_493 = vector.broadcast %add3A_492 : i32 to vector<16xi32>
      %add3A_494 = arith.addi %xor3A_10, %add3A_493 : vector<16xi32>
      %select_n3A_495 = arith.select %lt3A_491, %add3A_494, %xor3A_10 : vector<16xi1>, vector<16xi32>
      %broadcast_in_dim3A_496 = vector.shape_cast %select_n3A_495 : vector<16xi32> to vector<16x1xi32>
      %gather3A_497 = vector.shape_cast %broadcast_in_dim3A_496 : vector<16x1xi32> to vector<16xi32>
      %gather3A_498 = tpu.dynamic_gather %add3A_475[%gather3A_497] in [0] : vector<16xf32>, vector<16xi32> -> vector<16xf32>
      %add3A_499 = arith.addf %add3A_475, %gather3A_498 : vector<16xf32>
      %lt3A_500 = arith.constant 0 : i32
      %lt3A_501 = vector.broadcast %lt3A_500 : i32 to vector<16xi32>
      %lt3A_502 = arith.cmpi slt, %xor3A_10, %lt3A_501 : vector<16xi32>
      %add3A_503 = arith.constant 16 : i32
      %add3A_504 = vector.broadcast %add3A_503 : i32 to vector<16xi32>
      %add3A_505 = arith.addi %xor3A_10, %add3A_504 : vector<16xi32>
      %select_n3A_506 = arith.select %lt3A_502, %add3A_505, %xor3A_10 : vector<16xi1>, vector<16xi32>
      %broadcast_in_dim3A_507 = vector.shape_cast %select_n3A_506 : vector<16xi32> to vector<16x1xi32>
      %gather3A_508 = vector.shape_cast %broadcast_in_dim3A_507 : vector<16x1xi32> to vector<16xi32>
      %gather3A_509 = tpu.dynamic_gather %add3A_477[%gather3A_508] in [0] : vector<16xf32>, vector<16xi32> -> vector<16xf32>
      %add3A_510 = arith.addf %add3A_477, %gather3A_509 : vector<16xf32>
      %lt3A_511 = arith.constant 0 : i32
      %lt3A_512 = vector.broadcast %lt3A_511 : i32 to vector<16xi32>
      %lt3A_513 = arith.cmpi slt, %xor3A_10, %lt3A_512 : vector<16xi32>
      %add3A_514 = arith.constant 16 : i32
      %add3A_515 = vector.broadcast %add3A_514 : i32 to vector<16xi32>
      %add3A_516 = arith.addi %xor3A_10, %add3A_515 : vector<16xi32>
      %select_n3A_517 = arith.select %lt3A_513, %add3A_516, %xor3A_10 : vector<16xi1>, vector<16xi32>
      %broadcast_in_dim3A_518 = vector.shape_cast %select_n3A_517 : vector<16xi32> to vector<16x1xi32>
      %gather3A_519 = vector.shape_cast %broadcast_in_dim3A_518 : vector<16x1xi32> to vector<16xi32>
      %gather3A_520 = tpu.dynamic_gather %add3A_479[%gather3A_519] in [0] : vector<16xf32>, vector<16xi32> -> vector<16xf32>
      %add3A_521 = arith.addf %add3A_479, %gather3A_520 : vector<16xf32>
      %lt3A_522 = arith.constant 0 : i32
      %lt3A_523 = vector.broadcast %lt3A_522 : i32 to vector<16xi32>
      %lt3A_524 = arith.cmpi slt, %xor3A_10, %lt3A_523 : vector<16xi32>
      %add3A_525 = arith.constant 16 : i32
      %add3A_526 = vector.broadcast %add3A_525 : i32 to vector<16xi32>
      %add3A_527 = arith.addi %xor3A_10, %add3A_526 : vector<16xi32>
      %select_n3A_528 = arith.select %lt3A_524, %add3A_527, %xor3A_10 : vector<16xi1>, vector<16xi32>
      %broadcast_in_dim3A_529 = vector.shape_cast %select_n3A_528 : vector<16xi32> to vector<16x1xi32>
      %gather3A_530 = vector.shape_cast %broadcast_in_dim3A_529 : vector<16x1xi32> to vector<16xi32>
      %gather3A_531 = tpu.dynamic_gather %add3A_499[%gather3A_530] in [0] : vector<16xf32>, vector<16xi32> -> vector<16xf32>
      %select_n3A_532 = arith.select %lt3A_8, %add3A_488, %gather3A_531 : vector<16xi1>, vector<16xf32>
      %lt3A_533 = arith.constant 0 : i32
      %lt3A_534 = vector.broadcast %lt3A_533 : i32 to vector<16xi32>
      %lt3A_535 = arith.cmpi slt, %xor3A_10, %lt3A_534 : vector<16xi32>
      %add3A_536 = arith.constant 16 : i32
      %add3A_537 = vector.broadcast %add3A_536 : i32 to vector<16xi32>
      %add3A_538 = arith.addi %xor3A_10, %add3A_537 : vector<16xi32>
      %select_n3A_539 = arith.select %lt3A_535, %add3A_538, %xor3A_10 : vector<16xi1>, vector<16xi32>
      %broadcast_in_dim3A_540 = vector.shape_cast %select_n3A_539 : vector<16xi32> to vector<16x1xi32>
      %gather3A_541 = vector.shape_cast %broadcast_in_dim3A_540 : vector<16x1xi32> to vector<16xi32>
      %gather3A_542 = tpu.dynamic_gather %add3A_521[%gather3A_541] in [0] : vector<16xf32>, vector<16xi32> -> vector<16xf32>
      %select_n3A_543 = arith.select %lt3A_8, %add3A_510, %gather3A_542 : vector<16xi1>, vector<16xf32>
      %xor3A_544 = arith.constant 4 : i32
      %xor3A_545 = vector.broadcast %xor3A_544 : i32 to vector<16xi32>
      %xor3A_546 = arith.xori %iota3A, %xor3A_545 : vector<16xi32>
      %lt3A_547 = arith.constant 0 : i32
      %lt3A_548 = vector.broadcast %lt3A_547 : i32 to vector<16xi32>
      %lt3A_549 = arith.cmpi slt, %xor3A_546, %lt3A_548 : vector<16xi32>
      %add3A_550 = arith.constant 16 : i32
      %add3A_551 = vector.broadcast %add3A_550 : i32 to vector<16xi32>
      %add3A_552 = arith.addi %xor3A_546, %add3A_551 : vector<16xi32>
      %select_n3A_553 = arith.select %lt3A_549, %add3A_552, %xor3A_546 : vector<16xi1>, vector<16xi32>
      %broadcast_in_dim3A_554 = vector.shape_cast %select_n3A_553 : vector<16xi32> to vector<16x1xi32>
      %gather3A_555 = vector.shape_cast %broadcast_in_dim3A_554 : vector<16x1xi32> to vector<16xi32>
      %gather3A_556 = tpu.dynamic_gather %select_n3A_532[%gather3A_555] in [0] : vector<16xf32>, vector<16xi32> -> vector<16xf32>
      %add3A_557 = arith.addf %select_n3A_532, %gather3A_556 : vector<16xf32>
      %xor3A_558 = arith.constant 4 : i32
      %xor3A_559 = vector.broadcast %xor3A_558 : i32 to vector<16xi32>
      %xor3A_560 = arith.xori %iota3A, %xor3A_559 : vector<16xi32>
      %lt3A_561 = arith.constant 0 : i32
      %lt3A_562 = vector.broadcast %lt3A_561 : i32 to vector<16xi32>
      %lt3A_563 = arith.cmpi slt, %xor3A_560, %lt3A_562 : vector<16xi32>
      %add3A_564 = arith.constant 16 : i32
      %add3A_565 = vector.broadcast %add3A_564 : i32 to vector<16xi32>
      %add3A_566 = arith.addi %xor3A_560, %add3A_565 : vector<16xi32>
      %select_n3A_567 = arith.select %lt3A_563, %add3A_566, %xor3A_560 : vector<16xi1>, vector<16xi32>
      %broadcast_in_dim3A_568 = vector.shape_cast %select_n3A_567 : vector<16xi32> to vector<16x1xi32>
      %gather3A_569 = vector.shape_cast %broadcast_in_dim3A_568 : vector<16x1xi32> to vector<16xi32>
      %gather3A_570 = tpu.dynamic_gather %select_n3A_543[%gather3A_569] in [0] : vector<16xf32>, vector<16xi32> -> vector<16xf32>
      %add3A_571 = arith.addf %select_n3A_543, %gather3A_570 : vector<16xf32>
      %xor3A_572 = arith.constant 2 : i32
      %xor3A_573 = vector.broadcast %xor3A_572 : i32 to vector<16xi32>
      %xor3A_574 = arith.xori %iota3A, %xor3A_573 : vector<16xi32>
      %lt3A_575 = arith.constant 0 : i32
      %lt3A_576 = vector.broadcast %lt3A_575 : i32 to vector<16xi32>
      %lt3A_577 = arith.cmpi slt, %xor3A_574, %lt3A_576 : vector<16xi32>
      %add3A_578 = arith.constant 16 : i32
      %add3A_579 = vector.broadcast %add3A_578 : i32 to vector<16xi32>
      %add3A_580 = arith.addi %xor3A_574, %add3A_579 : vector<16xi32>
      %select_n3A_581 = arith.select %lt3A_577, %add3A_580, %xor3A_574 : vector<16xi1>, vector<16xi32>
      %broadcast_in_dim3A_582 = vector.shape_cast %select_n3A_581 : vector<16xi32> to vector<16x1xi32>
      %gather3A_583 = vector.shape_cast %broadcast_in_dim3A_582 : vector<16x1xi32> to vector<16xi32>
      %gather3A_584 = tpu.dynamic_gather %add3A_557[%gather3A_583] in [0] : vector<16xf32>, vector<16xi32> -> vector<16xf32>
      %add3A_585 = arith.addf %add3A_557, %gather3A_584 : vector<16xf32>
      %xor3A_586 = arith.constant 2 : i32
      %xor3A_587 = vector.broadcast %xor3A_586 : i32 to vector<16xi32>
      %xor3A_588 = arith.xori %iota3A, %xor3A_587 : vector<16xi32>
      %lt3A_589 = arith.constant 0 : i32
      %lt3A_590 = vector.broadcast %lt3A_589 : i32 to vector<16xi32>
      %lt3A_591 = arith.cmpi slt, %xor3A_588, %lt3A_590 : vector<16xi32>
      %add3A_592 = arith.constant 16 : i32
      %add3A_593 = vector.broadcast %add3A_592 : i32 to vector<16xi32>
      %add3A_594 = arith.addi %xor3A_588, %add3A_593 : vector<16xi32>
      %select_n3A_595 = arith.select %lt3A_591, %add3A_594, %xor3A_588 : vector<16xi1>, vector<16xi32>
      %broadcast_in_dim3A_596 = vector.shape_cast %select_n3A_595 : vector<16xi32> to vector<16x1xi32>
      %gather3A_597 = vector.shape_cast %broadcast_in_dim3A_596 : vector<16x1xi32> to vector<16xi32>
      %gather3A_598 = tpu.dynamic_gather %add3A_571[%gather3A_597] in [0] : vector<16xf32>, vector<16xi32> -> vector<16xf32>
      %add3A_599 = arith.addf %add3A_571, %gather3A_598 : vector<16xf32>
      %xor3A_600 = arith.constant 1 : i32
      %xor3A_601 = vector.broadcast %xor3A_600 : i32 to vector<16xi32>
      %xor3A_602 = arith.xori %iota3A, %xor3A_601 : vector<16xi32>
      %lt3A_603 = arith.constant 0 : i32
      %lt3A_604 = vector.broadcast %lt3A_603 : i32 to vector<16xi32>
      %lt3A_605 = arith.cmpi slt, %xor3A_602, %lt3A_604 : vector<16xi32>
      %add3A_606 = arith.constant 16 : i32
      %add3A_607 = vector.broadcast %add3A_606 : i32 to vector<16xi32>
      %add3A_608 = arith.addi %xor3A_602, %add3A_607 : vector<16xi32>
      %select_n3A_609 = arith.select %lt3A_605, %add3A_608, %xor3A_602 : vector<16xi1>, vector<16xi32>
      %broadcast_in_dim3A_610 = vector.shape_cast %select_n3A_609 : vector<16xi32> to vector<16x1xi32>
      %gather3A_611 = vector.shape_cast %broadcast_in_dim3A_610 : vector<16x1xi32> to vector<16xi32>
      %gather3A_612 = tpu.dynamic_gather %add3A_585[%gather3A_611] in [0] : vector<16xf32>, vector<16xi32> -> vector<16xf32>
      %add3A_613 = arith.addf %add3A_585, %gather3A_612 : vector<16xf32>
      %xor3A_614 = arith.constant 1 : i32
      %xor3A_615 = vector.broadcast %xor3A_614 : i32 to vector<16xi32>
      %xor3A_616 = arith.xori %iota3A, %xor3A_615 : vector<16xi32>
      %lt3A_617 = arith.constant 0 : i32
      %lt3A_618 = vector.broadcast %lt3A_617 : i32 to vector<16xi32>
      %lt3A_619 = arith.cmpi slt, %xor3A_616, %lt3A_618 : vector<16xi32>
      %add3A_620 = arith.constant 16 : i32
      %add3A_621 = vector.broadcast %add3A_620 : i32 to vector<16xi32>
      %add3A_622 = arith.addi %xor3A_616, %add3A_621 : vector<16xi32>
      %select_n3A_623 = arith.select %lt3A_619, %add3A_622, %xor3A_616 : vector<16xi1>, vector<16xi32>
      %broadcast_in_dim3A_624 = vector.shape_cast %select_n3A_623 : vector<16xi32> to vector<16x1xi32>
      %gather3A_625 = vector.shape_cast %broadcast_in_dim3A_624 : vector<16x1xi32> to vector<16xi32>
      %gather3A_626 = tpu.dynamic_gather %add3A_599[%gather3A_625] in [0] : vector<16xf32>, vector<16xi32> -> vector<16xf32>
      %add3A_627 = arith.addf %add3A_599, %gather3A_626 : vector<16xf32>
      %mul3A_628 = arith.constant 7.812500e-03 : f32
      %mul3A_629 = vector.broadcast %mul3A_628 : f32 to vector<16xf32>
      %mul3A_630 = arith.mulf %add3A_613, %mul3A_629 : vector<16xf32>
      %mul3A_631 = arith.constant 7.812500e-03 : f32
      %mul3A_632 = vector.broadcast %mul3A_631 : f32 to vector<16xf32>
      %mul3A_633 = arith.mulf %add3A_627, %mul3A_632 : vector<16xf32>
      %mul3A_634 = arith.mulf %mul3A_630, %mul3A_630 : vector<16xf32>
      %sub3A = arith.subf %mul3A_633, %mul3A_634 : vector<16xf32>
      %add3A_635 = arith.constant 9.99999996E-13 : f32
      %add3A_636 = vector.broadcast %add3A_635 : f32 to vector<16xf32>
      %add3A_637 = arith.addf %sub3A, %add3A_636 : vector<16xf32>
      %bitcast_convert_type3A = tpu.bitcast %add3A_637 : vector<16xf32> -> vector<16xi32>
      %shift_right_logical3A = arith.constant 1 : i32
      %shift_right_logical3A_638 = vector.broadcast %shift_right_logical3A : i32 to vector<16xi32>
      %shift_right_logical3A_639 = arith.shrui %bitcast_convert_type3A, %shift_right_logical3A_638 : vector<16xi32>
      %sub3A_640 = arith.constant 1597463007 : i32
      %sub3A_641 = vector.broadcast %sub3A_640 : i32 to vector<16xi32>
      %sub3A_642 = arith.subi %sub3A_641, %shift_right_logical3A_639 : vector<16xi32>
      %bitcast_convert_type3A_643 = tpu.bitcast %sub3A_642 : vector<16xi32> -> vector<16xf32>
      %mul3A_644 = arith.constant 5.000000e-01 : f32
      %mul3A_645 = vector.broadcast %mul3A_644 : f32 to vector<16xf32>
      %mul3A_646 = arith.mulf %add3A_637, %mul3A_645 : vector<16xf32>
      %mul3A_647 = arith.mulf %mul3A_646, %bitcast_convert_type3A_643 : vector<16xf32>
      %mul3A_648 = arith.mulf %mul3A_647, %bitcast_convert_type3A_643 : vector<16xf32>
      %sub3A_649 = arith.constant 1.500000e+00 : f32
      %sub3A_650 = vector.broadcast %sub3A_649 : f32 to vector<16xf32>
      %sub3A_651 = arith.subf %sub3A_650, %mul3A_648 : vector<16xf32>
      %mul3A_652 = arith.mulf %bitcast_convert_type3A_643, %sub3A_651 : vector<16xf32>
      %mul3A_653 = arith.mulf %mul3A_646, %mul3A_652 : vector<16xf32>
      %mul3A_654 = arith.mulf %mul3A_653, %mul3A_652 : vector<16xf32>
      %sub3A_655 = arith.constant 1.500000e+00 : f32
      %sub3A_656 = vector.broadcast %sub3A_655 : f32 to vector<16xf32>
      %sub3A_657 = arith.subf %sub3A_656, %mul3A_654 : vector<16xf32>
      %mul3A_658 = arith.mulf %mul3A_652, %sub3A_657 : vector<16xf32>
      %mul3A_659 = arith.mulf %mul3A_646, %mul3A_658 : vector<16xf32>
      %mul3A_660 = arith.mulf %mul3A_659, %mul3A_658 : vector<16xf32>
      %sub3A_661 = arith.constant 1.500000e+00 : f32
      %sub3A_662 = vector.broadcast %sub3A_661 : f32 to vector<16xf32>
      %sub3A_663 = arith.subf %sub3A_662, %mul3A_660 : vector<16xf32>
      %mul3A_664 = arith.mulf %mul3A_658, %sub3A_663 : vector<16xf32>
      %mul3A_665 = arith.mulf %mul3A_630, %mul3A_664 : vector<16xf32>
      %lt3A_666 = arith.constant 0 : i32
      %lt3A_667 = vector.broadcast %lt3A_666 : i32 to vector<16xi32>
      %lt3A_668 = arith.cmpi slt, %and3A_12, %lt3A_667 : vector<16xi32>
      %add3A_669 = arith.constant 16 : i32
      %add3A_670 = vector.broadcast %add3A_669 : i32 to vector<16xi32>
      %add3A_671 = arith.addi %and3A_12, %add3A_670 : vector<16xi32>
      %select_n3A_672 = arith.select %lt3A_668, %add3A_671, %and3A_12 : vector<16xi1>, vector<16xi32>
      %broadcast_in_dim3A_673 = vector.shape_cast %select_n3A_672 : vector<16xi32> to vector<16x1xi32>
      %gather3A_674 = vector.shape_cast %broadcast_in_dim3A_673 : vector<16x1xi32> to vector<16xi32>
      %gather3A_675 = tpu.dynamic_gather %mul3A_664[%gather3A_674] in [0] : vector<16xf32>, vector<16xi32> -> vector<16xf32>
      %lt3A_676 = arith.constant 0 : i32
      %lt3A_677 = vector.broadcast %lt3A_676 : i32 to vector<16xi32>
      %lt3A_678 = arith.cmpi slt, %or3A_17, %lt3A_677 : vector<16xi32>
      %add3A_679 = arith.constant 16 : i32
      %add3A_680 = vector.broadcast %add3A_679 : i32 to vector<16xi32>
      %add3A_681 = arith.addi %or3A_17, %add3A_680 : vector<16xi32>
      %select_n3A_682 = arith.select %lt3A_678, %add3A_681, %or3A_17 : vector<16xi1>, vector<16xi32>
      %broadcast_in_dim3A_683 = vector.shape_cast %select_n3A_682 : vector<16xi32> to vector<16x1xi32>
      %gather3A_684 = vector.shape_cast %broadcast_in_dim3A_683 : vector<16x1xi32> to vector<16xi32>
      %gather3A_685 = tpu.dynamic_gather %mul3A_664[%gather3A_684] in [0] : vector<16xf32>, vector<16xi32> -> vector<16xf32>
      %lt3A_686 = arith.constant 0 : i32
      %lt3A_687 = vector.broadcast %lt3A_686 : i32 to vector<16xi32>
      %lt3A_688 = arith.cmpi slt, %and3A_12, %lt3A_687 : vector<16xi32>
      %add3A_689 = arith.constant 16 : i32
      %add3A_690 = vector.broadcast %add3A_689 : i32 to vector<16xi32>
      %add3A_691 = arith.addi %and3A_12, %add3A_690 : vector<16xi32>
      %select_n3A_692 = arith.select %lt3A_688, %add3A_691, %and3A_12 : vector<16xi1>, vector<16xi32>
      %broadcast_in_dim3A_693 = vector.shape_cast %select_n3A_692 : vector<16xi32> to vector<16x1xi32>
      %gather3A_694 = vector.shape_cast %broadcast_in_dim3A_693 : vector<16x1xi32> to vector<16xi32>
      %gather3A_695 = tpu.dynamic_gather %mul3A_665[%gather3A_694] in [0] : vector<16xf32>, vector<16xi32> -> vector<16xf32>
      %lt3A_696 = arith.constant 0 : i32
      %lt3A_697 = vector.broadcast %lt3A_696 : i32 to vector<16xi32>
      %lt3A_698 = arith.cmpi slt, %or3A_17, %lt3A_697 : vector<16xi32>
      %add3A_699 = arith.constant 16 : i32
      %add3A_700 = vector.broadcast %add3A_699 : i32 to vector<16xi32>
      %add3A_701 = arith.addi %or3A_17, %add3A_700 : vector<16xi32>
      %select_n3A_702 = arith.select %lt3A_698, %add3A_701, %or3A_17 : vector<16xi1>, vector<16xi32>
      %broadcast_in_dim3A_703 = vector.shape_cast %select_n3A_702 : vector<16xi32> to vector<16x1xi32>
      %gather3A_704 = vector.shape_cast %broadcast_in_dim3A_703 : vector<16x1xi32> to vector<16xi32>
      %gather3A_705 = tpu.dynamic_gather %mul3A_665[%gather3A_704] in [0] : vector<16xf32>, vector<16xi32> -> vector<16xf32>
      %mul3A_706 = arith.mulf %get3A_375, %gather3A_675 : vector<16xf32>
      %sub3A_707 = arith.subf %mul3A_706, %gather3A_695 : vector<16xf32>
      %mul3A_708 = arith.mulf %sub3A_707, %get3A_89 : vector<16xf32>
      %add3A_709 = arith.addf %mul3A_708, %get3A_113 : vector<16xf32>
      %swap3A = arith.index_cast %mul3A_369 : i32 to index
      %swap3A_710 = arith.constant 0 : index
      %swap3A_711 = tpu.vector_load %arg13[%swap3A, %swap3A_710] {strides = array<i32>} : memref<128x128xf32, #tpu.memory_space<vmem>>, vector<1x16xf32>,
      %swap3A_712 = vector.shape_cast %swap3A_711 : vector<1x16xf32> to vector<16xf32>
      %swap3A_713 = vector.shape_cast %add3A_709 : vector<16xf32> to vector<1x16xf32>
      tpu.vector_store %arg13[%swap3A, %swap3A_710], %swap3A_713 {strides = array<i32>} : memref<128x128xf32, #tpu.memory_space<vmem>>, vector<1x16xf32>,
      %mul3A_714 = arith.mulf %get3A_407, %gather3A_685 : vector<16xf32>
      %sub3A_715 = arith.subf %mul3A_714, %gather3A_705 : vector<16xf32>
      %mul3A_716 = arith.mulf %sub3A_715, %get3A_89 : vector<16xf32>
      %add3A_717 = arith.addf %mul3A_716, %get3A_113 : vector<16xf32>
      %swap3A_718 = arith.index_cast %add3A_371 : i32 to index
      %swap3A_719 = arith.constant 0 : index
      %swap3A_720 = tpu.vector_load %arg13[%swap3A_718, %swap3A_719] {strides = array<i32>} : memref<128x128xf32, #tpu.memory_space<vmem>>, vector<1x16xf32>,
      %swap3A_721 = vector.shape_cast %swap3A_720 : vector<1x16xf32> to vector<16xf32>
      %swap3A_722 = vector.shape_cast %add3A_717 : vector<16xf32> to vector<1x16xf32>
      tpu.vector_store %arg13[%swap3A_718, %swap3A_719], %swap3A_722 {strides = array<i32>} : memref<128x128xf32, #tpu.memory_space<vmem>>, vector<1x16xf32>,
      %mul3A_723 = arith.mulf %get3A_379, %gather3A_675 : vector<16xf32>
      %sub3A_724 = arith.subf %mul3A_723, %gather3A_695 : vector<16xf32>
      %mul3A_725 = arith.mulf %sub3A_724, %get3A_92 : vector<16xf32>
      %add3A_726 = arith.addf %mul3A_725, %get3A_116 : vector<16xf32>
      %swap3A_727 = arith.index_cast %mul3A_369 : i32 to index
      %swap3A_728 = arith.constant 16 : index
      %swap3A_729 = tpu.vector_load %arg13[%swap3A_727, %swap3A_728] {strides = array<i32>} : memref<128x128xf32, #tpu.memory_space<vmem>>, vector<1x16xf32>,
      %swap3A_730 = vector.shape_cast %swap3A_729 : vector<1x16xf32> to vector<16xf32>
      %swap3A_731 = vector.shape_cast %add3A_726 : vector<16xf32> to vector<1x16xf32>
      tpu.vector_store %arg13[%swap3A_727, %swap3A_728], %swap3A_731 {strides = array<i32>} : memref<128x128xf32, #tpu.memory_space<vmem>>, vector<1x16xf32>,
      %mul3A_732 = arith.mulf %get3A_411, %gather3A_685 : vector<16xf32>
      %sub3A_733 = arith.subf %mul3A_732, %gather3A_705 : vector<16xf32>
      %mul3A_734 = arith.mulf %sub3A_733, %get3A_92 : vector<16xf32>
      %add3A_735 = arith.addf %mul3A_734, %get3A_116 : vector<16xf32>
      %swap3A_736 = arith.index_cast %add3A_371 : i32 to index
      %swap3A_737 = arith.constant 16 : index
      %swap3A_738 = tpu.vector_load %arg13[%swap3A_736, %swap3A_737] {strides = array<i32>} : memref<128x128xf32, #tpu.memory_space<vmem>>, vector<1x16xf32>,
      %swap3A_739 = vector.shape_cast %swap3A_738 : vector<1x16xf32> to vector<16xf32>
      %swap3A_740 = vector.shape_cast %add3A_735 : vector<16xf32> to vector<1x16xf32>
      tpu.vector_store %arg13[%swap3A_736, %swap3A_737], %swap3A_740 {strides = array<i32>} : memref<128x128xf32, #tpu.memory_space<vmem>>, vector<1x16xf32>,
      %mul3A_741 = arith.mulf %get3A_383, %gather3A_675 : vector<16xf32>
      %sub3A_742 = arith.subf %mul3A_741, %gather3A_695 : vector<16xf32>
      %mul3A_743 = arith.mulf %sub3A_742, %get3A_95 : vector<16xf32>
      %add3A_744 = arith.addf %mul3A_743, %get3A_119 : vector<16xf32>
      %swap3A_745 = arith.index_cast %mul3A_369 : i32 to index
      %swap3A_746 = arith.constant 32 : index
      %swap3A_747 = tpu.vector_load %arg13[%swap3A_745, %swap3A_746] {strides = array<i32>} : memref<128x128xf32, #tpu.memory_space<vmem>>, vector<1x16xf32>,
      %swap3A_748 = vector.shape_cast %swap3A_747 : vector<1x16xf32> to vector<16xf32>
      %swap3A_749 = vector.shape_cast %add3A_744 : vector<16xf32> to vector<1x16xf32>
      tpu.vector_store %arg13[%swap3A_745, %swap3A_746], %swap3A_749 {strides = array<i32>} : memref<128x128xf32, #tpu.memory_space<vmem>>, vector<1x16xf32>,
      %mul3A_750 = arith.mulf %get3A_415, %gather3A_685 : vector<16xf32>
      %sub3A_751 = arith.subf %mul3A_750, %gather3A_705 : vector<16xf32>
      %mul3A_752 = arith.mulf %sub3A_751, %get3A_95 : vector<16xf32>
      %add3A_753 = arith.addf %mul3A_752, %get3A_119 : vector<16xf32>
      %swap3A_754 = arith.index_cast %add3A_371 : i32 to index
      %swap3A_755 = arith.constant 32 : index
      %swap3A_756 = tpu.vector_load %arg13[%swap3A_754, %swap3A_755] {strides = array<i32>} : memref<128x128xf32, #tpu.memory_space<vmem>>, vector<1x16xf32>,
      %swap3A_757 = vector.shape_cast %swap3A_756 : vector<1x16xf32> to vector<16xf32>
      %swap3A_758 = vector.shape_cast %add3A_753 : vector<16xf32> to vector<1x16xf32>
      tpu.vector_store %arg13[%swap3A_754, %swap3A_755], %swap3A_758 {strides = array<i32>} : memref<128x128xf32, #tpu.memory_space<vmem>>, vector<1x16xf32>,
      %mul3A_759 = arith.mulf %get3A_387, %gather3A_675 : vector<16xf32>
      %sub3A_760 = arith.subf %mul3A_759, %gather3A_695 : vector<16xf32>
      %mul3A_761 = arith.mulf %sub3A_760, %get3A_98 : vector<16xf32>
      %add3A_762 = arith.addf %mul3A_761, %get3A_122 : vector<16xf32>
      %swap3A_763 = arith.index_cast %mul3A_369 : i32 to index
      %swap3A_764 = arith.constant 48 : index
      %swap3A_765 = tpu.vector_load %arg13[%swap3A_763, %swap3A_764] {strides = array<i32>} : memref<128x128xf32, #tpu.memory_space<vmem>>, vector<1x16xf32>,
      %swap3A_766 = vector.shape_cast %swap3A_765 : vector<1x16xf32> to vector<16xf32>
      %swap3A_767 = vector.shape_cast %add3A_762 : vector<16xf32> to vector<1x16xf32>
      tpu.vector_store %arg13[%swap3A_763, %swap3A_764], %swap3A_767 {strides = array<i32>} : memref<128x128xf32, #tpu.memory_space<vmem>>, vector<1x16xf32>,
      %mul3A_768 = arith.mulf %get3A_419, %gather3A_685 : vector<16xf32>
      %sub3A_769 = arith.subf %mul3A_768, %gather3A_705 : vector<16xf32>
      %mul3A_770 = arith.mulf %sub3A_769, %get3A_98 : vector<16xf32>
      %add3A_771 = arith.addf %mul3A_770, %get3A_122 : vector<16xf32>
      %swap3A_772 = arith.index_cast %add3A_371 : i32 to index
      %swap3A_773 = arith.constant 48 : index
      %swap3A_774 = tpu.vector_load %arg13[%swap3A_772, %swap3A_773] {strides = array<i32>} : memref<128x128xf32, #tpu.memory_space<vmem>>, vector<1x16xf32>,
      %swap3A_775 = vector.shape_cast %swap3A_774 : vector<1x16xf32> to vector<16xf32>
      %swap3A_776 = vector.shape_cast %add3A_771 : vector<16xf32> to vector<1x16xf32>
      tpu.vector_store %arg13[%swap3A_772, %swap3A_773], %swap3A_776 {strides = array<i32>} : memref<128x128xf32, #tpu.memory_space<vmem>>, vector<1x16xf32>,
      %mul3A_777 = arith.mulf %get3A_391, %gather3A_675 : vector<16xf32>
      %sub3A_778 = arith.subf %mul3A_777, %gather3A_695 : vector<16xf32>
      %mul3A_779 = arith.mulf %sub3A_778, %get3A_101 : vector<16xf32>
      %add3A_780 = arith.addf %mul3A_779, %get3A_125 : vector<16xf32>
      %swap3A_781 = arith.index_cast %mul3A_369 : i32 to index
      %swap3A_782 = arith.constant 64 : index
      %swap3A_783 = tpu.vector_load %arg13[%swap3A_781, %swap3A_782] {strides = array<i32>} : memref<128x128xf32, #tpu.memory_space<vmem>>, vector<1x16xf32>,
      %swap3A_784 = vector.shape_cast %swap3A_783 : vector<1x16xf32> to vector<16xf32>
      %swap3A_785 = vector.shape_cast %add3A_780 : vector<16xf32> to vector<1x16xf32>
      tpu.vector_store %arg13[%swap3A_781, %swap3A_782], %swap3A_785 {strides = array<i32>} : memref<128x128xf32, #tpu.memory_space<vmem>>, vector<1x16xf32>,
      %mul3A_786 = arith.mulf %get3A_423, %gather3A_685 : vector<16xf32>
      %sub3A_787 = arith.subf %mul3A_786, %gather3A_705 : vector<16xf32>
      %mul3A_788 = arith.mulf %sub3A_787, %get3A_101 : vector<16xf32>
      %add3A_789 = arith.addf %mul3A_788, %get3A_125 : vector<16xf32>
      %swap3A_790 = arith.index_cast %add3A_371 : i32 to index
      %swap3A_791 = arith.constant 64 : index
      %swap3A_792 = tpu.vector_load %arg13[%swap3A_790, %swap3A_791] {strides = array<i32>} : memref<128x128xf32, #tpu.memory_space<vmem>>, vector<1x16xf32>,
      %swap3A_793 = vector.shape_cast %swap3A_792 : vector<1x16xf32> to vector<16xf32>
      %swap3A_794 = vector.shape_cast %add3A_789 : vector<16xf32> to vector<1x16xf32>
      tpu.vector_store %arg13[%swap3A_790, %swap3A_791], %swap3A_794 {strides = array<i32>} : memref<128x128xf32, #tpu.memory_space<vmem>>, vector<1x16xf32>,
      %mul3A_795 = arith.mulf %get3A_395, %gather3A_675 : vector<16xf32>
      %sub3A_796 = arith.subf %mul3A_795, %gather3A_695 : vector<16xf32>
      %mul3A_797 = arith.mulf %sub3A_796, %get3A_104 : vector<16xf32>
      %add3A_798 = arith.addf %mul3A_797, %get3A_128 : vector<16xf32>
      %swap3A_799 = arith.index_cast %mul3A_369 : i32 to index
      %swap3A_800 = arith.constant 80 : index
      %swap3A_801 = tpu.vector_load %arg13[%swap3A_799, %swap3A_800] {strides = array<i32>} : memref<128x128xf32, #tpu.memory_space<vmem>>, vector<1x16xf32>,
      %swap3A_802 = vector.shape_cast %swap3A_801 : vector<1x16xf32> to vector<16xf32>
      %swap3A_803 = vector.shape_cast %add3A_798 : vector<16xf32> to vector<1x16xf32>
      tpu.vector_store %arg13[%swap3A_799, %swap3A_800], %swap3A_803 {strides = array<i32>} : memref<128x128xf32, #tpu.memory_space<vmem>>, vector<1x16xf32>,
      %mul3A_804 = arith.mulf %get3A_427, %gather3A_685 : vector<16xf32>
      %sub3A_805 = arith.subf %mul3A_804, %gather3A_705 : vector<16xf32>
      %mul3A_806 = arith.mulf %sub3A_805, %get3A_104 : vector<16xf32>
      %add3A_807 = arith.addf %mul3A_806, %get3A_128 : vector<16xf32>
      %swap3A_808 = arith.index_cast %add3A_371 : i32 to index
      %swap3A_809 = arith.constant 80 : index
      %swap3A_810 = tpu.vector_load %arg13[%swap3A_808, %swap3A_809] {strides = array<i32>} : memref<128x128xf32, #tpu.memory_space<vmem>>, vector<1x16xf32>,
      %swap3A_811 = vector.shape_cast %swap3A_810 : vector<1x16xf32> to vector<16xf32>
      %swap3A_812 = vector.shape_cast %add3A_807 : vector<16xf32> to vector<1x16xf32>
      tpu.vector_store %arg13[%swap3A_808, %swap3A_809], %swap3A_812 {strides = array<i32>} : memref<128x128xf32, #tpu.memory_space<vmem>>, vector<1x16xf32>,
      %mul3A_813 = arith.mulf %get3A_399, %gather3A_675 : vector<16xf32>
      %sub3A_814 = arith.subf %mul3A_813, %gather3A_695 : vector<16xf32>
      %mul3A_815 = arith.mulf %sub3A_814, %get3A_107 : vector<16xf32>
      %add3A_816 = arith.addf %mul3A_815, %get3A_131 : vector<16xf32>
      %swap3A_817 = arith.index_cast %mul3A_369 : i32 to index
      %swap3A_818 = arith.constant 96 : index
      %swap3A_819 = tpu.vector_load %arg13[%swap3A_817, %swap3A_818] {strides = array<i32>} : memref<128x128xf32, #tpu.memory_space<vmem>>, vector<1x16xf32>,
      %swap3A_820 = vector.shape_cast %swap3A_819 : vector<1x16xf32> to vector<16xf32>
      %swap3A_821 = vector.shape_cast %add3A_816 : vector<16xf32> to vector<1x16xf32>
      tpu.vector_store %arg13[%swap3A_817, %swap3A_818], %swap3A_821 {strides = array<i32>} : memref<128x128xf32, #tpu.memory_space<vmem>>, vector<1x16xf32>,
      %mul3A_822 = arith.mulf %get3A_431, %gather3A_685 : vector<16xf32>
      %sub3A_823 = arith.subf %mul3A_822, %gather3A_705 : vector<16xf32>
      %mul3A_824 = arith.mulf %sub3A_823, %get3A_107 : vector<16xf32>
      %add3A_825 = arith.addf %mul3A_824, %get3A_131 : vector<16xf32>
      %swap3A_826 = arith.index_cast %add3A_371 : i32 to index
      %swap3A_827 = arith.constant 96 : index
      %swap3A_828 = tpu.vector_load %arg13[%swap3A_826, %swap3A_827] {strides = array<i32>} : memref<128x128xf32, #tpu.memory_space<vmem>>, vector<1x16xf32>,
      %swap3A_829 = vector.shape_cast %swap3A_828 : vector<1x16xf32> to vector<16xf32>
      %swap3A_830 = vector.shape_cast %add3A_825 : vector<16xf32> to vector<1x16xf32>
      tpu.vector_store %arg13[%swap3A_826, %swap3A_827], %swap3A_830 {strides = array<i32>} : memref<128x128xf32, #tpu.memory_space<vmem>>, vector<1x16xf32>,
      %mul3A_831 = arith.mulf %get3A_403, %gather3A_675 : vector<16xf32>
      %sub3A_832 = arith.subf %mul3A_831, %gather3A_695 : vector<16xf32>
      %mul3A_833 = arith.mulf %sub3A_832, %get3A_110 : vector<16xf32>
      %add3A_834 = arith.addf %mul3A_833, %get3A_134 : vector<16xf32>
      %swap3A_835 = arith.index_cast %mul3A_369 : i32 to index
      %swap3A_836 = arith.constant 112 : index
      %swap3A_837 = tpu.vector_load %arg13[%swap3A_835, %swap3A_836] {strides = array<i32>} : memref<128x128xf32, #tpu.memory_space<vmem>>, vector<1x16xf32>,
      %swap3A_838 = vector.shape_cast %swap3A_837 : vector<1x16xf32> to vector<16xf32>
      %swap3A_839 = vector.shape_cast %add3A_834 : vector<16xf32> to vector<1x16xf32>
      tpu.vector_store %arg13[%swap3A_835, %swap3A_836], %swap3A_839 {strides = array<i32>} : memref<128x128xf32, #tpu.memory_space<vmem>>, vector<1x16xf32>,
      %mul3A_840 = arith.mulf %get3A_435, %gather3A_685 : vector<16xf32>
      %sub3A_841 = arith.subf %mul3A_840, %gather3A_705 : vector<16xf32>
      %mul3A_842 = arith.mulf %sub3A_841, %get3A_110 : vector<16xf32>
      %add3A_843 = arith.addf %mul3A_842, %get3A_134 : vector<16xf32>
      %swap3A_844 = arith.index_cast %add3A_371 : i32 to index
      %swap3A_845 = arith.constant 112 : index
      %swap3A_846 = tpu.vector_load %arg13[%swap3A_844, %swap3A_845] {strides = array<i32>} : memref<128x128xf32, #tpu.memory_space<vmem>>, vector<1x16xf32>,
      %swap3A_847 = vector.shape_cast %swap3A_846 : vector<1x16xf32> to vector<16xf32>
      %swap3A_848 = vector.shape_cast %add3A_843 : vector<16xf32> to vector<1x16xf32>
      tpu.vector_store %arg13[%swap3A_844, %swap3A_845], %swap3A_848 {strides = array<i32>} : memref<128x128xf32, #tpu.memory_space<vmem>>, vector<1x16xf32>,
    }
    %scan3A_308 = arith.constant 64 : i32
    %add3A_309 = arith.constant 256 : i32
    %add3A_310 = arith.addi %mul3A_2, %add3A_309 : i32
    %dma_start3A_311 = arith.constant 0 : i32
    %dma_start3A_312 = tpu.memref_slice %arg9[%add3A_310, %dma_start3A_311] : memref<16384x128xf32, #tpu.memory_space<hbm>> -> memref<128x128xf32, #tpu.memory_space<hbm>>
    %dma_start3A_313 = arith.constant 0 : i32
    %dma_start3A_314 = tpu.memref_slice %arg9[%add3A_310, %dma_start3A_313] : memref<16384x128xf32, #tpu.memory_space<hbm>> -> memref<128x128xf32, #tpu.memory_space<hbm>>
    tpu.enqueue_dma source(%arg13 : memref<128x128xf32, #tpu.memory_space<vmem>>) target(%dma_start3A_314 : memref<128x128xf32, #tpu.memory_space<hbm>>) target_semaphore(%arg19 : memref<!tpu.dma_semaphore, #tpu.memory_space<semaphore_mem>>)
    %dma_wait3A_315 = arith.constant 0 : i32
    %dma_wait3A_316 = arith.constant 384 : i32
    %dma_wait3A_317 = tpu.memref_slice %arg10[%dma_wait3A_315, %dma_wait3A_316] : memref<4x512xi32, #tpu.memory_space<vmem>> -> memref<1x128xi32, #tpu.memory_space<vmem>>
    %dma_wait3A_318 = tpu.memref_squeeze %dma_wait3A_317 : memref<1x128xi32, #tpu.memory_space<vmem>> -> memref<128xi32, #tpu.memory_space<vmem>>
    %dma_wait3A_319 = arith.constant 0 : i32
    %dma_wait3A_320 = arith.constant 0 : i32
    %dma_wait3A_321 = tpu.memref_slice %arg3[%dma_wait3A_319, %dma_wait3A_320] : memref<100000x128xf32, #tpu.memory_space<hbm>> -> memref<100000x128xf32, #tpu.memory_space<hbm>>
    tpu.wait_indirect_dma semaphore(%arg18 : memref<!tpu.dma_semaphore, #tpu.memory_space<semaphore_mem>>) src(%dma_wait3A_321 : memref<100000x128xf32, #tpu.memory_space<hbm>>) dst(%arg12 : memref<128x128xf32, #tpu.memory_space<vmem>>)
    %dma_wait3A_322 = arith.constant 1 : i32
    %dma_wait3A_323 = arith.constant 384 : i32
    %dma_wait3A_324 = tpu.memref_slice %arg10[%dma_wait3A_322, %dma_wait3A_323] : memref<4x512xi32, #tpu.memory_space<vmem>> -> memref<1x128xi32, #tpu.memory_space<vmem>>
    %dma_wait3A_325 = tpu.memref_squeeze %dma_wait3A_324 : memref<1x128xi32, #tpu.memory_space<vmem>> -> memref<128xi32, #tpu.memory_space<vmem>>
    %dma_wait3A_326 = arith.constant 0 : i32
    %dma_wait3A_327 = arith.constant 0 : i32
    %dma_wait3A_328 = tpu.memref_slice %arg4[%dma_wait3A_326, %dma_wait3A_327] : memref<100000x128xf32, #tpu.memory_space<hbm>> -> memref<100000x128xf32, #tpu.memory_space<hbm>>
    tpu.wait_indirect_dma semaphore(%arg18 : memref<!tpu.dma_semaphore, #tpu.memory_space<semaphore_mem>>) src(%dma_wait3A_328 : memref<100000x128xf32, #tpu.memory_space<hbm>>) dst(%arg12 : memref<128x128xf32, #tpu.memory_space<vmem>>)
    %dma_wait3A_329 = arith.constant 2 : i32
    %dma_wait3A_330 = arith.constant 384 : i32
    %dma_wait3A_331 = tpu.memref_slice %arg10[%dma_wait3A_329, %dma_wait3A_330] : memref<4x512xi32, #tpu.memory_space<vmem>> -> memref<1x128xi32, #tpu.memory_space<vmem>>
    %dma_wait3A_332 = tpu.memref_squeeze %dma_wait3A_331 : memref<1x128xi32, #tpu.memory_space<vmem>> -> memref<128xi32, #tpu.memory_space<vmem>>
    %dma_wait3A_333 = arith.constant 0 : i32
    %dma_wait3A_334 = arith.constant 0 : i32
    %dma_wait3A_335 = tpu.memref_slice %arg5[%dma_wait3A_333, %dma_wait3A_334] : memref<100000x128xf32, #tpu.memory_space<hbm>> -> memref<100000x128xf32, #tpu.memory_space<hbm>>
    tpu.wait_indirect_dma semaphore(%arg18 : memref<!tpu.dma_semaphore, #tpu.memory_space<semaphore_mem>>) src(%dma_wait3A_335 : memref<100000x128xf32, #tpu.memory_space<hbm>>) dst(%arg12 : memref<128x128xf32, #tpu.memory_space<vmem>>)
    %dma_wait3A_336 = arith.constant 3 : i32
    %dma_wait3A_337 = arith.constant 384 : i32
    %dma_wait3A_338 = tpu.memref_slice %arg10[%dma_wait3A_336, %dma_wait3A_337] : memref<4x512xi32, #tpu.memory_space<vmem>> -> memref<1x128xi32, #tpu.memory_space<vmem>>
    %dma_wait3A_339 = tpu.memref_squeeze %dma_wait3A_338 : memref<1x128xi32, #tpu.memory_space<vmem>> -> memref<128xi32, #tpu.memory_space<vmem>>
    %dma_wait3A_340 = arith.constant 0 : i32
    %dma_wait3A_341 = arith.constant 0 : i32
    %dma_wait3A_342 = tpu.memref_slice %arg6[%dma_wait3A_340, %dma_wait3A_341] : memref<100000x128xf32, #tpu.memory_space<hbm>> -> memref<100000x128xf32, #tpu.memory_space<hbm>>
    tpu.wait_indirect_dma semaphore(%arg18 : memref<!tpu.dma_semaphore, #tpu.memory_space<semaphore_mem>>) src(%dma_wait3A_342 : memref<100000x128xf32, #tpu.memory_space<hbm>>) dst(%arg12 : memref<128x128xf32, #tpu.memory_space<vmem>>)
    %dma_wait3A_343 = arith.constant 0 : i32
    %dma_wait3A_344 = tpu.memref_slice %arg9[%add3A_266, %dma_wait3A_343] : memref<16384x128xf32, #tpu.memory_space<hbm>> -> memref<128x128xf32, #tpu.memory_space<hbm>>
    %dma_wait3A_345 = arith.constant 0 : i32
    %dma_wait3A_346 = tpu.memref_slice %arg9[%add3A_266, %dma_wait3A_345] : memref<16384x128xf32, #tpu.memory_space<hbm>> -> memref<128x128xf32, #tpu.memory_space<hbm>>
    tpu.wait_dma2 semaphore(%arg20 : memref<!tpu.dma_semaphore, #tpu.memory_space<semaphore_mem>>) src(%arg14 : memref<128x128xf32, #tpu.memory_space<vmem>>) dst(%dma_wait3A_346 : memref<128x128xf32, #tpu.memory_space<hbm>>)
    %scan3A_347 = arith.constant 0 : i32
    %scan3A_348 = arith.constant 0 : i32
    %scan3A_349 = arith.constant 64 : i32
    %scan3A_350 = arith.addi %scan3A_348, %scan3A_349 : i32
    %scan3A_351 = arith.constant 1 : i32
    scf.for %scan3A_367 = %scan3A_348 to %scan3A_350 step %scan3A_351  : i32 {
      %mul3A_368 = arith.constant 2 : i32
      %mul3A_369 = arith.muli %mul3A_368, %scan3A_367 : i32
      %add3A_370 = arith.constant 1 : i32
      %add3A_371 = arith.addi %mul3A_369, %add3A_370 : i32
      %get3A_372 = arith.index_cast %mul3A_369 : i32 to index
      %get3A_373 = arith.constant 0 : index
      %get3A_374 = tpu.vector_load %arg12[%get3A_372, %get3A_373] {strides = array<i32>} : memref<128x128xf32, #tpu.memory_space<vmem>>, vector<1x16xf32>,
      %get3A_375 = vector.shape_cast %get3A_374 : vector<1x16xf32> to vector<16xf32>
      %get3A_376 = arith.index_cast %mul3A_369 : i32 to index
      %get3A_377 = arith.constant 16 : index
      %get3A_378 = tpu.vector_load %arg12[%get3A_376, %get3A_377] {strides = array<i32>} : memref<128x128xf32, #tpu.memory_space<vmem>>, vector<1x16xf32>,
      %get3A_379 = vector.shape_cast %get3A_378 : vector<1x16xf32> to vector<16xf32>
      %get3A_380 = arith.index_cast %mul3A_369 : i32 to index
      %get3A_381 = arith.constant 32 : index
      %get3A_382 = tpu.vector_load %arg12[%get3A_380, %get3A_381] {strides = array<i32>} : memref<128x128xf32, #tpu.memory_space<vmem>>, vector<1x16xf32>,
      %get3A_383 = vector.shape_cast %get3A_382 : vector<1x16xf32> to vector<16xf32>
      %get3A_384 = arith.index_cast %mul3A_369 : i32 to index
      %get3A_385 = arith.constant 48 : index
      %get3A_386 = tpu.vector_load %arg12[%get3A_384, %get3A_385] {strides = array<i32>} : memref<128x128xf32, #tpu.memory_space<vmem>>, vector<1x16xf32>,
      %get3A_387 = vector.shape_cast %get3A_386 : vector<1x16xf32> to vector<16xf32>
      %get3A_388 = arith.index_cast %mul3A_369 : i32 to index
      %get3A_389 = arith.constant 64 : index
      %get3A_390 = tpu.vector_load %arg12[%get3A_388, %get3A_389] {strides = array<i32>} : memref<128x128xf32, #tpu.memory_space<vmem>>, vector<1x16xf32>,
      %get3A_391 = vector.shape_cast %get3A_390 : vector<1x16xf32> to vector<16xf32>
      %get3A_392 = arith.index_cast %mul3A_369 : i32 to index
      %get3A_393 = arith.constant 80 : index
      %get3A_394 = tpu.vector_load %arg12[%get3A_392, %get3A_393] {strides = array<i32>} : memref<128x128xf32, #tpu.memory_space<vmem>>, vector<1x16xf32>,
      %get3A_395 = vector.shape_cast %get3A_394 : vector<1x16xf32> to vector<16xf32>
      %get3A_396 = arith.index_cast %mul3A_369 : i32 to index
      %get3A_397 = arith.constant 96 : index
      %get3A_398 = tpu.vector_load %arg12[%get3A_396, %get3A_397] {strides = array<i32>} : memref<128x128xf32, #tpu.memory_space<vmem>>, vector<1x16xf32>,
      %get3A_399 = vector.shape_cast %get3A_398 : vector<1x16xf32> to vector<16xf32>
      %get3A_400 = arith.index_cast %mul3A_369 : i32 to index
      %get3A_401 = arith.constant 112 : index
      %get3A_402 = tpu.vector_load %arg12[%get3A_400, %get3A_401] {strides = array<i32>} : memref<128x128xf32, #tpu.memory_space<vmem>>, vector<1x16xf32>,
      %get3A_403 = vector.shape_cast %get3A_402 : vector<1x16xf32> to vector<16xf32>
      %get3A_404 = arith.index_cast %add3A_371 : i32 to index
      %get3A_405 = arith.constant 0 : index
      %get3A_406 = tpu.vector_load %arg12[%get3A_404, %get3A_405] {strides = array<i32>} : memref<128x128xf32, #tpu.memory_space<vmem>>, vector<1x16xf32>,
      %get3A_407 = vector.shape_cast %get3A_406 : vector<1x16xf32> to vector<16xf32>
      %get3A_408 = arith.index_cast %add3A_371 : i32 to index
      %get3A_409 = arith.constant 16 : index
      %get3A_410 = tpu.vector_load %arg12[%get3A_408, %get3A_409] {strides = array<i32>} : memref<128x128xf32, #tpu.memory_space<vmem>>, vector<1x16xf32>,
      %get3A_411 = vector.shape_cast %get3A_410 : vector<1x16xf32> to vector<16xf32>
      %get3A_412 = arith.index_cast %add3A_371 : i32 to index
      %get3A_413 = arith.constant 32 : index
      %get3A_414 = tpu.vector_load %arg12[%get3A_412, %get3A_413] {strides = array<i32>} : memref<128x128xf32, #tpu.memory_space<vmem>>, vector<1x16xf32>,
      %get3A_415 = vector.shape_cast %get3A_414 : vector<1x16xf32> to vector<16xf32>
      %get3A_416 = arith.index_cast %add3A_371 : i32 to index
      %get3A_417 = arith.constant 48 : index
      %get3A_418 = tpu.vector_load %arg12[%get3A_416, %get3A_417] {strides = array<i32>} : memref<128x128xf32, #tpu.memory_space<vmem>>, vector<1x16xf32>,
      %get3A_419 = vector.shape_cast %get3A_418 : vector<1x16xf32> to vector<16xf32>
      %get3A_420 = arith.index_cast %add3A_371 : i32 to index
      %get3A_421 = arith.constant 64 : index
      %get3A_422 = tpu.vector_load %arg12[%get3A_420, %get3A_421] {strides = array<i32>} : memref<128x128xf32, #tpu.memory_space<vmem>>, vector<1x16xf32>,
      %get3A_423 = vector.shape_cast %get3A_422 : vector<1x16xf32> to vector<16xf32>
      %get3A_424 = arith.index_cast %add3A_371 : i32 to index
      %get3A_425 = arith.constant 80 : index
      %get3A_426 = tpu.vector_load %arg12[%get3A_424, %get3A_425] {strides = array<i32>} : memref<128x128xf32, #tpu.memory_space<vmem>>, vector<1x16xf32>,
      %get3A_427 = vector.shape_cast %get3A_426 : vector<1x16xf32> to vector<16xf32>
      %get3A_428 = arith.index_cast %add3A_371 : i32 to index
      %get3A_429 = arith.constant 96 : index
      %get3A_430 = tpu.vector_load %arg12[%get3A_428, %get3A_429] {strides = array<i32>} : memref<128x128xf32, #tpu.memory_space<vmem>>, vector<1x16xf32>,
      %get3A_431 = vector.shape_cast %get3A_430 : vector<1x16xf32> to vector<16xf32>
      %get3A_432 = arith.index_cast %add3A_371 : i32 to index
      %get3A_433 = arith.constant 112 : index
      %get3A_434 = tpu.vector_load %arg12[%get3A_432, %get3A_433] {strides = array<i32>} : memref<128x128xf32, #tpu.memory_space<vmem>>, vector<1x16xf32>,
      %get3A_435 = vector.shape_cast %get3A_434 : vector<1x16xf32> to vector<16xf32>
      %mul3A_436 = arith.mulf %get3A_375, %get3A_375 : vector<16xf32>
      %mul3A_437 = arith.mulf %get3A_407, %get3A_407 : vector<16xf32>
      %add3A_438 = arith.addf %get3A_375, %get3A_379 : vector<16xf32>
      %add3A_439 = arith.addf %get3A_407, %get3A_411 : vector<16xf32>
      %mul3A_440 = arith.mulf %get3A_379, %get3A_379 : vector<16xf32>
      %add3A_441 = arith.addf %mul3A_436, %mul3A_440 : vector<16xf32>
      %mul3A_442 = arith.mulf %get3A_411, %get3A_411 : vector<16xf32>
      %add3A_443 = arith.addf %mul3A_437, %mul3A_442 : vector<16xf32>
      %add3A_444 = arith.addf %add3A_438, %get3A_383 : vector<16xf32>
      %add3A_445 = arith.addf %add3A_439, %get3A_415 : vector<16xf32>
      %mul3A_446 = arith.mulf %get3A_383, %get3A_383 : vector<16xf32>
      %add3A_447 = arith.addf %add3A_441, %mul3A_446 : vector<16xf32>
      %mul3A_448 = arith.mulf %get3A_415, %get3A_415 : vector<16xf32>
      %add3A_449 = arith.addf %add3A_443, %mul3A_448 : vector<16xf32>
      %add3A_450 = arith.addf %add3A_444, %get3A_387 : vector<16xf32>
      %add3A_451 = arith.addf %add3A_445, %get3A_419 : vector<16xf32>
      %mul3A_452 = arith.mulf %get3A_387, %get3A_387 : vector<16xf32>
      %add3A_453 = arith.addf %add3A_447, %mul3A_452 : vector<16xf32>
      %mul3A_454 = arith.mulf %get3A_419, %get3A_419 : vector<16xf32>
      %add3A_455 = arith.addf %add3A_449, %mul3A_454 : vector<16xf32>
      %add3A_456 = arith.addf %add3A_450, %get3A_391 : vector<16xf32>
      %add3A_457 = arith.addf %add3A_451, %get3A_423 : vector<16xf32>
      %mul3A_458 = arith.mulf %get3A_391, %get3A_391 : vector<16xf32>
      %add3A_459 = arith.addf %add3A_453, %mul3A_458 : vector<16xf32>
      %mul3A_460 = arith.mulf %get3A_423, %get3A_423 : vector<16xf32>
      %add3A_461 = arith.addf %add3A_455, %mul3A_460 : vector<16xf32>
      %add3A_462 = arith.addf %add3A_456, %get3A_395 : vector<16xf32>
      %add3A_463 = arith.addf %add3A_457, %get3A_427 : vector<16xf32>
      %mul3A_464 = arith.mulf %get3A_395, %get3A_395 : vector<16xf32>
      %add3A_465 = arith.addf %add3A_459, %mul3A_464 : vector<16xf32>
      %mul3A_466 = arith.mulf %get3A_427, %get3A_427 : vector<16xf32>
      %add3A_467 = arith.addf %add3A_461, %mul3A_466 : vector<16xf32>
      %add3A_468 = arith.addf %add3A_462, %get3A_399 : vector<16xf32>
      %add3A_469 = arith.addf %add3A_463, %get3A_431 : vector<16xf32>
      %mul3A_470 = arith.mulf %get3A_399, %get3A_399 : vector<16xf32>
      %add3A_471 = arith.addf %add3A_465, %mul3A_470 : vector<16xf32>
      %mul3A_472 = arith.mulf %get3A_431, %get3A_431 : vector<16xf32>
      %add3A_473 = arith.addf %add3A_467, %mul3A_472 : vector<16xf32>
      %add3A_474 = arith.addf %add3A_468, %get3A_403 : vector<16xf32>
      %add3A_475 = arith.addf %add3A_469, %get3A_435 : vector<16xf32>
      %mul3A_476 = arith.mulf %get3A_403, %get3A_403 : vector<16xf32>
      %add3A_477 = arith.addf %add3A_471, %mul3A_476 : vector<16xf32>
      %mul3A_478 = arith.mulf %get3A_435, %get3A_435 : vector<16xf32>
      %add3A_479 = arith.addf %add3A_473, %mul3A_478 : vector<16xf32>
      %lt3A_480 = arith.constant 0 : i32
      %lt3A_481 = vector.broadcast %lt3A_480 : i32 to vector<16xi32>
      %lt3A_482 = arith.cmpi slt, %xor3A_10, %lt3A_481 : vector<16xi32>
      %add3A_483 = arith.constant 16 : i32
      %add3A_484 = vector.broadcast %add3A_483 : i32 to vector<16xi32>
      %add3A_485 = arith.addi %xor3A_10, %add3A_484 : vector<16xi32>
      %select_n3A = arith.select %lt3A_482, %add3A_485, %xor3A_10 : vector<16xi1>, vector<16xi32>
      %broadcast_in_dim3A_486 = vector.shape_cast %select_n3A : vector<16xi32> to vector<16x1xi32>
      %gather3A = vector.shape_cast %broadcast_in_dim3A_486 : vector<16x1xi32> to vector<16xi32>
      %gather3A_487 = tpu.dynamic_gather %add3A_474[%gather3A] in [0] : vector<16xf32>, vector<16xi32> -> vector<16xf32>
      %add3A_488 = arith.addf %add3A_474, %gather3A_487 : vector<16xf32>
      %lt3A_489 = arith.constant 0 : i32
      %lt3A_490 = vector.broadcast %lt3A_489 : i32 to vector<16xi32>
      %lt3A_491 = arith.cmpi slt, %xor3A_10, %lt3A_490 : vector<16xi32>
      %add3A_492 = arith.constant 16 : i32
      %add3A_493 = vector.broadcast %add3A_492 : i32 to vector<16xi32>
      %add3A_494 = arith.addi %xor3A_10, %add3A_493 : vector<16xi32>
      %select_n3A_495 = arith.select %lt3A_491, %add3A_494, %xor3A_10 : vector<16xi1>, vector<16xi32>
      %broadcast_in_dim3A_496 = vector.shape_cast %select_n3A_495 : vector<16xi32> to vector<16x1xi32>
      %gather3A_497 = vector.shape_cast %broadcast_in_dim3A_496 : vector<16x1xi32> to vector<16xi32>
      %gather3A_498 = tpu.dynamic_gather %add3A_475[%gather3A_497] in [0] : vector<16xf32>, vector<16xi32> -> vector<16xf32>
      %add3A_499 = arith.addf %add3A_475, %gather3A_498 : vector<16xf32>
      %lt3A_500 = arith.constant 0 : i32
      %lt3A_501 = vector.broadcast %lt3A_500 : i32 to vector<16xi32>
      %lt3A_502 = arith.cmpi slt, %xor3A_10, %lt3A_501 : vector<16xi32>
      %add3A_503 = arith.constant 16 : i32
      %add3A_504 = vector.broadcast %add3A_503 : i32 to vector<16xi32>
      %add3A_505 = arith.addi %xor3A_10, %add3A_504 : vector<16xi32>
      %select_n3A_506 = arith.select %lt3A_502, %add3A_505, %xor3A_10 : vector<16xi1>, vector<16xi32>
      %broadcast_in_dim3A_507 = vector.shape_cast %select_n3A_506 : vector<16xi32> to vector<16x1xi32>
      %gather3A_508 = vector.shape_cast %broadcast_in_dim3A_507 : vector<16x1xi32> to vector<16xi32>
      %gather3A_509 = tpu.dynamic_gather %add3A_477[%gather3A_508] in [0] : vector<16xf32>, vector<16xi32> -> vector<16xf32>
      %add3A_510 = arith.addf %add3A_477, %gather3A_509 : vector<16xf32>
      %lt3A_511 = arith.constant 0 : i32
      %lt3A_512 = vector.broadcast %lt3A_511 : i32 to vector<16xi32>
      %lt3A_513 = arith.cmpi slt, %xor3A_10, %lt3A_512 : vector<16xi32>
      %add3A_514 = arith.constant 16 : i32
      %add3A_515 = vector.broadcast %add3A_514 : i32 to vector<16xi32>
      %add3A_516 = arith.addi %xor3A_10, %add3A_515 : vector<16xi32>
      %select_n3A_517 = arith.select %lt3A_513, %add3A_516, %xor3A_10 : vector<16xi1>, vector<16xi32>
      %broadcast_in_dim3A_518 = vector.shape_cast %select_n3A_517 : vector<16xi32> to vector<16x1xi32>
      %gather3A_519 = vector.shape_cast %broadcast_in_dim3A_518 : vector<16x1xi32> to vector<16xi32>
      %gather3A_520 = tpu.dynamic_gather %add3A_479[%gather3A_519] in [0] : vector<16xf32>, vector<16xi32> -> vector<16xf32>
      %add3A_521 = arith.addf %add3A_479, %gather3A_520 : vector<16xf32>
      %lt3A_522 = arith.constant 0 : i32
      %lt3A_523 = vector.broadcast %lt3A_522 : i32 to vector<16xi32>
      %lt3A_524 = arith.cmpi slt, %xor3A_10, %lt3A_523 : vector<16xi32>
      %add3A_525 = arith.constant 16 : i32
      %add3A_526 = vector.broadcast %add3A_525 : i32 to vector<16xi32>
      %add3A_527 = arith.addi %xor3A_10, %add3A_526 : vector<16xi32>
      %select_n3A_528 = arith.select %lt3A_524, %add3A_527, %xor3A_10 : vector<16xi1>, vector<16xi32>
      %broadcast_in_dim3A_529 = vector.shape_cast %select_n3A_528 : vector<16xi32> to vector<16x1xi32>
      %gather3A_530 = vector.shape_cast %broadcast_in_dim3A_529 : vector<16x1xi32> to vector<16xi32>
      %gather3A_531 = tpu.dynamic_gather %add3A_499[%gather3A_530] in [0] : vector<16xf32>, vector<16xi32> -> vector<16xf32>
      %select_n3A_532 = arith.select %lt3A_8, %add3A_488, %gather3A_531 : vector<16xi1>, vector<16xf32>
      %lt3A_533 = arith.constant 0 : i32
      %lt3A_534 = vector.broadcast %lt3A_533 : i32 to vector<16xi32>
      %lt3A_535 = arith.cmpi slt, %xor3A_10, %lt3A_534 : vector<16xi32>
      %add3A_536 = arith.constant 16 : i32
      %add3A_537 = vector.broadcast %add3A_536 : i32 to vector<16xi32>
      %add3A_538 = arith.addi %xor3A_10, %add3A_537 : vector<16xi32>
      %select_n3A_539 = arith.select %lt3A_535, %add3A_538, %xor3A_10 : vector<16xi1>, vector<16xi32>
      %broadcast_in_dim3A_540 = vector.shape_cast %select_n3A_539 : vector<16xi32> to vector<16x1xi32>
      %gather3A_541 = vector.shape_cast %broadcast_in_dim3A_540 : vector<16x1xi32> to vector<16xi32>
      %gather3A_542 = tpu.dynamic_gather %add3A_521[%gather3A_541] in [0] : vector<16xf32>, vector<16xi32> -> vector<16xf32>
      %select_n3A_543 = arith.select %lt3A_8, %add3A_510, %gather3A_542 : vector<16xi1>, vector<16xf32>
      %xor3A_544 = arith.constant 4 : i32
      %xor3A_545 = vector.broadcast %xor3A_544 : i32 to vector<16xi32>
      %xor3A_546 = arith.xori %iota3A, %xor3A_545 : vector<16xi32>
      %lt3A_547 = arith.constant 0 : i32
      %lt3A_548 = vector.broadcast %lt3A_547 : i32 to vector<16xi32>
      %lt3A_549 = arith.cmpi slt, %xor3A_546, %lt3A_548 : vector<16xi32>
      %add3A_550 = arith.constant 16 : i32
      %add3A_551 = vector.broadcast %add3A_550 : i32 to vector<16xi32>
      %add3A_552 = arith.addi %xor3A_546, %add3A_551 : vector<16xi32>
      %select_n3A_553 = arith.select %lt3A_549, %add3A_552, %xor3A_546 : vector<16xi1>, vector<16xi32>
      %broadcast_in_dim3A_554 = vector.shape_cast %select_n3A_553 : vector<16xi32> to vector<16x1xi32>
      %gather3A_555 = vector.shape_cast %broadcast_in_dim3A_554 : vector<16x1xi32> to vector<16xi32>
      %gather3A_556 = tpu.dynamic_gather %select_n3A_532[%gather3A_555] in [0] : vector<16xf32>, vector<16xi32> -> vector<16xf32>
      %add3A_557 = arith.addf %select_n3A_532, %gather3A_556 : vector<16xf32>
      %xor3A_558 = arith.constant 4 : i32
      %xor3A_559 = vector.broadcast %xor3A_558 : i32 to vector<16xi32>
      %xor3A_560 = arith.xori %iota3A, %xor3A_559 : vector<16xi32>
      %lt3A_561 = arith.constant 0 : i32
      %lt3A_562 = vector.broadcast %lt3A_561 : i32 to vector<16xi32>
      %lt3A_563 = arith.cmpi slt, %xor3A_560, %lt3A_562 : vector<16xi32>
      %add3A_564 = arith.constant 16 : i32
      %add3A_565 = vector.broadcast %add3A_564 : i32 to vector<16xi32>
      %add3A_566 = arith.addi %xor3A_560, %add3A_565 : vector<16xi32>
      %select_n3A_567 = arith.select %lt3A_563, %add3A_566, %xor3A_560 : vector<16xi1>, vector<16xi32>
      %broadcast_in_dim3A_568 = vector.shape_cast %select_n3A_567 : vector<16xi32> to vector<16x1xi32>
      %gather3A_569 = vector.shape_cast %broadcast_in_dim3A_568 : vector<16x1xi32> to vector<16xi32>
      %gather3A_570 = tpu.dynamic_gather %select_n3A_543[%gather3A_569] in [0] : vector<16xf32>, vector<16xi32> -> vector<16xf32>
      %add3A_571 = arith.addf %select_n3A_543, %gather3A_570 : vector<16xf32>
      %xor3A_572 = arith.constant 2 : i32
      %xor3A_573 = vector.broadcast %xor3A_572 : i32 to vector<16xi32>
      %xor3A_574 = arith.xori %iota3A, %xor3A_573 : vector<16xi32>
      %lt3A_575 = arith.constant 0 : i32
      %lt3A_576 = vector.broadcast %lt3A_575 : i32 to vector<16xi32>
      %lt3A_577 = arith.cmpi slt, %xor3A_574, %lt3A_576 : vector<16xi32>
      %add3A_578 = arith.constant 16 : i32
      %add3A_579 = vector.broadcast %add3A_578 : i32 to vector<16xi32>
      %add3A_580 = arith.addi %xor3A_574, %add3A_579 : vector<16xi32>
      %select_n3A_581 = arith.select %lt3A_577, %add3A_580, %xor3A_574 : vector<16xi1>, vector<16xi32>
      %broadcast_in_dim3A_582 = vector.shape_cast %select_n3A_581 : vector<16xi32> to vector<16x1xi32>
      %gather3A_583 = vector.shape_cast %broadcast_in_dim3A_582 : vector<16x1xi32> to vector<16xi32>
      %gather3A_584 = tpu.dynamic_gather %add3A_557[%gather3A_583] in [0] : vector<16xf32>, vector<16xi32> -> vector<16xf32>
      %add3A_585 = arith.addf %add3A_557, %gather3A_584 : vector<16xf32>
      %xor3A_586 = arith.constant 2 : i32
      %xor3A_587 = vector.broadcast %xor3A_586 : i32 to vector<16xi32>
      %xor3A_588 = arith.xori %iota3A, %xor3A_587 : vector<16xi32>
      %lt3A_589 = arith.constant 0 : i32
      %lt3A_590 = vector.broadcast %lt3A_589 : i32 to vector<16xi32>
      %lt3A_591 = arith.cmpi slt, %xor3A_588, %lt3A_590 : vector<16xi32>
      %add3A_592 = arith.constant 16 : i32
      %add3A_593 = vector.broadcast %add3A_592 : i32 to vector<16xi32>
      %add3A_594 = arith.addi %xor3A_588, %add3A_593 : vector<16xi32>
      %select_n3A_595 = arith.select %lt3A_591, %add3A_594, %xor3A_588 : vector<16xi1>, vector<16xi32>
      %broadcast_in_dim3A_596 = vector.shape_cast %select_n3A_595 : vector<16xi32> to vector<16x1xi32>
      %gather3A_597 = vector.shape_cast %broadcast_in_dim3A_596 : vector<16x1xi32> to vector<16xi32>
      %gather3A_598 = tpu.dynamic_gather %add3A_571[%gather3A_597] in [0] : vector<16xf32>, vector<16xi32> -> vector<16xf32>
      %add3A_599 = arith.addf %add3A_571, %gather3A_598 : vector<16xf32>
      %xor3A_600 = arith.constant 1 : i32
      %xor3A_601 = vector.broadcast %xor3A_600 : i32 to vector<16xi32>
      %xor3A_602 = arith.xori %iota3A, %xor3A_601 : vector<16xi32>
      %lt3A_603 = arith.constant 0 : i32
      %lt3A_604 = vector.broadcast %lt3A_603 : i32 to vector<16xi32>
      %lt3A_605 = arith.cmpi slt, %xor3A_602, %lt3A_604 : vector<16xi32>
      %add3A_606 = arith.constant 16 : i32
      %add3A_607 = vector.broadcast %add3A_606 : i32 to vector<16xi32>
      %add3A_608 = arith.addi %xor3A_602, %add3A_607 : vector<16xi32>
      %select_n3A_609 = arith.select %lt3A_605, %add3A_608, %xor3A_602 : vector<16xi1>, vector<16xi32>
      %broadcast_in_dim3A_610 = vector.shape_cast %select_n3A_609 : vector<16xi32> to vector<16x1xi32>
      %gather3A_611 = vector.shape_cast %broadcast_in_dim3A_610 : vector<16x1xi32> to vector<16xi32>
      %gather3A_612 = tpu.dynamic_gather %add3A_585[%gather3A_611] in [0] : vector<16xf32>, vector<16xi32> -> vector<16xf32>
      %add3A_613 = arith.addf %add3A_585, %gather3A_612 : vector<16xf32>
      %xor3A_614 = arith.constant 1 : i32
      %xor3A_615 = vector.broadcast %xor3A_614 : i32 to vector<16xi32>
      %xor3A_616 = arith.xori %iota3A, %xor3A_615 : vector<16xi32>
      %lt3A_617 = arith.constant 0 : i32
      %lt3A_618 = vector.broadcast %lt3A_617 : i32 to vector<16xi32>
      %lt3A_619 = arith.cmpi slt, %xor3A_616, %lt3A_618 : vector<16xi32>
      %add3A_620 = arith.constant 16 : i32
      %add3A_621 = vector.broadcast %add3A_620 : i32 to vector<16xi32>
      %add3A_622 = arith.addi %xor3A_616, %add3A_621 : vector<16xi32>
      %select_n3A_623 = arith.select %lt3A_619, %add3A_622, %xor3A_616 : vector<16xi1>, vector<16xi32>
      %broadcast_in_dim3A_624 = vector.shape_cast %select_n3A_623 : vector<16xi32> to vector<16x1xi32>
      %gather3A_625 = vector.shape_cast %broadcast_in_dim3A_624 : vector<16x1xi32> to vector<16xi32>
      %gather3A_626 = tpu.dynamic_gather %add3A_599[%gather3A_625] in [0] : vector<16xf32>, vector<16xi32> -> vector<16xf32>
      %add3A_627 = arith.addf %add3A_599, %gather3A_626 : vector<16xf32>
      %mul3A_628 = arith.constant 7.812500e-03 : f32
      %mul3A_629 = vector.broadcast %mul3A_628 : f32 to vector<16xf32>
      %mul3A_630 = arith.mulf %add3A_613, %mul3A_629 : vector<16xf32>
      %mul3A_631 = arith.constant 7.812500e-03 : f32
      %mul3A_632 = vector.broadcast %mul3A_631 : f32 to vector<16xf32>
      %mul3A_633 = arith.mulf %add3A_627, %mul3A_632 : vector<16xf32>
      %mul3A_634 = arith.mulf %mul3A_630, %mul3A_630 : vector<16xf32>
      %sub3A = arith.subf %mul3A_633, %mul3A_634 : vector<16xf32>
      %add3A_635 = arith.constant 9.99999996E-13 : f32
      %add3A_636 = vector.broadcast %add3A_635 : f32 to vector<16xf32>
      %add3A_637 = arith.addf %sub3A, %add3A_636 : vector<16xf32>
      %bitcast_convert_type3A = tpu.bitcast %add3A_637 : vector<16xf32> -> vector<16xi32>
      %shift_right_logical3A = arith.constant 1 : i32
      %shift_right_logical3A_638 = vector.broadcast %shift_right_logical3A : i32 to vector<16xi32>
      %shift_right_logical3A_639 = arith.shrui %bitcast_convert_type3A, %shift_right_logical3A_638 : vector<16xi32>
      %sub3A_640 = arith.constant 1597463007 : i32
      %sub3A_641 = vector.broadcast %sub3A_640 : i32 to vector<16xi32>
      %sub3A_642 = arith.subi %sub3A_641, %shift_right_logical3A_639 : vector<16xi32>
      %bitcast_convert_type3A_643 = tpu.bitcast %sub3A_642 : vector<16xi32> -> vector<16xf32>
      %mul3A_644 = arith.constant 5.000000e-01 : f32
      %mul3A_645 = vector.broadcast %mul3A_644 : f32 to vector<16xf32>
      %mul3A_646 = arith.mulf %add3A_637, %mul3A_645 : vector<16xf32>
      %mul3A_647 = arith.mulf %mul3A_646, %bitcast_convert_type3A_643 : vector<16xf32>
      %mul3A_648 = arith.mulf %mul3A_647, %bitcast_convert_type3A_643 : vector<16xf32>
      %sub3A_649 = arith.constant 1.500000e+00 : f32
      %sub3A_650 = vector.broadcast %sub3A_649 : f32 to vector<16xf32>
      %sub3A_651 = arith.subf %sub3A_650, %mul3A_648 : vector<16xf32>
      %mul3A_652 = arith.mulf %bitcast_convert_type3A_643, %sub3A_651 : vector<16xf32>
      %mul3A_653 = arith.mulf %mul3A_646, %mul3A_652 : vector<16xf32>
      %mul3A_654 = arith.mulf %mul3A_653, %mul3A_652 : vector<16xf32>
      %sub3A_655 = arith.constant 1.500000e+00 : f32
      %sub3A_656 = vector.broadcast %sub3A_655 : f32 to vector<16xf32>
      %sub3A_657 = arith.subf %sub3A_656, %mul3A_654 : vector<16xf32>
      %mul3A_658 = arith.mulf %mul3A_652, %sub3A_657 : vector<16xf32>
      %mul3A_659 = arith.mulf %mul3A_646, %mul3A_658 : vector<16xf32>
      %mul3A_660 = arith.mulf %mul3A_659, %mul3A_658 : vector<16xf32>
      %sub3A_661 = arith.constant 1.500000e+00 : f32
      %sub3A_662 = vector.broadcast %sub3A_661 : f32 to vector<16xf32>
      %sub3A_663 = arith.subf %sub3A_662, %mul3A_660 : vector<16xf32>
      %mul3A_664 = arith.mulf %mul3A_658, %sub3A_663 : vector<16xf32>
      %mul3A_665 = arith.mulf %mul3A_630, %mul3A_664 : vector<16xf32>
      %lt3A_666 = arith.constant 0 : i32
      %lt3A_667 = vector.broadcast %lt3A_666 : i32 to vector<16xi32>
      %lt3A_668 = arith.cmpi slt, %and3A_12, %lt3A_667 : vector<16xi32>
      %add3A_669 = arith.constant 16 : i32
      %add3A_670 = vector.broadcast %add3A_669 : i32 to vector<16xi32>
      %add3A_671 = arith.addi %and3A_12, %add3A_670 : vector<16xi32>
      %select_n3A_672 = arith.select %lt3A_668, %add3A_671, %and3A_12 : vector<16xi1>, vector<16xi32>
      %broadcast_in_dim3A_673 = vector.shape_cast %select_n3A_672 : vector<16xi32> to vector<16x1xi32>
      %gather3A_674 = vector.shape_cast %broadcast_in_dim3A_673 : vector<16x1xi32> to vector<16xi32>
      %gather3A_675 = tpu.dynamic_gather %mul3A_664[%gather3A_674] in [0] : vector<16xf32>, vector<16xi32> -> vector<16xf32>
      %lt3A_676 = arith.constant 0 : i32
      %lt3A_677 = vector.broadcast %lt3A_676 : i32 to vector<16xi32>
      %lt3A_678 = arith.cmpi slt, %or3A_17, %lt3A_677 : vector<16xi32>
      %add3A_679 = arith.constant 16 : i32
      %add3A_680 = vector.broadcast %add3A_679 : i32 to vector<16xi32>
      %add3A_681 = arith.addi %or3A_17, %add3A_680 : vector<16xi32>
      %select_n3A_682 = arith.select %lt3A_678, %add3A_681, %or3A_17 : vector<16xi1>, vector<16xi32>
      %broadcast_in_dim3A_683 = vector.shape_cast %select_n3A_682 : vector<16xi32> to vector<16x1xi32>
      %gather3A_684 = vector.shape_cast %broadcast_in_dim3A_683 : vector<16x1xi32> to vector<16xi32>
      %gather3A_685 = tpu.dynamic_gather %mul3A_664[%gather3A_684] in [0] : vector<16xf32>, vector<16xi32> -> vector<16xf32>
      %lt3A_686 = arith.constant 0 : i32
      %lt3A_687 = vector.broadcast %lt3A_686 : i32 to vector<16xi32>
      %lt3A_688 = arith.cmpi slt, %and3A_12, %lt3A_687 : vector<16xi32>
      %add3A_689 = arith.constant 16 : i32
      %add3A_690 = vector.broadcast %add3A_689 : i32 to vector<16xi32>
      %add3A_691 = arith.addi %and3A_12, %add3A_690 : vector<16xi32>
      %select_n3A_692 = arith.select %lt3A_688, %add3A_691, %and3A_12 : vector<16xi1>, vector<16xi32>
      %broadcast_in_dim3A_693 = vector.shape_cast %select_n3A_692 : vector<16xi32> to vector<16x1xi32>
      %gather3A_694 = vector.shape_cast %broadcast_in_dim3A_693 : vector<16x1xi32> to vector<16xi32>
      %gather3A_695 = tpu.dynamic_gather %mul3A_665[%gather3A_694] in [0] : vector<16xf32>, vector<16xi32> -> vector<16xf32>
      %lt3A_696 = arith.constant 0 : i32
      %lt3A_697 = vector.broadcast %lt3A_696 : i32 to vector<16xi32>
      %lt3A_698 = arith.cmpi slt, %or3A_17, %lt3A_697 : vector<16xi32>
      %add3A_699 = arith.constant 16 : i32
      %add3A_700 = vector.broadcast %add3A_699 : i32 to vector<16xi32>
      %add3A_701 = arith.addi %or3A_17, %add3A_700 : vector<16xi32>
      %select_n3A_702 = arith.select %lt3A_698, %add3A_701, %or3A_17 : vector<16xi1>, vector<16xi32>
      %broadcast_in_dim3A_703 = vector.shape_cast %select_n3A_702 : vector<16xi32> to vector<16x1xi32>
      %gather3A_704 = vector.shape_cast %broadcast_in_dim3A_703 : vector<16x1xi32> to vector<16xi32>
      %gather3A_705 = tpu.dynamic_gather %mul3A_665[%gather3A_704] in [0] : vector<16xf32>, vector<16xi32> -> vector<16xf32>
      %mul3A_706 = arith.mulf %get3A_375, %gather3A_675 : vector<16xf32>
      %sub3A_707 = arith.subf %mul3A_706, %gather3A_695 : vector<16xf32>
      %mul3A_708 = arith.mulf %sub3A_707, %get3A_89 : vector<16xf32>
      %add3A_709 = arith.addf %mul3A_708, %get3A_113 : vector<16xf32>
      %swap3A = arith.index_cast %mul3A_369 : i32 to index
      %swap3A_710 = arith.constant 0 : index
      %swap3A_711 = tpu.vector_load %arg14[%swap3A, %swap3A_710] {strides = array<i32>} : memref<128x128xf32, #tpu.memory_space<vmem>>, vector<1x16xf32>,
      %swap3A_712 = vector.shape_cast %swap3A_711 : vector<1x16xf32> to vector<16xf32>
      %swap3A_713 = vector.shape_cast %add3A_709 : vector<16xf32> to vector<1x16xf32>
      tpu.vector_store %arg14[%swap3A, %swap3A_710], %swap3A_713 {strides = array<i32>} : memref<128x128xf32, #tpu.memory_space<vmem>>, vector<1x16xf32>,
      %mul3A_714 = arith.mulf %get3A_407, %gather3A_685 : vector<16xf32>
      %sub3A_715 = arith.subf %mul3A_714, %gather3A_705 : vector<16xf32>
      %mul3A_716 = arith.mulf %sub3A_715, %get3A_89 : vector<16xf32>
      %add3A_717 = arith.addf %mul3A_716, %get3A_113 : vector<16xf32>
      %swap3A_718 = arith.index_cast %add3A_371 : i32 to index
      %swap3A_719 = arith.constant 0 : index
      %swap3A_720 = tpu.vector_load %arg14[%swap3A_718, %swap3A_719] {strides = array<i32>} : memref<128x128xf32, #tpu.memory_space<vmem>>, vector<1x16xf32>,
      %swap3A_721 = vector.shape_cast %swap3A_720 : vector<1x16xf32> to vector<16xf32>
      %swap3A_722 = vector.shape_cast %add3A_717 : vector<16xf32> to vector<1x16xf32>
      tpu.vector_store %arg14[%swap3A_718, %swap3A_719], %swap3A_722 {strides = array<i32>} : memref<128x128xf32, #tpu.memory_space<vmem>>, vector<1x16xf32>,
      %mul3A_723 = arith.mulf %get3A_379, %gather3A_675 : vector<16xf32>
      %sub3A_724 = arith.subf %mul3A_723, %gather3A_695 : vector<16xf32>
      %mul3A_725 = arith.mulf %sub3A_724, %get3A_92 : vector<16xf32>
      %add3A_726 = arith.addf %mul3A_725, %get3A_116 : vector<16xf32>
      %swap3A_727 = arith.index_cast %mul3A_369 : i32 to index
      %swap3A_728 = arith.constant 16 : index
      %swap3A_729 = tpu.vector_load %arg14[%swap3A_727, %swap3A_728] {strides = array<i32>} : memref<128x128xf32, #tpu.memory_space<vmem>>, vector<1x16xf32>,
      %swap3A_730 = vector.shape_cast %swap3A_729 : vector<1x16xf32> to vector<16xf32>
      %swap3A_731 = vector.shape_cast %add3A_726 : vector<16xf32> to vector<1x16xf32>
      tpu.vector_store %arg14[%swap3A_727, %swap3A_728], %swap3A_731 {strides = array<i32>} : memref<128x128xf32, #tpu.memory_space<vmem>>, vector<1x16xf32>,
      %mul3A_732 = arith.mulf %get3A_411, %gather3A_685 : vector<16xf32>
      %sub3A_733 = arith.subf %mul3A_732, %gather3A_705 : vector<16xf32>
      %mul3A_734 = arith.mulf %sub3A_733, %get3A_92 : vector<16xf32>
      %add3A_735 = arith.addf %mul3A_734, %get3A_116 : vector<16xf32>
      %swap3A_736 = arith.index_cast %add3A_371 : i32 to index
      %swap3A_737 = arith.constant 16 : index
      %swap3A_738 = tpu.vector_load %arg14[%swap3A_736, %swap3A_737] {strides = array<i32>} : memref<128x128xf32, #tpu.memory_space<vmem>>, vector<1x16xf32>,
      %swap3A_739 = vector.shape_cast %swap3A_738 : vector<1x16xf32> to vector<16xf32>
      %swap3A_740 = vector.shape_cast %add3A_735 : vector<16xf32> to vector<1x16xf32>
      tpu.vector_store %arg14[%swap3A_736, %swap3A_737], %swap3A_740 {strides = array<i32>} : memref<128x128xf32, #tpu.memory_space<vmem>>, vector<1x16xf32>,
      %mul3A_741 = arith.mulf %get3A_383, %gather3A_675 : vector<16xf32>
      %sub3A_742 = arith.subf %mul3A_741, %gather3A_695 : vector<16xf32>
      %mul3A_743 = arith.mulf %sub3A_742, %get3A_95 : vector<16xf32>
      %add3A_744 = arith.addf %mul3A_743, %get3A_119 : vector<16xf32>
      %swap3A_745 = arith.index_cast %mul3A_369 : i32 to index
      %swap3A_746 = arith.constant 32 : index
      %swap3A_747 = tpu.vector_load %arg14[%swap3A_745, %swap3A_746] {strides = array<i32>} : memref<128x128xf32, #tpu.memory_space<vmem>>, vector<1x16xf32>,
      %swap3A_748 = vector.shape_cast %swap3A_747 : vector<1x16xf32> to vector<16xf32>
      %swap3A_749 = vector.shape_cast %add3A_744 : vector<16xf32> to vector<1x16xf32>
      tpu.vector_store %arg14[%swap3A_745, %swap3A_746], %swap3A_749 {strides = array<i32>} : memref<128x128xf32, #tpu.memory_space<vmem>>, vector<1x16xf32>,
      %mul3A_750 = arith.mulf %get3A_415, %gather3A_685 : vector<16xf32>
      %sub3A_751 = arith.subf %mul3A_750, %gather3A_705 : vector<16xf32>
      %mul3A_752 = arith.mulf %sub3A_751, %get3A_95 : vector<16xf32>
      %add3A_753 = arith.addf %mul3A_752, %get3A_119 : vector<16xf32>
      %swap3A_754 = arith.index_cast %add3A_371 : i32 to index
      %swap3A_755 = arith.constant 32 : index
      %swap3A_756 = tpu.vector_load %arg14[%swap3A_754, %swap3A_755] {strides = array<i32>} : memref<128x128xf32, #tpu.memory_space<vmem>>, vector<1x16xf32>,
      %swap3A_757 = vector.shape_cast %swap3A_756 : vector<1x16xf32> to vector<16xf32>
      %swap3A_758 = vector.shape_cast %add3A_753 : vector<16xf32> to vector<1x16xf32>
      tpu.vector_store %arg14[%swap3A_754, %swap3A_755], %swap3A_758 {strides = array<i32>} : memref<128x128xf32, #tpu.memory_space<vmem>>, vector<1x16xf32>,
      %mul3A_759 = arith.mulf %get3A_387, %gather3A_675 : vector<16xf32>
      %sub3A_760 = arith.subf %mul3A_759, %gather3A_695 : vector<16xf32>
      %mul3A_761 = arith.mulf %sub3A_760, %get3A_98 : vector<16xf32>
      %add3A_762 = arith.addf %mul3A_761, %get3A_122 : vector<16xf32>
      %swap3A_763 = arith.index_cast %mul3A_369 : i32 to index
      %swap3A_764 = arith.constant 48 : index
      %swap3A_765 = tpu.vector_load %arg14[%swap3A_763, %swap3A_764] {strides = array<i32>} : memref<128x128xf32, #tpu.memory_space<vmem>>, vector<1x16xf32>,
      %swap3A_766 = vector.shape_cast %swap3A_765 : vector<1x16xf32> to vector<16xf32>
      %swap3A_767 = vector.shape_cast %add3A_762 : vector<16xf32> to vector<1x16xf32>
      tpu.vector_store %arg14[%swap3A_763, %swap3A_764], %swap3A_767 {strides = array<i32>} : memref<128x128xf32, #tpu.memory_space<vmem>>, vector<1x16xf32>,
      %mul3A_768 = arith.mulf %get3A_419, %gather3A_685 : vector<16xf32>
      %sub3A_769 = arith.subf %mul3A_768, %gather3A_705 : vector<16xf32>
      %mul3A_770 = arith.mulf %sub3A_769, %get3A_98 : vector<16xf32>
      %add3A_771 = arith.addf %mul3A_770, %get3A_122 : vector<16xf32>
      %swap3A_772 = arith.index_cast %add3A_371 : i32 to index
      %swap3A_773 = arith.constant 48 : index
      %swap3A_774 = tpu.vector_load %arg14[%swap3A_772, %swap3A_773] {strides = array<i32>} : memref<128x128xf32, #tpu.memory_space<vmem>>, vector<1x16xf32>,
      %swap3A_775 = vector.shape_cast %swap3A_774 : vector<1x16xf32> to vector<16xf32>
      %swap3A_776 = vector.shape_cast %add3A_771 : vector<16xf32> to vector<1x16xf32>
      tpu.vector_store %arg14[%swap3A_772, %swap3A_773], %swap3A_776 {strides = array<i32>} : memref<128x128xf32, #tpu.memory_space<vmem>>, vector<1x16xf32>,
      %mul3A_777 = arith.mulf %get3A_391, %gather3A_675 : vector<16xf32>
      %sub3A_778 = arith.subf %mul3A_777, %gather3A_695 : vector<16xf32>
      %mul3A_779 = arith.mulf %sub3A_778, %get3A_101 : vector<16xf32>
      %add3A_780 = arith.addf %mul3A_779, %get3A_125 : vector<16xf32>
      %swap3A_781 = arith.index_cast %mul3A_369 : i32 to index
      %swap3A_782 = arith.constant 64 : index
      %swap3A_783 = tpu.vector_load %arg14[%swap3A_781, %swap3A_782] {strides = array<i32>} : memref<128x128xf32, #tpu.memory_space<vmem>>, vector<1x16xf32>,
      %swap3A_784 = vector.shape_cast %swap3A_783 : vector<1x16xf32> to vector<16xf32>
      %swap3A_785 = vector.shape_cast %add3A_780 : vector<16xf32> to vector<1x16xf32>
      tpu.vector_store %arg14[%swap3A_781, %swap3A_782], %swap3A_785 {strides = array<i32>} : memref<128x128xf32, #tpu.memory_space<vmem>>, vector<1x16xf32>,
      %mul3A_786 = arith.mulf %get3A_423, %gather3A_685 : vector<16xf32>
      %sub3A_787 = arith.subf %mul3A_786, %gather3A_705 : vector<16xf32>
      %mul3A_788 = arith.mulf %sub3A_787, %get3A_101 : vector<16xf32>
      %add3A_789 = arith.addf %mul3A_788, %get3A_125 : vector<16xf32>
      %swap3A_790 = arith.index_cast %add3A_371 : i32 to index
      %swap3A_791 = arith.constant 64 : index
      %swap3A_792 = tpu.vector_load %arg14[%swap3A_790, %swap3A_791] {strides = array<i32>} : memref<128x128xf32, #tpu.memory_space<vmem>>, vector<1x16xf32>,
      %swap3A_793 = vector.shape_cast %swap3A_792 : vector<1x16xf32> to vector<16xf32>
      %swap3A_794 = vector.shape_cast %add3A_789 : vector<16xf32> to vector<1x16xf32>
      tpu.vector_store %arg14[%swap3A_790, %swap3A_791], %swap3A_794 {strides = array<i32>} : memref<128x128xf32, #tpu.memory_space<vmem>>, vector<1x16xf32>,
      %mul3A_795 = arith.mulf %get3A_395, %gather3A_675 : vector<16xf32>
      %sub3A_796 = arith.subf %mul3A_795, %gather3A_695 : vector<16xf32>
      %mul3A_797 = arith.mulf %sub3A_796, %get3A_104 : vector<16xf32>
      %add3A_798 = arith.addf %mul3A_797, %get3A_128 : vector<16xf32>
      %swap3A_799 = arith.index_cast %mul3A_369 : i32 to index
      %swap3A_800 = arith.constant 80 : index
      %swap3A_801 = tpu.vector_load %arg14[%swap3A_799, %swap3A_800] {strides = array<i32>} : memref<128x128xf32, #tpu.memory_space<vmem>>, vector<1x16xf32>,
      %swap3A_802 = vector.shape_cast %swap3A_801 : vector<1x16xf32> to vector<16xf32>
      %swap3A_803 = vector.shape_cast %add3A_798 : vector<16xf32> to vector<1x16xf32>
      tpu.vector_store %arg14[%swap3A_799, %swap3A_800], %swap3A_803 {strides = array<i32>} : memref<128x128xf32, #tpu.memory_space<vmem>>, vector<1x16xf32>,
      %mul3A_804 = arith.mulf %get3A_427, %gather3A_685 : vector<16xf32>
      %sub3A_805 = arith.subf %mul3A_804, %gather3A_705 : vector<16xf32>
      %mul3A_806 = arith.mulf %sub3A_805, %get3A_104 : vector<16xf32>
      %add3A_807 = arith.addf %mul3A_806, %get3A_128 : vector<16xf32>
      %swap3A_808 = arith.index_cast %add3A_371 : i32 to index
      %swap3A_809 = arith.constant 80 : index
      %swap3A_810 = tpu.vector_load %arg14[%swap3A_808, %swap3A_809] {strides = array<i32>} : memref<128x128xf32, #tpu.memory_space<vmem>>, vector<1x16xf32>,
      %swap3A_811 = vector.shape_cast %swap3A_810 : vector<1x16xf32> to vector<16xf32>
      %swap3A_812 = vector.shape_cast %add3A_807 : vector<16xf32> to vector<1x16xf32>
      tpu.vector_store %arg14[%swap3A_808, %swap3A_809], %swap3A_812 {strides = array<i32>} : memref<128x128xf32, #tpu.memory_space<vmem>>, vector<1x16xf32>,
      %mul3A_813 = arith.mulf %get3A_399, %gather3A_675 : vector<16xf32>
      %sub3A_814 = arith.subf %mul3A_813, %gather3A_695 : vector<16xf32>
      %mul3A_815 = arith.mulf %sub3A_814, %get3A_107 : vector<16xf32>
      %add3A_816 = arith.addf %mul3A_815, %get3A_131 : vector<16xf32>
      %swap3A_817 = arith.index_cast %mul3A_369 : i32 to index
      %swap3A_818 = arith.constant 96 : index
      %swap3A_819 = tpu.vector_load %arg14[%swap3A_817, %swap3A_818] {strides = array<i32>} : memref<128x128xf32, #tpu.memory_space<vmem>>, vector<1x16xf32>,
      %swap3A_820 = vector.shape_cast %swap3A_819 : vector<1x16xf32> to vector<16xf32>
      %swap3A_821 = vector.shape_cast %add3A_816 : vector<16xf32> to vector<1x16xf32>
      tpu.vector_store %arg14[%swap3A_817, %swap3A_818], %swap3A_821 {strides = array<i32>} : memref<128x128xf32, #tpu.memory_space<vmem>>, vector<1x16xf32>,
      %mul3A_822 = arith.mulf %get3A_431, %gather3A_685 : vector<16xf32>
      %sub3A_823 = arith.subf %mul3A_822, %gather3A_705 : vector<16xf32>
      %mul3A_824 = arith.mulf %sub3A_823, %get3A_107 : vector<16xf32>
      %add3A_825 = arith.addf %mul3A_824, %get3A_131 : vector<16xf32>
      %swap3A_826 = arith.index_cast %add3A_371 : i32 to index
      %swap3A_827 = arith.constant 96 : index
      %swap3A_828 = tpu.vector_load %arg14[%swap3A_826, %swap3A_827] {strides = array<i32>} : memref<128x128xf32, #tpu.memory_space<vmem>>, vector<1x16xf32>,
      %swap3A_829 = vector.shape_cast %swap3A_828 : vector<1x16xf32> to vector<16xf32>
      %swap3A_830 = vector.shape_cast %add3A_825 : vector<16xf32> to vector<1x16xf32>
      tpu.vector_store %arg14[%swap3A_826, %swap3A_827], %swap3A_830 {strides = array<i32>} : memref<128x128xf32, #tpu.memory_space<vmem>>, vector<1x16xf32>,
      %mul3A_831 = arith.mulf %get3A_403, %gather3A_675 : vector<16xf32>
      %sub3A_832 = arith.subf %mul3A_831, %gather3A_695 : vector<16xf32>
      %mul3A_833 = arith.mulf %sub3A_832, %get3A_110 : vector<16xf32>
      %add3A_834 = arith.addf %mul3A_833, %get3A_134 : vector<16xf32>
      %swap3A_835 = arith.index_cast %mul3A_369 : i32 to index
      %swap3A_836 = arith.constant 112 : index
      %swap3A_837 = tpu.vector_load %arg14[%swap3A_835, %swap3A_836] {strides = array<i32>} : memref<128x128xf32, #tpu.memory_space<vmem>>, vector<1x16xf32>,
      %swap3A_838 = vector.shape_cast %swap3A_837 : vector<1x16xf32> to vector<16xf32>
      %swap3A_839 = vector.shape_cast %add3A_834 : vector<16xf32> to vector<1x16xf32>
      tpu.vector_store %arg14[%swap3A_835, %swap3A_836], %swap3A_839 {strides = array<i32>} : memref<128x128xf32, #tpu.memory_space<vmem>>, vector<1x16xf32>,
      %mul3A_840 = arith.mulf %get3A_435, %gather3A_685 : vector<16xf32>
      %sub3A_841 = arith.subf %mul3A_840, %gather3A_705 : vector<16xf32>
      %mul3A_842 = arith.mulf %sub3A_841, %get3A_110 : vector<16xf32>
      %add3A_843 = arith.addf %mul3A_842, %get3A_134 : vector<16xf32>
      %swap3A_844 = arith.index_cast %add3A_371 : i32 to index
      %swap3A_845 = arith.constant 112 : index
      %swap3A_846 = tpu.vector_load %arg14[%swap3A_844, %swap3A_845] {strides = array<i32>} : memref<128x128xf32, #tpu.memory_space<vmem>>, vector<1x16xf32>,
      %swap3A_847 = vector.shape_cast %swap3A_846 : vector<1x16xf32> to vector<16xf32>
      %swap3A_848 = vector.shape_cast %add3A_843 : vector<16xf32> to vector<1x16xf32>
      tpu.vector_store %arg14[%swap3A_844, %swap3A_845], %swap3A_848 {strides = array<i32>} : memref<128x128xf32, #tpu.memory_space<vmem>>, vector<1x16xf32>,
    }
    %scan3A_352 = arith.constant 64 : i32
    %add3A_353 = arith.constant 384 : i32
    %add3A_354 = arith.addi %mul3A_2, %add3A_353 : i32
    %dma_start3A_355 = arith.constant 0 : i32
    %dma_start3A_356 = tpu.memref_slice %arg9[%add3A_354, %dma_start3A_355] : memref<16384x128xf32, #tpu.memory_space<hbm>> -> memref<128x128xf32, #tpu.memory_space<hbm>>
    %dma_start3A_357 = arith.constant 0 : i32
    %dma_start3A_358 = tpu.memref_slice %arg9[%add3A_354, %dma_start3A_357] : memref<16384x128xf32, #tpu.memory_space<hbm>> -> memref<128x128xf32, #tpu.memory_space<hbm>>
    tpu.enqueue_dma source(%arg14 : memref<128x128xf32, #tpu.memory_space<vmem>>) target(%dma_start3A_358 : memref<128x128xf32, #tpu.memory_space<hbm>>) target_semaphore(%arg20 : memref<!tpu.dma_semaphore, #tpu.memory_space<semaphore_mem>>)
    %dma_wait3A_359 = arith.constant 0 : i32
    %dma_wait3A_360 = tpu.memref_slice %arg9[%add3A_310, %dma_wait3A_359] : memref<16384x128xf32, #tpu.memory_space<hbm>> -> memref<128x128xf32, #tpu.memory_space<hbm>>
    %dma_wait3A_361 = arith.constant 0 : i32
    %dma_wait3A_362 = tpu.memref_slice %arg9[%add3A_310, %dma_wait3A_361] : memref<16384x128xf32, #tpu.memory_space<hbm>> -> memref<128x128xf32, #tpu.memory_space<hbm>>
    tpu.wait_dma2 semaphore(%arg19 : memref<!tpu.dma_semaphore, #tpu.memory_space<semaphore_mem>>) src(%arg13 : memref<128x128xf32, #tpu.memory_space<vmem>>) dst(%dma_wait3A_362 : memref<128x128xf32, #tpu.memory_space<hbm>>)
    %dma_wait3A_363 = arith.constant 0 : i32
    %dma_wait3A_364 = tpu.memref_slice %arg9[%add3A_354, %dma_wait3A_363] : memref<16384x128xf32, #tpu.memory_space<hbm>> -> memref<128x128xf32, #tpu.memory_space<hbm>>
    %dma_wait3A_365 = arith.constant 0 : i32
    %dma_wait3A_366 = tpu.memref_slice %arg9[%add3A_354, %dma_wait3A_365] : memref<16384x128xf32, #tpu.memory_space<hbm>> -> memref<128x128xf32, #tpu.memory_space<hbm>>
    tpu.wait_dma2 semaphore(%arg20 : memref<!tpu.dma_semaphore, #tpu.memory_space<semaphore_mem>>) src(%arg14 : memref<128x128xf32, #tpu.memory_space<vmem>>) dst(%dma_wait3A_366 : memref<128x128xf32, #tpu.memory_space<hbm>>)
    return
  }
}

</mosaic_0001>

<sc_bundles>
// kernel: kernel.3.cloned.1.call-start
scs
__scs_entry_jumppad:
0x0: {  	(pc) =	sbr.rel $0x88, $3  }
0x1: {  	(tag) =	ssettag $0x0;
	lr =	simm.s32 $0x1  }
0x2: {  	[smem:$0x3F9A] =	sst lr;
	_ =	strace $0xD0000000  }
0x3: {  	_ = 	snop  }
0x4: {  	_ = 	snop  }
0x5: {  	_ = 	snop  }
0x6: {  	_ = 	snop  }
0x7: {  	_ = 	snop  }
__scs_overlays_trampoline_lowered:
0x8: {  	[smem:$0x3FA9] =	sst s0  }
0x9: {  	[smem:$0x3FAA] =	sst s1  }
0xa: {  	[smem:$0x3FAB] =	sst s2  }
0xb: {  	[smem:$0x3FAC] =	sst s3  }
0xc: {  	[smem:$0x3FAD] =	sst s4  }
0xd: {  	[smem:$0x3FAE] =	sst s5  }
0xe: {  	[smem:$0x3FAF] =	sst s6  }
0xf: {  	[smem:$0x3FB0] =	sst s7  }
0x10: {  	[smem:$0x3FB1] =	sst s8  }
0x11: {  	[smem:$0x3FB2] =	sst s9;
	s0 =	simm.s32 @!p0 $0x0  }
0x12: {  	s1 =	sld [smem:$0x3F98];
	s0 =	simm.s32 @p0 $0x1  }
0x13: {  	[smem:$0x3FB3] =	sst s0;
	s0 =	simm.s32 @!p1 $0x0  }
0x14: {  	s2 =	sld [smem:$0x3F97];
	s0 =	simm.s32 @p1 $0x1  }
0x15: {  	[smem:$0x3FB4] =	sst s0;
	s0 =	simm.s32 @!p2 $0x0  }
0x16: {  	s3 =	sld [smem:$0x3FDB];
	s0 =	simm.s32 @p2 $0x1  }
0x17: {  	s4 =	simm.s32 $0x1BF5;
	[smem:$0x3FB6] =	sst s0  }
0x18: {  	s0 =	sld [smem:$0x3F99];
	_ =	swait.ge [sflag:s4], $0x0  }
0x19: {  	s7 =	sld [smem:$0x3F9A]  }
0x1a: {  	s8 =	sadd.s32 $0xFFFFE003, lr  }
0x1b: {  	s9 =	sadd.s32 $0xFFFFFEF7, lr;
	s5 =	simm.s32 $0xFFFFFFFF;
	p2 =	slt.u32 s8, $0xFFFFF086  }
0x1c: {  	p1 =	slt.u32 s9, $0xF7A;
	s5 =	simm.s32 @!p2 $0x0  }
0x1d: {  	s5 =	simm.s32 @p1 $0x1;
	p0 =	seq.s32 s7, s2  }
0x1e: {  	s7 =	smul.u32 @!p0 $0xF7A, s2;
	p2 =	seq.s32 @!p0 s5, $0x0  }
0x1f: {  	s9 =	smul.u32 $0xF7A, s1;
	s8 =	simm.s32 @!p0 $0x1BF5;
	p2 =	por !p2, p0  }
0x20: {  	[sflag:s8] =	ssyncset.s32 @!p0 $0xFFFFF086;
	s6 =	sadd.s32 @!p0 s3, s7;
	s7 =	simm.s32 @!p0 $0x108  }
0x21: {  	s3 =	sadd.s32 s3, s9;
	s6 =	sadd.s32 @!p0 $0x88, s6;
	s7 =	simm.s32 @p2 $0x1082  }
0x22: {  	[simem:s7], [sflag:s8] =	dma.local @!p0 [hbm:s6], $0xF7A  }
0x23: {  	s9 =	sor.u32 $0xD0000000, s2;
	s6 =	simm.s32 $0x108;
	_ =	swait.ge @!p0 [sflag:s8], $0x0  }
0x24: {  	s3 =	sadd.s32 $0x88, s3;
	s6 =	simm.s32 @!p1 $0x1082;
	[sflag:s4] =	ssyncset.s32 $0xFFFFF086  }
0x25: {  	[simem:s6], [sflag:s4] =	dma.local [hbm:s3], $0xF7A  }
0x26: {  	[smem:$0x3F9A] =	sst s1;
	(tag) =	ssettag s2;
	_ =	strace s9  }
0x27: {  	s1 =	sld [smem:$0x3FAA]  }
0x28: {  	s2 =	sld [smem:$0x3FAB]  }
0x29: {  	s4 =	sld [smem:$0x3FAD]  }
0x2a: {  	p0 =	seq.s32 s5, $0x0;
	s5 =	sld [smem:$0x3FAE]  }
0x2b: {  	s6 =	sld [smem:$0x3FAF]  }
0x2c: {  	s7 =	sld [smem:$0x3FB0]  }
0x2d: {  	s3 =	simm.s32 $0x108;
	s8 =	sld [smem:$0x3FB1]  }
0x2e: {  	s3 =	simm.s32 @!p0 $0x1082;
	s9 =	sld [smem:$0x3FB2]  }
0x2f: {  	lr =	sadd.s32 s0, s3;
	s0 =	sld [smem:$0x3FA9]  }
0x30: {  	s3 =	sld [smem:$0x3FAC]  }
0x31: {  	[smem:$0x3FB5] =	sst s10  }
0x32: {  	s10 =	sld [smem:$0x3FB3];
	_ =	sdelay $0x3  }
0x33: {  	p0 =	seq.s32 s10, $0x1;
	s10 =	sld [smem:$0x3FB5];
	_ =	sdelay $0x3  }
0x34: {  	[smem:$0x3FB5] =	sst s10  }
0x35: {  	s10 =	sld [smem:$0x3FB4];
	_ =	sdelay $0x3  }
0x36: {  	p1 =	seq.s32 s10, $0x1;
	s10 =	sld [smem:$0x3FB5];
	_ =	sdelay $0x3  }
0x37: {  	[smem:$0x3FB5] =	sst s10  }
0x38: {  	s10 =	sld [smem:$0x3FB6]  }
0x39: {  	_ = 	snop;
	(pc) =	sbr.ind lr, $3  }
0x3a: {  	_ = 	snop  }
0x3b: {  	_ = 	snop  }
0x3c: {  	p2 =	seq.s32 s10, $0x1;
	s10 =	sld [smem:$0x3FB5]  }
0x3d: {  	_ =	shalt  }
0x3e: {  	_ =	shalt  }
0x3f: {  	_ =	shalt  }
0x40: {  	_ =	shalt  }
0x41: {  	_ =	shalt  }
0x42: {  	_ =	shalt  }
0x43: {  	_ =	shalt  }
0x44: {  	_ =	shalt  }
0x45: {  	_ =	shalt  }
0x46: {  	_ =	shalt  }
0x47: {  	_ =	shalt  }
0x48: {  	_ =	shalt  }
0x49: {  	_ =	shalt  }
0x4a: {  	_ =	shalt  }
0x4b: {  	_ =	shalt  }
0x4c: {  	_ =	shalt  }
0x4d: {  	_ =	shalt  }
0x4e: {  	_ =	shalt  }
0x4f: {  	_ =	shalt  }
0x50: {  	_ =	shalt  }
0x51: {  	_ =	shalt  }
0x52: {  	_ =	shalt  }
0x53: {  	_ =	shalt  }
0x54: {  	_ =	shalt  }
0x55: {  	_ =	shalt  }
0x56: {  	_ =	shalt  }
0x57: {  	_ =	shalt  }
0x58: {  	_ =	shalt  }
0x59: {  	_ =	shalt  }
0x5a: {  	_ =	shalt  }
0x5b: {  	_ =	shalt  }
0x5c: {  	_ =	shalt  }
0x5d: {  	_ =	shalt  }
0x5e: {  	_ =	shalt  }
0x5f: {  	_ =	shalt  }
0x60: {  	_ =	shalt  }
0x61: {  	_ =	shalt  }
0x62: {  	_ =	shalt  }
0x63: {  	_ =	shalt  }
0x64: {  	_ =	shalt  }
0x65: {  	_ =	shalt  }
0x66: {  	_ =	shalt  }
0x67: {  	_ =	shalt  }
0x68: {  	_ =	shalt  }
0x69: {  	_ =	shalt  }
0x6a: {  	_ =	shalt  }
0x6b: {  	_ =	shalt  }
0x6c: {  	_ =	shalt  }
0x6d: {  	_ =	shalt  }
0x6e: {  	_ =	shalt  }
0x6f: {  	_ =	shalt  }
0x70: {  	_ =	shalt  }
0x71: {  	_ =	shalt  }
0x72: {  	_ =	shalt  }
0x73: {  	_ =	shalt  }
0x74: {  	_ =	shalt  }
0x75: {  	_ =	shalt  }
0x76: {  	_ =	shalt  }
0x77: {  	_ =	shalt  }
0x78: {  	_ =	shalt  }
0x79: {  	_ =	shalt  }
0x7a: {  	_ =	shalt  }
0x7b: {  	_ =	shalt  }
0x7c: {  	_ =	shalt  }
0x7d: {  	_ =	shalt  }
0x7e: {  	_ =	shalt  }
0x7f: {  	_ =	shalt  }
0x80: {  	_ =	shalt  }
0x81: {  	_ =	shalt  }
0x82: {  	_ =	shalt  }
0x83: {  	_ =	shalt  }
0x84: {  	_ =	shalt  }
0x85: {  	_ =	shalt  }
0x86: {  	_ =	shalt  }
0x87: {  	_ =	shalt  }
.Lfunc_end0:
.L_simem_size_0:
called_computation_lowered:
.L_overlay_start_0:
0x88: {  	s2 =	sld [smem:$0x3FD9]  }
0x89: {  	s3 =	sld [smem:$0x3FFE];
	_ =	sdelay $0x1  }
0x8a: {  	s1 =	srdreg.scid  }
0x8b: {  	s0 =	sand.u32 $0x1, s1  }
0x8c: {  	s18 =	sshll.u32 s0, $0xA;
	s2 =	sadd.s32 s3, s2  }
0x8d: {  	s2 =	sadd.s32 s2, s18  }
0x8e: {  	[smem:$0x3FC1] =	sst s2  }
0x8f: {  	_ = 	snop  }
0x90: {  	s2 =	sld [smem:$0x3FC9]  }
0x91: {  	s19 =	sld [smem:$0x3FC8]  }
0x92: {  	s4 =	sld [smem:$0x3FC7]  }
0x93: {  	s5 =	sld [smem:$0x3FC6]  }
0x94: {  	s6 =	sld [smem:$0x3FC5]  }
0x95: {  	s7 =	sld [smem:$0x3FC4]  }
0x96: {  	s8 =	sld [smem:$0x3FC3]  }
0x97: {  	s9 =	sld [smem:$0x3FD0];
	(tm) =	ssettm $0x1  }
0x98: {  	s10 =	sld [smem:$0x3FFB];
	_ =	sdelay $0x3  }
0x99: {  	_ =	strace s10  }
0x9a: {  	s10 =	sld [smem:$0x3FFC];
	_ =	sdelay $0x3  }
0x9b: {  	_ =	strace s10  }
0x9c: {  	s10 =	sld [smem:$0x3FFD];
	_ =	sdelay $0x3  }
0x9d: {  	_ =	strace s10  }
0x9e: {  	_ =	strace $0x8FFFFFFF  }
0x9f: {  	s20 =	sld [smem:$0x3FDB];
	_ =	sdelay $0x1  }
0xa0: {  	s11 =	simm.s32 $_scs_section_size  }
0xa1: {  	s12 =	simm.s32 $_size__tile_overlayer_lowered;
	s13 =	simm.s32 $_tile_overlayer_lowered  }
0xa2: {  	s23 =	simm.s32 $0x1BFF;
	s22 =	sshll.u32 s13, $0x1;
	s10 =	sadd.s32 s11, s20  }
0xa3: {  	s14 =	simm.s32 $0x0;
	s21 =	sshll.u32 s12, $0x1;
	s12 =	sadd.s32 s22, s10  }
0xa4: {  	[timem:s14], [sflag:s23] =	dma.local [hbm:s12], s21  }
0xa5: {  	_ =	swait.ge [sflag:s23], s21  }
0xa6: {  	s11 =	ssub.s32 $0x0, s21;
	[sflag:s23] =	ssyncset.done $0x0  }
0xa7: {  	[sflag:s23] =	ssyncadd.s32 s11;
	_ =	sdelay $0x1  }
0xa8: {  	s24 =	simm.s32 $0x1B8B  }
0xa9: {  	_ =	swait.ge [sflag:s24], $0x1  }
0xaa: {  	[sflag:s24] =	ssyncset.done $0x0  }
0xab: {  	s25 =	simm.s32 $0x1B8E;
	[sflag:s24] =	ssyncadd.s32 $0xFFFFFFFF  }
0xac: {  	s26 =	simm.s32 $execute0_lowered;
	[smem:$0x3FD2] =	sst s25  }
0xad: {  	s11 =	sshll.u32 s26, $0x1;
	_ =	strace $0x80000046;
	[dreg:$0x1] =	wrdreg $0xFFFFFFFF  }
0xae: {  	s28 =	simm.s32 $_size_execute0_lowered;
	s10 =	sadd.s32 s10, s11;
	[dreg:$0x0] =	wrdreg $0x0  }
0xaf: {  	s11 =	sshll.u32 s28, $0x1;
	[dreg:$0x2] =	wrdreg s10  }
0xb0: {  	[dreg:$0x3] =	wrdreg s11  }
0xb1: {  	[dreg:$0x4] =	wrdreg $0xC0  }
0xb2: {  	_ =	task [dreg:s14], $0x5FFFF  }
0xb3: {  	[dreg:$0x1] =	wrdreg $0xFFFFFFFF  }
0xb4: {  	[dreg:$0x0] =	wrdreg $0x60  }
0xb5: {  	[dreg:$0x2] =	wrdreg s2  }
0xb6: {  	[dreg:$0x3] =	wrdreg s19  }
0xb7: {  	[dreg:$0x4] =	wrdreg s5  }
0xb8: {  	[dreg:$0x5] =	wrdreg s6  }
0xb9: {  	[dreg:$0x6] =	wrdreg s4  }
0xba: {  	[dreg:$0x7] =	wrdreg s7  }
0xbb: {  	[dreg:$0x8] =	wrdreg s8  }
0xbc: {  	[dreg:$0x9] =	wrdreg s9  }
0xbd: {  	[dreg:$0xa] =	wrdreg $0x9  }
0xbe: {  	_ =	task.clear_ibuf [dreg:s14], $0xBFFFF;
	_ =	strace $0x90000046  }
0xbf: {  	s29 =	simm.s32 $0x9;
	_ =	strace $0x80000048  }
0xc0: {  	_ =	swait.ge [sflag:s29], $0x1  }
0xc1: {  	[sflag:s29] =	ssyncadd.s32 $0xFFFFFFFF  }
0xc2: {  	_ =	strace $0x90000048  }
0xc3: {  	_ =	sfence  }
0xc4: {  	s30 =	sld [smem:$0x0];
	_ =	sdelay $0x2  }
0xc5: {  	s31 =	sshll.u32 s1, $0xD;
	s1 =	sshrl.u32 s1, $0x2  }
0xc6: {  	s3 =	sand.u32 $0x4000, s31;
	s1 =	sadd.s32 s1, s30  }
0xc7: {  	s0 =	sor.u32 s3, s0;
	s1 =	sshll.u32 s1, $0x11  }
0xc8: {  	s0 =	sor.u32 s1, s0  }
0xc9: {  	s0 =	sadd.s32 $0x8F2B, s0  }
0xca: {  	[sflag:s0] =	ssyncadd.remote.s32 $0x1  }
0xcb: {  	_ =	sfence.sel $0xFFFF  }
0xcc: {  	[dreg:$0x0] =	wrdreg $0xFFFFFFFF;
	(pc) =	sbr.abs _section_cstart, $3  }
0xcd: {  	[dreg:$0x1] =	wrdreg $0xFFFFFFFF  }
0xce: {  	_ =	task.clear_ibuf [dreg:s14], $0x2FFFF;
	_ =	strace $0x9FFFFFFF  }
0xcf: {  	(tm) =	ssettm $0x7FFFFFFF  }
tec
execute0_lowered:
.L_overlay_start_1:
0x0: {  	(tag) =	ssettag $0x1  }
0x1: {  	s3 =	rddreg [dreg:$0x0]  }
0x2: {  	s0 =	rddreg [dreg:$0x1];
	v0 =	vimm.s32 $0xBA98FEDC;
	v1 =	vimm.s32 $0x32107654  }
0x3: {  	s1 =	rddreg [dreg:$0x2];
	v0 =	vunpack.c.l.s4.s8 v0;
	v1 =	vunpack.c.l.s4.s8 v1  }
0x4: {  	s2 =	rddreg [dreg:$0x3];
	v2 =	vimm.s32 $0xFEDCBA98  }
0x5: {  	s4 =	rddreg [dreg:$0x4];
	v3 =	vimm.s32 $0x76543210;
	v0 =	vunpack.c.0.s8.s32 v0;
	v1 =	vunpack.c.0.s8.s32 v1  }
0x6: {  	s5 =	srdreg.scid;
	s7 =	stileid.u32;
	v4 =	vimm.s32 $0xDCFE98BA;
	v58 =	vimm.s32 $0xEFCDAB89;
	v6 =	vimm.s32 $0x67452301  }
0x7: {  	s6 =	rddreg [dreg:$0x7];
	s8 =	simm.s32 $0x0;
	s17 =	simm.s32 $0x1;
	v59 =	vlaneseq.u32;
	v6 =	vunpack.c.l.s4.s8 v6;
	v5 =	vcombine.low v1, v0  }
0x8: {  	s18 =	simm.s32 $0x80;
	s19 =	simm.s32 $0x800;
	s23 =	simm.s32 $0x4800;
	v0 =	vunpack.c.l.s4.s8 v4;
	v1 =	vimm.s32 $0x54761032;
	v4 =	vunpack.c.l.s4.s8 v58  }
0x9: {  	s28 =	simm.s32 $0x3;
	s29 =	simm.s32 $0x4;
	s15 =	simm.s32 $0x600;
	v2 =	vunpack.c.l.s4.s8 v2;
	v3 =	vunpack.c.l.s4.s8 v3;
	v1 =	vunpack.c.l.s4.s8 v1  }
0xa: {  	s16 =	simm.s32 $0x680;
	s20 =	simm.s32 $0x700;
	s21 =	simm.s32 $0x780;
	v63 =	vand.u32 $0x7, v59;
	v6 =	vunpack.c.0.s8.s32 v6;
	v4 =	vunpack.c.0.s8.s32 v4  }
0xb: {  	s5 =	sand.u32 $0x1, s5;
	s7 =	sshll.u32 s7, $0xA;
	[smem:$0x7FF] =	sst s8;
	v2 =	vunpack.c.0.s8.s32 v2;
	v0 =	vunpack.c.0.s8.s32 v0;
	v1 =	vunpack.c.0.s8.s32 v1  }
0xc: {  	s9 =	sshll.u32 s5, $0x9;
	s5 =	ssub.s32 $0x2, s5;
	_ =	strace $0x80000047;
	[tilespmem:$0x1FFE0] =	vst v63;
	v3 =	vunpack.c.0.s8.s32 v3;
	v62 =	vand.u32 $0xF, v5;
	v4 =	vcombine.low v6, v4  }
0xd: {  	s22 =	simm.s32 $0xC800;
	s7 =	sor.u32 s9, s7;
	s10 =	sshrl.u32 s5, $0x1;
	[tilespmem:$0x1FFC0] =	vst v62;
	v7 =	vcombine.low v1, v0;
	v1 =	vand.u32 $0xF, v2;
	v2 =	vor.u32 $0x8, v59  }
0xe: {  	s24 =	simm.s32 $0x0;
	s9 =	sshll.u32 s7, $0x4;
	s5 =	ssub.s32 s5, s10;
	v22 =	vcombine.low v1, v3;
	v1 =	vand.u32 $0xF, v4;
	[tilespmem:$0x1FFB0] =	vst v2  }
0xf: {  	s31 =	sshrl.u32 s7, $0x1;
	s7 =	simm.s32 $0x2;
	s9 =	sadd.s32 s6, s9;
	v61 =	vand.u32 $0xF, v7;
	[tilespmem:$0x1FFA0] =	vst v1  }
0x10: {  	s11 =	sadd.s32 s3, s31;
	s14 =	smax.u32 s5, $0x1;
	s5 =	simm.s32 $0x8800;
	[tilespmem:$0x1FFD0] =	vst v61  }
0x11: {  	vm0 =	vmmov $0xff;
	s10 =	sadd.s32 $0x800, s9;
	s12 =	sadd.s32 $0x1000, s9;
	s13 =	sadd.s32 $0x1800, s9;
	v0 =	vimm.f32 $0.0e+00;
	[tilespmem:$0x1FFF0] =	vst v22  }
.LBB2_1:
0x12: {  	s3 =	rddreg [dreg:$0x5];
	s6 =	simm.s32 $0x10800  }
0x13: {  	[tilespmem:s6], [sflag:$0x3] =	stream.linear.gather [hbm4b:s3+s8], $0x80, $0x38;
	[tilespmem:$0x10900] =	vst v63  }
0x14: {  	s30 =	rddreg [dreg:$0x6];
	s31 =	simm.s32 $0x10880  }
0x15: {  	[tilespmem:s31], [sflag:$0x4] =	stream.linear.gather [hbm4b:s30+s8], $0x80, $0x38;
	[tilespmem:$0x10900] =	vst v63  }
0x16: {  	s3 =	simm.s32 $0x0;
	s6 =	simm.s32 $0x400  }
0x17: {  	[tilespmem:s8], [sflag:$0x1] =	stream.linear.gather [hbm4b:s11+s8], $0x800, $0x38;
	[tilespmem:$0x10900] =	vst v63  }
.LBB2_2:
0x18: {  	p0 =	sne.s32 s6, $0xFC00;
	[tilespmem:s3+$0x8F0] =	vst v0  }
0x19: {  	[tilespmem:s3+$0x800] =	vst v0  }
0x1a: {  	[tilespmem:s3+$0x810] =	vst v0  }
0x1b: {  	[tilespmem:s3+$0x820] =	vst v0  }
0x1c: {  	[tilespmem:s3+$0x830] =	vst v0  }
0x1d: {  	[tilespmem:s3+$0x840] =	vst v0  }
0x1e: {  	[tilespmem:s3+$0x850] =	vst v0  }
0x1f: {  	[tilespmem:s3+$0x860] =	vst v0  }
0x20: {  	[tilespmem:s3+$0x870] =	vst v0  }
0x21: {  	[tilespmem:s3+$0x880] =	vst v0  }
0x22: {  	[tilespmem:s3+$0x890] =	vst v0  }
.Ltmp0:
0x23: {  	[tilespmem:s3+$0x8A0] =	vst v0;
	(pc) =	sbr.rel @p0 .LBB2_2-.Ltmp0, $4  }
0x24: {  	[tilespmem:s3+$0x8B0] =	vst v0  }
0x25: {  	[tilespmem:s3+$0x8C0] =	vst v0  }
0x26: {  	[tilespmem:s3+$0x8D0] =	vst v0  }
0x27: {  	[tilespmem:s3+$0x8E0] =	vst v0;
	s3 =	sshra.s32 s6, $0x2;
	s6 =	sadd.s32 $0x400, s6  }
0x28: {  	[tilespmem:s3+$0x8F0] =	vst v0  }
0x29: {  	[tilespmem:s3+$0x800] =	vst v0  }
0x2a: {  	[tilespmem:s3+$0x810] =	vst v0  }
0x2b: {  	[tilespmem:s3+$0x820] =	vst v0  }
0x2c: {  	[tilespmem:s3+$0x830] =	vst v0  }
0x2d: {  	[tilespmem:s3+$0x840] =	vst v0  }
0x2e: {  	[tilespmem:s3+$0x850] =	vst v0  }
0x2f: {  	[tilespmem:s3+$0x860] =	vst v0  }
0x30: {  	[tilespmem:s3+$0x870] =	vst v0  }
0x31: {  	[tilespmem:s3+$0x880] =	vst v0  }
0x32: {  	[tilespmem:s3+$0x890] =	vst v0  }
0x33: {  	[tilespmem:s3+$0x8A0] =	vst v0  }
0x34: {  	[tilespmem:s3+$0x8B0] =	vst v0  }
0x35: {  	[tilespmem:s3+$0x8C0] =	vst v0  }
0x36: {  	[tilespmem:s3+$0x8D0] =	vst v0  }
0x37: {  	v4 =	vmov v63;
	[tilespmem:s3+$0x8E0] =	vst v0;
	s3 =	simm.s32 $0x0;
	s6 =	simm.s32 $0x400;
	v5 =	vld [tilespmem:$0x1FFA0];
	v6 =	vmov v61  }
.LBB2_4:
0x38: {  	p0 =	sne.s32 s6, $0xFC00;
	[tilespmem:s3+$0x48F0] =	vst v0  }
0x39: {  	[tilespmem:s3+$0x4800] =	vst v0  }
0x3a: {  	[tilespmem:s3+$0x4810] =	vst v0  }
0x3b: {  	[tilespmem:s3+$0x4820] =	vst v0  }
0x3c: {  	[tilespmem:s3+$0x4830] =	vst v0  }
0x3d: {  	[tilespmem:s3+$0x4840] =	vst v0  }
0x3e: {  	[tilespmem:s3+$0x4850] =	vst v0  }
0x3f: {  	[tilespmem:s3+$0x4860] =	vst v0  }
0x40: {  	[tilespmem:s3+$0x4870] =	vst v0  }
0x41: {  	[tilespmem:s3+$0x4880] =	vst v0  }
0x42: {  	[tilespmem:s3+$0x4890] =	vst v0  }
.Ltmp1:
0x43: {  	[tilespmem:s3+$0x48A0] =	vst v0;
	(pc) =	sbr.rel @p0 .LBB2_4-.Ltmp1, $4  }
0x44: {  	[tilespmem:s3+$0x48B0] =	vst v0  }
0x45: {  	[tilespmem:s3+$0x48C0] =	vst v0  }
0x46: {  	[tilespmem:s3+$0x48D0] =	vst v0  }
0x47: {  	[tilespmem:s3+$0x48E0] =	vst v0;
	s3 =	sshra.s32 s6, $0x2;
	s6 =	sadd.s32 $0x400, s6  }
0x48: {  	[tilespmem:s3+$0x48F0] =	vst v0  }
0x49: {  	[tilespmem:s3+$0x4800] =	vst v0  }
0x4a: {  	[tilespmem:s3+$0x4810] =	vst v0  }
0x4b: {  	[tilespmem:s3+$0x4820] =	vst v0  }
0x4c: {  	[tilespmem:s3+$0x4830] =	vst v0  }
0x4d: {  	[tilespmem:s3+$0x4840] =	vst v0  }
0x4e: {  	[tilespmem:s3+$0x4850] =	vst v0  }
0x4f: {  	[tilespmem:s3+$0x4860] =	vst v0  }
0x50: {  	[tilespmem:s3+$0x4870] =	vst v0  }
0x51: {  	[tilespmem:s3+$0x4880] =	vst v0  }
0x52: {  	[tilespmem:s3+$0x4890] =	vst v0  }
0x53: {  	[tilespmem:s3+$0x48A0] =	vst v0  }
0x54: {  	[tilespmem:s3+$0x48B0] =	vst v0  }
0x55: {  	[tilespmem:s3+$0x48C0] =	vst v0  }
0x56: {  	[tilespmem:s3+$0x48D0] =	vst v0  }
0x57: {  	[tilespmem:s3+$0x48E0] =	vst v0  }
0x58: {  	_ =	swait.ge [sflag:s17], $0x800  }
0x59: {  	[sflag:s17] =	ssyncset.done $0x0  }
0x5a: {  	s26 =	simm.s32 $0x0;
	[sflag:s17] =	ssyncadd.s32 $0xFFFFF800  }
0x5b: {  	[tilespmem:s19], [sflag:$0x1] =	stream.indirect.gather.add.f32 [hbm:s0], $0x80, s26, s18, $0xb8;
	[tilespmem:$0x10900] =	vst v63  }
0x5c: {  	_ = 	snop  }
0x5d: {  	[tilespmem:s19], [sflag:$0x1] =	stream.indirect.gather.add.f32 [hbm:s1], $0x80, s18, s18, $0xb8;
	[tilespmem:$0x10900] =	vst v63  }
0x5e: {  	s6 =	simm.s32 $0x100  }
0x5f: {  	[tilespmem:s19], [sflag:$0x1] =	stream.indirect.gather.add.f32 [hbm:s2], $0x80, s6, s18, $0xb8;
	[tilespmem:$0x10900] =	vst v63  }
0x60: {  	s25 =	simm.s32 $0x180  }
0x61: {  	[tilespmem:s19], [sflag:$0x1] =	stream.indirect.gather.add.f32 [hbm:s4], $0x80, s25, s18, $0xb8;
	[tilespmem:$0x10900] =	vst v63  }
0x62: {  	s26 =	simm.s32 $0x200  }
0x63: {  	[tilespmem:s23], [sflag:$0x2] =	stream.indirect.gather.add.f32 [hbm:s0], $0x80, s26, s18, $0xb8;
	[tilespmem:$0x10900] =	vst v63  }
0x64: {  	s6 =	simm.s32 $0x280  }
0x65: {  	[tilespmem:s23], [sflag:$0x2] =	stream.indirect.gather.add.f32 [hbm:s1], $0x80, s6, s18, $0xb8;
	[tilespmem:$0x10900] =	vst v63  }
0x66: {  	s25 =	simm.s32 $0x300  }
0x67: {  	[tilespmem:s23], [sflag:$0x2] =	stream.indirect.gather.add.f32 [hbm:s2], $0x80, s25, s18, $0xb8;
	[tilespmem:$0x10900] =	vst v63  }
0x68: {  	s26 =	simm.s32 $0x380  }
0x69: {  	[tilespmem:s23], [sflag:$0x2] =	stream.indirect.gather.add.f32 [hbm:s4], $0x80, s26, s18, $0xb8;
	[tilespmem:$0x10900] =	vst v63  }
0x6a: {  	_ =	swait.ge [sflag:s28], $0x80  }
0x6b: {  	[sflag:s28] =	ssyncset.done $0x0  }
0x6c: {  	[sflag:s28] =	ssyncadd.s32 $0xFFFFFF80  }
0x6d: {  	_ =	swait.ge [sflag:s29], $0x80  }
0x6e: {  	[sflag:s29] =	ssyncset.done $0x0  }
0x6f: {  	[sflag:s29] =	ssyncadd.s32 $0xFFFFFF80  }
0x70: {  	v3 =	vld [tilespmem:$0x10830];
	_ =	sdelay $0x4  }
0x71: {  	[tilespmem:$0x1FED0] =	vst v3;
	v3 =	vld [tilespmem:$0x10840];
	_ =	sdelay $0x4  }
0x72: {  	[tilespmem:$0x1FEE0] =	vst v3;
	v3 =	vld [tilespmem:$0x10850];
	_ =	sdelay $0x4  }
0x73: {  	[tilespmem:$0x1FEF0] =	vst v3;
	v3 =	vld [tilespmem:$0x10860];
	_ =	sdelay $0x4  }
0x74: {  	[tilespmem:$0x1FF00] =	vst v3;
	v3 =	vld [tilespmem:$0x10870];
	_ =	sdelay $0x4  }
0x75: {  	[tilespmem:$0x1FF10] =	vst v3;
	v3 =	vld [tilespmem:$0x108A0];
	_ =	sdelay $0x3  }
0x76: {  	v1 =	vld [tilespmem:$0x10800]  }
0x77: {  	[tilespmem:$0x1FF40] =	vst v3;
	v3 =	vld [tilespmem:$0x108B0];
	_ =	sdelay $0x3  }
0x78: {  	[tilespmem:$0x1FEA0] =	vst v1;
	v1 =	vld [tilespmem:$0x10810]  }
0x79: {  	[tilespmem:$0x1FF50] =	vst v3;
	v3 =	vld [tilespmem:$0x108C0];
	_ =	sdelay $0x3  }
0x7a: {  	[tilespmem:$0x1FEB0] =	vst v1;
	v1 =	vld [tilespmem:$0x10820]  }
0x7b: {  	[tilespmem:$0x1FF60] =	vst v3;
	v3 =	vld [tilespmem:$0x108D0];
	_ =	sdelay $0x3  }
0x7c: {  	[tilespmem:$0x1FEC0] =	vst v1;
	v1 =	vld [tilespmem:$0x10880]  }
0x7d: {  	[tilespmem:$0x1FF70] =	vst v3;
	v3 =	vld [tilespmem:$0x108E0];
	_ =	sdelay $0x3  }
0x7e: {  	[tilespmem:$0x1FF20] =	vst v1;
	v1 =	vld [tilespmem:$0x10890]  }
0x7f: {  	[tilespmem:$0x1FF80] =	vst v3;
	v3 =	vld [tilespmem:$0x108F0];
	_ =	sdelay $0x3  }
0x80: {  	[tilespmem:$0x1FF30] =	vst v1  }
0x81: {  	[tilespmem:$0x1FF90] =	vst v3  }
0x82: {  	_ =	swait.ge [sflag:s17], $0x4000  }
0x83: {  	[sflag:s17] =	ssyncset.done $0x0  }
0x84: {  	[sflag:s17] =	ssyncadd.s32 $0xFFFFC000  }
0x85: {  	_ =	swait.ge [sflag:s17], $0x4000  }
0x86: {  	[sflag:s17] =	ssyncset.done $0x0  }
0x87: {  	[sflag:s17] =	ssyncadd.s32 $0xFFFFC000  }
0x88: {  	_ =	swait.ge [sflag:s17], $0x4000  }
0x89: {  	[sflag:s17] =	ssyncset.done $0x0  }
0x8a: {  	[sflag:s17] =	ssyncadd.s32 $0xFFFFC000  }
0x8b: {  	_ =	swait.ge [sflag:s17], $0x4000  }
0x8c: {  	[sflag:s17] =	ssyncset.done $0x0  }
0x8d: {  	s26 =	simm.s32 $0x0;
	[sflag:s17] =	ssyncadd.s32 $0xFFFFC000  }
0x8e: {  	v8 =	vld [tilespmem:s26+$0x800]  }
0x8f: {  	v54 =	vld [tilespmem:s26+$0x880]  }
0x90: {  	v53 =	vld [tilespmem:s26+$0x890]  }
0x91: {  	v3 =	vld [tilespmem:s26+$0x810]  }
0x92: {  	v48 =	vld [tilespmem:s26+$0x8A0]  }
0x93: {  	v44 =	vld [tilespmem:s26+$0x820]  }
0x94: {  	v45 =	vld [tilespmem:s26+$0x8B0]  }
0x95: {  	v43 =	vld [tilespmem:s26+$0x830];
	v23 =	vmul.f32 v54, v54;
	v24 =	vadd.f32 v53, v54;
	v25 =	vmul.f32 v53, v53  }
0x96: {  	v47 =	vld [tilespmem:s26+$0x8C0];
	v26 =	vmul.f32 v8, v8;
	v27 =	vadd.f32 v3, v8;
	v28 =	vmul.f32 v3, v3  }
0x97: {  	v42 =	vld [tilespmem:s26+$0x840];
	v29 =	vmul.f32 v48, v48;
	v23 =	vadd.f32 v25, v23;
	v24 =	vadd.f32 v48, v24  }
0x98: {  	v46 =	vld [tilespmem:s26+$0x8D0];
	v25 =	vmul.f32 v44, v44;
	v26 =	vadd.f32 v28, v26;
	v27 =	vadd.f32 v44, v27  }
0x99: {  	v41 =	vld [tilespmem:s26+$0x850];
	v28 =	vmul.f32 v45, v45;
	v23 =	vadd.f32 v29, v23;
	v24 =	vadd.f32 v45, v24  }
0x9a: {  	v49 =	vld [tilespmem:s26+$0x8E0];
	v29 =	vmul.f32 v43, v43;
	v25 =	vadd.f32 v25, v26;
	v26 =	vadd.f32 v43, v27  }
0x9b: {  	v40 =	vld [tilespmem:s26+$0x860];
	v27 =	vmul.f32 v47, v47;
	v23 =	vadd.f32 v28, v23;
	v24 =	vadd.f32 v47, v24  }
0x9c: {  	v50 =	vld [tilespmem:s26+$0x8F0];
	v28 =	vmul.f32 v42, v42;
	v25 =	vadd.f32 v29, v25;
	v26 =	vadd.f32 v42, v26  }
0x9d: {  	v39 =	vld [tilespmem:s26+$0x870];
	v29 =	vmul.f32 v46, v46;
	v23 =	vadd.f32 v27, v23;
	v24 =	vadd.f32 v46, v24  }
0x9e: {  	v27 =	vmul.f32 v41, v41;
	v25 =	vadd.f32 v28, v25;
	v26 =	vadd.f32 v41, v26  }
0x9f: {  	v28 =	vmul.f32 v49, v49;
	v23 =	vadd.f32 v29, v23;
	v24 =	vadd.f32 v49, v24  }
0xa0: {  	v29 =	vmul.f32 v40, v40;
	v25 =	vadd.f32 v27, v25;
	v26 =	vadd.f32 v40, v26  }
0xa1: {  	v27 =	vmul.f32 v50, v50;
	v23 =	vadd.f32 v28, v23;
	v24 =	vadd.f32 v50, v24  }
0xa2: {  	v28 =	vmul.f32 v39, v39;
	v26 =	vadd.f32 v39, v26  }
0xa3: {  	v25 =	vadd.f32 v29, v25;
	v23 =	vadd.f32 v27, v23;
	v27 =	vperm.xlane v24, v22  }
0xa4: {  	v29 =	vperm.xlane v26, v22  }
0xa5: {  	v25 =	vadd.f32 v28, v25;
	v24 =	vadd.f32 v27, v24;
	v27 =	vperm.xlane v23, v22  }
0xa6: {  	v26 =	vadd.f32 v29, v26  }
0xa7: {  	v28 =	vperm.xlane v25, v22;
	v23 =	vadd.f32 v27, v23;
	v24 =	vperm.xlane v24, v22;
	_ =	sdelay $0x1  }
0xa8: {  	v25 =	vadd.f32 v28, v25;
	v24 =	vsel vm0, v26, v24;
	v23 =	vperm.xlane v23, v22  }
0xa9: {  	v26 =	vperm.xlane v24, v62  }
0xaa: {  	v23 =	vsel vm0, v25, v23  }
0xab: {  	[tilespmem:s26+$0x800] =	vst v0;
	v24 =	vadd.f32 v26, v24;
	v25 =	vperm.xlane v23, v62  }
0xac: {  	[tilespmem:s26+$0x810] =	vst v0  }
0xad: {  	[tilespmem:s26+$0x820] =	vst v0;
	v25 =	vadd.f32 v25, v23;
	v26 =	vperm.xlane v24, v6  }
0xae: {  	[tilespmem:s26+$0x830] =	vst v0  }
0xaf: {  	[tilespmem:s26+$0x840] =	vst v0;
	v26 =	vadd.f32 v26, v24;
	v27 =	vperm.xlane v25, v6  }
0xb0: {  	[tilespmem:s26+$0x850] =	vst v0  }
0xb1: {  	[tilespmem:s26+$0x860] =	vst v0;
	v27 =	vadd.f32 v27, v25;
	v28 =	vperm.xlane v26, v5  }
0xb2: {  	[tilespmem:s26+$0x870] =	vst v0  }
0xb3: {  	[tilespmem:s26+$0x880] =	vst v0;
	v28 =	vadd.f32 v28, v26;
	v29 =	vperm.xlane v27, v5  }
0xb4: {  	[tilespmem:s26+$0x890] =	vst v0  }
0xb5: {  	[tilespmem:s26+$0x8A0] =	vst v0;
	v29 =	vadd.f32 v29, v27;
	v55 =	vmul.f32 $7.812500000e-03, v28  }
0xb6: {  	[tilespmem:s26+$0x8B0] =	vst v0  }
0xb7: {  	[tilespmem:s26+$0x8C0] =	vst v0;
	v29 =	vmul.f32 $7.812500000e-03, v29;
	v30 =	vmul.f32 v55, v55  }
0xb8: {  	[tilespmem:s26+$0x8D0] =	vst v0  }
0xb9: {  	[tilespmem:s26+$0x8E0] =	vst v0;
	v29 =	vsub.f32 v29, v30  }
0xba: {  	s25 =	simm.s32 $0x100;
	[tilespmem:s26+$0x8F0] =	vst v0  }
0xbb: {  	v23 =	vld [tilespmem:s25+$0x800];
	v29 =	vadd.f32 $9.999999960e-13, v29  }
0xbc: {  	v24 =	vld [tilespmem:s25+$0x810]  }
0xbd: {  	v32 =	vshrl.u32 v29, $0x1;
	v56 =	vmul.f32 $5.000000000e-01, v29  }
0xbe: {  	v29 =	vld [tilespmem:s25+$0x880];
	v35 =	vsub.s32 $0x5F3759DF, v32  }
0xbf: {  	v32 =	vld [tilespmem:s25+$0x890];
	v33 =	vmul.f32 v35, v56  }
0xc0: {  	v25 =	vld [tilespmem:s25+$0x820];
	v34 =	vmul.f32 v23, v23  }
0xc1: {  	v36 =	vmul.f32 v24, v24;
	v37 =	vmul.f32 v35, v33;
	v33 =	vld [tilespmem:s25+$0x8A0]  }
0xc2: {  	v26 =	vld [tilespmem:s25+$0x830];
	v38 =	vadd.f32 v24, v23  }
0xc3: {  	v36 =	vadd.f32 v36, v34;
	v34 =	vld [tilespmem:s25+$0x8B0];
	v37 =	vsub.f32 $1.500000000e+00, v37  }
0xc4: {  	v59 =	vmul.f32 v29, v29;
	v60 =	vadd.f32 v32, v29;
	v61 =	vmul.f32 v32, v32  }
0xc5: {  	v57 =	vmul.f32 v25, v25;
	v38 =	vadd.f32 v25, v38;
	v63 =	vmul.f32 v35, v37;
	v35 =	vld [tilespmem:s25+$0x8C0]  }
0xc6: {  	v27 =	vld [tilespmem:s25+$0x840];
	v59 =	vadd.f32 v61, v59;
	v15 =	vmul.f32 v33, v33;
	v60 =	vadd.f32 v33, v60  }
0xc7: {  	v58 =	vmul.f32 v26, v26;
	v57 =	vadd.f32 v57, v36;
	v36 =	vld [tilespmem:s25+$0x8D0];
	v16 =	vmul.f32 v63, v56  }
0xc8: {  	v28 =	vld [tilespmem:s25+$0x850];
	v52 =	vmul.f32 v34, v34;
	v59 =	vadd.f32 v15, v59;
	v60 =	vadd.f32 v34, v60  }
0xc9: {  	v38 =	vadd.f32 v26, v38;
	v57 =	vadd.f32 v58, v57;
	v37 =	vld [tilespmem:s25+$0x8E0];
	v61 =	vmul.f32 v16, v63  }
0xca: {  	v30 =	vld [tilespmem:s25+$0x860];
	v51 =	vmul.f32 v35, v35;
	v52 =	vadd.f32 v52, v59;
	v18 =	vadd.f32 v35, v60  }
0xcb: {  	v14 =	vmul.f32 v27, v27;
	v17 =	vadd.f32 v27, v38;
	v38 =	vld [tilespmem:s25+$0x8F0];
	v61 =	vsub.f32 $1.500000000e+00, v61  }
0xcc: {  	v5 =	vmul.f32 v36, v36;
	v51 =	vadd.f32 v51, v52;
	v59 =	vadd.f32 v36, v18  }
0xcd: {  	v31 =	vld [tilespmem:s25+$0x870];
	v19 =	vmul.f32 v28, v28;
	v58 =	vadd.f32 v28, v17;
	v6 =	vmul.f32 v61, v63  }
0xce: {  	[tilespmem:s25+$0x870] =	vst v0;
	v7 =	vmul.f32 v37, v37;
	v51 =	vadd.f32 v5, v51;
	v9 =	vadd.f32 v37, v59  }
0xcf: {  	[tilespmem:s25+$0x800] =	vst v0;
	v57 =	vadd.f32 v14, v57;
	v58 =	vadd.f32 v30, v58;
	v56 =	vmul.f32 v6, v56  }
0xd0: {  	[tilespmem:s25+$0x810] =	vst v0;
	v11 =	vmul.f32 v38, v38;
	v51 =	vadd.f32 v7, v51;
	v52 =	vadd.f32 v38, v9  }
0xd1: {  	[tilespmem:s25+$0x820] =	vst v0;
	v57 =	vadd.f32 v19, v57;
	v10 =	vmul.f32 v30, v30;
	v56 =	vmul.f32 v56, v6  }
0xd2: {  	[tilespmem:s25+$0x830] =	vst v0;
	v58 =	vadd.f32 v31, v58;
	v51 =	vadd.f32 v11, v51;
	v13 =	vperm.xlane v52, v22  }
0xd3: {  	v12 =	vmul.f32 v31, v31;
	[tilespmem:s25+$0x840] =	vst v0;
	v57 =	vadd.f32 v10, v57;
	v56 =	vsub.f32 $1.500000000e+00, v56  }
0xd4: {  	[tilespmem:s25+$0x850] =	vst v0;
	v14 =	vperm.xlane v58, v22;
	v52 =	vadd.f32 v13, v52;
	v15 =	vperm.xlane v51, v22  }
0xd5: {  	[tilespmem:s25+$0x8B0] =	vst v0;
	v57 =	vadd.f32 v12, v57;
	v56 =	vmul.f32 v56, v6  }
0xd6: {  	[tilespmem:s25+$0x8D0] =	vst v0;
	v58 =	vadd.f32 v14, v58;
	v51 =	vadd.f32 v15, v51;
	v52 =	vperm.xlane v52, v22  }
0xd7: {  	v1 =	vmov v62;
	[tilespmem:s25+$0x860] =	vst v0;
	v16 =	vperm.xlane v57, v22;
	v18 =	vmul.f32 v56, v55  }
0xd8: {  	[tilespmem:s25+$0x8F0] =	vst v0;
	v55 =	vperm.xlane v56, v4;
	v52 =	vsel vm0, v58, v52;
	v51 =	vperm.xlane v51, v22  }
0xd9: {  	[tilespmem:s25+$0x880] =	vst v0;
	v58 =	vperm.xlane v56, v2;
	v19 =	vperm.xlane v52, v1  }
0xda: {  	[tilespmem:s25+$0x890] =	vst v0;
	v17 =	vadd.f32 v16, v57;
	v57 =	vperm.xlane v18, v4;
	v56 =	vperm.xlane v18, v2  }
0xdb: {  	[tilespmem:s25+$0x8A0] =	vst v0;
	v59 =	vmul.f32 v55, v8;
	v62 =	vmul.f32 v58, v54  }
0xdc: {  	[tilespmem:s25+$0x8C0] =	vst v0;
	v61 =	vsel vm0, v17, v51;
	v54 =	vmul.f32 v55, v3;
	v53 =	vmul.f32 v58, v53  }
0xdd: {  	s30 =	simm.s32 $0x800;
	s31 =	simm.s32 $0xC00;
	s6 =	simm.s32 $0x1000;
	[tilespmem:s25+$0x8E0] =	vst v0;
	v60 =	vadd.f32 v19, v52;
	v52 =	vperm.xlane v61, v1;
	v59 =	vsub.f32 v59, v57  }
.LBB2_6:
0xde: {  	v1 =	vld [tilespmem:$0x1FFD0];
	_ =	sdelay $0x2  }
0xdf: {  	v61 =	vadd.f32 v52, v61  }
0xe0: {  	v2 =	vmul.f32 v55, v44  }
0xe1: {  	v63 =	vperm.xlane v60, v1;
	v12 =	vperm.xlane v61, v1;
	v1 =	vld [tilespmem:$0x1FFA0]  }
0xe2: {  	v48 =	vmul.f32 v58, v48;
	v11 =	vmul.f32 v55, v43  }
0xe3: {  	v51 =	vmov v24;
	v45 =	vmul.f32 v58, v45;
	v13 =	vmul.f32 v55, v42  }
0xe4: {  	v3 =	vmul.f32 v58, v47;
	v43 =	vmovc v26;
	v24 =	vadd.f32 v63, v60;
	v26 =	vadd.f32 v12, v61  }
0xe5: {  	v15 =	vmul.f32 v55, v41;
	v16 =	vmul.f32 v58, v46  }
0xe6: {  	v41 =	vmov v28;
	v14 =	vperm.xlane v24, v1;
	v28 =	vperm.xlane v26, v1;
	v1 =	vld [tilespmem:$0x1FEA0]  }
0xe7: {  	v44 =	vmovc v25;
	v42 =	vmovc v27;
	v4 =	vmul.f32 v55, v40;
	v5 =	vmul.f32 v58, v49;
	v40 =	vmov v30;
	v8 =	vld [tilespmem:$0x1FED0]  }
0xe8: {  	v30 =	vmul.f32 v55, v39;
	s3 =	sshra.s32 s30, $0x2;
	v10 =	vld [tilespmem:$0x1FEF0];
	v52 =	vmovc v23;
	v23 =	vsub.f32 v62, v56;
	v24 =	vadd.f32 v14, v24  }
0xe9: {  	v17 =	vmul.f32 v58, v50;
	v25 =	vsub.f32 v54, v57;
	v27 =	vsub.f32 v53, v56;
	v53 =	vmovc v32;
	v32 =	vld [tilespmem:s3+$0x890]  }
0xea: {  	v47 =	vmovc v35;
	v35 =	vld [tilespmem:s3+$0x8C0];
	v19 =	vsub.f32 v13, v57;
	v26 =	vadd.f32 v28, v26;
	v55 =	vmul.f32 $7.812500000e-03, v24  }
0xeb: {  	v54 =	vmovc v29;
	v13 =	vsub.f32 v15, v57;
	v29 =	vmul.f32 v59, v1;
	v12 =	vmul.f32 v23, v1;
	v1 =	vld [tilespmem:$0x1FEB0]  }
0xec: {  	v15 =	vsub.f32 v16, v56;
	v16 =	vld [tilespmem:$0x1FEE0];
	v24 =	vmul.f32 $7.812500000e-03, v26;
	v26 =	vmul.f32 v55, v55  }
0xed: {  	v39 =	vmovc v31;
	v2 =	vsub.f32 v2, v57;
	v31 =	vsub.f32 v11, v57;
	v58 =	vmul.f32 v13, v10;
	v13 =	vld [tilespmem:$0x1FF00]  }
0xee: {  	v63 =	vsub.f32 v30, v57;
	v30 =	vld [tilespmem:s3+$0x860];
	v24 =	vsub.f32 v24, v26  }
0xef: {  	v18 =	vsub.f32 v45, v56;
	v3 =	vsub.f32 v3, v56;
	v23 =	vld [tilespmem:s3+$0x800]  }
0xf0: {  	v49 =	vmovc v37;
	v14 =	vmul.f32 v25, v1;
	v37 =	vmul.f32 v27, v1;
	v26 =	vadd.f32 $9.999999960e-13, v24;
	v1 =	vld [tilespmem:$0x1FEC0]  }
0xf1: {  	v4 =	vsub.f32 v4, v57;
	v5 =	vsub.f32 v5, v56;
	v24 =	vld [tilespmem:s3+$0x810]  }
0xf2: {  	[tilespmem:s3+$0x890] =	vst v0;
	v57 =	vmul.f32 v31, v8;
	v31 =	vld [tilespmem:s3+$0x870];
	v27 =	vshrl.u32 v26, $0x1;
	v7 =	vmul.f32 $5.000000000e-01, v26  }
0xf3: {  	v50 =	vmovc v38;
	[tilespmem:s3+$0x8C0] =	vst v0;
	v61 =	vmul.f32 v19, v16;
	v28 =	vsub.f32 v48, v56;
	v25 =	vld [tilespmem:s3+$0x820];
	v38 =	vsub.s32 $0x5F3759DF, v27  }
0xf4: {  	v6 =	vsub.f32 v17, v56;
	[tilespmem:s3+$0x860] =	vst v0;
	v56 =	vmul.f32 v3, v16;
	v26 =	vld [tilespmem:s3+$0x830];
	v3 =	vmul.f32 v38, v7  }
0xf5: {  	[tilespmem:s3+$0x870] =	vst v0;
	v2 =	vmul.f32 v2, v1;
	v59 =	vmul.f32 v28, v1;
	v1 =	vld [tilespmem:$0x1FF20]  }
0xf6: {  	v45 =	vmovc v34;
	v48 =	vmov v33;
	v33 =	vld [tilespmem:s3+$0x8A0];
	[tilespmem:s3+$0x8A0] =	vst v0;
	v17 =	vmul.f32 v23, v23;
	v19 =	vmul.f32 v24, v24  }
0xf7: {  	v60 =	vmul.f32 v18, v8;
	[tilespmem:s3+$0x800] =	vst v0;
	v27 =	vld [tilespmem:s3+$0x840];
	v18 =	vadd.f32 v24, v23;
	v3 =	vmul.f32 v38, v3  }
0xf8: {  	v4 =	vmul.f32 v4, v13;
	[tilespmem:s3+$0x810] =	vst v0;
	v16 =	vmul.f32 v25, v25;
	v34 =	vadd.f32 v19, v17  }
0xf9: {  	v5 =	vmul.f32 v5, v13;
	[tilespmem:s3+$0x820] =	vst v0;
	v28 =	vld [tilespmem:s3+$0x850];
	v17 =	vadd.f32 v25, v18;
	v3 =	vsub.f32 $1.500000000e+00, v3  }
0xfa: {  	[tilespmem:s3+$0x830] =	vst v0;
	v11 =	vmul.f32 v26, v26;
	v13 =	vadd.f32 v16, v34;
	v8 =	vadd.f32 v29, v1;
	v29 =	vld [tilespmem:s3+$0x880]  }
0xfb: {  	v46 =	vmov v36;
	[tilespmem:s3+$0x840] =	vst v0;
	v36 =	vadd.f32 v26, v17;
	v9 =	vadd.f32 v12, v1;
	v1 =	vld [tilespmem:$0x1FF30]  }
0xfc: {  	[tilespmem:s3+$0x850] =	vst v0;
	v12 =	vmul.f32 v27, v27;
	v3 =	vmul.f32 v38, v3;
	v11 =	vadd.f32 v11, v13  }
0xfd: {  	v62 =	vmul.f32 v15, v10;
	v34 =	vld [tilespmem:s3+$0x8B0];
	[tilespmem:s3+$0x8B0] =	vst v0;
	v13 =	vadd.f32 v27, v36  }
0xfe: {  	v21 =	vmul.f32 v32, v32;
	[tilespmem:s3+$0x880] =	vst v0;
	v19 =	vmul.f32 v3, v7;
	v11 =	vadd.f32 v12, v11  }
0xff: {  	v38 =	vld [tilespmem:s3+$0x8F0];
	[tilespmem:s3+$0x8F0] =	vst v0;
	v13 =	vadd.f32 v28, v13;
	v18 =	vmul.f32 v29, v29;
	v20 =	vadd.f32 v32, v29  }
0x100: {  	v36 =	vld [tilespmem:s3+$0x8D0];
	[tilespmem:s3+$0x8D0] =	vst v0;
	v10 =	vadd.f32 v14, v1;
	v14 =	vmul.f32 v28, v28;
	v16 =	vadd.f32 v37, v1  }
0x101: {  	v12 =	vmul.f32 v33, v33;
	v1 =	vmovc v22;
	v22 =	vld [tilespmem:$0x1FF40];
	v18 =	vadd.f32 v21, v18;
	v20 =	vadd.f32 v33, v20  }
0x102: {  	v19 =	vmul.f32 v19, v3;
	v37 =	vld [tilespmem:s3+$0x8E0];
	[tilespmem:s3+$0x8E0] =	vst v0;
	v13 =	vadd.f32 v30, v13;
	v11 =	vadd.f32 v14, v11  }
0x103: {  	[tilespmem:s26+$0x8880] =	vst v9;
	v21 =	vmul.f32 v34, v34;
	v9 =	vadd.f32 v12, v18;
	v12 =	vadd.f32 v34, v20  }
0x104: {  	v15 =	vmul.f32 v30, v30;
	v13 =	vadd.f32 v31, v13;
	[tilespmem:s26+$0x8890] =	vst v16;
	v16 =	vsub.f32 $1.500000000e+00, v19  }
0x105: {  	[tilespmem:s26+$0x8800] =	vst v8;
	v8 =	vmul.f32 v35, v35;
	v19 =	vld [tilespmem:$0x1FF50];
	v9 =	vadd.f32 v21, v9;
	v12 =	vadd.f32 v35, v12  }
0x106: {  	v17 =	vmul.f32 v31, v31;
	v18 =	vadd.f32 v15, v11;
	v2 =	vadd.f32 v2, v22  }
0x107: {  	v14 =	vmul.f32 v36, v36;
	[tilespmem:s26+$0x8810] =	vst v10;
	v8 =	vadd.f32 v8, v9;
	v9 =	vadd.f32 v36, v12  }
0x108: {  	v10 =	vperm.xlane v13, v1;
	v3 =	vmul.f32 v16, v3;
	[tilespmem:s26+$0x8820] =	vst v2;
	v2 =	vadd.f32 v17, v18  }
0x109: {  	v11 =	vmul.f32 v37, v37;
	v17 =	vld [tilespmem:$0x1FF10];
	v8 =	vadd.f32 v14, v8;
	v9 =	vadd.f32 v37, v9  }
0x10a: {  	v10 =	vadd.f32 v10, v13;
	v7 =	vmul.f32 v3, v7;
	v13 =	vadd.f32 v60, v19  }
0x10b: {  	v15 =	vmul.f32 v38, v38;
	v60 =	vld [tilespmem:$0x1FF60];
	v8 =	vadd.f32 v11, v8;
	v9 =	vadd.f32 v38, v9  }
0x10c: {  	v18 =	vadd.f32 v59, v22;
	v7 =	vmul.f32 v7, v3  }
0x10d: {  	v57 =	vadd.f32 v57, v19;
	v8 =	vadd.f32 v15, v8;
	v59 =	vperm.xlane v9, v1  }
0x10e: {  	v7 =	vsub.f32 $1.500000000e+00, v7;
	v12 =	vmul.f32 v63, v17;
	v63 =	vperm.xlane v2, v1  }
0x10f: {  	v6 =	vmul.f32 v6, v17;
	v17 =	vld [tilespmem:$0x1FF90];
	v9 =	vadd.f32 v59, v9;
	v59 =	vperm.xlane v8, v1  }
0x110: {  	v16 =	vld [tilespmem:$0x1FFE0];
	v2 =	vadd.f32 v63, v2;
	v63 =	vadd.f32 v61, v60  }
0x111: {  	[tilespmem:s26+$0x8830] =	vst v57;
	v57 =	vadd.f32 v56, v60;
	v60 =	vld [tilespmem:$0x1FF70];
	v8 =	vadd.f32 v59, v8  }
0x112: {  	v3 =	vmul.f32 v7, v3;
	[tilespmem:s26+$0x8840] =	vst v63;
	v63 =	vld [tilespmem:$0x1FF80]  }
0x113: {  	v22 =	vmov v1;
	[tilespmem:s26+$0x88A0] =	vst v18;
	v9 =	vperm.xlane v9, v1;
	v8 =	vperm.xlane v8, v1;
	v1 =	vld [tilespmem:$0x1FFB0]  }
0x114: {  	[tilespmem:s26+$0x88B0] =	vst v13;
	v18 =	vld [tilespmem:$0x1FFC0];
	v11 =	vmul.f32 v3, v55;
	v12 =	vadd.f32 v12, v17  }
0x115: {  	[tilespmem:s26+$0x88C0] =	vst v57;
	v19 =	vadd.f32 v6, v17  }
0x116: {  	p0 =	sne.s32 s6, $0xFC00;
	v55 =	vperm.xlane v3, v16;
	v57 =	vperm.xlane v11, v16;
	v61 =	vadd.f32 v58, v60;
	[tilespmem:s26+$0x8870] =	vst v12  }
.Ltmp2:
0x117: {  	v62 =	vadd.f32 v62, v60;
	[tilespmem:s26+$0x88F0] =	vst v19;
	v9 =	vsel vm0, v10, v9;
	v4 =	vadd.f32 v4, v63;
	(pc) =	sbr.rel @p0 .LBB2_6-.Ltmp2, $4  }
0x118: {  	[tilespmem:s26+$0x8850] =	vst v61;
	v61 =	vsel vm0, v2, v8;
	v2 =	vmul.f32 v55, v52;
	v58 =	vperm.xlane v3, v1  }
0x119: {  	v5 =	vadd.f32 v5, v63;
	[tilespmem:s26+$0x88D0] =	vst v62;
	v52 =	vperm.xlane v61, v18;
	v3 =	vperm.xlane v9, v18  }
0x11a: {  	s30 =	smov.u32 s31;
	s31 =	smov.u32 s6;
	[tilespmem:s26+$0x8860] =	vst v4;
	v59 =	vsub.f32 v2, v57;
	v56 =	vperm.xlane v11, v1;
	v62 =	vmul.f32 v58, v54  }
0x11b: {  	s6 =	sadd.s32 $0x400, s6;
	[tilespmem:s26+$0x88E0] =	vst v5;
	s26 =	smov.u32 s25;
	s25 =	smov.u32 s3;
	v60 =	vadd.f32 v3, v9;
	v54 =	vmul.f32 v55, v51;
	v53 =	vmul.f32 v58, v53  }
0x11c: {  	v2 =	vadd.f32 v52, v61;
	v61 =	vld [tilespmem:$0x1FFD0]  }
0x11d: {  	v6 =	vmul.f32 v58, v48;
	v9 =	vmul.f32 v58, v45  }
0x11e: {  	v12 =	vmul.f32 v58, v47;
	v1 =	vld [tilespmem:$0x1FFA0];
	v15 =	vmul.f32 v58, v46  }
0x11f: {  	v17 =	vmul.f32 v58, v49;
	v19 =	vmul.f32 v58, v50;
	v58 =	vld [tilespmem:$0x1FEA0];
	s30 =	sshra.s32 s30, $0x2  }
0x120: {  	v13 =	vmul.f32 v55, v41;
	v41 =	vld [tilespmem:s30+$0x800]  }
0x121: {  	v7 =	vmul.f32 v55, v43;
	v43 =	vld [tilespmem:s30+$0x820];
	[tilespmem:s30+$0x800] =	vst v0;
	v3 =	vperm.xlane v60, v61  }
0x122: {  	v4 =	vmul.f32 v55, v44;
	v44 =	vld [tilespmem:s30+$0x830];
	[tilespmem:s30+$0x820] =	vst v0  }
0x123: {  	v45 =	vld [tilespmem:s30+$0x840];
	[tilespmem:s30+$0x830] =	vst v0;
	v3 =	vadd.f32 v3, v60  }
0x124: {  	v46 =	vld [tilespmem:s30+$0x850];
	[tilespmem:s30+$0x840] =	vst v0;
	v8 =	vperm.xlane v2, v61  }
0x125: {  	v5 =	vsub.f32 v62, v56;
	v51 =	vld [tilespmem:s30+$0x860];
	[tilespmem:s30+$0x850] =	vst v0;
	v52 =	vperm.xlane v3, v1  }
0x126: {  	v10 =	vsub.f32 v54, v57;
	[tilespmem:s30+$0x860] =	vst v0;
	v2 =	vadd.f32 v8, v2;
	v60 =	vmul.f32 v59, v58;
	v59 =	vld [tilespmem:s30+$0x810]  }
0x127: {  	v11 =	vmul.f32 v55, v42;
	v14 =	vsub.f32 v53, v56;
	[tilespmem:$0x1FCF0] =	vst v41;
	v3 =	vadd.f32 v52, v3;
	v52 =	vld [tilespmem:$0x1FEB0]  }
0x128: {  	v4 =	vsub.f32 v4, v57;
	v7 =	vsub.f32 v7, v57;
	[tilespmem:$0x1FD20] =	vst v43;
	v54 =	vperm.xlane v2, v1  }
0x129: {  	v16 =	vmul.f32 v55, v40;
	v62 =	vsub.f32 v9, v56;
	v11 =	vsub.f32 v11, v57;
	[tilespmem:$0x1FD30] =	vst v44  }
0x12a: {  	v18 =	vmul.f32 v55, v39;
	v12 =	vsub.f32 v12, v56;
	[tilespmem:$0x1FD40] =	vst v45;
	v2 =	vadd.f32 v54, v2  }
0x12b: {  	v48 =	vld [tilespmem:$0x1FF20];
	[tilespmem:$0x1FD50] =	vst v46;
	v21 =	vmul.f32 v59, v59;
	v20 =	vmul.f32 $7.812500000e-03, v3;
	v3 =	vsub.f32 v6, v56  }
0x12c: {  	v50 =	vld [tilespmem:$0x1FEC0];
	[tilespmem:$0x1FD60] =	vst v51;
	v2 =	vmul.f32 $7.812500000e-03, v2;
	v9 =	vmul.f32 v10, v52;
	v10 =	vsub.f32 v15, v56  }
0x12d: {  	[tilespmem:s30+$0x810] =	vst v0;
	v54 =	vld [tilespmem:$0x1FED0];
	v55 =	vmul.f32 v20, v20;
	v15 =	vsub.f32 v16, v57;
	v16 =	vsub.f32 v17, v56  }
0x12e: {  	[tilespmem:$0x1FCE0] =	vst v20;
	v20 =	vmul.f32 v41, v41;
	v17 =	vsub.f32 v18, v57;
	v18 =	vsub.f32 v19, v56;
	v56 =	vld [tilespmem:s30+$0x890]  }
0x12f: {  	v53 =	vld [tilespmem:$0x1FEE0];
	v13 =	vsub.f32 v13, v57;
	[tilespmem:$0x1FD10] =	vst v59;
	v2 =	vsub.f32 v2, v55  }
0x130: {  	v6 =	vadd.f32 v60, v48;
	v60 =	vmul.f32 v43, v43;
	v57 =	vld [tilespmem:s30+$0x8A0];
	[tilespmem:s30+$0x890] =	vst v0;
	v20 =	vadd.f32 v21, v20  }
0x131: {  	[tilespmem:s30+$0x8A0] =	vst v0;
	v2 =	vadd.f32 $9.999999960e-13, v2  }
0x132: {  	v20 =	vadd.f32 v60, v20;
	v60 =	vld [tilespmem:s30+$0x8B0];
	[tilespmem:s30+$0x8B0] =	vst v0  }
0x133: {  	v63 =	vshrl.u32 v2, $0x1;
	v39 =	vmul.f32 $5.000000000e-01, v2;
	v2 =	vmul.f32 v62, v54;
	v62 =	vld [tilespmem:s30+$0x880];
	[tilespmem:$0x1FD80] =	vst v56  }
0x134: {  	v5 =	vmul.f32 v5, v58;
	[tilespmem:s30+$0x880] =	vst v0;
	v8 =	vsub.s32 $0x5F3759DF, v63;
	v63 =	vadd.f32 v59, v41  }
0x135: {  	v4 =	vmul.f32 v4, v50;
	v11 =	vmul.f32 v11, v53;
	[tilespmem:$0x1FD90] =	vst v57  }
0x136: {  	v12 =	vmul.f32 v12, v53;
	v40 =	vmul.f32 v44, v44;
	v59 =	vld [tilespmem:s30+$0x870];
	[tilespmem:s30+$0x870] =	vst v0;
	v21 =	vadd.f32 v43, v63  }
0x137: {  	v49 =	vld [tilespmem:$0x1FF00];
	v5 =	vadd.f32 v5, v48;
	v3 =	vmul.f32 v3, v50;
	v14 =	vmul.f32 v14, v52;
	[tilespmem:$0x1FDA0] =	vst v60  }
0x138: {  	v55 =	vld [tilespmem:$0x1FEF0];
	v20 =	vadd.f32 v40, v20;
	v41 =	vmul.f32 v45, v45;
	v21 =	vadd.f32 v44, v21;
	[tilespmem:$0x1FD00] =	vst v62  }
0x139: {  	v47 =	vmul.f32 v8, v39;
	v42 =	vmov v62;
	v40 =	vadd.f32 v56, v62;
	v62 =	vld [tilespmem:s30+$0x8C0];
	[tilespmem:s30+$0x8C0] =	vst v0  }
0x13a: {  	v43 =	vmul.f32 v56, v56;
	v56 =	vld [tilespmem:s30+$0x8E0];
	[tilespmem:s30+$0x8E0] =	vst v0;
	v21 =	vadd.f32 v45, v21;
	v45 =	vmov v46  }
0x13b: {  	v20 =	vadd.f32 v41, v20;
	v19 =	vmul.f32 v8, v47;
	v47 =	vld [tilespmem:$0x1FF30];
	[tilespmem:$0x1FD70] =	vst v59;
	v40 =	vadd.f32 v57, v40  }
0x13c: {  	v44 =	vmul.f32 v46, v46;
	v63 =	vmov v57;
	v42 =	vmul.f32 v42, v42;
	v57 =	vld [tilespmem:s30+$0x8D0];
	[tilespmem:s30+$0x8D0] =	vst v0  }
0x13d: {  	v21 =	vadd.f32 v45, v21;
	v40 =	vadd.f32 v60, v40;
	v45 =	vmov v60;
	v60 =	vld [tilespmem:s30+$0x8F0];
	[tilespmem:s30+$0x8F0] =	vst v0  }
0x13e: {  	v7 =	vmul.f32 v7, v54;
	v19 =	vsub.f32 $1.500000000e+00, v19;
	v41 =	vmul.f32 v63, v63;
	v46 =	vld [tilespmem:$0x1FF40];
	[tilespmem:$0x1FDB0] =	vst v62  }
0x13f: {  	v20 =	vadd.f32 v44, v20;
	v42 =	vadd.f32 v43, v42;
	v43 =	vmul.f32 v51, v51;
	[tilespmem:$0x1FDD0] =	vst v56  }
0x140: {  	v15 =	vmul.f32 v15, v49;
	v9 =	vadd.f32 v9, v47;
	v14 =	vadd.f32 v14, v47;
	[tilespmem:s26+$0x8800] =	vst v6  }
0x141: {  	v41 =	vadd.f32 v41, v42;
	v42 =	vmul.f32 v59, v59;
	v20 =	vadd.f32 v43, v20;
	v43 =	vld [tilespmem:$0x1FF60];
	[tilespmem:s26+$0x8880] =	vst v5  }
0x142: {  	v13 =	vmul.f32 v13, v55;
	v21 =	vadd.f32 v51, v21;
	v40 =	vadd.f32 v62, v40;
	[tilespmem:s26+$0x8810] =	vst v9  }
0x143: {  	v44 =	vmul.f32 v45, v45;
	[tilespmem:s26+$0x8890] =	vst v14;
	v4 =	vadd.f32 v4, v46;
	v9 =	vadd.f32 v42, v20;
	v42 =	vld [tilespmem:$0x1FF70]  }
0x144: {  	v10 =	vmul.f32 v10, v55;
	[tilespmem:$0x1FDC0] =	vst v57;
	v3 =	vadd.f32 v3, v46;
	v45 =	vadd.f32 v57, v40  }
0x145: {  	v63 =	vmul.f32 v62, v62;
	v41 =	vadd.f32 v44, v41;
	v5 =	vadd.f32 v59, v21;
	v44 =	vld [tilespmem:$0x1FF50];
	[tilespmem:s26+$0x8820] =	vst v4  }
0x146: {  	v8 =	vmul.f32 v8, v19;
	[tilespmem:s26+$0x88A0] =	vst v3;
	v51 =	vadd.f32 v56, v45;
	v11 =	vadd.f32 v11, v43;
	v45 =	vld [tilespmem:$0x1FF10]  }
0x147: {  	v21 =	vmul.f32 v57, v57;
	v6 =	vadd.f32 v63, v41;
	[tilespmem:$0x1FDE0] =	vst v60;
	v12 =	vadd.f32 v12, v43;
	v41 =	vld [tilespmem:$0x1FF80]  }
0x148: {  	v20 =	vmul.f32 v8, v39;
	v57 =	vmul.f32 v56, v56;
	v56 =	vadd.f32 v13, v42;
	[tilespmem:s26+$0x8840] =	vst v11  }
0x149: {  	v16 =	vmul.f32 v16, v49;
	v40 =	vld [tilespmem:$0x1FF90];
	v59 =	vadd.f32 v21, v6;
	v10 =	vadd.f32 v10, v42;
	[tilespmem:s26+$0x88C0] =	vst v12  }
0x14a: {  	v63 =	vmul.f32 v20, v8;
	v14 =	vadd.f32 v60, v51;
	v62 =	vadd.f32 v7, v44;
	[tilespmem:s26+$0x8850] =	vst v56  }
0x14b: {  	v3 =	vmul.f32 v60, v60;
	v2 =	vadd.f32 v2, v44;
	v4 =	vadd.f32 v57, v59;
	[tilespmem:s26+$0x88D0] =	vst v10  }
0x14c: {  	v19 =	vsub.f32 $1.500000000e+00, v63;
	[tilespmem:s26+$0x8830] =	vst v62;
	v57 =	vmul.f32 v17, v45;
	v60 =	vadd.f32 v15, v41  }
0x14d: {  	[tilespmem:s26+$0x88B0] =	vst v2;
	v62 =	vmul.f32 v18, v45;
	v63 =	vadd.f32 v16, v41;
	v3 =	vadd.f32 v3, v4  }
0x14e: {  	v16 =	vadd.f32 v57, v40;
	[tilespmem:s26+$0x8860] =	vst v60  }
0x14f: {  	v4 =	vadd.f32 v62, v40;
	[tilespmem:s26+$0x88E0] =	vst v63;
	v59 =	vperm.xlane v3, v22  }
0x150: {  	v51 =	vperm.xlane v14, v22;
	[tilespmem:s26+$0x8870] =	vst v16  }
0x151: {  	s6 =	sshra.s32 s31, $0x2;
	v6 =	vmul.f32 v19, v8;
	[tilespmem:s26+$0x88F0] =	vst v4;
	v3 =	vadd.f32 v59, v3;
	v59 =	vld [tilespmem:$0x1FFC0]  }
0x152: {  	v2 =	vperm.xlane v5, v22;
	v7 =	vadd.f32 v51, v14;
	v11 =	vld [tilespmem:s6+$0x800]  }
0x153: {  	v15 =	vperm.xlane v9, v22;
	v19 =	vmul.f32 v6, v39;
	v10 =	vld [tilespmem:s6+$0x880]  }
0x154: {  	v2 =	vadd.f32 v2, v5;
	v7 =	vperm.xlane v7, v22;
	v56 =	vld [tilespmem:s6+$0x890]  }
0x155: {  	v17 =	vadd.f32 v15, v9;
	v4 =	vmul.f32 v19, v6;
	v57 =	vld [tilespmem:s6+$0x810];
	v3 =	vperm.xlane v3, v22  }
0x156: {  	v12 =	vld [tilespmem:s6+$0x8A0]  }
0x157: {  	v2 =	vsel vm0, v2, v7;
	v60 =	vld [tilespmem:s6+$0x820];
	v4 =	vsub.f32 $1.500000000e+00, v4;
	v3 =	vsel vm0, v17, v3  }
0x158: {  	v13 =	vld [tilespmem:s6+$0x8B0];
	v18 =	vperm.xlane v2, v59;
	v39 =	vperm.xlane v3, v59  }
0x159: {  	v16 =	vld [tilespmem:s6+$0x8D0];
	v4 =	vmul.f32 v4, v6;
	v8 =	vadd.f32 v56, v10  }
0x15a: {  	v15 =	vld [tilespmem:s6+$0x8C0];
	v63 =	vmul.f32 v10, v10;
	v2 =	vadd.f32 v18, v2;
	v3 =	vadd.f32 v39, v3  }
0x15b: {  	v17 =	vld [tilespmem:s6+$0x830];
	[tilespmem:$0x1FE00] =	vst v10;
	v6 =	vmul.f32 v11, v11;
	v10 =	vmul.f32 v12, v12;
	v8 =	vadd.f32 v12, v8  }
0x15c: {  	[tilespmem:$0x1FE20] =	vst v56;
	v51 =	vperm.xlane v2, v61;
	v5 =	vperm.xlane v3, v61  }
0x15d: {  	[tilespmem:$0x1FE10] =	vst v57;
	v39 =	vmul.f32 v56, v56;
	v56 =	vadd.f32 v57, v11;
	v8 =	vadd.f32 v13, v8  }
0x15e: {  	[tilespmem:$0x1FE30] =	vst v60;
	v19 =	vmul.f32 v16, v16;
	v18 =	vld [tilespmem:s6+$0x840];
	v2 =	vadd.f32 v51, v2;
	v3 =	vadd.f32 v5, v3  }
0x15f: {  	v51 =	vmul.f32 v57, v57;
	v5 =	vadd.f32 v39, v63;
	v57 =	vmovc v60;
	v39 =	vmul.f32 v60, v60;
	v60 =	vld [tilespmem:s6+$0x850]  }
0x160: {  	[tilespmem:$0x1FE40] =	vst v12;
	v12 =	vmul.f32 v17, v17;
	v63 =	vld [tilespmem:s6+$0x8E0];
	v8 =	vadd.f32 v15, v8;
	v7 =	vadd.f32 v57, v56  }
0x161: {  	v62 =	vperm.xlane v2, v1;
	v6 =	vadd.f32 v51, v6;
	v5 =	vadd.f32 v10, v5  }
0x162: {  	v57 =	vld [tilespmem:s6+$0x860];
	v51 =	vmul.f32 v13, v13;
	v8 =	vadd.f32 v16, v8;
	v7 =	vadd.f32 v17, v7  }
0x163: {  	v14 =	vmul.f32 v18, v18;
	v2 =	vadd.f32 v62, v2;
	v6 =	vadd.f32 v39, v6  }
0x164: {  	[tilespmem:$0x1FE60] =	vst v13;
	v13 =	vmul.f32 v15, v15;
	v5 =	vadd.f32 v51, v5;
	v62 =	vld [tilespmem:s6+$0x8F0];
	v7 =	vadd.f32 v18, v7  }
0x165: {  	v39 =	vld [tilespmem:s6+$0x870];
	v51 =	vmul.f32 v60, v60;
	v8 =	vadd.f32 v63, v8;
	v6 =	vadd.f32 v12, v6  }
0x166: {  	v56 =	vmul.f32 v63, v63;
	v5 =	vadd.f32 v13, v5;
	v7 =	vadd.f32 v60, v7  }
0x167: {  	v12 =	vmul.f32 v57, v57;
	v2 =	vmul.f32 $7.812500000e-03, v2;
	v6 =	vadd.f32 v14, v6  }
0x168: {  	v5 =	vadd.f32 v19, v5;
	v14 =	vperm.xlane v3, v1;
	v7 =	vadd.f32 v57, v7  }
0x169: {  	v13 =	vmul.f32 v62, v62;
	v8 =	vadd.f32 v62, v8;
	v6 =	vadd.f32 v51, v6  }
0x16a: {  	[tilespmem:$0x1FE80] =	vst v15;
	v15 =	vmul.f32 v39, v39;
	v5 =	vadd.f32 v56, v5;
	v3 =	vadd.f32 v14, v3  }
0x16b: {  	[tilespmem:$0x1FE90] =	vst v16;
	v56 =	vld [tilespmem:$0x1FCE0];
	v7 =	vadd.f32 v39, v7;
	v16 =	vperm.xlane v8, v22;
	v6 =	vadd.f32 v12, v6  }
0x16c: {  	v19 =	vmul.f32 v2, v2;
	v5 =	vadd.f32 v13, v5;
	v3 =	vmul.f32 $7.812500000e-03, v3  }
0x16d: {  	[tilespmem:$0x1FE70] =	vst v18;
	v18 =	vperm.xlane v7, v22;
	v8 =	vadd.f32 v16, v8;
	v6 =	vadd.f32 v15, v6  }
0x16e: {  	[tilespmem:$0x1FE50] =	vst v17;
	v17 =	vperm.xlane v5, v22;
	v3 =	vsub.f32 v3, v19  }
0x16f: {  	v7 =	vadd.f32 v18, v7;
	v8 =	vperm.xlane v8, v22;
	v51 =	vperm.xlane v6, v22  }
0x170: {  	v12 =	vmul.f32 v4, v56;
	v5 =	vadd.f32 v17, v5  }
0x171: {  	v3 =	vadd.f32 $9.999999960e-13, v3;
	v7 =	vsel vm0, v7, v8;
	v6 =	vadd.f32 v51, v6;
	v51 =	vld [tilespmem:$0x1FFE0]  }
0x172: {  	v56 =	vld [tilespmem:$0x1FFB0];
	v5 =	vperm.xlane v5, v22;
	v8 =	vperm.xlane v7, v59  }
0x173: {  	v17 =	vshrl.u32 v3, $0x1;
	v3 =	vmul.f32 $5.000000000e-01, v3  }
0x174: {  	[tilespmem:$0x1FDF0] =	vst v11;
	v11 =	vsub.s32 $0x5F3759DF, v17;
	v5 =	vsel vm0, v6, v5;
	v7 =	vadd.f32 v8, v7  }
0x175: {  	v18 =	vmul.f32 v11, v3;
	v16 =	vperm.xlane v5, v59  }
0x176: {  	v19 =	vperm.xlane v7, v61;
	v9 =	vperm.xlane v4, v51  }
0x177: {  	v10 =	vmul.f32 v11, v18;
	v4 =	vperm.xlane v4, v56;
	v5 =	vadd.f32 v16, v5  }
0x178: {  	v7 =	vadd.f32 v19, v7;
	v6 =	vmul.f32 v9, v23;
	v8 =	vmul.f32 v9, v24  }
0x179: {  	v10 =	vsub.f32 $1.500000000e+00, v10;
	v14 =	vmul.f32 v9, v25;
	v15 =	vperm.xlane v5, v61  }
0x17a: {  	v13 =	vmul.f32 v9, v26;
	v18 =	vperm.xlane v7, v1  }
0x17b: {  	v10 =	vmul.f32 v11, v10;
	v11 =	vperm.xlane v12, v51  }
0x17c: {  	v16 =	vmul.f32 v9, v27;
	v17 =	vmul.f32 v9, v28;
	v5 =	vadd.f32 v15, v5  }
0x17d: {  	v25 =	vmul.f32 v4, v37;
	v7 =	vadd.f32 v18, v7;
	v6 =	vsub.f32 v6, v11  }
0x17e: {  	v15 =	vmul.f32 v9, v30;
	v8 =	vsub.f32 v8, v11;
	v14 =	vsub.f32 v14, v11  }
0x17f: {  	v9 =	vmul.f32 v9, v31;
	v13 =	vsub.f32 v13, v11;
	v16 =	vsub.f32 v16, v11  }
0x180: {  	v17 =	vsub.f32 v17, v11;
	v37 =	vmul.f32 v10, v3;
	v19 =	vperm.xlane v5, v1  }
0x181: {  	v15 =	vsub.f32 v15, v11;
	v9 =	vsub.f32 v9, v11  }
0x182: {  	v23 =	vmul.f32 $7.812500000e-03, v7;
	v11 =	vmul.f32 v37, v10;
	v5 =	vadd.f32 v19, v5  }
0x183: {  	v20 =	vmul.f32 v4, v33;
	v33 =	vmul.f32 v4, v34  }
0x184: {  	v34 =	vmul.f32 v23, v23;
	v11 =	vsub.f32 $1.500000000e+00, v11;
	v5 =	vmul.f32 $7.812500000e-03, v5  }
0x185: {  	v21 =	vmul.f32 v4, v35  }
0x186: {  	v12 =	vperm.xlane v12, v56;
	v10 =	vmul.f32 v11, v10;
	v5 =	vsub.f32 v5, v34  }
0x187: {  	v24 =	vmul.f32 v4, v36  }
0x188: {  	v21 =	vsub.f32 v21, v12;
	v3 =	vmul.f32 v10, v3;
	v5 =	vadd.f32 $9.999999960e-13, v5  }
0x189: {  	v24 =	vsub.f32 v24, v12;
	v7 =	vsub.f32 v33, v12  }
0x18a: {  	v3 =	vmul.f32 v3, v10;
	v35 =	vshrl.u32 v5, $0x1;
	v5 =	vmul.f32 $5.000000000e-01, v5  }
0x18b: {  	v33 =	vmul.f32 v21, v53;
	v34 =	vmul.f32 v17, v55;
	v17 =	vsub.s32 $0x5F3759DF, v35  }
0x18c: {  	v21 =	vmul.f32 v24, v55;
	v3 =	vsub.f32 $1.500000000e+00, v3;
	v24 =	vmul.f32 v17, v5  }
0x18d: {  	v1 =	vld [tilespmem:$0x1FCF0]  }
0x18e: {  	v3 =	vmul.f32 v3, v10;
	v24 =	vmul.f32 v17, v24;
	_ =	sdelay $0x1  }
0x18f: {  	v36 =	vsub.f32 $1.500000000e+00, v24;
	v24 =	vperm.xlane v3, v51;
	_ =	sdelay $0x1  }
0x190: {  	v26 =	vmul.f32 v24, v1;
	v1 =	vld [tilespmem:$0x1FD00];
	_ =	sdelay $0x2  }
0x191: {  	v2 =	vmul.f32 v3, v2;
	v3 =	vperm.xlane v3, v56;
	_ =	sdelay $0x1  }
0x192: {  	v27 =	vmul.f32 v3, v1;
	v1 =	vld [tilespmem:$0x1FD10];
	_ =	sdelay $0x4  }
0x193: {  	v28 =	vmul.f32 v24, v1;
	v1 =	vld [tilespmem:$0x1FD20];
	_ =	sdelay $0x4  }
0x194: {  	v18 =	vmul.f32 v4, v29;
	v29 =	vmul.f32 v24, v1;
	v1 =	vld [tilespmem:$0x1FD30];
	_ =	sdelay $0x4  }
0x195: {  	v30 =	vmul.f32 v24, v1;
	v1 =	vld [tilespmem:$0x1FD40];
	_ =	sdelay $0x4  }
0x196: {  	v31 =	vmul.f32 v24, v1;
	v1 =	vld [tilespmem:$0x1FD50]  }
0x197: {  	v32 =	vmul.f32 v4, v32;
	_ =	sdelay $0x1  }
0x198: {  	v19 =	vsub.f32 v32, v12;
	v32 =	vmul.f32 v16, v53  }
0x199: {  	[tilespmem:s6+$0x800] =	vst v0  }
0x19a: {  	[tilespmem:s6+$0x810] =	vst v0;
	v11 =	vadd.f32 v32, v43;
	v32 =	vmul.f32 v24, v1;
	v1 =	vld [tilespmem:$0x1FD60]  }
0x19b: {  	[tilespmem:s6+$0x820] =	vst v0  }
0x19c: {  	[tilespmem:s6+$0x880] =	vst v0  }
0x19d: {  	[tilespmem:s6+$0x890] =	vst v0;
	v4 =	vmul.f32 v4, v38;
	v20 =	vsub.f32 v20, v12  }
0x19e: {  	[tilespmem:s6+$0x8A0] =	vst v0;
	v25 =	vsub.f32 v25, v12;
	v18 =	vsub.f32 v18, v12  }
0x19f: {  	[tilespmem:s6+$0x8B0] =	vst v0;
	v4 =	vsub.f32 v4, v12;
	v12 =	vadd.f32 v33, v43;
	v33 =	vmul.f32 v24, v1;
	v1 =	vld [tilespmem:$0x1FD70]  }
0x1a0: {  	[tilespmem:s6+$0x8C0] =	vst v0  }
0x1a1: {  	[tilespmem:s6+$0x8D0] =	vst v0  }
0x1a2: {  	[tilespmem:s6+$0x830] =	vst v0  }
0x1a3: {  	[tilespmem:s6+$0x840] =	vst v0  }
0x1a4: {  	[tilespmem:s6+$0x850] =	vst v0;
	v6 =	vmul.f32 v6, v58;
	v24 =	vmul.f32 v24, v1;
	v1 =	vld [tilespmem:$0x1FD80]  }
0x1a5: {  	[tilespmem:s6+$0x8E0] =	vst v0;
	v13 =	vmul.f32 v13, v54  }
0x1a6: {  	[tilespmem:s6+$0x860] =	vst v0;
	v6 =	vadd.f32 v6, v48  }
0x1a7: {  	[tilespmem:s6+$0x870] =	vst v0;
	v10 =	vadd.f32 v13, v44;
	v13 =	vmul.f32 v17, v36;
	v17 =	vperm.xlane v2, v51  }
0x1a8: {  	[tilespmem:s6+$0x8F0] =	vst v0  }
0x1a9: {  	[tilespmem:s25+$0x8800] =	vst v6;
	v6 =	vsub.f32 v26, v17;
	v26 =	vmul.f32 v3, v1;
	v1 =	vld [tilespmem:$0x1FD90]  }
0x1aa: {  	v18 =	vmul.f32 v18, v58;
	_ =	sdelay $0x1  }
0x1ab: {  	v18 =	vadd.f32 v18, v48;
	v2 =	vperm.xlane v2, v56;
	_ =	sdelay $0x1  }
0x1ac: {  	[tilespmem:s25+$0x8880] =	vst v18;
	v18 =	vsub.f32 v27, v2;
	v27 =	vmul.f32 v3, v1;
	v1 =	vld [tilespmem:$0x1FDA0]  }
0x1ad: {  	v8 =	vmul.f32 v8, v52;
	_ =	sdelay $0x1  }
0x1ae: {  	v8 =	vadd.f32 v8, v47;
	_ =	sdelay $0x1  }
0x1af: {  	[tilespmem:s25+$0x8810] =	vst v8;
	v8 =	vmul.f32 v3, v1;
	v1 =	vld [tilespmem:$0x1FDB0];
	_ =	sdelay $0x4  }
0x1b0: {  	v35 =	vmul.f32 v3, v1;
	v1 =	vld [tilespmem:$0x1FDC0]  }
0x1b1: {  	v19 =	vmul.f32 v19, v52  }
0x1b2: {  	v37 =	vmul.f32 v13, v5  }
0x1b3: {  	v19 =	vadd.f32 v19, v47  }
0x1b4: {  	v16 =	vadd.f32 v34, v42;
	v34 =	vmul.f32 v37, v13  }
0x1b5: {  	[tilespmem:s25+$0x8890] =	vst v19;
	v19 =	vmul.f32 v3, v1;
	v1 =	vld [tilespmem:$0x1FDD0]  }
0x1b6: {  	v34 =	vsub.f32 $1.500000000e+00, v34;
	_ =	sdelay $0x1  }
0x1b7: {  	v13 =	vmul.f32 v34, v13;
	_ =	sdelay $0x1  }
0x1b8: {  	v5 =	vmul.f32 v13, v5;
	v36 =	vmul.f32 v3, v1;
	v1 =	vld [tilespmem:$0x1FDE0]  }
0x1b9: {  	v14 =	vmul.f32 v14, v50  }
0x1ba: {  	v20 =	vmul.f32 v20, v50;
	v5 =	vmul.f32 v5, v13  }
0x1bb: {  	v25 =	vmul.f32 v25, v49;
	v15 =	vmul.f32 v15, v49;
	v14 =	vadd.f32 v14, v46  }
0x1bc: {  	v9 =	vmul.f32 v9, v45;
	v20 =	vadd.f32 v20, v46;
	v5 =	vsub.f32 $1.500000000e+00, v5  }
0x1bd: {  	v4 =	vmul.f32 v4, v45;
	v37 =	vsub.f32 v33, v17;
	v3 =	vmul.f32 v3, v1;
	v1 =	vld [tilespmem:$0x1FDF0]  }
0x1be: {  	v21 =	vadd.f32 v21, v42;
	v15 =	vadd.f32 v15, v41;
	[tilespmem:s25+$0x8820] =	vst v14;
	v5 =	vmul.f32 v5, v13  }
0x1bf: {  	v4 =	vadd.f32 v4, v40;
	[tilespmem:s25+$0x88A0] =	vst v20;
	v33 =	vmul.f32 v37, v49;
	v38 =	vsub.f32 v26, v2  }
0x1c0: {  	v25 =	vadd.f32 v25, v41;
	v9 =	vadd.f32 v9, v40;
	[tilespmem:s25+$0x8860] =	vst v15;
	v15 =	vperm.xlane v5, v51  }
0x1c1: {  	[tilespmem:s25+$0x88F0] =	vst v4;
	v4 =	vadd.f32 v33, v41;
	v14 =	vmul.f32 v38, v52;
	v20 =	vsub.f32 v27, v2  }
0x1c2: {  	v34 =	vsub.f32 v35, v2;
	v38 =	vsub.f32 v36, v2;
	v33 =	vmul.f32 v15, v1;
	v1 =	vld [tilespmem:$0x1FE00]  }
0x1c3: {  	v7 =	vmul.f32 v7, v54;
	v8 =	vsub.f32 v8, v2;
	v19 =	vsub.f32 v19, v2  }
0x1c4: {  	[tilespmem:s25+$0x88C0] =	vst v12;
	v2 =	vsub.f32 v3, v2;
	v3 =	vmul.f32 v34, v53;
	v34 =	vmul.f32 v38, v49  }
0x1c5: {  	v7 =	vadd.f32 v7, v44;
	[tilespmem:s25+$0x88D0] =	vst v21;
	v38 =	vmul.f32 v5, v23;
	v5 =	vperm.xlane v5, v56  }
0x1c6: {  	[tilespmem:s25+$0x88E0] =	vst v25;
	v28 =	vsub.f32 v28, v17;
	v26 =	vsub.f32 v29, v17  }
0x1c7: {  	[tilespmem:s25+$0x8870] =	vst v9;
	v12 =	vadd.f32 v34, v41;
	v34 =	vmul.f32 v5, v1;
	v1 =	vld [tilespmem:$0x1FE10]  }
0x1c8: {  	[tilespmem:s25+$0x88B0] =	vst v7;
	v26 =	vmul.f32 v26, v50;
	v35 =	vmul.f32 v28, v52  }
0x1c9: {  	[tilespmem:s25+$0x8840] =	vst v11  }
0x1ca: {  	[tilespmem:s25+$0x8850] =	vst v16;
	v11 =	vadd.f32 v35, v47;
	v35 =	vadd.f32 v26, v46  }
0x1cb: {  	[tilespmem:s25+$0x8830] =	vst v10  }
0x1cc: {  	[tilespmem:s30+$0x8820] =	vst v35;
	v35 =	vmul.f32 v15, v1;
	v1 =	vld [tilespmem:$0x1FE20]  }
0x1cd: {  	v20 =	vmul.f32 v20, v50;
	_ =	sdelay $0x1  }
0x1ce: {  	v36 =	vadd.f32 v20, v46  }
0x1cf: {  	v27 =	vsub.f32 v30, v17  }
0x1d0: {  	[tilespmem:s30+$0x88A0] =	vst v36;
	v36 =	vmul.f32 v5, v1;
	v1 =	vld [tilespmem:$0x1FE30]  }
0x1d1: {  	v27 =	vmul.f32 v27, v54;
	_ =	sdelay $0x1  }
0x1d2: {  	v37 =	vadd.f32 v27, v44;
	_ =	sdelay $0x1  }
0x1d3: {  	[tilespmem:s30+$0x8830] =	vst v37;
	v37 =	vmul.f32 v15, v1;
	v1 =	vld [tilespmem:$0x1FE40]  }
0x1d4: {  	v7 =	vmul.f32 v18, v58;
	_ =	sdelay $0x1  }
0x1d5: {  	v7 =	vadd.f32 v7, v48  }
0x1d6: {  	v16 =	vperm.xlane v38, v51  }
0x1d7: {  	[tilespmem:s30+$0x8880] =	vst v7;
	v10 =	vsub.f32 v31, v17;
	v7 =	vperm.xlane v38, v56;
	v38 =	vmul.f32 v5, v1;
	v1 =	vld [tilespmem:$0x1FE50]  }
0x1d8: {  	v6 =	vmul.f32 v6, v58  }
0x1d9: {  	v10 =	vmul.f32 v10, v53  }
0x1da: {  	v6 =	vadd.f32 v6, v48  }
0x1db: {  	v10 =	vadd.f32 v10, v43  }
0x1dc: {  	[tilespmem:s30+$0x8800] =	vst v6;
	v29 =	vsub.f32 v32, v17;
	v9 =	vmul.f32 v19, v55;
	v19 =	vmul.f32 v15, v1;
	v1 =	vld [tilespmem:$0x1FE60]  }
0x1dd: {  	[tilespmem:s30+$0x8840] =	vst v10;
	v14 =	vadd.f32 v14, v47;
	v17 =	vsub.f32 v24, v17  }
0x1de: {  	[tilespmem:s30+$0x8860] =	vst v4;
	v32 =	vmul.f32 v29, v55  }
0x1df: {  	[tilespmem:s30+$0x8890] =	vst v14;
	v6 =	vmul.f32 v17, v45;
	v3 =	vadd.f32 v3, v43  }
0x1e0: {  	v21 =	vmul.f32 v15, v60;
	v32 =	vadd.f32 v32, v42;
	v8 =	vmul.f32 v8, v54;
	[tilespmem:s30+$0x8810] =	vst v11  }
0x1e1: {  	v6 =	vadd.f32 v6, v40;
	[tilespmem:s30+$0x88C0] =	vst v3;
	v3 =	vsub.f32 v33, v16;
	v11 =	vmul.f32 v5, v1;
	v1 =	vld [tilespmem:$0x1FE70]  }
0x1e2: {  	[tilespmem:s30+$0x8850] =	vst v32;
	v8 =	vadd.f32 v8, v44;
	v9 =	vadd.f32 v9, v42;
	v2 =	vmul.f32 v2, v45  }
0x1e3: {  	[tilespmem:s30+$0x8870] =	vst v6;
	v3 =	vmul.f32 v3, v58;
	v13 =	vsub.f32 v34, v7;
	v34 =	vsub.f32 v36, v7  }
0x1e4: {  	[tilespmem:s30+$0x88B0] =	vst v8;
	v23 =	vmul.f32 v15, v57;
	v2 =	vadd.f32 v2, v40;
	v57 =	vsub.f32 v21, v16  }
0x1e5: {  	[tilespmem:s30+$0x88D0] =	vst v9;
	v3 =	vadd.f32 v3, v48;
	v13 =	vmul.f32 v13, v58;
	v4 =	vmul.f32 v34, v52  }
0x1e6: {  	[tilespmem:s30+$0x88F0] =	vst v2;
	v32 =	vsub.f32 v35, v16;
	v2 =	vsub.f32 v38, v7;
	v20 =	vmul.f32 v15, v1;
	v1 =	vld [tilespmem:$0x1FE80]  }
0x1e7: {  	[tilespmem:s30+$0x88E0] =	vst v12;
	v35 =	vmul.f32 v5, v63;
	v4 =	vadd.f32 v4, v47;
	v36 =	vsub.f32 v37, v16  }
0x1e8: {  	[tilespmem:s6+$0x8800] =	vst v3;
	v37 =	vmul.f32 v32, v52;
	v2 =	vmul.f32 v2, v50;
	v3 =	vsub.f32 v11, v7  }
0x1e9: {  	[tilespmem:s6+$0x8890] =	vst v4;
	v4 =	vmul.f32 v57, v55;
	v12 =	vmul.f32 v36, v50  }
0x1ea: {  	v6 =	vadd.f32 v37, v47;
	v2 =	vadd.f32 v2, v46;
	v3 =	vmul.f32 v3, v54  }
0x1eb: {  	v4 =	vadd.f32 v4, v42;
	v38 =	vadd.f32 v13, v48;
	v14 =	vmul.f32 v5, v1;
	v1 =	vld [tilespmem:$0x1FE90]  }
0x1ec: {  	[tilespmem:s6+$0x88A0] =	vst v2;
	v15 =	vmul.f32 v15, v39;
	v39 =	vsub.f32 v19, v16;
	v2 =	vadd.f32 v3, v44  }
0x1ed: {  	[tilespmem:s6+$0x8810] =	vst v6;
	v3 =	vsub.f32 v23, v16;
	v48 =	vsub.f32 v20, v16  }
0x1ee: {  	v8 =	vsub.f32 v35, v7;
	[tilespmem:s6+$0x8850] =	vst v4;
	v50 =	vadd.f32 v12, v46;
	v10 =	vmul.f32 v39, v54  }
0x1ef: {  	[tilespmem:s6+$0x88B0] =	vst v2;
	v2 =	vsub.f32 v15, v16;
	v3 =	vmul.f32 v3, v49;
	v9 =	vmul.f32 v48, v53  }
0x1f0: {  	[tilespmem:s6+$0x8880] =	vst v38;
	v10 =	vadd.f32 v10, v44;
	v52 =	vsub.f32 v14, v7;
	v33 =	vmul.f32 v5, v1  }
0x1f1: {  	[tilespmem:s6+$0x8820] =	vst v50;
	v2 =	vmul.f32 v2, v45;
	v3 =	vadd.f32 v3, v41;
	v5 =	vmul.f32 v5, v62  }
0x1f2: {  	v9 =	vadd.f32 v9, v43;
	[tilespmem:s6+$0x8830] =	vst v10;
	v6 =	vmul.f32 v52, v53;
	v58 =	vsub.f32 v33, v7  }
0x1f3: {  	v2 =	vadd.f32 v2, v40;
	[tilespmem:s6+$0x8860] =	vst v3;
	v62 =	vmul.f32 v8, v49;
	v5 =	vsub.f32 v5, v7  }
0x1f4: {  	[tilespmem:s6+$0x8840] =	vst v9;
	v6 =	vadd.f32 v6, v43;
	v60 =	vmul.f32 v58, v55  }
0x1f5: {  	[tilespmem:s6+$0x8870] =	vst v2;
	v13 =	vadd.f32 v62, v41;
	v12 =	vmul.f32 v5, v45  }
0x1f6: {  	[tilespmem:s6+$0x88C0] =	vst v6;
	v63 =	vadd.f32 v60, v42  }
0x1f7: {  	[tilespmem:s6+$0x88E0] =	vst v13;
	v3 =	vadd.f32 v12, v40  }
0x1f8: {  	[tilespmem:s6+$0x88D0] =	vst v63  }
0x1f9: {  	s3 =	simm.s32 $0x400;
	[tilespmem:s6+$0x88F0] =	vst v3  }
0x1fa: {  	[tilespmem:s19], [sflag:$0x1] =	stream.indirect.gather.add.f32 [hbm:s0], $0x80, s3, s18, $0xb8;
	[tilespmem:$0x10900] =	vst v63  }
0x1fb: {  	s26 =	simm.s32 $0x480  }
0x1fc: {  	[tilespmem:s19], [sflag:$0x1] =	stream.indirect.gather.add.f32 [hbm:s1], $0x80, s26, s18, $0xb8;
	[tilespmem:$0x10900] =	vst v63  }
0x1fd: {  	s6 =	simm.s32 $0x500  }
0x1fe: {  	[tilespmem:s19], [sflag:$0x1] =	stream.indirect.gather.add.f32 [hbm:s2], $0x80, s6, s18, $0xb8;
	[tilespmem:$0x10900] =	vst v63  }
0x1ff: {  	s25 =	simm.s32 $0x580  }
0x200: {  	[tilespmem:s19], [sflag:$0x1] =	stream.indirect.gather.add.f32 [hbm:s4], $0x80, s25, s18, $0xb8;
	[tilespmem:$0x10900] =	vst v63  }
0x201: {  	s26 =	simm.s32 $0x0  }
0x202: {  	[hbm4b:s9+s26] =	stream.linear.scatter [tilespmem:s5], [sflag:$0x3], $0x4000, $0x38;
	[tilespmem:$0x10900] =	vst v63  }
0x203: {  	_ =	swait.ge [sflag:s7], $0x4000  }
0x204: {  	[sflag:s7] =	ssyncset.done $0x0  }
0x205: {  	[sflag:s7] =	ssyncadd.s32 $0xFFFFC000  }
0x206: {  	_ =	swait.ge [sflag:s7], $0x4000  }
0x207: {  	[sflag:s7] =	ssyncset.done $0x0  }
0x208: {  	[sflag:s7] =	ssyncadd.s32 $0xFFFFC000  }
0x209: {  	_ =	swait.ge [sflag:s7], $0x4000  }
0x20a: {  	[sflag:s7] =	ssyncset.done $0x0  }
0x20b: {  	[sflag:s7] =	ssyncadd.s32 $0xFFFFC000  }
0x20c: {  	_ =	swait.ge [sflag:s7], $0x4000  }
0x20d: {  	[sflag:s7] =	ssyncset.done $0x0  }
0x20e: {  	s26 =	simm.s32 $0x0;
	[sflag:s7] =	ssyncadd.s32 $0xFFFFC000  }
0x20f: {  	v52 =	vld [tilespmem:s26+$0x4800]  }
0x210: {  	v54 =	vld [tilespmem:s26+$0x4880]  }
0x211: {  	v53 =	vld [tilespmem:s26+$0x4890]  }
0x212: {  	v1 =	vld [tilespmem:s26+$0x4810]  }
0x213: {  	v48 =	vld [tilespmem:s26+$0x48A0]  }
0x214: {  	v44 =	vld [tilespmem:s26+$0x4820]  }
0x215: {  	v45 =	vld [tilespmem:s26+$0x48B0]  }
0x216: {  	v43 =	vld [tilespmem:s26+$0x4830];
	v2 =	vmul.f32 v54, v54;
	v3 =	vadd.f32 v53, v54;
	v14 =	vmul.f32 v53, v53  }
0x217: {  	v47 =	vld [tilespmem:s26+$0x48C0];
	v15 =	vmul.f32 v52, v52;
	v16 =	vadd.f32 v1, v52;
	v17 =	vmul.f32 v1, v1  }
0x218: {  	v42 =	vld [tilespmem:s26+$0x4840];
	v18 =	vmul.f32 v48, v48;
	v2 =	vadd.f32 v14, v2;
	v3 =	vadd.f32 v48, v3  }
0x219: {  	v46 =	vld [tilespmem:s26+$0x48D0];
	v19 =	vmul.f32 v44, v44;
	v5 =	vadd.f32 v17, v15;
	v6 =	vadd.f32 v44, v16  }
0x21a: {  	v41 =	vld [tilespmem:s26+$0x4850];
	v32 =	vmul.f32 v45, v45;
	v2 =	vadd.f32 v18, v2;
	v3 =	vadd.f32 v45, v3  }
0x21b: {  	v49 =	vld [tilespmem:s26+$0x48E0];
	v33 =	vmul.f32 v43, v43;
	v4 =	vadd.f32 v19, v5;
	v34 =	vadd.f32 v43, v6  }
0x21c: {  	v40 =	vld [tilespmem:s26+$0x4860];
	v35 =	vmul.f32 v47, v47;
	v2 =	vadd.f32 v32, v2;
	v3 =	vadd.f32 v47, v3  }
0x21d: {  	v50 =	vld [tilespmem:s26+$0x48F0];
	v36 =	vmul.f32 v42, v42;
	v4 =	vadd.f32 v33, v4;
	v5 =	vadd.f32 v42, v34  }
0x21e: {  	v39 =	vld [tilespmem:s26+$0x4870];
	v37 =	vmul.f32 v46, v46;
	v2 =	vadd.f32 v35, v2;
	v3 =	vadd.f32 v46, v3  }
0x21f: {  	v38 =	vmul.f32 v41, v41;
	v4 =	vadd.f32 v36, v4;
	v5 =	vadd.f32 v41, v5  }
0x220: {  	v55 =	vmul.f32 v49, v49;
	v2 =	vadd.f32 v37, v2;
	v3 =	vadd.f32 v49, v3  }
0x221: {  	v57 =	vmul.f32 v40, v40;
	v4 =	vadd.f32 v38, v4;
	v5 =	vadd.f32 v40, v5  }
0x222: {  	v58 =	vmul.f32 v50, v50;
	v2 =	vadd.f32 v55, v2;
	v3 =	vadd.f32 v50, v3  }
0x223: {  	v60 =	vmul.f32 v39, v39;
	v5 =	vadd.f32 v39, v5  }
0x224: {  	v4 =	vadd.f32 v57, v4;
	v2 =	vadd.f32 v58, v2;
	v62 =	vperm.xlane v3, v22  }
0x225: {  	v63 =	vperm.xlane v5, v22  }
0x226: {  	v4 =	vadd.f32 v60, v4;
	v3 =	vadd.f32 v62, v3;
	v11 =	vperm.xlane v2, v22  }
0x227: {  	v5 =	vadd.f32 v63, v5  }
0x228: {  	v7 =	vperm.xlane v4, v22;
	v2 =	vadd.f32 v11, v2;
	v3 =	vperm.xlane v3, v22;
	_ =	sdelay $0x1  }
0x229: {  	v4 =	vadd.f32 v7, v4;
	v3 =	vsel vm0, v5, v3;
	v2 =	vperm.xlane v2, v22  }
0x22a: {  	[tilespmem:s26+$0x4800] =	vst v0;
	v5 =	vperm.xlane v3, v59  }
0x22b: {  	[tilespmem:s26+$0x4810] =	vst v0;
	v2 =	vsel vm0, v4, v2  }
0x22c: {  	[tilespmem:s26+$0x4820] =	vst v0;
	v3 =	vadd.f32 v5, v3;
	v4 =	vperm.xlane v2, v59  }
0x22d: {  	[tilespmem:s26+$0x4830] =	vst v0;
	v63 =	vld [tilespmem:$0x1FFA0]  }
0x22e: {  	[tilespmem:s26+$0x4840] =	vst v0;
	v2 =	vadd.f32 v4, v2;
	v12 =	vperm.xlane v3, v61  }
0x22f: {  	[tilespmem:s26+$0x4850] =	vst v0  }
0x230: {  	[tilespmem:s26+$0x4860] =	vst v0;
	v3 =	vadd.f32 v12, v3;
	v13 =	vperm.xlane v2, v61  }
0x231: {  	[tilespmem:s26+$0x4870] =	vst v0  }
0x232: {  	[tilespmem:s26+$0x4880] =	vst v0;
	v2 =	vadd.f32 v13, v2;
	v14 =	vperm.xlane v3, v63  }
0x233: {  	[tilespmem:s26+$0x4890] =	vst v0  }
0x234: {  	[tilespmem:s26+$0x48A0] =	vst v0;
	v3 =	vadd.f32 v14, v3;
	v15 =	vperm.xlane v2, v63  }
0x235: {  	[tilespmem:s26+$0x48B0] =	vst v0  }
0x236: {  	[tilespmem:s26+$0x48C0] =	vst v0;
	v2 =	vadd.f32 v15, v2;
	v3 =	vmul.f32 $7.812500000e-03, v3  }
0x237: {  	[tilespmem:s26+$0x48D0] =	vst v0  }
0x238: {  	[tilespmem:s26+$0x48E0] =	vst v0;
	v2 =	vmul.f32 $7.812500000e-03, v2;
	v16 =	vmul.f32 v3, v3  }
0x239: {  	s25 =	simm.s32 $0x100;
	[tilespmem:s26+$0x48F0] =	vst v0  }
0x23a: {  	v23 =	vld [tilespmem:s25+$0x4800];
	v2 =	vsub.f32 v2, v16  }
0x23b: {  	v24 =	vld [tilespmem:s25+$0x4810]  }
0x23c: {  	v25 =	vld [tilespmem:s25+$0x4820];
	v2 =	vadd.f32 $9.999999960e-13, v2  }
0x23d: {  	v29 =	vld [tilespmem:s25+$0x4880]  }
0x23e: {  	v32 =	vld [tilespmem:s25+$0x4890];
	v17 =	vshrl.u32 v2, $0x1;
	v2 =	vmul.f32 $5.000000000e-01, v2  }
0x23f: {  	v4 =	vsub.s32 $0x5F3759DF, v17  }
0x240: {  	v33 =	vld [tilespmem:s25+$0x48A0];
	v18 =	vmul.f32 v4, v2  }
0x241: {  	v26 =	vld [tilespmem:s25+$0x4830];
	v19 =	vmul.f32 v23, v23;
	v36 =	vmul.f32 v24, v24  }
0x242: {  	v34 =	vld [tilespmem:s25+$0x48B0];
	v37 =	vadd.f32 v24, v23;
	v38 =	vmul.f32 v25, v25;
	v5 =	vmul.f32 v4, v18  }
0x243: {  	v6 =	vadd.f32 v36, v19;
	v57 =	vmul.f32 v29, v29;
	v58 =	vadd.f32 v32, v29  }
0x244: {  	v35 =	vld [tilespmem:s25+$0x48C0];
	v8 =	vadd.f32 v25, v37;
	v60 =	vmul.f32 v32, v32;
	v5 =	vsub.f32 $1.500000000e+00, v5  }
0x245: {  	v27 =	vld [tilespmem:s25+$0x4840];
	v6 =	vadd.f32 v38, v6;
	v11 =	vadd.f32 v33, v58  }
0x246: {  	v36 =	vld [tilespmem:s25+$0x48D0];
	v62 =	vmul.f32 v33, v33;
	v10 =	vadd.f32 v60, v57;
	v4 =	vmul.f32 v4, v5  }
0x247: {  	v28 =	vld [tilespmem:s25+$0x4850];
	v55 =	vmul.f32 v26, v26;
	v8 =	vadd.f32 v26, v8;
	v18 =	vadd.f32 v34, v11  }
0x248: {  	v37 =	vld [tilespmem:s25+$0x48E0];
	v17 =	vmul.f32 v34, v34;
	v5 =	vadd.f32 v62, v10;
	v16 =	vmul.f32 v4, v2  }
0x249: {  	v30 =	vld [tilespmem:s25+$0x4860];
	v6 =	vadd.f32 v55, v6;
	v10 =	vadd.f32 v35, v18  }
0x24a: {  	v38 =	vld [tilespmem:s25+$0x48F0];
	v57 =	vmul.f32 v35, v35;
	v5 =	vadd.f32 v17, v5;
	v55 =	vmul.f32 v16, v4  }
0x24b: {  	v19 =	vadd.f32 v27, v8;
	v61 =	vmul.f32 v27, v27;
	v10 =	vadd.f32 v36, v10  }
0x24c: {  	v31 =	vld [tilespmem:s25+$0x4870];
	v60 =	vmul.f32 v36, v36;
	v5 =	vadd.f32 v57, v5;
	v8 =	vsub.f32 $1.500000000e+00, v55  }
0x24d: {  	v7 =	vadd.f32 v28, v19;
	v6 =	vadd.f32 v61, v6;
	v61 =	vmul.f32 v37, v37  }
0x24e: {  	[tilespmem:s25+$0x4800] =	vst v0;
	v62 =	vadd.f32 v37, v10;
	v5 =	vadd.f32 v60, v5;
	v4 =	vmul.f32 v8, v4  }
0x24f: {  	[tilespmem:s25+$0x4810] =	vst v0;
	v58 =	vmul.f32 v28, v28;
	v7 =	vadd.f32 v30, v7;
	v13 =	vmul.f32 v38, v38  }
0x250: {  	[tilespmem:s25+$0x4820] =	vst v0;
	v9 =	vadd.f32 v38, v62;
	v5 =	vadd.f32 v61, v5;
	v2 =	vmul.f32 v4, v2  }
0x251: {  	[tilespmem:s25+$0x4830] =	vst v0;
	v7 =	vadd.f32 v31, v7;
	v12 =	vmul.f32 v30, v30;
	v6 =	vadd.f32 v58, v6  }
0x252: {  	[tilespmem:s25+$0x4840] =	vst v0;
	v15 =	vperm.xlane v9, v22;
	v5 =	vadd.f32 v13, v5;
	v2 =	vmul.f32 v2, v4  }
0x253: {  	[tilespmem:s25+$0x4850] =	vst v0;
	v14 =	vmul.f32 v31, v31;
	v6 =	vadd.f32 v12, v6;
	v16 =	vperm.xlane v7, v22  }
0x254: {  	[tilespmem:s25+$0x4860] =	vst v0;
	v8 =	vadd.f32 v15, v9;
	v17 =	vperm.xlane v5, v22;
	v2 =	vsub.f32 $1.500000000e+00, v2  }
0x255: {  	[tilespmem:s25+$0x4870] =	vst v0;
	v6 =	vadd.f32 v14, v6;
	v7 =	vadd.f32 v16, v7  }
0x256: {  	[tilespmem:s25+$0x4880] =	vst v0;
	v8 =	vperm.xlane v8, v22;
	v5 =	vadd.f32 v17, v5;
	v2 =	vmul.f32 v2, v4  }
0x257: {  	[tilespmem:s25+$0x4890] =	vst v0;
	v18 =	vperm.xlane v6, v22  }
0x258: {  	[tilespmem:s25+$0x48A0] =	vst v0;
	v19 =	vsel vm0, v7, v8;
	v5 =	vperm.xlane v5, v22;
	v3 =	vmul.f32 v2, v3  }
0x259: {  	[tilespmem:s25+$0x48B0] =	vst v0;
	v4 =	vadd.f32 v18, v6;
	v55 =	vperm.xlane v2, v51;
	v58 =	vperm.xlane v2, v56  }
0x25a: {  	[tilespmem:s25+$0x48C0] =	vst v0;
	v2 =	vperm.xlane v19, v59;
	v57 =	vperm.xlane v3, v51  }
0x25b: {  	[tilespmem:s25+$0x48D0] =	vst v0;
	v61 =	vsel vm0, v4, v5;
	v56 =	vperm.xlane v3, v56;
	v3 =	vmul.f32 v55, v52  }
0x25c: {  	[tilespmem:s25+$0x48E0] =	vst v0;
	v60 =	vadd.f32 v2, v19;
	v52 =	vperm.xlane v61, v59;
	v62 =	vmul.f32 v58, v54  }
0x25d: {  	s31 =	simm.s32 $0xC00;
	s30 =	simm.s32 $0x800;
	s6 =	simm.s32 $0x1000;
	[tilespmem:s25+$0x48F0] =	vst v0;
	v54 =	vmul.f32 v55, v1;
	v53 =	vmul.f32 v58, v53;
	v59 =	vsub.f32 v3, v57  }
.LBB2_8:
0x25e: {  	v1 =	vld [tilespmem:$0x1FFD0];
	_ =	sdelay $0x4  }
0x25f: {  	v2 =	vadd.f32 v52, v61;
	v3 =	vperm.xlane v60, v1;
	_ =	sdelay $0x1  }
0x260: {  	v4 =	vmul.f32 v55, v44;
	v8 =	vperm.xlane v2, v1;
	v1 =	vld [tilespmem:$0x1FEA0];
	v3 =	vadd.f32 v3, v60  }
0x261: {  	v6 =	vmul.f32 v58, v48;
	v7 =	vmul.f32 v55, v43  }
0x262: {  	v11 =	vmul.f32 v55, v42;
	v61 =	vperm.xlane v3, v63  }
0x263: {  	v13 =	vmul.f32 v55, v41;
	v16 =	vmul.f32 v55, v40;
	v5 =	vsub.f32 v62, v56  }
0x264: {  	v17 =	vmul.f32 v58, v49;
	v19 =	vmul.f32 v58, v50;
	v50 =	vmovc v38;
	v38 =	vld [tilespmem:$0x1FED0];
	v3 =	vadd.f32 v61, v3  }
0x265: {  	v18 =	vmul.f32 v55, v39;
	v49 =	vmovc v37;
	v37 =	vld [tilespmem:$0x1FF00];
	v2 =	vadd.f32 v8, v2;
	v5 =	vmul.f32 v5, v1  }
0x266: {  	s3 =	sshra.s32 s30, $0x2;
	v55 =	vmul.f32 $7.812500000e-03, v3;
	v3 =	vsub.f32 v6, v56;
	v6 =	vmul.f32 v59, v1;
	v1 =	vld [tilespmem:$0x1FEB0]  }
0x267: {  	v9 =	vmul.f32 v58, v45;
	v12 =	vmul.f32 v58, v47;
	v52 =	vmov v23;
	v23 =	vld [tilespmem:s3+$0x4800]  }
0x268: {  	v51 =	vmovc v24;
	v10 =	vsub.f32 v54, v57;
	v14 =	vsub.f32 v53, v56;
	v24 =	vld [tilespmem:s3+$0x4810];
	v62 =	vperm.xlane v2, v63  }
0x269: {  	v44 =	vmovc v25;
	v15 =	vmul.f32 v58, v46;
	v25 =	vld [tilespmem:s3+$0x4820];
	v4 =	vsub.f32 v4, v57;
	v7 =	vsub.f32 v7, v57  }
0x26a: {  	v43 =	vmovc v26;
	v53 =	vmov v32;
	v26 =	vld [tilespmem:s3+$0x4830];
	v32 =	vsub.f32 v9, v56;
	v2 =	vadd.f32 v62, v2  }
0x26b: {  	v46 =	vmovc v36;
	v36 =	vsub.f32 v15, v56;
	v9 =	vmul.f32 v10, v1;
	v14 =	vmul.f32 v14, v1;
	v1 =	vld [tilespmem:$0x1FEC0]  }
0x26c: {  	v42 =	vmovc v27;
	v48 =	vmovc v33;
	v27 =	vld [tilespmem:s3+$0x4840];
	v15 =	vsub.f32 v16, v57;
	v2 =	vmul.f32 $7.812500000e-03, v2;
	v33 =	vmul.f32 v55, v55  }
0x26d: {  	v41 =	vmovc v28;
	v40 =	vmovc v30;
	v45 =	vmov v34;
	v16 =	vsub.f32 v17, v56;
	v17 =	vsub.f32 v18, v57;
	v18 =	vld [tilespmem:$0x1FEE0]  }
0x26e: {  	[tilespmem:s3+$0x4800] =	vst v0;
	v11 =	vsub.f32 v11, v57;
	v60 =	vmul.f32 v32, v38;
	v32 =	vld [tilespmem:$0x1FEF0];
	v2 =	vsub.f32 v2, v33  }
0x26f: {  	[tilespmem:s3+$0x4810] =	vst v0;
	v28 =	vld [tilespmem:s3+$0x4850];
	v13 =	vsub.f32 v13, v57;
	v57 =	vmul.f32 v7, v38;
	v15 =	vmul.f32 v15, v37  }
0x270: {  	v47 =	vmovc v35;
	[tilespmem:s3+$0x4820] =	vst v0;
	v2 =	vadd.f32 $9.999999960e-13, v2;
	v4 =	vmul.f32 v4, v1;
	v59 =	vmul.f32 v3, v1;
	v1 =	vld [tilespmem:$0x1FF20]  }
0x271: {  	[tilespmem:s3+$0x4830] =	vst v0;
	v30 =	vld [tilespmem:s3+$0x4860];
	v34 =	vadd.f32 v24, v23;
	v35 =	vmul.f32 v24, v24;
	v33 =	vmul.f32 v23, v23  }
0x272: {  	v39 =	vmovc v31;
	[tilespmem:s3+$0x4840] =	vst v0;
	v31 =	vld [tilespmem:s3+$0x4870];
	v61 =	vmul.f32 v11, v18;
	v58 =	vshrl.u32 v2, $0x1;
	v2 =	vmul.f32 $5.000000000e-01, v2  }
0x273: {  	v54 =	vmovc v29;
	[tilespmem:s3+$0x4850] =	vst v0;
	v29 =	vld [tilespmem:s3+$0x4880];
	v62 =	vmul.f32 v36, v32;
	v11 =	vadd.f32 v35, v33;
	v7 =	vsub.s32 $0x5F3759DF, v58  }
0x274: {  	[tilespmem:s3+$0x4860] =	vst v0;
	v58 =	vmul.f32 v13, v32;
	v32 =	vld [tilespmem:s3+$0x4890];
	v3 =	vsub.f32 v19, v56;
	v19 =	vmul.f32 v7, v2  }
0x275: {  	[tilespmem:s3+$0x4870] =	vst v0;
	v36 =	vmul.f32 v25, v25;
	v6 =	vadd.f32 v6, v1;
	v5 =	vadd.f32 v5, v1;
	v1 =	vld [tilespmem:$0x1FF30]  }
0x276: {  	[tilespmem:s3+$0x4880] =	vst v0;
	v12 =	vsub.f32 v12, v56;
	v16 =	vmul.f32 v16, v37;
	v37 =	vld [tilespmem:s3+$0x48E0];
	v8 =	vmul.f32 v7, v19  }
0x277: {  	[tilespmem:s3+$0x48E0] =	vst v0;
	v38 =	vmul.f32 v26, v26;
	v10 =	vadd.f32 v25, v34;
	v33 =	vld [tilespmem:s3+$0x48A0];
	v11 =	vadd.f32 v36, v11  }
0x278: {  	v22 =	vmovc v63;
	v34 =	vld [tilespmem:s3+$0x48B0];
	[tilespmem:s3+$0x48B0] =	vst v0;
	v56 =	vmul.f32 v12, v18;
	v18 =	vmul.f32 v27, v27;
	v8 =	vsub.f32 $1.500000000e+00, v8  }
0x279: {  	[tilespmem:s3+$0x48A0] =	vst v0;
	v11 =	vadd.f32 v38, v11;
	v21 =	vadd.f32 v32, v29;
	v63 =	vmul.f32 v32, v32  }
0x27a: {  	v35 =	vld [tilespmem:s3+$0x48C0];
	[tilespmem:s3+$0x48C0] =	vst v0;
	v7 =	vmul.f32 v7, v8;
	v8 =	vadd.f32 v14, v1;
	v14 =	vmul.f32 v29, v29  }
0x27b: {  	v36 =	vld [tilespmem:s3+$0x48D0];
	[tilespmem:s3+$0x48D0] =	vst v0;
	v11 =	vadd.f32 v18, v11  }
0x27c: {  	[tilespmem:s3+$0x4890] =	vst v0;
	v38 =	vld [tilespmem:s3+$0x48F0];
	v18 =	vmul.f32 v33, v33;
	v21 =	vadd.f32 v33, v21;
	v14 =	vadd.f32 v63, v14  }
0x27d: {  	v13 =	vmul.f32 v28, v28;
	[tilespmem:s3+$0x48F0] =	vst v0;
	v9 =	vadd.f32 v9, v1;
	v1 =	vld [tilespmem:$0x1FF40]  }
0x27e: {  	[tilespmem:s26+$0xC880] =	vst v5;
	v5 =	vadd.f32 v18, v14;
	v18 =	vadd.f32 v34, v21  }
0x27f: {  	v19 =	vmul.f32 v30, v30;
	v11 =	vadd.f32 v13, v11  }
0x280: {  	v63 =	vmul.f32 v34, v34;
	[tilespmem:s26+$0xC890] =	vst v8;
	v8 =	vadd.f32 v35, v18;
	v18 =	vld [tilespmem:$0x1FF10]  }
0x281: {  	v12 =	vmul.f32 v31, v31;
	v19 =	vadd.f32 v19, v11;
	[tilespmem:s26+$0xC800] =	vst v6;
	v6 =	vmul.f32 v35, v35  }
0x282: {  	v20 =	vmul.f32 v7, v2;
	v4 =	vadd.f32 v4, v1;
	v5 =	vadd.f32 v63, v5  }
0x283: {  	v10 =	vadd.f32 v26, v10  }
0x284: {  	v20 =	vmul.f32 v20, v7;
	[tilespmem:s26+$0xC820] =	vst v4;
	v4 =	vadd.f32 v12, v19;
	v19 =	vld [tilespmem:$0x1FFF0];
	v5 =	vadd.f32 v6, v5  }
0x285: {  	v6 =	vadd.f32 v36, v8;
	v8 =	vmul.f32 v17, v18;
	v3 =	vmul.f32 v3, v18;
	v18 =	vld [tilespmem:$0x1FF50]  }
0x286: {  	v14 =	vmul.f32 v36, v36  }
0x287: {  	v10 =	vadd.f32 v27, v10;
	v12 =	vsub.f32 $1.500000000e+00, v20  }
0x288: {  	v11 =	vmul.f32 v37, v37;
	v5 =	vadd.f32 v14, v5  }
0x289: {  	v10 =	vadd.f32 v28, v10;
	v7 =	vmul.f32 v12, v7;
	v6 =	vadd.f32 v37, v6  }
0x28a: {  	v17 =	vperm.xlane v4, v19;
	v5 =	vadd.f32 v11, v5;
	v11 =	vadd.f32 v60, v18;
	v60 =	vld [tilespmem:$0x1FF60]  }
0x28b: {  	v10 =	vadd.f32 v30, v10;
	v13 =	vmul.f32 v38, v38;
	v6 =	vadd.f32 v38, v6  }
0x28c: {  	v2 =	vmul.f32 v7, v2;
	v4 =	vadd.f32 v17, v4;
	v57 =	vadd.f32 v57, v18  }
0x28d: {  	v17 =	vadd.f32 v59, v1;
	v5 =	vadd.f32 v13, v5  }
0x28e: {  	v10 =	vadd.f32 v31, v10;
	v2 =	vmul.f32 v2, v7;
	v59 =	vperm.xlane v6, v19;
	[tilespmem:s26+$0xC830] =	vst v57;
	v57 =	vld [tilespmem:$0x1FF70]  }
0x28f: {  	v1 =	vld [tilespmem:$0x1FFB0];
	[tilespmem:s26+$0xC8A0] =	vst v17;
	v17 =	vadd.f32 v61, v60;
	v18 =	vadd.f32 v56, v60;
	v56 =	vperm.xlane v5, v19  }
0x290: {  	[tilespmem:s26+$0xC810] =	vst v9;
	v9 =	vperm.xlane v10, v19;
	v2 =	vsub.f32 $1.500000000e+00, v2;
	v6 =	vadd.f32 v59, v6;
	v61 =	vld [tilespmem:$0x1FF80]  }
0x291: {  	[tilespmem:s26+$0xC840] =	vst v17;
	v5 =	vadd.f32 v56, v5;
	v17 =	vld [tilespmem:$0x1FFE0]  }
0x292: {  	v9 =	vadd.f32 v9, v10;
	v2 =	vmul.f32 v2, v7;
	v6 =	vperm.xlane v6, v19;
	[tilespmem:s26+$0xC8C0] =	vst v18;
	v18 =	vld [tilespmem:$0x1FF90]  }
0x293: {  	v59 =	vadd.f32 v58, v57;
	v5 =	vperm.xlane v5, v19;
	v19 =	vld [tilespmem:$0x1FFC0]  }
0x294: {  	[tilespmem:s26+$0xC8B0] =	vst v11;
	v6 =	vsel vm0, v9, v6;
	v60 =	vadd.f32 v62, v57;
	v58 =	vperm.xlane v2, v1  }
0x295: {  	p0 =	sne.s32 s6, $0xFC00;
	[tilespmem:s26+$0xC850] =	vst v59;
	v62 =	vadd.f32 v15, v61;
	v10 =	vadd.f32 v16, v61;
	v16 =	vmul.f32 v2, v55  }
.Ltmp3:
0x296: {  	[tilespmem:s26+$0xC8D0] =	vst v60;
	v53 =	vmul.f32 v58, v53;
	v61 =	vsel vm0, v4, v5;
	v55 =	vperm.xlane v2, v17;
	(pc) =	sbr.rel @p0 .LBB2_8-.Ltmp3, $4  }
0x297: {  	v8 =	vadd.f32 v8, v18;
	v57 =	vperm.xlane v16, v17;
	[tilespmem:s26+$0xC860] =	vst v62;
	v56 =	vperm.xlane v16, v1  }
0x298: {  	v3 =	vadd.f32 v3, v18;
	[tilespmem:s26+$0xC8E0] =	vst v10;
	v2 =	vperm.xlane v6, v19;
	v59 =	vmul.f32 v55, v52  }
0x299: {  	s30 =	smov.u32 s31;
	s31 =	smov.u32 s6;
	v63 =	vmov v22;
	v62 =	vmul.f32 v58, v54;
	v52 =	vperm.xlane v61, v19;
	[tilespmem:s26+$0xC870] =	vst v8  }
0x29a: {  	s6 =	sadd.s32 $0x400, s6;
	v54 =	vmul.f32 v55, v51;
	[tilespmem:s26+$0xC8F0] =	vst v3;
	s26 =	smov.u32 s25;
	s25 =	smov.u32 s3;
	v60 =	vadd.f32 v2, v6;
	v59 =	vsub.f32 v59, v57  }
0x29b: {  	v51 =	vld [tilespmem:$0x1FFD0];
	_ =	sdelay $0x4  }
0x29c: {  	v2 =	vadd.f32 v52, v61;
	v3 =	vperm.xlane v60, v51  }
0x29d: {  	v4 =	vmul.f32 v55, v44;
	v6 =	vmul.f32 v58, v48;
	s30 =	sshra.s32 s30, $0x2;
	v1 =	vld [tilespmem:$0x1FEB0]  }
0x29e: {  	v7 =	vmul.f32 v55, v43;
	v20 =	vld [tilespmem:s30+$0x4800];
	v8 =	vperm.xlane v2, v51;
	v3 =	vadd.f32 v3, v60  }
0x29f: {  	v9 =	vmul.f32 v58, v45;
	v13 =	vmul.f32 v55, v41;
	v41 =	vld [tilespmem:s30+$0x4810]  }
0x2a0: {  	v10 =	vsub.f32 v54, v57;
	v43 =	vld [tilespmem:s30+$0x4830];
	[tilespmem:s30+$0x4800] =	vst v0;
	v2 =	vadd.f32 v8, v2;
	v54 =	vperm.xlane v3, v63  }
0x2a1: {  	v5 =	vsub.f32 v62, v56;
	v11 =	vmul.f32 v55, v42;
	v12 =	vmul.f32 v58, v47;
	v44 =	vld [tilespmem:s30+$0x4840];
	[tilespmem:s30+$0x4810] =	vst v0  }
0x2a2: {  	v15 =	vmul.f32 v58, v46;
	[tilespmem:s30+$0x4830] =	vst v0;
	v60 =	vperm.xlane v2, v63;
	v3 =	vadd.f32 v54, v3;
	v54 =	vld [tilespmem:$0x1FEA0]  }
0x2a3: {  	v14 =	vsub.f32 v53, v56;
	v16 =	vmul.f32 v55, v40;
	v19 =	vmul.f32 v58, v50;
	v50 =	vld [tilespmem:s30+$0x4850];
	[tilespmem:s30+$0x4840] =	vst v0  }
0x2a4: {  	v17 =	vmul.f32 v58, v49;
	v18 =	vmul.f32 v55, v39;
	[tilespmem:s30+$0x4850] =	vst v0;
	v55 =	vld [tilespmem:s30+$0x48A0];
	v2 =	vadd.f32 v60, v2  }
0x2a5: {  	v52 =	vld [tilespmem:s30+$0x4860];
	[tilespmem:s30+$0x4860] =	vst v0;
	v58 =	vsub.f32 v9, v56;
	v9 =	vmul.f32 v10, v1;
	v62 =	vmul.f32 $7.812500000e-03, v3  }
0x2a6: {  	[tilespmem:s30+$0x48A0] =	vst v0;
	v14 =	vmul.f32 v14, v1;
	v1 =	vld [tilespmem:$0x1FEE0];
	v2 =	vmul.f32 $7.812500000e-03, v2  }
0x2a7: {  	v11 =	vsub.f32 v11, v57;
	[tilespmem:$0x1FB70] =	vst v20;
	v61 =	vmul.f32 v59, v54;
	v59 =	vmul.f32 v62, v62  }
0x2a8: {  	v45 =	vld [tilespmem:$0x1FED0];
	v12 =	vsub.f32 v12, v56;
	v10 =	vsub.f32 v15, v56;
	[tilespmem:$0x1FB90] =	vst v41  }
0x2a9: {  	v47 =	vld [tilespmem:$0x1FEC0];
	v15 =	vsub.f32 v16, v57;
	[tilespmem:$0x1FC10] =	vst v55;
	v2 =	vsub.f32 v2, v59  }
0x2aa: {  	v16 =	vsub.f32 v17, v56;
	v17 =	vsub.f32 v18, v57;
	[tilespmem:$0x1FBB0] =	vst v43;
	v60 =	vld [tilespmem:s30+$0x4820]  }
0x2ab: {  	v49 =	vld [tilespmem:$0x1FF30];
	[tilespmem:$0x1FBC0] =	vst v44;
	v11 =	vmul.f32 v11, v1;
	v12 =	vmul.f32 v12, v1;
	v1 =	vmovc v20;
	v2 =	vadd.f32 $9.999999960e-13, v2  }
0x2ac: {  	v21 =	vmul.f32 v41, v41;
	[tilespmem:$0x1FBD0] =	vst v50;
	v20 =	vmul.f32 v20, v20;
	v53 =	vadd.f32 v41, v1;
	v1 =	vld [tilespmem:s30+$0x4890]  }
0x2ad: {  	[tilespmem:$0x1FBE0] =	vst v52;
	v18 =	vshrl.u32 v2, $0x1;
	v39 =	vmul.f32 $5.000000000e-01, v2;
	v2 =	vmul.f32 v58, v45;
	v58 =	vld [tilespmem:$0x1FF20]  }
0x2ae: {  	v4 =	vsub.f32 v4, v57;
	v7 =	vsub.f32 v7, v57;
	[tilespmem:s30+$0x4820] =	vst v0  }
0x2af: {  	v13 =	vsub.f32 v13, v57;
	[tilespmem:s30+$0x4890] =	vst v0;
	v20 =	vadd.f32 v21, v20;
	v57 =	vmul.f32 v60, v60  }
0x2b0: {  	[tilespmem:$0x1FBA0] =	vst v60;
	v21 =	vadd.f32 v60, v53;
	v53 =	vld [tilespmem:s30+$0x48C0]  }
0x2b1: {  	v4 =	vmul.f32 v4, v47;
	v9 =	vadd.f32 v9, v49;
	[tilespmem:$0x1FC00] =	vst v1;
	v20 =	vadd.f32 v57, v20;
	v57 =	vld [tilespmem:s30+$0x48B0]  }
0x2b2: {  	v3 =	vsub.f32 v6, v56;
	v60 =	vmul.f32 v43, v43;
	[tilespmem:s30+$0x48C0] =	vst v0;
	v6 =	vadd.f32 v61, v58;
	v61 =	vld [tilespmem:s30+$0x4880]  }
0x2b3: {  	v14 =	vadd.f32 v14, v49;
	v41 =	vmul.f32 v44, v44;
	v21 =	vadd.f32 v43, v21;
	[tilespmem:s30+$0x48B0] =	vst v0;
	v59 =	vld [tilespmem:s30+$0x48D0]  }
0x2b4: {  	v3 =	vmul.f32 v3, v47;
	v5 =	vmul.f32 v5, v54;
	[tilespmem:s30+$0x48D0] =	vst v0;
	v20 =	vadd.f32 v60, v20  }
0x2b5: {  	v21 =	vadd.f32 v44, v21;
	[tilespmem:$0x1FC30] =	vst v53;
	v8 =	vsub.s32 $0x5F3759DF, v18;
	v18 =	vsub.f32 v19, v56;
	v56 =	vld [tilespmem:s30+$0x4870]  }
0x2b6: {  	v44 =	vmul.f32 v50, v50;
	v20 =	vadd.f32 v41, v20;
	[tilespmem:s30+$0x4870] =	vst v0;
	v19 =	vmul.f32 v8, v39  }
0x2b7: {  	v43 =	vmul.f32 v1, v1;
	v41 =	vmul.f32 v55, v55;
	[tilespmem:$0x1FC20] =	vst v57;
	v40 =	vadd.f32 v1, v61  }
0x2b8: {  	[tilespmem:$0x1FC40] =	vst v59;
	v20 =	vadd.f32 v44, v20;
	v19 =	vmul.f32 v8, v19;
	v5 =	vadd.f32 v5, v58  }
0x2b9: {  	[tilespmem:s30+$0x4880] =	vst v0;
	v42 =	vmul.f32 v61, v61;
	v1 =	vmov v50;
	v40 =	vadd.f32 v55, v40  }
0x2ba: {  	v46 =	vld [tilespmem:$0x1FEF0];
	v44 =	vmul.f32 v57, v57;
	v19 =	vsub.f32 $1.500000000e+00, v19;
	[tilespmem:$0x1FBF0] =	vst v56;
	v21 =	vadd.f32 v1, v21  }
0x2bb: {  	v60 =	vld [tilespmem:$0x1FF40];
	[tilespmem:$0x1FB80] =	vst v61;
	v61 =	vmov v52;
	v42 =	vadd.f32 v43, v42;
	v40 =	vadd.f32 v57, v40  }
0x2bc: {  	v8 =	vmul.f32 v8, v19;
	v43 =	vmul.f32 v52, v52;
	v52 =	vld [tilespmem:s30+$0x48E0];
	[tilespmem:s30+$0x48E0] =	vst v0;
	v21 =	vadd.f32 v61, v21  }
0x2bd: {  	v55 =	vld [tilespmem:s30+$0x48F0];
	[tilespmem:s30+$0x48F0] =	vst v0;
	v61 =	vmul.f32 v53, v53;
	v41 =	vadd.f32 v41, v42;
	v40 =	vadd.f32 v53, v40  }
0x2be: {  	[tilespmem:s26+$0xC880] =	vst v5;
	v57 =	vmul.f32 v56, v56;
	v20 =	vadd.f32 v43, v20;
	v5 =	vadd.f32 v56, v21  }
0x2bf: {  	[tilespmem:s26+$0xC800] =	vst v6;
	v21 =	vmul.f32 v59, v59;
	v41 =	vadd.f32 v44, v41;
	v19 =	vadd.f32 v59, v40;
	v59 =	vld [tilespmem:$0x1FF50]  }
0x2c0: {  	v4 =	vadd.f32 v4, v60;
	[tilespmem:s26+$0xC810] =	vst v9;
	v9 =	vadd.f32 v57, v20;
	v57 =	vld [tilespmem:$0x1FF10]  }
0x2c1: {  	v3 =	vadd.f32 v3, v60;
	[tilespmem:s26+$0xC890] =	vst v14;
	v20 =	vmul.f32 v8, v39;
	v6 =	vadd.f32 v61, v41;
	v41 =	vld [tilespmem:$0x1FF70]  }
0x2c2: {  	v48 =	vld [tilespmem:$0x1FF00];
	v7 =	vmul.f32 v7, v45;
	v13 =	vmul.f32 v13, v46;
	[tilespmem:s26+$0xC820] =	vst v4  }
0x2c3: {  	v10 =	vmul.f32 v10, v46;
	[tilespmem:s26+$0xC8A0] =	vst v3;
	v56 =	vld [tilespmem:$0x1FF90];
	v53 =	vmul.f32 v20, v8;
	v44 =	vadd.f32 v52, v19  }
0x2c4: {  	v1 =	vld [tilespmem:$0x1FFF0];
	[tilespmem:$0x1FC50] =	vst v52;
	v19 =	vmul.f32 v52, v52;
	v50 =	vadd.f32 v21, v6;
	v52 =	vadd.f32 v7, v59  }
0x2c5: {  	[tilespmem:$0x1FC60] =	vst v55;
	v3 =	vmul.f32 v55, v55;
	v40 =	vld [tilespmem:$0x1FF80];
	v6 =	vsub.f32 $1.500000000e+00, v53;
	v2 =	vadd.f32 v2, v59  }
0x2c6: {  	v14 =	vadd.f32 v55, v44;
	v44 =	vmul.f32 v17, v57;
	v61 =	vadd.f32 v13, v41;
	[tilespmem:s26+$0xC830] =	vst v52  }
0x2c7: {  	v53 =	vmul.f32 v18, v57;
	v4 =	vadd.f32 v19, v50;
	v19 =	vld [tilespmem:$0x1FF60];
	v10 =	vadd.f32 v10, v41;
	[tilespmem:s26+$0xC8B0] =	vst v2  }
0x2c8: {  	v15 =	vmul.f32 v15, v48;
	v43 =	vadd.f32 v44, v56;
	[tilespmem:s26+$0xC850] =	vst v61  }
0x2c9: {  	v16 =	vmul.f32 v16, v48;
	v3 =	vadd.f32 v3, v4;
	v4 =	vadd.f32 v53, v56;
	[tilespmem:s26+$0xC8D0] =	vst v10  }
0x2ca: {  	v55 =	vperm.xlane v14, v1;
	v52 =	vadd.f32 v15, v40;
	[tilespmem:s26+$0xC870] =	vst v43  }
0x2cb: {  	v61 =	vadd.f32 v16, v40;
	[tilespmem:s26+$0xC8F0] =	vst v4  }
0x2cc: {  	v13 =	vld [tilespmem:$0x1FFC0];
	v2 =	vperm.xlane v5, v1;
	v7 =	vadd.f32 v55, v14;
	v11 =	vadd.f32 v11, v19;
	[tilespmem:s26+$0xC860] =	vst v52  }
0x2cd: {  	v50 =	vperm.xlane v3, v1;
	v12 =	vadd.f32 v12, v19;
	[tilespmem:s26+$0xC8E0] =	vst v61  }
0x2ce: {  	v6 =	vmul.f32 v6, v8;
	v2 =	vadd.f32 v2, v5;
	v7 =	vperm.xlane v7, v1;
	[tilespmem:s26+$0xC840] =	vst v11  }
0x2cf: {  	s31 =	sshra.s32 s31, $0x2;
	v42 =	vperm.xlane v9, v1;
	v3 =	vadd.f32 v50, v3;
	[tilespmem:s26+$0xC8C0] =	vst v12  }
0x2d0: {  	v52 =	vmul.f32 v6, v39;
	v2 =	vsel vm0, v2, v7;
	v11 =	vld [tilespmem:s31+$0x4800]  }
0x2d1: {  	v44 =	vadd.f32 v42, v9;
	v3 =	vperm.xlane v3, v1;
	v55 =	vld [tilespmem:s31+$0x4880];
	v50 =	vperm.xlane v2, v13  }
0x2d2: {  	v4 =	vmul.f32 v52, v6;
	v12 =	vld [tilespmem:s31+$0x48A0]  }
0x2d3: {  	v3 =	vsel vm0, v44, v3;
	v44 =	vld [tilespmem:s31+$0x4890];
	v2 =	vadd.f32 v50, v2  }
0x2d4: {  	v61 =	vld [tilespmem:s31+$0x4820];
	v4 =	vsub.f32 $1.500000000e+00, v4;
	v53 =	vperm.xlane v3, v13  }
0x2d5: {  	v14 =	vld [tilespmem:s31+$0x48B0];
	v43 =	vperm.xlane v2, v51  }
0x2d6: {  	v50 =	vld [tilespmem:s31+$0x4810];
	v4 =	vmul.f32 v4, v6;
	v3 =	vadd.f32 v53, v3  }
0x2d7: {  	v16 =	vld [tilespmem:s31+$0x48C0];
	v42 =	vmul.f32 v55, v55;
	v6 =	vmul.f32 v11, v11;
	v2 =	vadd.f32 v43, v2  }
0x2d8: {  	v5 =	vperm.xlane v3, v51;
	[tilespmem:$0x1FCA0] =	vst v44;
	v43 =	vmul.f32 v44, v44;
	v44 =	vadd.f32 v44, v55  }
0x2d9: {  	v52 =	vld [tilespmem:s31+$0x4840];
	v10 =	vmul.f32 v12, v12;
	v39 =	vperm.xlane v2, v63  }
0x2da: {  	v15 =	vmul.f32 v61, v61;
	v3 =	vadd.f32 v5, v3;
	v63 =	vld [tilespmem:s31+$0x4830];
	v8 =	vadd.f32 v12, v44  }
0x2db: {  	[tilespmem:$0x1FCB0] =	vst v12;
	v53 =	vld [tilespmem:s31+$0x48D0];
	v5 =	vadd.f32 v43, v42;
	v2 =	vadd.f32 v39, v2;
	v39 =	vmul.f32 v50, v50  }
0x2dc: {  	[tilespmem:$0x1FC90] =	vst v50;
	v12 =	vmul.f32 v16, v16;
	v50 =	vadd.f32 v50, v11;
	v8 =	vadd.f32 v14, v8  }
0x2dd: {  	v43 =	vld [tilespmem:s31+$0x4850];
	v5 =	vadd.f32 v10, v5;
	v6 =	vadd.f32 v39, v6;
	v39 =	vmul.f32 v14, v14  }
0x2de: {  	[tilespmem:$0x1FCC0] =	vst v14;
	v7 =	vadd.f32 v61, v50;
	v50 =	vld [tilespmem:s31+$0x48E0];
	v14 =	vmul.f32 v52, v52;
	v8 =	vadd.f32 v16, v8  }
0x2df: {  	[tilespmem:$0x1FC80] =	vst v55;
	v42 =	vld [tilespmem:s31+$0x4860];
	v55 =	vmul.f32 v63, v63;
	v6 =	vadd.f32 v15, v6;
	v5 =	vadd.f32 v39, v5  }
0x2e0: {  	v44 =	vld [tilespmem:s31+$0x48F0];
	v2 =	vmul.f32 $7.812500000e-03, v2;
	v7 =	vadd.f32 v63, v7;
	v8 =	vadd.f32 v53, v8  }
0x2e1: {  	v15 =	vmul.f32 v53, v53;
	v6 =	vadd.f32 v55, v6;
	v5 =	vadd.f32 v12, v5  }
0x2e2: {  	v39 =	vld [tilespmem:s31+$0x4870];
	v9 =	vmul.f32 v2, v2;
	v55 =	vmul.f32 v43, v43;
	v7 =	vadd.f32 v52, v7  }
0x2e3: {  	v12 =	vmul.f32 v50, v50;
	v6 =	vadd.f32 v14, v6;
	v5 =	vadd.f32 v15, v5  }
0x2e4: {  	v8 =	vadd.f32 v50, v8;
	v14 =	vmul.f32 v42, v42;
	v7 =	vadd.f32 v43, v7  }
0x2e5: {  	v15 =	vmul.f32 v44, v44;
	v6 =	vadd.f32 v55, v6;
	v5 =	vadd.f32 v12, v5  }
0x2e6: {  	v8 =	vadd.f32 v44, v8;
	v55 =	vperm.xlane v3, v22;
	v7 =	vadd.f32 v42, v7  }
0x2e7: {  	v12 =	vmul.f32 v39, v39;
	v6 =	vadd.f32 v14, v6;
	v5 =	vadd.f32 v15, v5  }
0x2e8: {  	v3 =	vadd.f32 v55, v3;
	v7 =	vadd.f32 v39, v7;
	v14 =	vperm.xlane v8, v1  }
0x2e9: {  	v6 =	vadd.f32 v12, v6;
	v15 =	vperm.xlane v5, v1;
	v12 =	vmul.f32 v4, v62;
	v62 =	vld [tilespmem:$0x1FFE0]  }
0x2ea: {  	[tilespmem:$0x1FC70] =	vst v11;
	v3 =	vmul.f32 $7.812500000e-03, v3;
	v11 =	vperm.xlane v7, v1;
	v8 =	vadd.f32 v14, v8  }
0x2eb: {  	v5 =	vadd.f32 v15, v5;
	v55 =	vperm.xlane v6, v1  }
0x2ec: {  	v7 =	vadd.f32 v11, v7;
	v8 =	vperm.xlane v8, v1;
	v3 =	vsub.f32 v3, v9  }
0x2ed: {  	v6 =	vadd.f32 v55, v6;
	v5 =	vperm.xlane v5, v1  }
0x2ee: {  	v7 =	vsel vm0, v7, v8;
	v3 =	vadd.f32 $9.999999960e-13, v3;
	v9 =	vperm.xlane v4, v62  }
0x2ef: {  	v55 =	vld [tilespmem:$0x1FFB0];
	v8 =	vperm.xlane v7, v13;
	v5 =	vsel vm0, v6, v5  }
0x2f0: {  	v15 =	vshrl.u32 v3, $0x1;
	v3 =	vmul.f32 $5.000000000e-01, v3;
	v6 =	vmul.f32 v9, v23  }
0x2f1: {  	v14 =	vperm.xlane v5, v13;
	v7 =	vadd.f32 v8, v7;
	v8 =	vmul.f32 v9, v24  }
0x2f2: {  	[tilespmem:$0x1FCD0] =	vst v16;
	v11 =	vsub.s32 $0x5F3759DF, v15;
	v16 =	vmul.f32 v9, v27;
	v17 =	vmul.f32 v9, v28  }
0x2f3: {  	v15 =	vmul.f32 v9, v30;
	v10 =	vmul.f32 v11, v3  }
0x2f4: {  	v4 =	vperm.xlane v4, v55;
	v5 =	vadd.f32 v14, v5;
	v13 =	vperm.xlane v7, v51  }
0x2f5: {  	v14 =	vmul.f32 v9, v25;
	v10 =	vmul.f32 v11, v10  }
0x2f6: {  	v51 =	vperm.xlane v5, v51;
	v7 =	vadd.f32 v13, v7;
	v13 =	vmul.f32 v9, v26  }
0x2f7: {  	v9 =	vmul.f32 v9, v31;
	v20 =	vmul.f32 v4, v33;
	v10 =	vsub.f32 $1.500000000e+00, v10  }
0x2f8: {  	v5 =	vadd.f32 v51, v5;
	v18 =	vperm.xlane v7, v22;
	v51 =	vperm.xlane v12, v62  }
0x2f9: {  	v34 =	vmul.f32 v4, v34;
	v10 =	vmul.f32 v11, v10  }
0x2fa: {  	v19 =	vperm.xlane v5, v22;
	v7 =	vadd.f32 v18, v7;
	v6 =	vsub.f32 v6, v51  }
0x2fb: {  	v21 =	vmul.f32 v4, v35;
	v8 =	vsub.f32 v8, v51;
	v14 =	vsub.f32 v14, v51  }
0x2fc: {  	v5 =	vadd.f32 v19, v5;
	v19 =	vmul.f32 v4, v32;
	v32 =	vmul.f32 v10, v3  }
0x2fd: {  	v25 =	vmul.f32 v4, v37;
	v13 =	vsub.f32 v13, v51;
	v16 =	vsub.f32 v16, v51  }
0x2fe: {  	v17 =	vsub.f32 v17, v51;
	v23 =	vmul.f32 $7.812500000e-03, v7;
	v11 =	vmul.f32 v32, v10  }
0x2ff: {  	v12 =	vperm.xlane v12, v55;
	v15 =	vsub.f32 v15, v51;
	v9 =	vsub.f32 v9, v51  }
0x300: {  	v37 =	vld [tilespmem:$0x1FEE0];
	v5 =	vmul.f32 $7.812500000e-03, v5;
	v51 =	vmul.f32 v23, v23;
	v11 =	vsub.f32 $1.500000000e+00, v11  }
0x301: {  	v24 =	vmul.f32 v4, v36;
	v18 =	vmul.f32 v4, v29;
	v20 =	vsub.f32 v20, v12  }
0x302: {  	v21 =	vsub.f32 v21, v12;
	v5 =	vsub.f32 v5, v51;
	v10 =	vmul.f32 v11, v10  }
0x303: {  	[tilespmem:s31+$0x4800] =	vst v0;
	v24 =	vsub.f32 v24, v12;
	v4 =	vmul.f32 v4, v38;
	v6 =	vmul.f32 v6, v54  }
0x304: {  	[tilespmem:s31+$0x4820] =	vst v0;
	v14 =	vmul.f32 v14, v47;
	v5 =	vadd.f32 $9.999999960e-13, v5;
	v3 =	vmul.f32 v10, v3  }
0x305: {  	[tilespmem:s31+$0x4840] =	vst v0;
	v7 =	vsub.f32 v34, v12;
	v33 =	vmul.f32 v16, v37;
	v16 =	vmul.f32 v17, v46  }
0x306: {  	[tilespmem:s31+$0x4880] =	vst v0;
	v17 =	vshrl.u32 v5, $0x1;
	v5 =	vmul.f32 $5.000000000e-01, v5;
	v3 =	vmul.f32 v3, v10  }
0x307: {  	[tilespmem:s31+$0x48A0] =	vst v0;
	v20 =	vmul.f32 v20, v47;
	v34 =	vmul.f32 v21, v37;
	v17 =	vsub.s32 $0x5F3759DF, v17  }
0x308: {  	[tilespmem:s31+$0x48B0] =	vst v0;
	v21 =	vmul.f32 v24, v46;
	v24 =	vmul.f32 v17, v5;
	v3 =	vsub.f32 $1.500000000e+00, v3  }
0x309: {  	[tilespmem:s31+$0x48C0] =	vst v0;
	v36 =	vld [tilespmem:$0x1FBD0];
	v25 =	vsub.f32 v25, v12;
	v13 =	vmul.f32 v13, v45;
	v15 =	vmul.f32 v15, v48  }
0x30a: {  	[tilespmem:s31+$0x4890] =	vst v0;
	v38 =	vld [tilespmem:$0x1FEB0];
	v24 =	vmul.f32 v17, v24;
	v3 =	vmul.f32 v3, v10  }
0x30b: {  	[tilespmem:s31+$0x4810] =	vst v0;
	v27 =	vld [tilespmem:$0x1FB80];
	v18 =	vsub.f32 v18, v12;
	v25 =	vmul.f32 v25, v48;
	v9 =	vmul.f32 v9, v57  }
0x30c: {  	[tilespmem:s31+$0x48D0] =	vst v0;
	v28 =	vld [tilespmem:$0x1FB90];
	v19 =	vsub.f32 v19, v12;
	v35 =	vsub.f32 $1.500000000e+00, v24;
	v24 =	vperm.xlane v3, v62  }
0x30d: {  	v18 =	vmul.f32 v18, v54;
	v4 =	vsub.f32 v4, v12;
	v6 =	vadd.f32 v6, v58;
	v51 =	vmovc v54;
	v54 =	vld [tilespmem:$0x1FF60]  }
0x30e: {  	[tilespmem:s31+$0x4830] =	vst v0;
	v14 =	vadd.f32 v14, v60;
	v20 =	vadd.f32 v20, v60;
	v32 =	vmul.f32 v24, v36;
	v36 =	vld [tilespmem:$0x1FBE0]  }
0x30f: {  	[tilespmem:s31+$0x4850] =	vst v0;
	v30 =	vld [tilespmem:$0x1FBB0];
	v16 =	vadd.f32 v16, v41;
	v21 =	vadd.f32 v21, v41;
	v19 =	vmul.f32 v19, v38  }
0x310: {  	[tilespmem:s31+$0x4860] =	vst v0;
	v26 =	vld [tilespmem:$0x1FB70];
	v7 =	vmul.f32 v7, v45;
	v15 =	vadd.f32 v15, v40;
	v25 =	vadd.f32 v25, v40  }
0x311: {  	[tilespmem:s31+$0x48F0] =	vst v0;
	v29 =	vld [tilespmem:$0x1FBA0];
	v4 =	vmul.f32 v4, v57;
	v8 =	vmul.f32 v8, v38;
	v19 =	vadd.f32 v19, v49  }
0x312: {  	[tilespmem:s31+$0x48E0] =	vst v0;
	v31 =	vld [tilespmem:$0x1FBC0];
	v11 =	vadd.f32 v33, v54;
	v2 =	vmul.f32 v3, v2;
	v3 =	vperm.xlane v3, v55  }
0x313: {  	[tilespmem:s31+$0x4870] =	vst v0;
	v10 =	vadd.f32 v13, v59;
	v13 =	vmul.f32 v17, v35;
	v33 =	vmul.f32 v24, v36;
	v36 =	vld [tilespmem:$0x1FBF0]  }
0x314: {  	v9 =	vadd.f32 v9, v56;
	[tilespmem:s25+$0xC890] =	vst v19;
	v19 =	vld [tilespmem:$0x1FC40];
	v17 =	vperm.xlane v2, v62;
	v2 =	vperm.xlane v2, v55  }
0x315: {  	v18 =	vadd.f32 v18, v58;
	v26 =	vmul.f32 v24, v26;
	v27 =	vmul.f32 v3, v27  }
0x316: {  	v7 =	vadd.f32 v7, v59;
	v35 =	vld [tilespmem:$0x1FC20];
	v28 =	vmul.f32 v24, v28;
	v29 =	vmul.f32 v24, v29  }
0x317: {  	v4 =	vadd.f32 v4, v56;
	v30 =	vmul.f32 v24, v30;
	v31 =	vmul.f32 v24, v31  }
0x318: {  	[tilespmem:s25+$0xC800] =	vst v6;
	v6 =	vsub.f32 v26, v17;
	v26 =	vld [tilespmem:$0x1FC00];
	v24 =	vmul.f32 v24, v36;
	v36 =	vmul.f32 v13, v5  }
0x319: {  	[tilespmem:s25+$0xC880] =	vst v18;
	v8 =	vadd.f32 v8, v49;
	v19 =	vmul.f32 v3, v19;
	v18 =	vsub.f32 v27, v2;
	v27 =	vld [tilespmem:$0x1FC10]  }
0x31a: {  	v12 =	vadd.f32 v34, v54;
	[tilespmem:s25+$0xC830] =	vst v10;
	v10 =	vsub.f32 v31, v17;
	v34 =	vmul.f32 v36, v13;
	v36 =	vld [tilespmem:$0x1FC30]  }
0x31b: {  	[tilespmem:s25+$0xC810] =	vst v8;
	v28 =	vsub.f32 v28, v17;
	v19 =	vsub.f32 v19, v2;
	v8 =	vmul.f32 v3, v35  }
0x31c: {  	v6 =	vmul.f32 v6, v51;
	v10 =	vmul.f32 v10, v37;
	v34 =	vsub.f32 $1.500000000e+00, v34  }
0x31d: {  	[tilespmem:s25+$0xC870] =	vst v9;
	v9 =	vmul.f32 v19, v46;
	v8 =	vsub.f32 v8, v2;
	v26 =	vmul.f32 v3, v26  }
0x31e: {  	[tilespmem:s25+$0xC820] =	vst v14;
	v14 =	vld [tilespmem:$0x1FC60];
	v6 =	vadd.f32 v6, v58;
	v27 =	vmul.f32 v3, v27;
	v13 =	vmul.f32 v34, v13  }
0x31f: {  	[tilespmem:s25+$0xC8A0] =	vst v20;
	v33 =	vsub.f32 v33, v17;
	v34 =	vmul.f32 v18, v51;
	v35 =	vmul.f32 v3, v36;
	v36 =	vld [tilespmem:$0x1FC50]  }
0x320: {  	[tilespmem:s25+$0xC850] =	vst v16;
	v8 =	vmul.f32 v8, v45;
	v20 =	vsub.f32 v27, v2;
	v27 =	vsub.f32 v30, v17  }
0x321: {  	[tilespmem:s25+$0xC8B0] =	vst v7;
	v5 =	vmul.f32 v13, v5;
	v7 =	vadd.f32 v34, v58;
	v34 =	vmul.f32 v33, v48  }
0x322: {  	[tilespmem:s25+$0xC8D0] =	vst v21;
	v10 =	vadd.f32 v10, v54;
	v20 =	vmul.f32 v20, v47;
	v27 =	vmul.f32 v27, v45  }
0x323: {  	[tilespmem:s25+$0xC8F0] =	vst v4;
	v18 =	vsub.f32 v35, v2;
	v5 =	vmul.f32 v5, v13;
	v4 =	vadd.f32 v34, v40  }
0x324: {  	[tilespmem:s25+$0xC860] =	vst v15;
	v36 =	vmul.f32 v3, v36;
	v3 =	vmul.f32 v3, v14;
	v14 =	vsub.f32 v26, v2  }
0x325: {  	[tilespmem:s25+$0xC8E0] =	vst v25;
	v26 =	vsub.f32 v29, v17;
	v29 =	vsub.f32 v32, v17;
	v32 =	vmul.f32 v28, v38  }
0x326: {  	[tilespmem:s25+$0xC840] =	vst v11;
	v17 =	vsub.f32 v24, v17;
	v5 =	vsub.f32 $1.500000000e+00, v5;
	v14 =	vmul.f32 v14, v38  }
0x327: {  	[tilespmem:s25+$0xC8C0] =	vst v12;
	v26 =	vmul.f32 v26, v47;
	v16 =	vsub.f32 v36, v2;
	v2 =	vsub.f32 v3, v2  }
0x328: {  	[tilespmem:s30+$0xC800] =	vst v6;
	v34 =	vld [tilespmem:$0x1FC70];
	v3 =	vmul.f32 v18, v37;
	v11 =	vadd.f32 v32, v49;
	v36 =	vadd.f32 v20, v60  }
0x329: {  	[tilespmem:s30+$0xC880] =	vst v7;
	v6 =	vmul.f32 v17, v57;
	v5 =	vmul.f32 v5, v13;
	v32 =	vadd.f32 v27, v59;
	v17 =	vld [tilespmem:$0x1FC90]  }
0x32a: {  	v15 =	vmul.f32 v29, v46;
	v35 =	vmul.f32 v16, v48;
	v14 =	vadd.f32 v14, v49;
	[tilespmem:s30+$0xC8A0] =	vst v36  }
0x32b: {  	v16 =	vadd.f32 v26, v60;
	v2 =	vmul.f32 v2, v57;
	v33 =	vmul.f32 v5, v23;
	[tilespmem:s30+$0xC830] =	vst v32  }
0x32c: {  	v36 =	vld [tilespmem:$0x1FCA0];
	[tilespmem:s30+$0xC890] =	vst v14;
	v14 =	vadd.f32 v15, v41;
	v15 =	vperm.xlane v5, v62;
	v5 =	vperm.xlane v5, v55  }
0x32d: {  	v9 =	vadd.f32 v9, v41;
	v32 =	vld [tilespmem:$0x1FCB0];
	[tilespmem:s30+$0xC820] =	vst v16;
	v16 =	vperm.xlane v33, v62;
	v7 =	vperm.xlane v33, v55  }
0x32e: {  	[tilespmem:s30+$0xC810] =	vst v11;
	v12 =	vadd.f32 v35, v40;
	v35 =	vld [tilespmem:$0x1FC80];
	v11 =	vmul.f32 v15, v34;
	v17 =	vmul.f32 v15, v17  }
0x32f: {  	v8 =	vadd.f32 v8, v59;
	v33 =	vld [tilespmem:$0x1FCC0];
	v18 =	vmul.f32 v15, v61;
	v19 =	vmul.f32 v15, v63  }
0x330: {  	[tilespmem:s30+$0xC840] =	vst v10;
	v3 =	vadd.f32 v3, v54;
	v20 =	vmul.f32 v15, v52;
	v21 =	vmul.f32 v15, v43  }
0x331: {  	[tilespmem:s30+$0xC8D0] =	vst v9;
	v6 =	vadd.f32 v6, v56;
	v23 =	vmul.f32 v15, v42;
	v42 =	vmul.f32 v5, v50  }
0x332: {  	[tilespmem:s30+$0xC8B0] =	vst v8;
	v2 =	vadd.f32 v2, v56;
	v15 =	vmul.f32 v15, v39;
	v8 =	vmul.f32 v5, v36  }
0x333: {  	[tilespmem:s30+$0xC8C0] =	vst v3;
	v10 =	vmul.f32 v5, v32;
	v3 =	vsub.f32 v11, v16;
	v43 =	vsub.f32 v18, v16  }
0x334: {  	[tilespmem:s30+$0xC860] =	vst v4;
	v52 =	vsub.f32 v19, v16;
	v13 =	vmul.f32 v5, v35;
	v11 =	vmul.f32 v5, v33  }
0x335: {  	v34 =	vld [tilespmem:$0x1FCD0];
	[tilespmem:s30+$0xC8E0] =	vst v12;
	v35 =	vsub.f32 v17, v16;
	v17 =	vmul.f32 v5, v53;
	v3 =	vmul.f32 v3, v51  }
0x336: {  	[tilespmem:s30+$0xC8F0] =	vst v2;
	v36 =	vsub.f32 v8, v7;
	v2 =	vsub.f32 v10, v7;
	v12 =	vmul.f32 v43, v47  }
0x337: {  	[tilespmem:s30+$0xC870] =	vst v6;
	v53 =	vsub.f32 v20, v16;
	v10 =	vmul.f32 v52, v45;
	v3 =	vadd.f32 v3, v58  }
0x338: {  	[tilespmem:s30+$0xC850] =	vst v14;
	v8 =	vsub.f32 v42, v7;
	v50 =	vmul.f32 v35, v38;
	v61 =	vadd.f32 v12, v60  }
0x339: {  	v13 =	vsub.f32 v13, v7;
	v4 =	vmul.f32 v36, v38;
	v10 =	vadd.f32 v10, v59;
	[tilespmem:s31+$0xC800] =	vst v3  }
0x33a: {  	v14 =	vmul.f32 v5, v34;
	v2 =	vmul.f32 v2, v47;
	v6 =	vadd.f32 v50, v49;
	[tilespmem:s31+$0xC820] =	vst v61  }
0x33b: {  	v9 =	vmul.f32 v53, v37;
	v4 =	vadd.f32 v4, v49;
	v3 =	vsub.f32 v11, v7;
	[tilespmem:s31+$0xC830] =	vst v10  }
0x33c: {  	v13 =	vmul.f32 v13, v51;
	v63 =	vsub.f32 v14, v7;
	v2 =	vadd.f32 v2, v60;
	[tilespmem:s31+$0xC810] =	vst v6  }
0x33d: {  	v12 =	vsub.f32 v21, v16;
	v9 =	vadd.f32 v9, v54;
	[tilespmem:s31+$0xC890] =	vst v4;
	v3 =	vmul.f32 v3, v45  }
0x33e: {  	v51 =	vadd.f32 v13, v58;
	v13 =	vsub.f32 v17, v7;
	v6 =	vmul.f32 v63, v37;
	[tilespmem:s31+$0xC8A0] =	vst v2  }
0x33f: {  	v4 =	vmul.f32 v12, v46;
	[tilespmem:s31+$0xC840] =	vst v9;
	v2 =	vadd.f32 v3, v59;
	v3 =	vsub.f32 v23, v16  }
0x340: {  	v5 =	vmul.f32 v5, v44;
	[tilespmem:s31+$0xC880] =	vst v51;
	v14 =	vmul.f32 v13, v46;
	v6 =	vadd.f32 v6, v54  }
0x341: {  	v4 =	vadd.f32 v4, v41;
	[tilespmem:s31+$0xC8B0] =	vst v2;
	v2 =	vsub.f32 v15, v16;
	v3 =	vmul.f32 v3, v48  }
0x342: {  	v5 =	vsub.f32 v5, v7;
	v32 =	vadd.f32 v14, v41;
	[tilespmem:s31+$0xC8C0] =	vst v6;
	v15 =	vmul.f32 v8, v48  }
0x343: {  	[tilespmem:s31+$0xC850] =	vst v4;
	v2 =	vmul.f32 v2, v57;
	v3 =	vadd.f32 v3, v40  }
0x344: {  	v33 =	vmul.f32 v5, v57;
	[tilespmem:s31+$0xC8D0] =	vst v32;
	v34 =	vadd.f32 v15, v40  }
0x345: {  	v2 =	vadd.f32 v2, v56;
	[tilespmem:s31+$0xC860] =	vst v3  }
0x346: {  	v3 =	vadd.f32 v33, v56;
	[tilespmem:s31+$0xC8E0] =	vst v34  }
0x347: {  	[tilespmem:s31+$0xC870] =	vst v2  }
0x348: {  	[tilespmem:s31+$0xC8F0] =	vst v3  }
0x349: {  	[tilespmem:s23], [sflag:$0x2] =	stream.indirect.gather.add.f32 [hbm:s0], $0x80, s15, s18, $0xb8;
	[tilespmem:$0x10900] =	vst v63  }
0x34a: {  	_ = 	snop  }
0x34b: {  	[tilespmem:s23], [sflag:$0x2] =	stream.indirect.gather.add.f32 [hbm:s1], $0x80, s16, s18, $0xb8;
	[tilespmem:$0x10900] =	vst v63  }
0x34c: {  	_ = 	snop  }
0x34d: {  	[tilespmem:s23], [sflag:$0x2] =	stream.indirect.gather.add.f32 [hbm:s2], $0x80, s20, s18, $0xb8;
	[tilespmem:$0x10900] =	vst v63  }
0x34e: {  	_ = 	snop  }
0x34f: {  	[tilespmem:s23], [sflag:$0x2] =	stream.indirect.gather.add.f32 [hbm:s4], $0x80, s21, s18, $0xb8;
	[tilespmem:$0x10900] =	vst v63  }
0x350: {  	s3 =	simm.s32 $0x0  }
0x351: {  	[hbm4b:s10+s3] =	stream.linear.scatter [tilespmem:s22], [sflag:$0x4], $0x4000, $0x38;
	[tilespmem:$0x10900] =	vst v63  }
0x352: {  	_ =	swait.ge [sflag:s17], $0x4000  }
0x353: {  	[sflag:s17] =	ssyncset.done $0x0  }
0x354: {  	[sflag:s17] =	ssyncadd.s32 $0xFFFFC000  }
0x355: {  	_ =	swait.ge [sflag:s17], $0x4000  }
0x356: {  	[sflag:s17] =	ssyncset.done $0x0  }
0x357: {  	[sflag:s17] =	ssyncadd.s32 $0xFFFFC000  }
0x358: {  	_ =	swait.ge [sflag:s17], $0x4000  }
0x359: {  	[sflag:s17] =	ssyncset.done $0x0  }
0x35a: {  	[sflag:s17] =	ssyncadd.s32 $0xFFFFC000  }
0x35b: {  	_ =	swait.ge [sflag:s17], $0x4000  }
0x35c: {  	[sflag:s17] =	ssyncset.done $0x0  }
0x35d: {  	[sflag:s17] =	ssyncadd.s32 $0xFFFFC000  }
0x35e: {  	_ =	swait.ge [sflag:s28], $0x4000  }
0x35f: {  	[sflag:s28] =	ssyncset.done $0x0  }
0x360: {  	s25 =	simm.s32 $0x0;
	[sflag:s28] =	ssyncadd.s32 $0xFFFFC000  }
0x361: {  	v50 =	vld [tilespmem:s25+$0x800]  }
0x362: {  	v44 =	vld [tilespmem:s25+$0x880]  }
0x363: {  	v41 =	vld [tilespmem:s25+$0x890]  }
0x364: {  	v45 =	vld [tilespmem:s25+$0x810]  }
0x365: {  	v40 =	vld [tilespmem:s25+$0x8A0]  }
0x366: {  	v43 =	vld [tilespmem:s25+$0x820]  }
0x367: {  	v39 =	vld [tilespmem:s25+$0x8B0]  }
0x368: {  	v42 =	vld [tilespmem:s25+$0x830];
	v3 =	vadd.f32 v41, v44  }
0x369: {  	v46 =	vld [tilespmem:s25+$0x8C0];
	v2 =	vmul.f32 v44, v44  }
0x36a: {  	v49 =	vld [tilespmem:s25+$0x840];
	v35 =	vmul.f32 v41, v41;
	v37 =	vadd.f32 v45, v50;
	v3 =	vadd.f32 v40, v3  }
0x36b: {  	v51 =	vld [tilespmem:s25+$0x8D0];
	v36 =	vmul.f32 v50, v50;
	v38 =	vmul.f32 v45, v45  }
0x36c: {  	v48 =	vld [tilespmem:s25+$0x850];
	v47 =	vmul.f32 v40, v40;
	v6 =	vadd.f32 v43, v37;
	v3 =	vadd.f32 v39, v3  }
0x36d: {  	v53 =	vld [tilespmem:s25+$0x8E0];
	v54 =	vmul.f32 v43, v43;
	v2 =	vadd.f32 v35, v2;
	v5 =	vadd.f32 v38, v36  }
0x36e: {  	v52 =	vld [tilespmem:s25+$0x860];
	v6 =	vadd.f32 v42, v6;
	v3 =	vadd.f32 v46, v3  }
0x36f: {  	v61 =	vmul.f32 v39, v39;
	v2 =	vadd.f32 v47, v2;
	v5 =	vadd.f32 v54, v5;
	v54 =	vld [tilespmem:s25+$0x8F0]  }
0x370: {  	v6 =	vadd.f32 v49, v6;
	v3 =	vadd.f32 v51, v3  }
0x371: {  	v63 =	vmul.f32 v42, v42;
	v12 =	vmul.f32 v46, v46;
	v47 =	vld [tilespmem:s25+$0x870];
	v2 =	vadd.f32 v61, v2  }
0x372: {  	v6 =	vadd.f32 v48, v6;
	v3 =	vadd.f32 v53, v3  }
0x373: {  	v13 =	vmul.f32 v49, v49;
	v5 =	vadd.f32 v63, v5;
	v2 =	vadd.f32 v12, v2  }
0x374: {  	v14 =	vmul.f32 v51, v51;
	v6 =	vadd.f32 v52, v6;
	v3 =	vadd.f32 v54, v3  }
0x375: {  	v15 =	vmul.f32 v48, v48;
	v32 =	vmul.f32 v53, v53;
	v5 =	vadd.f32 v13, v5  }
0x376: {  	v2 =	vadd.f32 v14, v2;
	v6 =	vadd.f32 v47, v6;
	v36 =	vperm.xlane v3, v1  }
0x377: {  	v33 =	vmul.f32 v52, v52;
	v34 =	vmul.f32 v54, v54;
	v5 =	vadd.f32 v15, v5  }
0x378: {  	v2 =	vadd.f32 v32, v2;
	v37 =	vperm.xlane v6, v1;
	v3 =	vadd.f32 v36, v3  }
0x379: {  	v35 =	vmul.f32 v47, v47;
	v5 =	vadd.f32 v33, v5  }
0x37a: {  	v2 =	vadd.f32 v34, v2;
	v61 =	vadd.f32 v37, v6;
	v3 =	vperm.xlane v3, v1;
	_ =	sdelay $0x1  }
0x37b: {  	v5 =	vadd.f32 v35, v5;
	v38 =	vperm.xlane v2, v1;
	v3 =	vsel vm0, v61, v3;
	v61 =	vld [tilespmem:$0x1FFC0];
	_ =	sdelay $0x1  }
0x37c: {  	v63 =	vperm.xlane v5, v1;
	v2 =	vadd.f32 v38, v2;
	_ =	sdelay $0x1  }
0x37d: {  	v5 =	vadd.f32 v63, v5;
	v63 =	vld [tilespmem:$0x1FFD0];
	v2 =	vperm.xlane v2, v1  }
0x37e: {  	v4 =	vperm.xlane v3, v61  }
0x37f: {  	v2 =	vsel vm0, v5, v2  }
0x380: {  	v9 =	vperm.xlane v2, v61;
	v3 =	vadd.f32 v4, v3;
	_ =	sdelay $0x1  }
0x381: {  	v2 =	vadd.f32 v9, v2;
	v10 =	vperm.xlane v3, v63;
	_ =	sdelay $0x1  }
0x382: {  	v11 =	vperm.xlane v2, v63;
	v3 =	vadd.f32 v10, v3;
	_ =	sdelay $0x1  }
0x383: {  	v2 =	vadd.f32 v11, v2;
	v12 =	vperm.xlane v3, v22;
	_ =	sdelay $0x1  }
0x384: {  	v13 =	vperm.xlane v2, v22;
	v3 =	vadd.f32 v12, v3;
	_ =	sdelay $0x1  }
0x385: {  	v2 =	vadd.f32 v13, v2;
	v3 =	vmul.f32 $7.812500000e-03, v3;
	_ =	sdelay $0x1  }
0x386: {  	v2 =	vmul.f32 $7.812500000e-03, v2;
	v14 =	vmul.f32 v3, v3;
	_ =	sdelay $0x1  }
0x387: {  	v2 =	vsub.f32 v2, v14;
	_ =	sdelay $0x1  }
0x388: {  	v2 =	vadd.f32 $9.999999960e-13, v2;
	_ =	sdelay $0x1  }
0x389: {  	s26 =	simm.s32 $0x100;
	v15 =	vshrl.u32 v2, $0x1;
	v2 =	vmul.f32 $5.000000000e-01, v2  }
0x38a: {  	v25 =	vld [tilespmem:s26+$0x800];
	v4 =	vsub.s32 $0x5F3759DF, v15  }
0x38b: {  	v23 =	vld [tilespmem:s26+$0x810];
	v32 =	vmul.f32 v4, v2  }
0x38c: {  	v24 =	vld [tilespmem:s26+$0x890]  }
0x38d: {  	v27 =	vld [tilespmem:s26+$0x880];
	v5 =	vmul.f32 v4, v32  }
0x38e: {  	v37 =	vld [tilespmem:s26+$0x820]  }
0x38f: {  	v26 =	vld [tilespmem:s26+$0x8A0];
	v5 =	vsub.f32 $1.500000000e+00, v5  }
0x390: {  	v29 =	vld [tilespmem:s26+$0x830];
	v8 =	vmul.f32 v23, v23  }
0x391: {  	v28 =	vld [tilespmem:s26+$0x8B0];
	v34 =	vmul.f32 v24, v24;
	v35 =	vadd.f32 v23, v25;
	v4 =	vmul.f32 v4, v5  }
0x392: {  	v33 =	vld [tilespmem:s26+$0x840];
	v38 =	vadd.f32 v24, v27;
	v9 =	vmul.f32 v27, v27;
	v5 =	vmul.f32 v25, v25  }
0x393: {  	v30 =	vld [tilespmem:s26+$0x8C0];
	v7 =	vmul.f32 v37, v37;
	v10 =	vadd.f32 v37, v35;
	v36 =	vmul.f32 v4, v2  }
0x394: {  	v5 =	vadd.f32 v8, v5;
	v8 =	vadd.f32 v34, v9;
	v9 =	vmul.f32 v26, v26  }
0x395: {  	v31 =	vld [tilespmem:s26+$0x8D0];
	v35 =	vadd.f32 v26, v38;
	v10 =	vadd.f32 v29, v10;
	v34 =	vmul.f32 v36, v4  }
0x396: {  	v36 =	vld [tilespmem:s26+$0x850];
	v5 =	vadd.f32 v7, v5;
	v7 =	vadd.f32 v9, v8;
	v8 =	vmul.f32 v28, v28  }
0x397: {  	v38 =	vmul.f32 v29, v29;
	v12 =	vadd.f32 v28, v35;
	v10 =	vadd.f32 v33, v10;
	v32 =	vld [tilespmem:s26+$0x8E0]  }
0x398: {  	v13 =	vmul.f32 v30, v30;
	v11 =	vsub.f32 $1.500000000e+00, v34;
	v34 =	vld [tilespmem:s26+$0x860];
	v7 =	vadd.f32 v8, v7  }
0x399: {  	v6 =	vmul.f32 v33, v33;
	v14 =	vadd.f32 v30, v12;
	v5 =	vadd.f32 v38, v5;
	v38 =	vld [tilespmem:s26+$0x8F0]  }
0x39a: {  	v15 =	vmul.f32 v31, v31;
	v4 =	vmul.f32 v11, v4;
	v7 =	vadd.f32 v13, v7  }
0x39b: {  	v35 =	vld [tilespmem:s26+$0x870];
	v5 =	vadd.f32 v6, v5;
	v13 =	vadd.f32 v31, v14;
	v12 =	vmul.f32 v36, v36  }
0x39c: {  	v14 =	vadd.f32 v36, v10;
	v7 =	vadd.f32 v15, v7;
	v15 =	vmul.f32 v32, v32  }
0x39d: {  	v2 =	vmul.f32 v4, v2;
	v6 =	vadd.f32 v32, v13;
	v5 =	vadd.f32 v12, v5  }
0x39e: {  	v12 =	vmul.f32 v34, v34;
	v13 =	vmul.f32 v38, v38;
	v9 =	vadd.f32 v34, v14  }
0x39f: {  	v7 =	vadd.f32 v15, v7;
	v2 =	vmul.f32 v2, v4;
	v6 =	vadd.f32 v38, v6  }
0x3a0: {  	v14 =	vmul.f32 v35, v35;
	v5 =	vadd.f32 v12, v5;
	v8 =	vadd.f32 v35, v9  }
0x3a1: {  	v7 =	vadd.f32 v13, v7;
	v15 =	vperm.xlane v6, v1;
	v2 =	vsub.f32 $1.500000000e+00, v2  }
0x3a2: {  	v5 =	vadd.f32 v14, v5;
	v13 =	vperm.xlane v8, v1  }
0x3a3: {  	v12 =	vperm.xlane v7, v1;
	v6 =	vadd.f32 v15, v6;
	v2 =	vmul.f32 v2, v4  }
0x3a4: {  	v15 =	vperm.xlane v5, v1;
	v8 =	vadd.f32 v13, v8  }
0x3a5: {  	v14 =	vadd.f32 v12, v7;
	v6 =	vperm.xlane v6, v1;
	v3 =	vmul.f32 v2, v3  }
0x3a6: {  	v7 =	vperm.xlane v2, v55;
	v2 =	vperm.xlane v2, v62;
	v5 =	vadd.f32 v15, v5  }
0x3a7: {  	v4 =	vperm.xlane v14, v1;
	v6 =	vsel vm0, v8, v6;
	v8 =	vperm.xlane v3, v55  }
0x3a8: {  	v13 =	vmul.f32 v7, v54;
	v12 =	vperm.xlane v6, v61  }
0x3a9: {  	v3 =	vperm.xlane v3, v62;
	v9 =	vmul.f32 v2, v50;
	v4 =	vsel vm0, v5, v4  }
0x3aa: {  	v54 =	vmul.f32 v7, v44;
	v14 =	vperm.xlane v4, v61;
	v6 =	vadd.f32 v12, v6  }
0x3ab: {  	v55 =	vmul.f32 v2, v45;
	v41 =	vmul.f32 v7, v41  }
0x3ac: {  	v44 =	vmul.f32 v2, v43;
	v4 =	vadd.f32 v14, v4;
	v15 =	vperm.xlane v6, v63  }
0x3ad: {  	v45 =	vmul.f32 v7, v40;
	v16 =	vmul.f32 v7, v39  }
0x3ae: {  	v17 =	vmul.f32 v2, v49;
	v50 =	vperm.xlane v4, v63;
	v6 =	vadd.f32 v15, v6  }
0x3af: {  	v18 =	vmul.f32 v7, v46;
	v19 =	vmul.f32 v7, v51  }
0x3b0: {  	v5 =	vsub.f32 v13, v8;
	v4 =	vadd.f32 v50, v4;
	v20 =	vperm.xlane v6, v22  }
0x3b1: {  	v7 =	vmul.f32 v7, v53;
	v9 =	vsub.f32 v9, v3;
	v10 =	vsub.f32 v54, v8  }
0x3b2: {  	v11 =	vsub.f32 v41, v8;
	v6 =	vadd.f32 v20, v6;
	v20 =	vperm.xlane v4, v22  }
0x3b3: {  	v21 =	vmul.f32 v2, v48;
	v13 =	vsub.f32 v44, v3;
	v16 =	vsub.f32 v16, v8;
	v22 =	vld [tilespmem:$0x1FEA0]  }
0x3b4: {  	v53 =	vsub.f32 v17, v3;
	v4 =	vadd.f32 v20, v4;
	v46 =	vmul.f32 $7.812500000e-03, v6  }
0x3b5: {  	v49 =	vld [tilespmem:$0x1FEE0];
	v54 =	vsub.f32 v18, v8;
	v18 =	vsub.f32 v21, v3;
	v5 =	vmul.f32 v5, v57  }
0x3b6: {  	v19 =	vsub.f32 v19, v8;
	v20 =	vld [tilespmem:$0x1FEB0];
	v4 =	vmul.f32 $7.812500000e-03, v4;
	v17 =	vmul.f32 v46, v46  }
0x3b7: {  	v52 =	vmul.f32 v2, v52;
	v7 =	vsub.f32 v7, v8;
	v5 =	vadd.f32 v5, v56;
	v56 =	vld [tilespmem:$0x1FED0]  }
0x3b8: {  	v12 =	vsub.f32 v55, v3;
	v9 =	vmul.f32 v9, v22;
	v4 =	vsub.f32 v4, v17;
	v17 =	vld [tilespmem:$0x1FEC0]  }
0x3b9: {  	v14 =	vsub.f32 v45, v8;
	v50 =	vmul.f32 v2, v42;
	v2 =	vmul.f32 v2, v47  }
0x3ba: {  	[tilespmem:s25+$0x88F0] =	vst v5;
	v5 =	vmul.f32 v54, v49;
	v10 =	vmul.f32 v10, v22;
	v9 =	vadd.f32 v9, v58  }
0x3bb: {  	v45 =	vld [tilespmem:$0x1FF30];
	v15 =	vsub.f32 v50, v3;
	v2 =	vsub.f32 v2, v3;
	v55 =	vmul.f32 v12, v20  }
0x3bc: {  	s30 =	simm.s32 $0x200;
	v50 =	vld [tilespmem:$0x1FEF0];
	v10 =	vadd.f32 v10, v58;
	v8 =	vmul.f32 v11, v20;
	v4 =	vadd.f32 $9.999999960e-13, v4;
	[tilespmem:s25+$0x8800] =	vst v9  }
0x3bd: {  	v12 =	vsub.f32 v52, v3;
	v3 =	vmul.f32 v15, v56;
	v39 =	vld [tilespmem:s30+$0x850];
	v11 =	vmul.f32 v13, v17  }
0x3be: {  	v40 =	vld [tilespmem:s30+$0x840];
	v58 =	vshrl.u32 v4, $0x1;
	v48 =	vmul.f32 $5.000000000e-01, v4;
	v13 =	vmul.f32 v14, v17  }
0x3bf: {  	v6 =	vmul.f32 v53, v49;
	v58 =	vsub.s32 $0x5F3759DF, v58;
	v14 =	vld [tilespmem:$0x1FF00];
	v15 =	vadd.f32 v11, v60  }
0x3c0: {  	[tilespmem:s25+$0x8880] =	vst v10;
	v51 =	vmul.f32 v58, v48;
	v49 =	vadd.f32 v13, v60;
	v60 =	vadd.f32 v3, v59;
	v3 =	vld [tilespmem:$0x1FF60]  }
0x3c1: {  	v52 =	vmul.f32 v18, v50;
	v47 =	vadd.f32 v55, v45;
	v41 =	vld [tilespmem:s30+$0x820]  }
0x3c2: {  	v21 =	vmovc v63;
	v8 =	vadd.f32 v8, v45;
	v10 =	vmul.f32 v16, v56;
	v43 =	vld [tilespmem:s30+$0x800];
	v9 =	vmul.f32 v58, v51  }
0x3c3: {  	v63 =	vmovc v62;
	v22 =	vmov v1;
	v55 =	vmul.f32 v19, v50;
	v42 =	vld [tilespmem:s30+$0x810];
	[tilespmem:s25+$0x8810] =	vst v47;
	v47 =	vmul.f32 v2, v57  }
0x3c4: {  	v19 =	vmovc v61;
	v45 =	vld [tilespmem:s30+$0x880];
	[tilespmem:s25+$0x8890] =	vst v8;
	v51 =	vadd.f32 v10, v59;
	v54 =	vmul.f32 v12, v14;
	v59 =	vsub.f32 $1.500000000e+00, v9  }
0x3c5: {  	s6 =	simm.s32 $0xC00;
	v44 =	vld [tilespmem:s30+$0x890];
	[tilespmem:s25+$0x8820] =	vst v15;
	v53 =	vmul.f32 v7, v14;
	v56 =	vadd.f32 v6, v3;
	v57 =	vadd.f32 v5, v3  }
.LBB2_10:
0x3c6: {  	v4 =	vld [tilespmem:$0x1FF70];
	_ =	sdelay $0x1  }
0x3c7: {  	v10 =	vld [tilespmem:$0x1FF80];
	v8 =	vmul.f32 v43, v43;
	v11 =	vadd.f32 v42, v43;
	v12 =	vmul.f32 v42, v42;
	[tilespmem:s25+$0x88A0] =	vst v49  }
0x3c8: {  	v6 =	vmul.f32 v58, v59;
	v49 =	vld [tilespmem:s30+$0x8A0];
	[tilespmem:s25+$0x8830] =	vst v60  }
0x3c9: {  	v9 =	vmul.f32 v41, v41;
	v8 =	vadd.f32 v12, v8;
	v11 =	vadd.f32 v41, v11;
	v50 =	vld [tilespmem:s30+$0x830];
	[tilespmem:s25+$0x88B0] =	vst v51  }
0x3ca: {  	v13 =	vmul.f32 v6, v48;
	v14 =	vmul.f32 v45, v45;
	v51 =	vld [tilespmem:s30+$0x8B0];
	[tilespmem:s25+$0x8840] =	vst v56;
	v3 =	vadd.f32 v52, v4  }
0x3cb: {  	v15 =	vadd.f32 v44, v45;
	v16 =	vmul.f32 v44, v44;
	[tilespmem:s25+$0x88C0] =	vst v57;
	v4 =	vadd.f32 v55, v4  }
0x3cc: {  	v56 =	vadd.f32 v9, v8;
	v7 =	vadd.f32 v54, v10;
	v52 =	vld [tilespmem:s30+$0x8C0];
	v60 =	vmul.f32 v13, v6;
	[tilespmem:s25+$0x8850] =	vst v3  }
0x3cd: {  	v10 =	vadd.f32 v53, v10;
	v3 =	vadd.f32 v16, v14;
	v62 =	vmul.f32 v49, v49;
	[tilespmem:s25+$0x88D0] =	vst v4  }
0x3ce: {  	v5 =	vmul.f32 v40, v40;
	v61 =	vadd.f32 v49, v15;
	v58 =	vsub.f32 $1.500000000e+00, v60;
	v53 =	vld [tilespmem:s30+$0x8D0];
	[tilespmem:s25+$0x8860] =	vst v7  }
0x3cf: {  	v57 =	vmul.f32 v50, v50;
	[tilespmem:s25+$0x88E0] =	vst v10;
	v3 =	vadd.f32 v62, v3;
	v60 =	vmul.f32 v51, v51  }
0x3d0: {  	v11 =	vadd.f32 v50, v11;
	v59 =	vadd.f32 v51, v61;
	v10 =	vld [tilespmem:s30+$0x8E0];
	v6 =	vmul.f32 v58, v6  }
0x3d1: {  	v8 =	vld [tilespmem:s30+$0x860];
	v4 =	vadd.f32 v57, v56;
	v61 =	vmul.f32 v52, v52;
	v3 =	vadd.f32 v60, v3  }
0x3d2: {  	v12 =	vld [tilespmem:s30+$0x8F0];
	v11 =	vadd.f32 v40, v11;
	v7 =	vadd.f32 v52, v59;
	v62 =	vmul.f32 v6, v48  }
0x3d3: {  	v4 =	vadd.f32 v5, v4;
	v3 =	vadd.f32 v61, v3;
	v48 =	vmul.f32 v53, v53  }
0x3d4: {  	v2 =	vmul.f32 v39, v39;
	v13 =	vld [tilespmem:s30+$0x870];
	v11 =	vadd.f32 v39, v11;
	v7 =	vadd.f32 v53, v7  }
0x3d5: {  	v54 =	vmul.f32 v62, v6;
	v56 =	vmul.f32 v10, v10;
	v3 =	vadd.f32 v48, v3  }
0x3d6: {  	v2 =	vadd.f32 v2, v4;
	v57 =	vadd.f32 v8, v11;
	v58 =	vmul.f32 v8, v8  }
0x3d7: {  	v59 =	vmul.f32 v12, v12;
	v55 =	vadd.f32 v10, v7;
	v3 =	vadd.f32 v56, v3  }
0x3d8: {  	v4 =	vsub.f32 $1.500000000e+00, v54;
	v2 =	vadd.f32 v58, v2  }
0x3d9: {  	v1 =	vld [tilespmem:$0x1FFB0];
	v60 =	vmul.f32 v13, v13;
	v5 =	vadd.f32 v12, v55;
	v3 =	vadd.f32 v59, v3  }
0x3da: {  	v61 =	vadd.f32 v13, v57;
	v4 =	vmul.f32 v4, v6  }
0x3db: {  	v2 =	vadd.f32 v60, v2;
	v62 =	vperm.xlane v5, v22;
	v16 =	vperm.xlane v3, v22  }
0x3dc: {  	v56 =	vperm.xlane v61, v22;
	v48 =	vmul.f32 v4, v46  }
0x3dd: {  	v57 =	vperm.xlane v2, v22;
	v5 =	vadd.f32 v62, v5;
	v3 =	vadd.f32 v16, v3  }
0x3de: {  	v54 =	vperm.xlane v4, v1;
	v4 =	vperm.xlane v4, v63;
	v6 =	vadd.f32 v56, v61  }
0x3df: {  	v2 =	vadd.f32 v57, v2;
	v5 =	vperm.xlane v5, v22;
	v3 =	vperm.xlane v3, v22;
	_ =	sdelay $0x1  }
0x3e0: {  	v59 =	vmul.f32 v4, v25;
	v5 =	vsel vm0, v6, v5;
	v2 =	vsel vm0, v2, v3  }
0x3e1: {  	v18 =	vld [tilespmem:$0x1FF90];
	v25 =	vmov v43;
	v61 =	vperm.xlane v5, v19;
	v43 =	vperm.xlane v2, v19;
	_ =	sdelay $0x1  }
0x3e2: {  	v7 =	vperm.xlane v48, v1;
	v5 =	vadd.f32 v61, v5;
	v2 =	vadd.f32 v43, v2  }
0x3e3: {  	v9 =	vperm.xlane v48, v63;
	v62 =	vmul.f32 v54, v27;
	v1 =	vld [tilespmem:$0x1FFA0]  }
0x3e4: {  	v27 =	vmov v45;
	v45 =	vperm.xlane v5, v21;
	v48 =	vperm.xlane v2, v21  }
0x3e5: {  	v55 =	vadd.f32 v47, v18;
	v47 =	vld [tilespmem:$0x1FF10];
	v17 =	vmul.f32 v54, v38;
	v46 =	vmul.f32 v4, v29  }
0x3e6: {  	v29 =	vmovc v50;
	v50 =	vmul.f32 v54, v31;
	v5 =	vadd.f32 v45, v5;
	v2 =	vadd.f32 v48, v2  }
0x3e7: {  	v31 =	vmovc v53;
	v15 =	vsub.f32 v62, v7;
	v62 =	vmov v19;
	v19 =	vmul.f32 v54, v28  }
0x3e8: {  	v58 =	vsub.f32 v17, v7;
	v28 =	vmovc v51;
	v51 =	vperm.xlane v5, v1;
	v53 =	vperm.xlane v2, v1;
	v1 =	vld [tilespmem:$0x1FEA0]  }
0x3e9: {  	v14 =	vmul.f32 v54, v32  }
0x3ea: {  	v11 =	vsub.f32 v59, v9;
	v60 =	vmul.f32 v58, v47;
	v5 =	vadd.f32 v51, v5  }
0x3eb: {  	v16 =	vmul.f32 v54, v24;
	v56 =	vsub.f32 v46, v9;
	v3 =	vmul.f32 v4, v23  }
0x3ec: {  	v6 =	vadd.f32 v60, v18;
	v18 =	vmul.f32 v54, v26;
	v46 =	vmul.f32 $7.812500000e-03, v5  }
0x3ed: {  	[tilespmem:s25+$0x8870] =	vst v55;
	v2 =	vadd.f32 v53, v2;
	v55 =	vmul.f32 v11, v1;
	v60 =	vmul.f32 v15, v1;
	v1 =	vld [tilespmem:$0x1FEB0]  }
0x3ee: {  	v16 =	vsub.f32 v16, v7;
	v3 =	vsub.f32 v3, v9;
	v61 =	vmovc v21;
	v21 =	vmul.f32 v54, v30  }
0x3ef: {  	v54 =	vsub.f32 v18, v7;
	v2 =	vmul.f32 $7.812500000e-03, v2;
	v18 =	vmul.f32 v46, v46  }
0x3f0: {  	v57 =	vsub.f32 v19, v7;
	v19 =	vsub.f32 v50, v7  }
0x3f1: {  	v20 =	vmul.f32 v4, v33;
	v33 =	vmovc v40;
	v40 =	vsub.f32 v21, v7;
	v2 =	vsub.f32 v2, v18;
	v18 =	vld [tilespmem:$0x1FF20]  }
0x3f2: {  	v7 =	vsub.f32 v14, v7;
	v3 =	vmul.f32 v3, v1;
	v14 =	vmul.f32 v16, v1;
	v1 =	vld [tilespmem:$0x1FEC0]  }
0x3f3: {  	v17 =	vmul.f32 v4, v37;
	_ =	sdelay $0x1  }
0x3f4: {  	v59 =	vld [tilespmem:$0x1FEE0];
	v17 =	vsub.f32 v17, v9  }
0x3f5: {  	s25 =	smov.u32 s26;
	v30 =	vmovc v52;
	v52 =	vmul.f32 v4, v34;
	v34 =	vmovc v8;
	v2 =	vadd.f32 $9.999999960e-13, v2;
	v16 =	vld [tilespmem:$0x1FED0];
	v8 =	vadd.f32 v55, v18  }
0x3f6: {  	v32 =	vmov v10;
	[tilespmem:s25+$0x88F0] =	vst v6;
	v45 =	vmul.f32 v17, v1;
	v10 =	vmul.f32 v54, v1;
	v1 =	vld [tilespmem:$0x1FF30]  }
0x3f7: {  	s26 =	smov.u32 s30;
	s30 =	sshra.s32 s6, $0x2;
	v48 =	vmul.f32 $5.000000000e-01, v2;
	v6 =	vadd.f32 v60, v18;
	v60 =	vshrl.u32 v2, $0x1;
	v2 =	vld [tilespmem:$0x1FEF0];
	[tilespmem:s25+$0x8800] =	vst v8  }
0x3f8: {  	v26 =	vmov v49;
	v49 =	vmul.f32 v4, v36;
	v36 =	vmov v39;
	v39 =	vld [tilespmem:s30+$0x850]  }
0x3f9: {  	v8 =	vmul.f32 v40, v59;
	v40 =	vld [tilespmem:s30+$0x840];
	[tilespmem:s25+$0x8880] =	vst v6  }
0x3fa: {  	v37 =	vmov v41;
	v41 =	vld [tilespmem:s30+$0x820]  }
0x3fb: {  	v43 =	vld [tilespmem:s30+$0x800];
	v3 =	vadd.f32 v3, v1  }
0x3fc: {  	v23 =	vmov v42;
	v42 =	vld [tilespmem:s30+$0x810]  }
0x3fd: {  	v58 =	vsub.f32 v20, v9;
	[tilespmem:s25+$0x8810] =	vst v3;
	v3 =	vld [tilespmem:$0x1FF50]  }
0x3fe: {  	v24 =	vmov v44;
	v44 =	vsub.f32 v49, v9  }
0x3ff: {  	v4 =	vmul.f32 v4, v35;
	v35 =	vmovc v13;
	v13 =	vld [tilespmem:$0x1FF00];
	v20 =	vsub.f32 v52, v9;
	v5 =	vmul.f32 v58, v59  }
0x400: {  	v38 =	vmovc v12;
	v11 =	vmul.f32 v56, v16;
	v12 =	vmul.f32 v57, v16;
	v14 =	vadd.f32 v14, v1;
	v1 =	vld [tilespmem:$0x1FF40]  }
0x401: {  	v58 =	vsub.s32 $0x5F3759DF, v60;
	v52 =	vmul.f32 v44, v2;
	v55 =	vmul.f32 v19, v2  }
0x402: {  	p0 =	sne.s32 s6, $0xFC00;
	v2 =	vmul.f32 v58, v48;
	v60 =	vadd.f32 v11, v3;
	v51 =	vadd.f32 v12, v3;
	v3 =	vld [tilespmem:$0x1FF60]  }
.Ltmp4:
0x403: {  	v4 =	vsub.f32 v4, v9;
	(pc) =	sbr.rel @p0 .LBB2_10-.Ltmp4, $4  }
0x404: {  	v2 =	vmul.f32 v58, v2  }
0x405: {  	v47 =	vmul.f32 v4, v47;
	v53 =	vmul.f32 v7, v13;
	v15 =	vadd.f32 v45, v1  }
0x406: {  	v54 =	vmul.f32 v20, v13;
	v59 =	vsub.f32 $1.500000000e+00, v2;
	v49 =	vadd.f32 v10, v1;
	v45 =	vld [tilespmem:s30+$0x880];
	[tilespmem:s25+$0x8890] =	vst v14  }
0x407: {  	s6 =	sadd.s32 $0x400, s6;
	v21 =	vmovc v61;
	v19 =	vmov v62;
	v44 =	vld [tilespmem:s30+$0x890];
	[tilespmem:s25+$0x8820] =	vst v15;
	v56 =	vadd.f32 v5, v3;
	v57 =	vadd.f32 v8, v3  }
0x408: {  	[tilespmem:s25+$0x88A0] =	vst v49;
	v49 =	vld [tilespmem:$0x1FF70]  }
0x409: {  	v50 =	vld [tilespmem:$0x1FF80]  }
0x40a: {  	v11 =	vld [tilespmem:s30+$0x8A0]  }
0x40b: {  	[tilespmem:s25+$0x8830] =	vst v60  }
0x40c: {  	v9 =	vadd.f32 v42, v43;
	v1 =	vld [tilespmem:s30+$0x830];
	[tilespmem:s25+$0x88B0] =	vst v51  }
0x40d: {  	v5 =	vmul.f32 v43, v43;
	v51 =	vld [tilespmem:s30+$0x8B0];
	[tilespmem:s25+$0x8840] =	vst v56;
	v7 =	vadd.f32 v44, v45;
	v2 =	vadd.f32 v52, v49  }
0x40e: {  	[tilespmem:s25+$0x88C0] =	vst v57;
	v6 =	vmul.f32 v45, v45;
	v8 =	vmul.f32 v44, v44;
	v3 =	vadd.f32 v55, v49  }
0x40f: {  	v10 =	vmul.f32 v42, v42;
	v4 =	vadd.f32 v54, v50;
	v52 =	vld [tilespmem:s30+$0x8C0];
	v60 =	vadd.f32 v11, v7;
	[tilespmem:s25+$0x8850] =	vst v2  }
0x410: {  	v12 =	vmul.f32 v11, v11;
	v2 =	vadd.f32 v53, v50;
	[tilespmem:s25+$0x88D0] =	vst v3;
	v3 =	vadd.f32 v8, v6  }
0x411: {  	v13 =	vmul.f32 v41, v41;
	v5 =	vadd.f32 v10, v5;
	v9 =	vadd.f32 v41, v9;
	v53 =	vld [tilespmem:s30+$0x8D0];
	[tilespmem:s25+$0x8860] =	vst v4  }
0x412: {  	v14 =	vadd.f32 v51, v60;
	v15 =	vmul.f32 v51, v51;
	v3 =	vadd.f32 v12, v3;
	[tilespmem:s25+$0x88E0] =	vst v2  }
0x413: {  	v16 =	vmul.f32 v1, v1;
	v17 =	vadd.f32 v1, v9;
	v2 =	vadd.f32 v13, v5;
	v54 =	vld [tilespmem:s30+$0x8E0]  }
0x414: {  	v55 =	vld [tilespmem:s30+$0x860];
	v4 =	vadd.f32 v52, v14;
	v18 =	vmul.f32 v52, v52;
	v3 =	vadd.f32 v15, v3  }
0x415: {  	v60 =	vmul.f32 v40, v40;
	v9 =	vadd.f32 v40, v17;
	v57 =	vld [tilespmem:s30+$0x8F0];
	v2 =	vadd.f32 v16, v2  }
0x416: {  	v56 =	vld [tilespmem:s30+$0x870];
	v3 =	vadd.f32 v18, v3;
	v4 =	vadd.f32 v53, v4;
	v10 =	vmul.f32 v53, v53  }
0x417: {  	[tilespmem:$0x1FB50] =	vst v11;
	v11 =	vmul.f32 v39, v39;
	v5 =	vadd.f32 v39, v9;
	v2 =	vadd.f32 v60, v2  }
0x418: {  	v3 =	vadd.f32 v10, v3;
	v4 =	vadd.f32 v54, v4;
	v12 =	vmul.f32 v54, v54  }
0x419: {  	v2 =	vadd.f32 v11, v2;
	v5 =	vadd.f32 v55, v5;
	v13 =	vmul.f32 v55, v55  }
0x41a: {  	v14 =	vmul.f32 v57, v57;
	v3 =	vadd.f32 v12, v3;
	v4 =	vadd.f32 v57, v4  }
0x41b: {  	v15 =	vmul.f32 v56, v56;
	v5 =	vadd.f32 v56, v5  }
0x41c: {  	v2 =	vadd.f32 v13, v2;
	v3 =	vadd.f32 v14, v3;
	v16 =	vperm.xlane v4, v22  }
0x41d: {  	v17 =	vperm.xlane v5, v22  }
0x41e: {  	v2 =	vadd.f32 v15, v2;
	v4 =	vadd.f32 v16, v4;
	v18 =	vperm.xlane v3, v22  }
0x41f: {  	v5 =	vadd.f32 v17, v5  }
0x420: {  	v60 =	vperm.xlane v2, v22;
	v3 =	vadd.f32 v18, v3;
	v4 =	vperm.xlane v4, v22  }
0x421: {  	v9 =	vmul.f32 v58, v59  }
0x422: {  	v2 =	vadd.f32 v60, v2;
	v4 =	vsel vm0, v5, v4;
	v3 =	vperm.xlane v3, v22  }
0x423: {  	v5 =	vperm.xlane v4, v19  }
0x424: {  	v11 =	vmul.f32 v9, v48;
	v2 =	vsel vm0, v2, v3  }
0x425: {  	v3 =	vadd.f32 v5, v4;
	v10 =	vperm.xlane v2, v19  }
0x426: {  	v58 =	vld [tilespmem:$0x1FFA0];
	v5 =	vmul.f32 v11, v9  }
0x427: {  	v2 =	vadd.f32 v10, v2;
	v12 =	vperm.xlane v3, v21  }
0x428: {  	v5 =	vsub.f32 $1.500000000e+00, v5  }
0x429: {  	v3 =	vadd.f32 v12, v3;
	v13 =	vperm.xlane v2, v21  }
0x42a: {  	v5 =	vmul.f32 v5, v9  }
0x42b: {  	v2 =	vadd.f32 v13, v2;
	v14 =	vperm.xlane v3, v58  }
0x42c: {  	v6 =	vmul.f32 v5, v48  }
0x42d: {  	v3 =	vadd.f32 v14, v3;
	v15 =	vperm.xlane v2, v58  }
0x42e: {  	v16 =	vmul.f32 v6, v5  }
0x42f: {  	[tilespmem:$0x1FB60] =	vst v1;
	v1 =	vld [tilespmem:$0x1FFB0];
	v2 =	vadd.f32 v15, v2;
	v3 =	vmul.f32 $7.812500000e-03, v3  }
0x430: {  	v4 =	vsub.f32 $1.500000000e+00, v16  }
0x431: {  	v2 =	vmul.f32 $7.812500000e-03, v2;
	v17 =	vmul.f32 v3, v3  }
0x432: {  	v4 =	vmul.f32 v4, v5  }
0x433: {  	v2 =	vsub.f32 v2, v17  }
0x434: {  	v5 =	vmul.f32 v4, v46;
	v6 =	vperm.xlane v4, v1  }
0x435: {  	v4 =	vperm.xlane v4, v63;
	v2 =	vadd.f32 $9.999999960e-13, v2  }
0x436: {  	v8 =	vperm.xlane v5, v1;
	v46 =	vmul.f32 v6, v38  }
0x437: {  	v5 =	vperm.xlane v5, v63;
	v18 =	vshrl.u32 v2, $0x1;
	v2 =	vmul.f32 $5.000000000e-01, v2  }
0x438: {  	v59 =	vmul.f32 v4, v25;
	v12 =	vmul.f32 v6, v27;
	v7 =	vsub.s32 $0x5F3759DF, v18  }
0x439: {  	v14 =	vmul.f32 v4, v23;
	v48 =	vmul.f32 v7, v2  }
0x43a: {  	v15 =	vmul.f32 v6, v24;
	v16 =	vmul.f32 v4, v37  }
0x43b: {  	v60 =	vmul.f32 v6, v26;
	v10 =	vmul.f32 v7, v48  }
0x43c: {  	v17 =	vmul.f32 v4, v29;
	v20 =	vmul.f32 v4, v33;
	v9 =	vsub.f32 v46, v8;
	v46 =	vld [tilespmem:$0x1FF90]  }
0x43d: {  	v33 =	vmovc v21;
	v21 =	vmul.f32 v6, v30;
	v23 =	vmul.f32 v4, v36;
	v10 =	vsub.f32 $1.500000000e+00, v10  }
0x43e: {  	v24 =	vmul.f32 v6, v31;
	v25 =	vmul.f32 v4, v34;
	v11 =	vsub.f32 v59, v5  }
0x43f: {  	v38 =	vld [tilespmem:$0x1FF10];
	v12 =	vsub.f32 v12, v8;
	v48 =	vsub.f32 v21, v8;
	v7 =	vmul.f32 v7, v10  }
0x440: {  	v4 =	vmul.f32 v4, v35;
	v31 =	vld [tilespmem:$0x1FEB0];
	v21 =	vsub.f32 v23, v5;
	v23 =	vsub.f32 v24, v8  }
0x441: {  	v24 =	vsub.f32 v25, v5;
	v25 =	vld [tilespmem:$0x1FEF0];
	v13 =	vadd.f32 v47, v46;
	v47 =	vmul.f32 v7, v2  }
0x442: {  	v30 =	vld [tilespmem:$0x1FED0];
	v14 =	vsub.f32 v14, v5;
	v15 =	vsub.f32 v15, v8;
	v18 =	vmul.f32 v6, v28  }
0x443: {  	v37 =	vmovc v19;
	v16 =	vsub.f32 v16, v5;
	v6 =	vmul.f32 v6, v32;
	v32 =	vld [tilespmem:$0x1FEC0];
	v19 =	vmul.f32 v47, v7  }
0x444: {  	v26 =	vld [tilespmem:$0x1FEE0];
	v17 =	vsub.f32 v17, v5;
	v20 =	vsub.f32 v20, v5  }
0x445: {  	v29 =	vld [tilespmem:$0x1FF30];
	v4 =	vsub.f32 v4, v5;
	v9 =	vmul.f32 v9, v38;
	v19 =	vsub.f32 $1.500000000e+00, v19  }
0x446: {  	v18 =	vsub.f32 v18, v8;
	v14 =	vmul.f32 v14, v31;
	v47 =	vmul.f32 v23, v25;
	v23 =	vld [tilespmem:$0x1FF00]  }
0x447: {  	v28 =	vld [tilespmem:$0x1FF50];
	v6 =	vsub.f32 v6, v8;
	v35 =	vmul.f32 v17, v30;
	v7 =	vmul.f32 v19, v7  }
0x448: {  	v4 =	vmul.f32 v4, v38;
	v34 =	vmul.f32 v16, v32;
	v10 =	vsub.f32 v60, v8;
	v60 =	vld [tilespmem:$0x1FEA0]  }
0x449: {  	v27 =	vld [tilespmem:$0x1FF60];
	v9 =	vadd.f32 v9, v46;
	v16 =	vmul.f32 v18, v30;
	v2 =	vmul.f32 v7, v2  }
0x44a: {  	v59 =	vld [tilespmem:$0x1FF20];
	v14 =	vadd.f32 v14, v29;
	v18 =	vmul.f32 v48, v26;
	v8 =	vmul.f32 v15, v31  }
0x44b: {  	v4 =	vadd.f32 v4, v46;
	v48 =	vmul.f32 v24, v23;
	v24 =	vld [tilespmem:$0x1FF40];
	v2 =	vmul.f32 v2, v7  }
0x44c: {  	v36 =	vmul.f32 v20, v26;
	v35 =	vadd.f32 v35, v28;
	[tilespmem:s25+$0x8870] =	vst v13;
	v8 =	vadd.f32 v8, v29  }
0x44d: {  	[tilespmem:s26+$0x8810] =	vst v14;
	v11 =	vmul.f32 v11, v60;
	v12 =	vmul.f32 v12, v60;
	v2 =	vsub.f32 $1.500000000e+00, v2  }
0x44e: {  	v14 =	vadd.f32 v36, v27;
	v10 =	vmul.f32 v10, v32;
	[tilespmem:s26+$0x8890] =	vst v8;
	v8 =	vadd.f32 v18, v27  }
0x44f: {  	v11 =	vadd.f32 v11, v59;
	v12 =	vadd.f32 v12, v59;
	v2 =	vmul.f32 v2, v7  }
0x450: {  	v19 =	vmul.f32 v21, v25;
	v6 =	vmul.f32 v6, v23;
	v5 =	vadd.f32 v34, v24  }
0x451: {  	[tilespmem:s26+$0x88F0] =	vst v9;
	v34 =	vadd.f32 v10, v24;
	v3 =	vmul.f32 v2, v3;
	v10 =	vperm.xlane v2, v1  }
0x452: {  	[tilespmem:s26+$0x8880] =	vst v12;
	v12 =	vadd.f32 v16, v28;
	v17 =	vadd.f32 v19, v49;
	v2 =	vperm.xlane v2, v63  }
0x453: {  	[tilespmem:s26+$0x8830] =	vst v35;
	v6 =	vadd.f32 v6, v50;
	v15 =	vperm.xlane v3, v1;
	v36 =	vmul.f32 v10, v57  }
0x454: {  	[tilespmem:s26+$0x8870] =	vst v4;
	v7 =	vadd.f32 v48, v50;
	v3 =	vperm.xlane v3, v63;
	v48 =	vmul.f32 v2, v43  }
0x455: {  	[tilespmem:s26+$0x8820] =	vst v5;
	v5 =	vadd.f32 v47, v49;
	v35 =	vmul.f32 v10, v45;
	v43 =	vmul.f32 v2, v41  }
0x456: {  	[tilespmem:s26+$0x8840] =	vst v14;
	v21 =	vmul.f32 v10, v53;
	v47 =	vsub.f32 v36, v15;
	v36 =	vmul.f32 v2, v42  }
0x457: {  	[tilespmem:s26+$0x88C0] =	vst v8;
	v42 =	vmul.f32 v10, v44;
	v9 =	vsub.f32 v48, v3;
	v48 =	vmul.f32 v10, v51  }
0x458: {  	[tilespmem:s26+$0x8800] =	vst v11;
	v44 =	vld [tilespmem:$0x1FB50];
	v13 =	vsub.f32 v35, v15;
	v51 =	vmul.f32 v2, v40;
	v35 =	vmul.f32 v2, v39  }
0x459: {  	[tilespmem:s26+$0x88A0] =	vst v34;
	v39 =	vmul.f32 v2, v55;
	v40 =	vsub.f32 v43, v3;
	v34 =	vmul.f32 v47, v38  }
0x45a: {  	[tilespmem:s26+$0x88B0] =	vst v12;
	v20 =	vmul.f32 v10, v52;
	v52 =	vsub.f32 v21, v15;
	v9 =	vmul.f32 v9, v60  }
0x45b: {  	[tilespmem:s26+$0x88E0] =	vst v6;
	v47 =	vld [tilespmem:$0x1FB60];
	v6 =	vmul.f32 v40, v32;
	v53 =	vsub.f32 v39, v3;
	v45 =	vadd.f32 v34, v46  }
0x45c: {  	[tilespmem:s26+$0x8850] =	vst v17;
	v13 =	vmul.f32 v13, v60;
	v34 =	vsub.f32 v36, v3;
	v36 =	vsub.f32 v42, v15  }
0x45d: {  	[tilespmem:s26+$0x88D0] =	vst v5;
	v42 =	vadd.f32 v9, v59;
	v6 =	vadd.f32 v6, v24;
	v18 =	vmul.f32 v10, v44  }
0x45e: {  	[tilespmem:s26+$0x8860] =	vst v7;
	v10 =	vmul.f32 v10, v54;
	v44 =	vadd.f32 v13, v59;
	v41 =	vmul.f32 v34, v31  }
0x45f: {  	[tilespmem:s30+$0x88F0] =	vst v45;
	v7 =	vmul.f32 v36, v31;
	v45 =	vsub.f32 v48, v15;
	v48 =	vsub.f32 v20, v15  }
0x460: {  	[tilespmem:s30+$0x8820] =	vst v6;
	v6 =	vmul.f32 v52, v25;
	v11 =	vmul.f32 v2, v47;
	v43 =	vsub.f32 v18, v15  }
0x461: {  	[tilespmem:s30+$0x8800] =	vst v42;
	v2 =	vmul.f32 v2, v56;
	v47 =	vsub.f32 v51, v3;
	v4 =	vadd.f32 v41, v29  }
0x462: {  	[tilespmem:s30+$0x8880] =	vst v44;
	v51 =	vsub.f32 v35, v3;
	v7 =	vadd.f32 v7, v29;
	v5 =	vmul.f32 v45, v30  }
0x463: {  	v10 =	vsub.f32 v10, v15;
	v6 =	vadd.f32 v6, v49;
	v8 =	vmul.f32 v43, v32;
	[tilespmem:s30+$0x8810] =	vst v4  }
0x464: {  	v11 =	vsub.f32 v11, v3;
	v9 =	vmul.f32 v47, v26;
	[tilespmem:s30+$0x8890] =	vst v7;
	v5 =	vadd.f32 v5, v28  }
0x465: {  	v2 =	vsub.f32 v2, v3;
	v3 =	vmul.f32 v53, v23;
	[tilespmem:s30+$0x88D0] =	vst v6;
	v8 =	vadd.f32 v8, v24  }
0x466: {  	v12 =	vmul.f32 v10, v23;
	v9 =	vadd.f32 v9, v27;
	[tilespmem:s30+$0x88B0] =	vst v5  }
0x467: {  	v4 =	vmul.f32 v48, v26;
	v3 =	vadd.f32 v3, v50;
	[tilespmem:s30+$0x88A0] =	vst v8  }
0x468: {  	v11 =	vmul.f32 v11, v30;
	v13 =	vadd.f32 v12, v50;
	[tilespmem:s30+$0x8840] =	vst v9  }
0x469: {  	v2 =	vmul.f32 v2, v38;
	v4 =	vadd.f32 v4, v27;
	[tilespmem:s30+$0x8860] =	vst v3  }
0x46a: {  	v7 =	vmul.f32 v51, v25;
	v11 =	vadd.f32 v11, v28;
	[tilespmem:s30+$0x88E0] =	vst v13  }
0x46b: {  	v2 =	vadd.f32 v2, v46;
	[tilespmem:s30+$0x88C0] =	vst v4  }
0x46c: {  	[tilespmem:s30+$0x8830] =	vst v11;
	v11 =	vadd.f32 v7, v49  }
0x46d: {  	[tilespmem:s30+$0x8870] =	vst v2  }
0x46e: {  	s3 =	simm.s32 $0x0;
	[tilespmem:s30+$0x8850] =	vst v11  }
0x46f: {  	[hbm4b:s12+s3] =	stream.linear.scatter [tilespmem:s5], [sflag:$0x3], $0x4000, $0x38;
	[tilespmem:$0x10900] =	vst v63  }
0x470: {  	_ =	swait.ge [sflag:s7], $0x4000  }
0x471: {  	[sflag:s7] =	ssyncset.done $0x0  }
0x472: {  	[sflag:s7] =	ssyncadd.s32 $0xFFFFC000  }
0x473: {  	_ =	swait.ge [sflag:s7], $0x4000  }
0x474: {  	[sflag:s7] =	ssyncset.done $0x0  }
0x475: {  	[sflag:s7] =	ssyncadd.s32 $0xFFFFC000  }
0x476: {  	_ =	swait.ge [sflag:s7], $0x4000  }
0x477: {  	[sflag:s7] =	ssyncset.done $0x0  }
0x478: {  	[sflag:s7] =	ssyncadd.s32 $0xFFFFC000  }
0x479: {  	_ =	swait.ge [sflag:s7], $0x4000  }
0x47a: {  	[sflag:s7] =	ssyncset.done $0x0  }
0x47b: {  	[sflag:s7] =	ssyncadd.s32 $0xFFFFC000  }
0x47c: {  	_ =	swait.ge [sflag:s29], $0x4000  }
0x47d: {  	[sflag:s29] =	ssyncset.done $0x0  }
0x47e: {  	s25 =	simm.s32 $0x0;
	[sflag:s29] =	ssyncadd.s32 $0xFFFFC000  }
0x47f: {  	v50 =	vld [tilespmem:s25+$0x4800]  }
0x480: {  	v44 =	vld [tilespmem:s25+$0x4880]  }
0x481: {  	v41 =	vld [tilespmem:s25+$0x4890]  }
0x482: {  	v45 =	vld [tilespmem:s25+$0x4810]  }
0x483: {  	v40 =	vld [tilespmem:s25+$0x48A0]  }
0x484: {  	v43 =	vld [tilespmem:s25+$0x4820]  }
0x485: {  	v39 =	vld [tilespmem:s25+$0x48B0]  }
0x486: {  	v42 =	vld [tilespmem:s25+$0x4830];
	v2 =	vmul.f32 v44, v44;
	v3 =	vadd.f32 v41, v44;
	v14 =	vmul.f32 v41, v41  }
0x487: {  	v57 =	vmovc v46;
	v46 =	vld [tilespmem:s25+$0x48C0];
	v15 =	vmul.f32 v50, v50;
	v17 =	vadd.f32 v45, v50;
	v18 =	vmul.f32 v45, v45  }
0x488: {  	v49 =	vld [tilespmem:s25+$0x4840];
	v19 =	vmul.f32 v40, v40;
	v2 =	vadd.f32 v14, v2;
	v3 =	vadd.f32 v40, v3  }
0x489: {  	v51 =	vld [tilespmem:s25+$0x48D0];
	v32 =	vmul.f32 v43, v43;
	v5 =	vadd.f32 v18, v15;
	v6 =	vadd.f32 v43, v17  }
0x48a: {  	v48 =	vld [tilespmem:s25+$0x4850];
	v34 =	vmul.f32 v39, v39;
	v2 =	vadd.f32 v19, v2;
	v3 =	vadd.f32 v39, v3  }
0x48b: {  	v53 =	vld [tilespmem:s25+$0x48E0];
	v35 =	vmul.f32 v42, v42;
	v5 =	vadd.f32 v32, v5;
	v6 =	vadd.f32 v42, v6  }
0x48c: {  	v52 =	vld [tilespmem:s25+$0x4860];
	v36 =	vmul.f32 v46, v46;
	v2 =	vadd.f32 v34, v2;
	v3 =	vadd.f32 v46, v3  }
0x48d: {  	v16 =	vmovc v38;
	v54 =	vld [tilespmem:s25+$0x48F0];
	v38 =	vmul.f32 v49, v49;
	v5 =	vadd.f32 v35, v5;
	v6 =	vadd.f32 v49, v6  }
0x48e: {  	v47 =	vld [tilespmem:s25+$0x4870];
	v12 =	vmul.f32 v51, v51;
	v2 =	vadd.f32 v36, v2;
	v3 =	vadd.f32 v51, v3  }
0x48f: {  	v13 =	vmul.f32 v48, v48;
	v5 =	vadd.f32 v38, v5;
	v6 =	vadd.f32 v48, v6  }
0x490: {  	v14 =	vmul.f32 v53, v53;
	v2 =	vadd.f32 v12, v2;
	v3 =	vadd.f32 v53, v3  }
0x491: {  	v15 =	vmul.f32 v52, v52;
	v5 =	vadd.f32 v13, v5;
	v6 =	vadd.f32 v52, v6  }
0x492: {  	v17 =	vmul.f32 v54, v54;
	v2 =	vadd.f32 v14, v2;
	v3 =	vadd.f32 v54, v3  }
0x493: {  	v18 =	vmul.f32 v47, v47;
	v6 =	vadd.f32 v47, v6  }
0x494: {  	v5 =	vadd.f32 v15, v5;
	v2 =	vadd.f32 v17, v2;
	v19 =	vperm.xlane v3, v22  }
0x495: {  	v32 =	vperm.xlane v6, v22  }
0x496: {  	v5 =	vadd.f32 v18, v5;
	v34 =	vperm.xlane v2, v22;
	v3 =	vadd.f32 v19, v3  }
0x497: {  	v35 =	vadd.f32 v32, v6  }
0x498: {  	v36 =	vperm.xlane v5, v22;
	v2 =	vadd.f32 v34, v2;
	v3 =	vperm.xlane v3, v22;
	_ =	sdelay $0x1  }
0x499: {  	v5 =	vadd.f32 v36, v5;
	v3 =	vsel vm0, v35, v3;
	v2 =	vperm.xlane v2, v22  }
0x49a: {  	v4 =	vperm.xlane v3, v37  }
0x49b: {  	v2 =	vsel vm0, v5, v2  }
0x49c: {  	v3 =	vadd.f32 v4, v3;
	v38 =	vperm.xlane v2, v37;
	_ =	sdelay $0x1  }
0x49d: {  	v2 =	vadd.f32 v38, v2;
	v55 =	vperm.xlane v3, v33;
	_ =	sdelay $0x1  }
0x49e: {  	v3 =	vadd.f32 v55, v3;
	v8 =	vperm.xlane v2, v33;
	_ =	sdelay $0x1  }
0x49f: {  	v2 =	vadd.f32 v8, v2;
	v9 =	vperm.xlane v3, v58;
	_ =	sdelay $0x1  }
0x4a0: {  	v3 =	vadd.f32 v9, v3;
	v10 =	vperm.xlane v2, v58;
	_ =	sdelay $0x1  }
0x4a1: {  	v2 =	vadd.f32 v10, v2;
	v3 =	vmul.f32 $7.812500000e-03, v3;
	_ =	sdelay $0x1  }
0x4a2: {  	v2 =	vmul.f32 $7.812500000e-03, v2;
	v11 =	vmul.f32 v3, v3;
	_ =	sdelay $0x1  }
0x4a3: {  	s26 =	simm.s32 $0x100;
	v2 =	vsub.f32 v2, v11  }
0x4a4: {  	v24 =	vld [tilespmem:s26+$0x4800]  }
0x4a5: {  	v23 =	vld [tilespmem:s26+$0x4810];
	v2 =	vadd.f32 $9.999999960e-13, v2  }
0x4a6: {  	v26 =	vld [tilespmem:s26+$0x4880]  }
0x4a7: {  	v56 =	vmov v25;
	v25 =	vld [tilespmem:s26+$0x4890];
	v12 =	vshrl.u32 v2, $0x1;
	v2 =	vmul.f32 $5.000000000e-01, v2  }
0x4a8: {  	v28 =	vld [tilespmem:s26+$0x48A0];
	v4 =	vsub.s32 $0x5F3759DF, v12  }
0x4a9: {  	v36 =	vld [tilespmem:s26+$0x4820];
	v13 =	vmul.f32 v4, v2;
	_ =	sdelay $0x1  }
0x4aa: {  	v29 =	vld [tilespmem:s26+$0x48B0];
	v17 =	vmul.f32 v24, v24;
	v5 =	vmul.f32 v4, v13  }
0x4ab: {  	v27 =	vld [tilespmem:s26+$0x4830];
	v14 =	vmovc v33;
	v19 =	vmul.f32 v26, v26;
	v34 =	vadd.f32 v23, v24;
	v33 =	vmul.f32 v25, v25  }
0x4ac: {  	v31 =	vld [tilespmem:s26+$0x48C0];
	v15 =	vmovc v37;
	v18 =	vmul.f32 v23, v23;
	v37 =	vadd.f32 v25, v26;
	v5 =	vsub.f32 $1.500000000e+00, v5  }
0x4ad: {  	v7 =	vmul.f32 v36, v36;
	v55 =	vmovc v58;
	v38 =	vadd.f32 v33, v19;
	v58 =	vmul.f32 v28, v28  }
0x4ae: {  	v32 =	vld [tilespmem:s26+$0x48D0];
	v19 =	vadd.f32 v28, v37;
	v4 =	vmul.f32 v4, v5;
	v5 =	vadd.f32 v18, v17  }
0x4af: {  	v30 =	vld [tilespmem:s26+$0x4840];
	v37 =	vadd.f32 v58, v38;
	v38 =	vmul.f32 v29, v29;
	v17 =	vadd.f32 v36, v34  }
0x4b0: {  	v34 =	vld [tilespmem:s26+$0x48E0];
	v35 =	vmul.f32 v4, v2;
	v5 =	vadd.f32 v7, v5  }
0x4b1: {  	v10 =	vadd.f32 v27, v17;
	v7 =	vadd.f32 v38, v37;
	v17 =	vmul.f32 v31, v31  }
0x4b2: {  	v12 =	vadd.f32 v29, v19;
	v38 =	vld [tilespmem:s26+$0x48F0];
	v18 =	vmul.f32 v35, v4  }
0x4b3: {  	v58 =	vmul.f32 v27, v27;
	v19 =	vmul.f32 v32, v32;
	v35 =	vld [tilespmem:s26+$0x4850];
	v7 =	vadd.f32 v17, v7  }
0x4b4: {  	v6 =	vmul.f32 v30, v30;
	v11 =	vsub.f32 $1.500000000e+00, v18;
	v18 =	vadd.f32 v31, v12  }
0x4b5: {  	v33 =	vld [tilespmem:s26+$0x4860];
	v5 =	vadd.f32 v58, v5;
	v17 =	vmul.f32 v34, v34;
	v7 =	vadd.f32 v19, v7  }
0x4b6: {  	v10 =	vadd.f32 v30, v10;
	v4 =	vmul.f32 v11, v4;
	v12 =	vadd.f32 v32, v18  }
0x4b7: {  	v37 =	vld [tilespmem:s26+$0x4870];
	v5 =	vadd.f32 v6, v5;
	v19 =	vmul.f32 v38, v38;
	v7 =	vadd.f32 v17, v7  }
0x4b8: {  	v13 =	vadd.f32 v35, v10;
	v2 =	vmul.f32 v4, v2;
	v6 =	vadd.f32 v34, v12  }
0x4b9: {  	v58 =	vmul.f32 v35, v35;
	v7 =	vadd.f32 v19, v7  }
0x4ba: {  	v9 =	vadd.f32 v33, v13;
	v2 =	vmul.f32 v2, v4;
	v6 =	vadd.f32 v38, v6  }
0x4bb: {  	v18 =	vmul.f32 v33, v33;
	v5 =	vadd.f32 v58, v5;
	v17 =	vperm.xlane v7, v22  }
0x4bc: {  	v12 =	vadd.f32 v37, v9;
	v13 =	vperm.xlane v6, v22;
	v2 =	vsub.f32 $1.500000000e+00, v2  }
0x4bd: {  	v58 =	vmul.f32 v37, v37;
	v5 =	vadd.f32 v18, v5;
	v19 =	vadd.f32 v17, v7  }
0x4be: {  	v18 =	vperm.xlane v12, v22;
	v6 =	vadd.f32 v13, v6;
	v2 =	vmul.f32 v2, v4  }
0x4bf: {  	v5 =	vadd.f32 v58, v5;
	v4 =	vperm.xlane v19, v22  }
0x4c0: {  	v8 =	vadd.f32 v18, v12;
	v6 =	vperm.xlane v6, v22;
	v3 =	vmul.f32 v2, v3  }
0x4c1: {  	v58 =	vperm.xlane v5, v22;
	v7 =	vperm.xlane v2, v1  }
0x4c2: {  	v2 =	vperm.xlane v2, v63;
	v6 =	vsel vm0, v8, v6;
	v8 =	vperm.xlane v3, v1  }
0x4c3: {  	v13 =	vmul.f32 v7, v54;
	v3 =	vperm.xlane v3, v63  }
0x4c4: {  	v17 =	vmul.f32 v2, v50;
	v50 =	vmul.f32 v7, v44  }
0x4c5: {  	v5 =	vadd.f32 v58, v5;
	v41 =	vmul.f32 v7, v41;
	v54 =	vmul.f32 v7, v40  }
0x4c6: {  	v44 =	vmul.f32 v2, v42;
	v12 =	vperm.xlane v6, v15  }
0x4c7: {  	v49 =	vmul.f32 v2, v49;
	v51 =	vmul.f32 v7, v51;
	v1 =	vld [tilespmem:$0x1FEB0];
	v4 =	vsel vm0, v5, v4  }
0x4c8: {  	v5 =	vsub.f32 v13, v8;
	v6 =	vadd.f32 v12, v6;
	v12 =	vmul.f32 v2, v45  }
0x4c9: {  	v15 =	vperm.xlane v4, v15;
	v13 =	vmul.f32 v2, v43  }
0x4ca: {  	v11 =	vsub.f32 v41, v8;
	v5 =	vmul.f32 v5, v16;
	v12 =	vsub.f32 v12, v3  }
0x4cb: {  	v9 =	vsub.f32 v17, v3;
	v10 =	vsub.f32 v50, v8;
	v50 =	vmul.f32 v7, v46  }
0x4cc: {  	v46 =	vmul.f32 v11, v1;
	v5 =	vadd.f32 v5, v57;
	v57 =	vmul.f32 v12, v1;
	v1 =	vld [tilespmem:$0x1FEC0]  }
0x4cd: {  	v21 =	vmul.f32 v2, v48;
	v52 =	vmul.f32 v2, v52;
	v4 =	vadd.f32 v15, v4  }
0x4ce: {  	v45 =	vmul.f32 v7, v39;
	v13 =	vsub.f32 v13, v3;
	v9 =	vmul.f32 v9, v60  }
0x4cf: {  	v18 =	vperm.xlane v6, v14;
	v19 =	vperm.xlane v4, v14;
	v14 =	vsub.f32 v54, v8  }
0x4d0: {  	v7 =	vmul.f32 v7, v53;
	v2 =	vmul.f32 v2, v47  }
0x4d1: {  	v9 =	vadd.f32 v9, v59;
	v47 =	vmul.f32 v13, v1;
	v13 =	vmul.f32 v14, v1;
	v1 =	vld [tilespmem:$0x1FED0]  }
0x4d2: {  	v53 =	vsub.f32 v49, v3;
	v15 =	vsub.f32 v44, v3;
	v10 =	vmul.f32 v10, v60;
	[tilespmem:s25+$0xC8F0] =	vst v5  }
0x4d3: {  	s30 =	simm.s32 $0x200;
	v58 =	vmov v16;
	v16 =	vsub.f32 v45, v8;
	v6 =	vadd.f32 v18, v6;
	[tilespmem:s25+$0xC800] =	vst v9  }
0x4d4: {  	v45 =	vsub.f32 v52, v3;
	v10 =	vadd.f32 v10, v59;
	v39 =	vld [tilespmem:s30+$0x4850]  }
0x4d5: {  	v2 =	vsub.f32 v2, v3;
	v18 =	vsub.f32 v21, v3;
	v20 =	vperm.xlane v6, v55;
	v40 =	vld [tilespmem:s30+$0x4840]  }
0x4d6: {  	v4 =	vadd.f32 v19, v4;
	[tilespmem:s25+$0xC880] =	vst v10;
	v3 =	vmul.f32 v15, v1;
	v10 =	vmul.f32 v16, v1;
	v1 =	vld [tilespmem:$0x1FF30];
	_ =	sdelay $0x1  }
0x4d7: {  	v6 =	vadd.f32 v20, v6;
	v20 =	vperm.xlane v4, v55  }
0x4d8: {  	v7 =	vsub.f32 v7, v8;
	v54 =	vsub.f32 v50, v8  }
0x4d9: {  	v19 =	vsub.f32 v51, v8;
	v4 =	vadd.f32 v20, v4  }
0x4da: {  	v44 =	vmul.f32 $7.812500000e-03, v6;
	v15 =	vadd.f32 v57, v1;
	v8 =	vadd.f32 v46, v1;
	v1 =	vld [tilespmem:$0x1FF40];
	_ =	sdelay $0x1  }
0x4db: {  	v4 =	vmul.f32 $7.812500000e-03, v4;
	v55 =	vmul.f32 v44, v44;
	_ =	sdelay $0x1  }
0x4dc: {  	v50 =	vmul.f32 v18, v56;
	v4 =	vsub.f32 v4, v55;
	v16 =	vld [tilespmem:$0x1FEE0]  }
0x4dd: {  	v56 =	vmul.f32 v19, v56;
	v19 =	vadd.f32 v47, v1;
	v49 =	vadd.f32 v13, v1;
	v1 =	vld [tilespmem:$0x1FF50]  }
0x4de: {  	v4 =	vadd.f32 $9.999999960e-13, v4;
	_ =	sdelay $0x1  }
0x4df: {  	v60 =	vshrl.u32 v4, $0x1;
	v48 =	vmul.f32 $5.000000000e-01, v4  }
0x4e0: {  	v18 =	vld [tilespmem:$0x1FF00];
	v5 =	vmul.f32 v54, v16;
	v52 =	vsub.s32 $0x5F3759DF, v60  }
0x4e1: {  	v17 =	vmul.f32 v52, v48;
	v60 =	vadd.f32 v3, v1;
	v54 =	vadd.f32 v10, v1;
	v1 =	vld [tilespmem:$0x1FF60]  }
0x4e2: {  	v41 =	vld [tilespmem:s30+$0x4820]  }
0x4e3: {  	v43 =	vld [tilespmem:s30+$0x4800];
	v9 =	vmul.f32 v52, v17  }
0x4e4: {  	v42 =	vld [tilespmem:s30+$0x4810];
	v6 =	vmul.f32 v53, v16;
	[tilespmem:s25+$0xC810] =	vst v15  }
0x4e5: {  	v55 =	vmul.f32 v45, v18;
	v45 =	vld [tilespmem:s30+$0x4880];
	[tilespmem:s25+$0xC890] =	vst v8;
	v47 =	vmul.f32 v2, v58;
	v58 =	vsub.f32 $1.500000000e+00, v9  }
0x4e6: {  	s6 =	simm.s32 $0xC00;
	v51 =	vmul.f32 v7, v18;
	v46 =	vld [tilespmem:s30+$0x4890];
	[tilespmem:s25+$0xC820] =	vst v19;
	v57 =	vadd.f32 v6, v1;
	v59 =	vadd.f32 v5, v1  }
.LBB2_12:
0x4e7: {  	v4 =	vld [tilespmem:$0x1FF70]  }
0x4e8: {  	v10 =	vld [tilespmem:$0x1FF80];
	_ =	sdelay $0x1  }
0x4e9: {  	v2 =	vmul.f32 v39, v39;
	v8 =	vmul.f32 v43, v43;
	[tilespmem:s25+$0xC8A0] =	vst v49  }
0x4ea: {  	v9 =	vmul.f32 v41, v41;
	v6 =	vmul.f32 v52, v58;
	v49 =	vld [tilespmem:s30+$0x48A0];
	[tilespmem:s25+$0xC830] =	vst v60  }
0x4eb: {  	v11 =	vadd.f32 v42, v43;
	v12 =	vmul.f32 v42, v42;
	v3 =	vadd.f32 v50, v4;
	v50 =	vld [tilespmem:s30+$0x4830];
	[tilespmem:s25+$0xC8B0] =	vst v54  }
0x4ec: {  	v13 =	vmul.f32 v6, v48;
	v7 =	vadd.f32 v55, v10;
	v10 =	vadd.f32 v51, v10;
	v51 =	vld [tilespmem:s30+$0x48B0];
	[tilespmem:s25+$0xC840] =	vst v57  }
0x4ed: {  	v14 =	vmul.f32 v45, v45;
	v16 =	vmul.f32 v46, v46;
	v4 =	vadd.f32 v56, v4;
	[tilespmem:s25+$0xC8C0] =	vst v59  }
0x4ee: {  	v8 =	vadd.f32 v12, v8;
	v11 =	vadd.f32 v41, v11;
	v17 =	vmul.f32 v13, v6;
	v52 =	vld [tilespmem:s30+$0x48C0];
	[tilespmem:s25+$0xC850] =	vst v3  }
0x4ef: {  	v15 =	vadd.f32 v46, v45;
	v3 =	vadd.f32 v16, v14;
	v19 =	vmul.f32 v49, v49;
	[tilespmem:s25+$0xC8D0] =	vst v4  }
0x4f0: {  	v5 =	vmul.f32 v40, v40;
	v56 =	vadd.f32 v9, v8;
	v58 =	vsub.f32 $1.500000000e+00, v17;
	v53 =	vld [tilespmem:s30+$0x48D0];
	[tilespmem:s25+$0xC860] =	vst v7  }
0x4f1: {  	v18 =	vadd.f32 v49, v15;
	[tilespmem:s25+$0xC8E0] =	vst v10;
	v3 =	vadd.f32 v19, v3;
	v60 =	vmul.f32 v51, v51  }
0x4f2: {  	v10 =	vld [tilespmem:s30+$0x48E0];
	v6 =	vmul.f32 v58, v6;
	v57 =	vmul.f32 v50, v50;
	v11 =	vadd.f32 v50, v11  }
0x4f3: {  	v8 =	vld [tilespmem:s30+$0x4860];
	v59 =	vadd.f32 v51, v18;
	v16 =	vmul.f32 v52, v52;
	v3 =	vadd.f32 v60, v3  }
0x4f4: {  	v12 =	vld [tilespmem:s30+$0x48F0];
	v17 =	vmul.f32 v6, v48;
	v4 =	vadd.f32 v57, v56;
	v11 =	vadd.f32 v40, v11  }
0x4f5: {  	v7 =	vadd.f32 v52, v59;
	v18 =	vmul.f32 v53, v53;
	v3 =	vadd.f32 v16, v3  }
0x4f6: {  	v13 =	vld [tilespmem:s30+$0x4870];
	v19 =	vmul.f32 v17, v6;
	v4 =	vadd.f32 v5, v4;
	v11 =	vadd.f32 v39, v11  }
0x4f7: {  	v1 =	vld [tilespmem:$0x1FFB0];
	v54 =	vmul.f32 v10, v10;
	v7 =	vadd.f32 v53, v7;
	v3 =	vadd.f32 v18, v3  }
0x4f8: {  	v56 =	vmul.f32 v8, v8;
	v2 =	vadd.f32 v2, v4;
	v4 =	vsub.f32 $1.500000000e+00, v19  }
0x4f9: {  	v57 =	vmul.f32 v12, v12;
	v48 =	vadd.f32 v10, v7;
	v3 =	vadd.f32 v54, v3  }
0x4fa: {  	v55 =	vadd.f32 v8, v11;
	v2 =	vadd.f32 v56, v2;
	v4 =	vmul.f32 v4, v6  }
0x4fb: {  	v58 =	vmul.f32 v13, v13;
	v18 =	vld [tilespmem:$0x1FF90];
	v5 =	vadd.f32 v12, v48;
	v3 =	vadd.f32 v57, v3  }
0x4fc: {  	v59 =	vadd.f32 v13, v55;
	v44 =	vmul.f32 v4, v44;
	v14 =	vperm.xlane v4, v1  }
0x4fd: {  	v2 =	vadd.f32 v58, v2;
	v60 =	vperm.xlane v5, v22;
	v54 =	vperm.xlane v3, v22  }
0x4fe: {  	v48 =	vperm.xlane v59, v22;
	v7 =	vperm.xlane v44, v1  }
0x4ff: {  	v55 =	vperm.xlane v2, v22;
	v1 =	vld [tilespmem:$0x1FFC0];
	v5 =	vadd.f32 v60, v5;
	v3 =	vadd.f32 v54, v3  }
0x500: {  	v4 =	vperm.xlane v4, v63;
	v47 =	vadd.f32 v47, v18;
	v6 =	vadd.f32 v48, v59  }
0x501: {  	v2 =	vadd.f32 v55, v2;
	v5 =	vperm.xlane v5, v22;
	v3 =	vperm.xlane v3, v22  }
0x502: {  	v17 =	vmul.f32 v14, v38  }
0x503: {  	v57 =	vmul.f32 v4, v24;
	[tilespmem:s25+$0xC870] =	vst v47;
	v47 =	vld [tilespmem:$0x1FF10];
	v5 =	vsel vm0, v6, v5;
	v2 =	vsel vm0, v2, v3  }
0x504: {  	v24 =	vmov v43;
	v59 =	vperm.xlane v5, v1;
	v43 =	vperm.xlane v2, v1;
	v1 =	vld [tilespmem:$0x1FFD0];
	_ =	sdelay $0x1  }
0x505: {  	v56 =	vsub.f32 v17, v7  }
0x506: {  	v5 =	vadd.f32 v59, v5;
	v2 =	vadd.f32 v43, v2  }
0x507: {  	v58 =	vmul.f32 v56, v47  }
0x508: {  	v54 =	vperm.xlane v5, v1;
	v56 =	vperm.xlane v2, v1;
	v1 =	vld [tilespmem:$0x1FFA0];
	_ =	sdelay $0x2  }
0x509: {  	v5 =	vadd.f32 v54, v5;
	v2 =	vadd.f32 v56, v2  }
0x50a: {  	v9 =	vperm.xlane v44, v63;
	v44 =	vmul.f32 v14, v25  }
0x50b: {  	v59 =	vperm.xlane v5, v1;
	v48 =	vperm.xlane v2, v1;
	v1 =	vld [tilespmem:$0x1FEA0]  }
0x50c: {  	v25 =	vmov v46;
	v46 =	vmul.f32 v14, v28;
	v60 =	vmul.f32 v14, v26  }
0x50d: {  	v28 =	vmov v49;
	v19 =	vmul.f32 v14, v29;
	v21 =	vmul.f32 v14, v31  }
0x50e: {  	v26 =	vmovc v45;
	v45 =	vmul.f32 v4, v36;
	v11 =	vsub.f32 v57, v9;
	v15 =	vsub.f32 v60, v7  }
0x50f: {  	v31 =	vmovc v52;
	v55 =	vmul.f32 v4, v27;
	v16 =	vsub.f32 v44, v7;
	v49 =	vsub.f32 v46, v7  }
0x510: {  	v27 =	vmovc v50;
	v52 =	vsub.f32 v19, v7;
	v50 =	vmul.f32 v11, v1;
	v54 =	vmul.f32 v15, v1;
	v1 =	vld [tilespmem:$0x1FEB0]  }
0x511: {  	v29 =	vmovc v51;
	v17 =	vsub.f32 v45, v9;
	v51 =	vsub.f32 v55, v9;
	v3 =	vmul.f32 v4, v23  }
0x512: {  	v6 =	vadd.f32 v58, v18;
	v58 =	vmul.f32 v14, v32;
	v14 =	vmul.f32 v14, v34  }
0x513: {  	v45 =	vld [tilespmem:$0x1FF20];
	v55 =	vsub.f32 v21, v7;
	v3 =	vsub.f32 v3, v9  }
0x514: {  	v20 =	vmul.f32 v4, v30;
	v58 =	vsub.f32 v58, v7;
	v7 =	vsub.f32 v14, v7  }
0x515: {  	v5 =	vadd.f32 v59, v5;
	v3 =	vmul.f32 v3, v1;
	v14 =	vmul.f32 v16, v1;
	v1 =	vld [tilespmem:$0x1FEC0]  }
0x516: {  	v57 =	vmul.f32 v4, v35;
	v60 =	vmul.f32 v4, v33  }
0x517: {  	v32 =	vmovc v53;
	v53 =	vsub.f32 v20, v9;
	v2 =	vadd.f32 v48, v2;
	v44 =	vmul.f32 $7.812500000e-03, v5  }
0x518: {  	s25 =	smov.u32 s26;
	v33 =	vmov v8;
	v20 =	vsub.f32 v60, v9;
	v60 =	vld [tilespmem:$0x1FEE0];
	v8 =	vadd.f32 v50, v45  }
0x519: {  	v34 =	vmovc v10;
	[tilespmem:s25+$0xC8F0] =	vst v6;
	v56 =	vsub.f32 v57, v9;
	v59 =	vld [tilespmem:$0x1FED0];
	v2 =	vmul.f32 $7.812500000e-03, v2;
	v57 =	vmul.f32 v44, v44  }
0x51a: {  	s26 =	smov.u32 s30;
	s30 =	sshra.s32 s6, $0x2;
	v6 =	vadd.f32 v54, v45;
	[tilespmem:s25+$0xC800] =	vst v8;
	v46 =	vmul.f32 v17, v1;
	v10 =	vmul.f32 v49, v1;
	v1 =	vld [tilespmem:$0x1FF30]  }
0x51b: {  	v35 =	vmov v39;
	v39 =	vld [tilespmem:s30+$0x4850]  }
0x51c: {  	v30 =	vmov v40;
	v2 =	vsub.f32 v2, v57;
	v40 =	vld [tilespmem:s30+$0x4840];
	[tilespmem:s25+$0xC880] =	vst v6  }
0x51d: {  	v36 =	vmov v41;
	v41 =	vld [tilespmem:s30+$0x4820]  }
0x51e: {  	v2 =	vadd.f32 $9.999999960e-13, v2;
	v43 =	vld [tilespmem:s30+$0x4800]  }
0x51f: {  	v23 =	vmov v42;
	v42 =	vld [tilespmem:s30+$0x4810];
	v3 =	vadd.f32 v3, v1  }
0x520: {  	v16 =	vshrl.u32 v2, $0x1;
	v48 =	vmul.f32 $5.000000000e-01, v2;
	v2 =	vld [tilespmem:$0x1FEF0]  }
0x521: {  	[tilespmem:s25+$0xC810] =	vst v3;
	v3 =	vld [tilespmem:$0x1FF50]  }
0x522: {  	v4 =	vmul.f32 v4, v37  }
0x523: {  	v5 =	vmul.f32 v53, v60;
	v11 =	vmul.f32 v51, v59  }
0x524: {  	v38 =	vmovc v12;
	v12 =	vmul.f32 v52, v59;
	v8 =	vmul.f32 v55, v60;
	v18 =	vadd.f32 v14, v1;
	v1 =	vld [tilespmem:$0x1FF40]  }
0x525: {  	v52 =	vsub.s32 $0x5F3759DF, v16;
	v17 =	vld [tilespmem:$0x1FF00];
	v50 =	vmul.f32 v56, v2;
	v56 =	vmul.f32 v58, v2  }
0x526: {  	p0 =	sne.s32 s6, $0xFC00;
	v2 =	vmul.f32 v52, v48;
	v60 =	vadd.f32 v11, v3;
	v54 =	vadd.f32 v12, v3;
	v3 =	vld [tilespmem:$0x1FF60]  }
.Ltmp5:
0x527: {  	v4 =	vsub.f32 v4, v9;
	(pc) =	sbr.rel @p0 .LBB2_12-.Ltmp5, $4  }
0x528: {  	v2 =	vmul.f32 v52, v2  }
0x529: {  	v47 =	vmul.f32 v4, v47;
	v19 =	vadd.f32 v46, v1  }
0x52a: {  	v37 =	vmovc v13;
	v55 =	vmul.f32 v20, v17;
	v58 =	vsub.f32 $1.500000000e+00, v2;
	v45 =	vld [tilespmem:s30+$0x4880];
	[tilespmem:s25+$0xC890] =	vst v18;
	v49 =	vadd.f32 v10, v1  }
0x52b: {  	s6 =	sadd.s32 $0x400, s6;
	v51 =	vmul.f32 v7, v17;
	v46 =	vld [tilespmem:s30+$0x4890];
	[tilespmem:s25+$0xC820] =	vst v19;
	v57 =	vadd.f32 v5, v3;
	v59 =	vadd.f32 v8, v3  }
0x52c: {  	[tilespmem:s25+$0xC8A0] =	vst v49  }
0x52d: {  	v53 =	vld [tilespmem:s30+$0x48A0]  }
0x52e: {  	[tilespmem:s25+$0xC830] =	vst v60;
	v60 =	vld [tilespmem:$0x1FF70]  }
0x52f: {  	v49 =	vld [tilespmem:s30+$0x4830];
	[tilespmem:s25+$0xC8B0] =	vst v54  }
0x530: {  	v54 =	vld [tilespmem:s30+$0x48B0]  }
0x531: {  	[tilespmem:s25+$0xC8C0] =	vst v59;
	v59 =	vld [tilespmem:$0x1FF80];
	_ =	sdelay $0x2  }
0x532: {  	v5 =	vmul.f32 v43, v43;
	v2 =	vadd.f32 v50, v60  }
0x533: {  	[tilespmem:s25+$0xC840] =	vst v57;
	v6 =	vmul.f32 v45, v45;
	v8 =	vmul.f32 v46, v46;
	v3 =	vadd.f32 v56, v60  }
0x534: {  	v10 =	vmul.f32 v42, v42;
	v7 =	vadd.f32 v46, v45;
	v4 =	vadd.f32 v55, v59;
	v55 =	vld [tilespmem:s30+$0x48C0];
	[tilespmem:s25+$0xC850] =	vst v2  }
0x535: {  	v12 =	vmul.f32 v53, v53;
	v2 =	vadd.f32 v51, v59;
	[tilespmem:s25+$0xC8D0] =	vst v3;
	v3 =	vadd.f32 v8, v6  }
0x536: {  	v9 =	vadd.f32 v42, v43;
	v13 =	vmul.f32 v41, v41;
	v5 =	vadd.f32 v10, v5;
	v56 =	vld [tilespmem:s30+$0x48D0];
	[tilespmem:s25+$0xC860] =	vst v4  }
0x537: {  	v51 =	vadd.f32 v53, v7;
	v15 =	vmul.f32 v54, v54;
	v3 =	vadd.f32 v12, v3;
	[tilespmem:s25+$0xC8E0] =	vst v2  }
0x538: {  	v9 =	vadd.f32 v41, v9;
	v16 =	vmul.f32 v49, v49;
	v2 =	vadd.f32 v13, v5;
	v57 =	vld [tilespmem:s30+$0x48E0]  }
0x539: {  	v14 =	vadd.f32 v54, v51;
	v50 =	vld [tilespmem:s30+$0x4860];
	v3 =	vadd.f32 v15, v3;
	v18 =	vmul.f32 v55, v55  }
0x53a: {  	v19 =	vmul.f32 v40, v40;
	v17 =	vadd.f32 v49, v9;
	v5 =	vld [tilespmem:s30+$0x48F0];
	v2 =	vadd.f32 v16, v2  }
0x53b: {  	v4 =	vadd.f32 v55, v14;
	v12 =	vmul.f32 v56, v56;
	v3 =	vadd.f32 v18, v3  }
0x53c: {  	v7 =	vadd.f32 v40, v17;
	v13 =	vmul.f32 v39, v39;
	v51 =	vld [tilespmem:s30+$0x4870];
	v2 =	vadd.f32 v19, v2  }
0x53d: {  	v4 =	vadd.f32 v56, v4;
	v14 =	vmul.f32 v57, v57;
	v3 =	vadd.f32 v12, v3  }
0x53e: {  	v7 =	vadd.f32 v39, v7;
	v2 =	vadd.f32 v13, v2;
	v15 =	vmul.f32 v50, v50  }
0x53f: {  	v16 =	vmul.f32 v5, v5;
	v4 =	vadd.f32 v57, v4;
	v3 =	vadd.f32 v14, v3  }
0x540: {  	v7 =	vadd.f32 v50, v7;
	v2 =	vadd.f32 v15, v2  }
0x541: {  	v17 =	vmul.f32 v51, v51;
	v4 =	vadd.f32 v5, v4;
	v3 =	vadd.f32 v16, v3  }
0x542: {  	v7 =	vadd.f32 v51, v7  }
0x543: {  	v2 =	vadd.f32 v17, v2;
	v18 =	vperm.xlane v4, v22;
	v11 =	vperm.xlane v3, v22  }
0x544: {  	v19 =	vperm.xlane v7, v22  }
0x545: {  	v1 =	vld [tilespmem:$0x1FFC0];
	v12 =	vperm.xlane v2, v22;
	v4 =	vadd.f32 v18, v4;
	v3 =	vadd.f32 v11, v3  }
0x546: {  	v7 =	vadd.f32 v19, v7  }
0x547: {  	v2 =	vadd.f32 v12, v2;
	v4 =	vperm.xlane v4, v22;
	v3 =	vperm.xlane v3, v22;
	_ =	sdelay $0x1  }
0x548: {  	v4 =	vsel vm0, v7, v4;
	v2 =	vsel vm0, v2, v3  }
0x549: {  	v13 =	vperm.xlane v4, v1;
	v14 =	vperm.xlane v2, v1;
	v1 =	vld [tilespmem:$0x1FFD0];
	_ =	sdelay $0x2  }
0x54a: {  	v3 =	vadd.f32 v13, v4;
	v2 =	vadd.f32 v14, v2;
	_ =	sdelay $0x1  }
0x54b: {  	v15 =	vperm.xlane v3, v1;
	v16 =	vperm.xlane v2, v1;
	v1 =	vld [tilespmem:$0x1FFA0];
	_ =	sdelay $0x2  }
0x54c: {  	v3 =	vadd.f32 v15, v3;
	_ =	sdelay $0x1  }
0x54d: {  	v2 =	vadd.f32 v16, v2;
	v17 =	vperm.xlane v3, v1;
	_ =	sdelay $0x1  }
0x54e: {  	v18 =	vperm.xlane v2, v1;
	v3 =	vadd.f32 v17, v3;
	_ =	sdelay $0x1  }
0x54f: {  	v2 =	vadd.f32 v18, v2;
	v3 =	vmul.f32 $7.812500000e-03, v3  }
0x550: {  	v58 =	vmul.f32 v52, v58  }
0x551: {  	v2 =	vmul.f32 $7.812500000e-03, v2;
	v19 =	vmul.f32 v3, v3;
	_ =	sdelay $0x1  }
0x552: {  	v12 =	vmul.f32 v58, v48;
	v2 =	vsub.f32 v2, v19;
	_ =	sdelay $0x1  }
0x553: {  	v6 =	vmul.f32 v12, v58;
	v2 =	vadd.f32 $9.999999960e-13, v2;
	_ =	sdelay $0x1  }
0x554: {  	v6 =	vsub.f32 $1.500000000e+00, v6;
	v13 =	vshrl.u32 v2, $0x1;
	v2 =	vmul.f32 $5.000000000e-01, v2  }
0x555: {  	v7 =	vsub.s32 $0x5F3759DF, v13  }
0x556: {  	v4 =	vmul.f32 v6, v58;
	v14 =	vmul.f32 v7, v2;
	_ =	sdelay $0x1  }
0x557: {  	v16 =	vmul.f32 v4, v48;
	v8 =	vmul.f32 v7, v14;
	_ =	sdelay $0x1  }
0x558: {  	v17 =	vmul.f32 v16, v4;
	v15 =	vsub.f32 $1.500000000e+00, v8;
	_ =	sdelay $0x1  }
0x559: {  	v48 =	vld [tilespmem:$0x1FFB0];
	v6 =	vmul.f32 v7, v15;
	v7 =	vsub.f32 $1.500000000e+00, v17;
	_ =	sdelay $0x1  }
0x55a: {  	v4 =	vmul.f32 v7, v4  }
0x55b: {  	v18 =	vmul.f32 v6, v2  }
0x55c: {  	v52 =	vmul.f32 v4, v44  }
0x55d: {  	v8 =	vmul.f32 v18, v6;
	v58 =	vperm.xlane v4, v48  }
0x55e: {  	v4 =	vperm.xlane v4, v63;
	v7 =	vperm.xlane v52, v48  }
0x55f: {  	v19 =	vsub.f32 $1.500000000e+00, v8;
	v44 =	vmul.f32 v58, v38;
	v8 =	vperm.xlane v52, v63  }
0x560: {  	v11 =	vmul.f32 v4, v24;
	v12 =	vmul.f32 v58, v26  }
0x561: {  	v13 =	vmul.f32 v58, v25;
	v14 =	vmul.f32 v58, v28  }
0x562: {  	v15 =	vmul.f32 v58, v29;
	v16 =	vmul.f32 v58, v31  }
0x563: {  	v17 =	vmul.f32 v58, v32;
	v9 =	vmul.f32 v58, v34  }
0x564: {  	v26 =	vmul.f32 v4, v23;
	v18 =	vmul.f32 v4, v36  }
0x565: {  	v20 =	vmul.f32 v4, v30;
	v6 =	vmul.f32 v19, v6  }
0x566: {  	v21 =	vmul.f32 v4, v35;
	v23 =	vmul.f32 v4, v33;
	v30 =	vld [tilespmem:$0x1FF10];
	v52 =	vsub.f32 v44, v7  }
0x567: {  	v38 =	vld [tilespmem:$0x1FEB0];
	v58 =	vsub.f32 v11, v8;
	v12 =	vsub.f32 v12, v7;
	v2 =	vmul.f32 v6, v2  }
0x568: {  	v36 =	vld [tilespmem:$0x1FEC0];
	v19 =	vmul.f32 v4, v27;
	v13 =	vsub.f32 v13, v7;
	v14 =	vsub.f32 v14, v7  }
0x569: {  	v31 =	vld [tilespmem:$0x1FF90];
	v15 =	vsub.f32 v15, v7;
	v16 =	vsub.f32 v16, v7;
	v2 =	vmul.f32 v2, v6  }
0x56a: {  	v4 =	vmul.f32 v4, v37;
	v17 =	vsub.f32 v17, v7;
	v11 =	vsub.f32 v26, v8  }
0x56b: {  	v18 =	vsub.f32 v18, v8;
	v2 =	vsub.f32 $1.500000000e+00, v2  }
0x56c: {  	v4 =	vsub.f32 v4, v8;
	v11 =	vmul.f32 v11, v38;
	v13 =	vmul.f32 v13, v38  }
0x56d: {  	v7 =	vsub.f32 v9, v7;
	v18 =	vmul.f32 v18, v36;
	v2 =	vmul.f32 v2, v6  }
0x56e: {  	v37 =	vld [tilespmem:$0x1FF30];
	v35 =	vadd.f32 v47, v31;
	v4 =	vmul.f32 v4, v30;
	v6 =	vmul.f32 v52, v30  }
0x56f: {  	v1 =	vld [tilespmem:$0x1FF40];
	v20 =	vsub.f32 v20, v8;
	v52 =	vmul.f32 v14, v36;
	v34 =	vperm.xlane v2, v48  }
0x570: {  	v21 =	vsub.f32 v21, v8;
	[tilespmem:s25+$0xC870] =	vst v35;
	v35 =	vld [tilespmem:$0x1FED0];
	v3 =	vmul.f32 v2, v3;
	v2 =	vperm.xlane v2, v63  }
0x571: {  	v33 =	vld [tilespmem:$0x1FEE0];
	v23 =	vsub.f32 v23, v8;
	v5 =	vmul.f32 v34, v5;
	v24 =	vmul.f32 v34, v45  }
0x572: {  	v29 =	vld [tilespmem:$0x1FEF0];
	v19 =	vsub.f32 v19, v8;
	v25 =	vmul.f32 v34, v46;
	v26 =	vmul.f32 v34, v53  }
0x573: {  	v11 =	vadd.f32 v11, v37;
	v27 =	vmul.f32 v34, v54;
	v8 =	vmul.f32 v34, v55;
	v45 =	vld [tilespmem:$0x1FEA0]  }
0x574: {  	v32 =	vld [tilespmem:$0x1FF60];
	v4 =	vadd.f32 v4, v31;
	v28 =	vmul.f32 v34, v56;
	v9 =	vmul.f32 v34, v57  }
0x575: {  	v44 =	vld [tilespmem:$0x1FF20];
	[tilespmem:s26+$0xC810] =	vst v11;
	v53 =	vmul.f32 v19, v35;
	v54 =	vmul.f32 v15, v35;
	v34 =	vadd.f32 v18, v1  }
0x576: {  	[tilespmem:s26+$0xC870] =	vst v4;
	v6 =	vadd.f32 v6, v31;
	v55 =	vmul.f32 v20, v33;
	v57 =	vmul.f32 v16, v33  }
0x577: {  	v56 =	vadd.f32 v13, v37;
	v43 =	vmul.f32 v2, v43;
	v46 =	vmul.f32 v2, v42;
	[tilespmem:s26+$0xC820] =	vst v34;
	v34 =	vld [tilespmem:$0x1FF50]  }
0x578: {  	[tilespmem:s26+$0xC8F0] =	vst v6;
	v6 =	vadd.f32 v52, v1;
	v11 =	vperm.xlane v3, v48;
	v10 =	vmul.f32 v58, v45  }
0x579: {  	v3 =	vperm.xlane v3, v63;
	[tilespmem:s26+$0xC890] =	vst v56;
	v56 =	vadd.f32 v57, v32;
	v12 =	vmul.f32 v12, v45  }
0x57a: {  	[tilespmem:s26+$0xC8A0] =	vst v6;
	v5 =	vsub.f32 v5, v11;
	v58 =	vmul.f32 v21, v29;
	v21 =	vld [tilespmem:$0x1FF00];
	v10 =	vadd.f32 v10, v44  }
0x57b: {  	v18 =	vmul.f32 v2, v41;
	v41 =	vsub.f32 v43, v3;
	[tilespmem:s26+$0xC8C0] =	vst v56;
	v12 =	vadd.f32 v12, v44  }
0x57c: {  	v52 =	vmul.f32 v2, v49;
	v42 =	vsub.f32 v24, v11;
	v14 =	vadd.f32 v53, v34;
	[tilespmem:s26+$0xC800] =	vst v10  }
0x57d: {  	v20 =	vmul.f32 v2, v50;
	v43 =	vsub.f32 v46, v3;
	v47 =	vadd.f32 v54, v34;
	[tilespmem:s26+$0xC880] =	vst v12  }
0x57e: {  	v46 =	vsub.f32 v25, v11;
	v54 =	vadd.f32 v55, v32;
	v12 =	vmul.f32 v17, v29;
	[tilespmem:s26+$0xC830] =	vst v14  }
0x57f: {  	v50 =	vsub.f32 v26, v11;
	v13 =	vadd.f32 v58, v60;
	[tilespmem:s26+$0xC8B0] =	vst v47;
	v57 =	vmul.f32 v23, v21  }
0x580: {  	v55 =	vmul.f32 v2, v39;
	[tilespmem:s26+$0xC840] =	vst v54;
	v58 =	vmul.f32 v7, v21;
	v39 =	vadd.f32 v12, v60  }
0x581: {  	v5 =	vmul.f32 v5, v30;
	v53 =	vmul.f32 v2, v40;
	[tilespmem:s26+$0xC850] =	vst v13;
	v40 =	vadd.f32 v57, v59  }
0x582: {  	v13 =	vmul.f32 v41, v45;
	v47 =	vsub.f32 v18, v3;
	v6 =	vadd.f32 v58, v59;
	[tilespmem:s26+$0xC8D0] =	vst v39  }
0x583: {  	v5 =	vadd.f32 v5, v31;
	v2 =	vmul.f32 v2, v51;
	v12 =	vmul.f32 v43, v38;
	[tilespmem:s26+$0xC860] =	vst v40  }
0x584: {  	v10 =	vsub.f32 v52, v3;
	v13 =	vadd.f32 v13, v44;
	v4 =	vmul.f32 v47, v36;
	[tilespmem:s26+$0xC8E0] =	vst v6  }
0x585: {  	v52 =	vsub.f32 v53, v3;
	v7 =	vmul.f32 v50, v36;
	v12 =	vadd.f32 v12, v37;
	[tilespmem:s30+$0xC8F0] =	vst v5  }
0x586: {  	v2 =	vsub.f32 v2, v3;
	v10 =	vmul.f32 v10, v35;
	v4 =	vadd.f32 v4, v1;
	[tilespmem:s30+$0xC800] =	vst v13  }
0x587: {  	v54 =	vsub.f32 v55, v3;
	v55 =	vmul.f32 v52, v33;
	v7 =	vadd.f32 v7, v1;
	[tilespmem:s30+$0xC810] =	vst v12  }
0x588: {  	v53 =	vsub.f32 v8, v11;
	v2 =	vmul.f32 v2, v30;
	v10 =	vadd.f32 v10, v34;
	[tilespmem:s30+$0xC820] =	vst v4  }
0x589: {  	v45 =	vmul.f32 v42, v45;
	v57 =	vsub.f32 v20, v3;
	v8 =	vadd.f32 v55, v32;
	[tilespmem:s30+$0xC8A0] =	vst v7  }
0x58a: {  	v49 =	vmul.f32 v46, v38;
	v2 =	vadd.f32 v2, v31;
	[tilespmem:s30+$0xC830] =	vst v10  }
0x58b: {  	v56 =	vsub.f32 v28, v11;
	v6 =	vadd.f32 v45, v44;
	v3 =	vmul.f32 v57, v21;
	[tilespmem:s30+$0xC840] =	vst v8  }
0x58c: {  	v9 =	vsub.f32 v9, v11;
	v5 =	vadd.f32 v49, v37;
	v4 =	vmul.f32 v54, v29;
	[tilespmem:s30+$0xC870] =	vst v2  }
0x58d: {  	v51 =	vsub.f32 v27, v11;
	v7 =	vmul.f32 v56, v29;
	[tilespmem:s30+$0xC880] =	vst v6;
	v3 =	vadd.f32 v3, v59  }
0x58e: {  	v58 =	vmul.f32 v9, v21;
	[tilespmem:s30+$0xC890] =	vst v5;
	v4 =	vadd.f32 v4, v60  }
0x58f: {  	v6 =	vmul.f32 v51, v35;
	v7 =	vadd.f32 v7, v60;
	[tilespmem:s30+$0xC860] =	vst v3  }
0x590: {  	v5 =	vmul.f32 v53, v33;
	v60 =	vadd.f32 v58, v59;
	[tilespmem:s30+$0xC850] =	vst v4  }
0x591: {  	v6 =	vadd.f32 v6, v34;
	[tilespmem:s30+$0xC8D0] =	vst v7  }
0x592: {  	v5 =	vadd.f32 v5, v32;
	[tilespmem:s30+$0xC8E0] =	vst v60  }
0x593: {  	[tilespmem:s30+$0xC8B0] =	vst v6  }
0x594: {  	s24 =	sadd.s32 $0x1, s24;
	[tilespmem:s30+$0xC8C0] =	vst v5  }
0x595: {  	[hbm4b:s13+s8] =	stream.linear.scatter [tilespmem:s22], [sflag:$0x4], $0x4000, $0x38;
	[tilespmem:$0x10900] =	vst v63  }
0x596: {  	p0 =	sne.s32 s24, s14;
	_ =	swait.ge [sflag:s28], $0x4000  }
.Ltmp6:
0x597: {  	[sflag:s28] =	ssyncset.done $0x0;
	(pc) =	sbr.rel @p0 .LBB2_1-.Ltmp6, $4  }
0x598: {  	[sflag:s28] =	ssyncadd.s32 $0xFFFFC000  }
0x599: {  	_ =	swait.ge [sflag:s29], $0x4000  }
0x59a: {  	[sflag:s29] =	ssyncset.done $0x0  }
0x59b: {  	v2 =	vmov v48;
	[sflag:s29] =	ssyncadd.s32 $0xFFFFC000  }
0x59c: {  	_ =	sfence.sel $0x180000  }
0x59d: {  	[bflag:$0x0] =	sbarrier.arrive $0xFFFF  }
0x59e: {  	_ =	strace $0x90000047  }
0x59f: {  	s0 =	stileid.u32;
	[bflag:$0x2] =	sbarrier.arrive $0xFFFF  }
0x5a0: {  	p0 =	sne.s32 s0, $0x0;
	s0 =	rddreg [dreg:$0x8]  }
0x5a1: {  	s0 =	sadd.s32 @!p0 $0x100000, s0  }
0x5a2: {  	[sflag:s0] =	ssyncadd.tile.s32 @!p0 $0x1;
	_ =	shalt  }
.Lfunc_end2:
_tile_overlayer_lowered:
.L_overlay_start_2:
0x5a3: {  	(tag) =	ssettag $0x2  }
0x5a4: {  	s0 =	rddreg [dreg:$0x0];
	s2 =	stileid.u32  }
0x5a5: {  	s1 =	rddreg [dreg:$0x1];
	p0 =	sne.s32 s2, $0x0  }
0x5a6: {  	s3 =	rddreg [dreg:$0x2];
	[bflag:$0x3] =	sbarrier.arrive $0xFFFF;
	s2 =	simm.s32 @!p0 $0x1C05  }
0x5a7: {  	[timem:s3], [sflag:s2] =	dma.local @!p0 [hbm:s0], s1  }
0x5a8: {  	s0 =	simm.s32 @!p0 $0x5  }
0x5a9: {  	_ =	swait.ge @!p0 [sflag:s0], s1  }
0x5aa: {  	s1 =	ssub.s32 @!p0 $0x0, s1;
	[sflag:s0] =	ssyncset.done @!p0 $0x0  }
0x5ab: {  	[sflag:s0] =	ssyncadd.s32 @!p0 s1  }
0x5ac: {  	[bflag:$0x3] =	sbarrier.arrive $0xFFFF  }
0x5ad: {  	_ =	shalt  }

</sc_bundles>
